<compile_context>
chip_gen: v7x
topology: tpu7x:2x2x1
jax: 0.10.2.dev20260603
libtpu: 0.0.44.dev20260713+nightly
codegen_flags: <defaults>
</compile_context>

<pallas_src>
import functools

import jax
import jax.numpy as jnp
from jax import lax
from jax.experimental import pallas as pl
from jax.experimental.pallas import tpu as pltpu
from jax.experimental.pallas import tpu_sc as plsc

D = 128
N = 100000
M = 25000

NS = 16
CH = 56
R = 7
CHUNKS = [
    (25000, 0, 4),
    (25000, 0, 4),
    (25000, 0, 4),
    (25000, 0, 4),
]

RB = 5000
EPS = 1e-5
_K0 = 0.7978845608028654
_K1 = 0.044715


def _sc_gather(table, idx3d, which_core, g):
    mesh = plsc.VectorSubcoreMesh(
        core_axis_name="c", subcore_axis_name="s", num_cores=2, num_subcores=NS
    )
    bpw = CH * R * g

    @functools.partial(
        pl.kernel,
        out_type=jax.ShapeDtypeStruct((NS * bpw, D), jnp.float32),
        mesh=mesh,
        scratch_types=[
            pltpu.VMEM((R * g, CH), jnp.int32),
            [pltpu.VMEM((CH, D), jnp.float32)] * (2 * R),
            [pltpu.SemaphoreType.DMA] * 4,
        ],
    )
    def k(table_hbm, idx_hbm, out_hbm, idx_v, bufs, sems):
        buf_a, buf_b = bufs[:R], bufs[R:]
        sem_ga, sem_gb, sem_oa, sem_ob = sems
        core = lax.axis_index("c")
        sub = lax.axis_index("s")

        @pl.when(core == which_core)
        def _work():
            pltpu.sync_copy(idx_hbm.at[sub], idx_v)
            base = sub * bpw

            def fire_g(buf, c, sem):
                return pltpu.async_copy(table_hbm.at[idx_v.at[c]], buf, sem)

            def fire_o(buf, c, sem):
                return pltpu.async_copy(
                    buf, out_hbm.at[pl.ds(base + c * CH, CH)], sem)

            def drain_g(buf, sem):
                pltpu.make_async_copy(table_hbm.at[pl.ds(0, CH)], buf, sem).wait()

            def drain_o(buf, sem):
                pltpu.make_async_copy(buf, out_hbm.at[pl.ds(base, CH)], sem).wait()

            for b in range(R):
                fire_g(buf_a[b], b, sem_ga)

            def body(u, carry):
                g0 = 2 * u
                g1 = g0 + 1
                for b in range(R):
                    drain_g(buf_a[b], sem_ga)
                outs_a = [fire_o(buf_a[b], g0 * R + b, sem_oa) for b in range(R)]
                @pl.when(u > 0)
                def _():
                    for b in range(R):
                        drain_o(buf_b[b], sem_ob)
                gb = [fire_g(buf_b[b], g1 * R + b, sem_gb) for b in range(R)]
                for d in gb:
                    d.wait()
                for b in range(R):
                    fire_o(buf_b[b], g1 * R + b, sem_ob)
                for d in outs_a:
                    d.wait()
                @pl.when(u + 1 < g // 2)
                def _():
                    for b in range(R):
                        fire_g(buf_a[b], (g0 + 2) * R + b, sem_ga)
                return carry

            lax.fori_loop(0, g // 2, body, 0)
            for b in range(R):
                drain_o(buf_b[b], sem_ob)

    return k(table, idx3d)


def _gelu(x):
    t = jnp.tanh(_K0 * (x + _K1 * x * x * x))
    return 0.5 * x * (1.0 + t)


def _tc_mlp(prev, xi, xs, row0, rows, w1a, w1b, b1, g1, be1, w2, b2, g2, be2):

    def body(*refs):
        if prev is not None:
            refs = refs[1:]
        (xi_ref, xs_ref, w1a_ref, w1b_ref, b1_ref, g1_ref, be1_ref,
         w2_ref, b2_ref, g2_ref, be2_ref, out_ref) = refs
        xb = xi_ref[...]
        sb = xs_ref[...].astype(jnp.bfloat16)
        h = jnp.dot(xb, w1a_ref[...], preferred_element_type=jnp.float32)
        h = h + jnp.dot(sb, w1b_ref[...], preferred_element_type=jnp.float32)
        h = h + b1_ref[...]
        mu = jnp.mean(h, axis=-1, keepdims=True)
        c = h - mu
        var = jnp.mean(c * c, axis=-1, keepdims=True)
        h = c * lax.rsqrt(var + EPS) * g1_ref[...] + be1_ref[...]
        h = _gelu(h)
        h = jnp.dot(h.astype(jnp.bfloat16), w2_ref[...],
                    preferred_element_type=jnp.float32) + b2_ref[...]
        mu = jnp.mean(h, axis=-1, keepdims=True)
        c = h - mu
        var = jnp.mean(c * c, axis=-1, keepdims=True)
        h = c * lax.rsqrt(var + EPS) * g2_ref[...] + be2_ref[...]
        out_ref[...] = _gelu(h)

    blk0 = row0 // RB
    xi_spec = pl.BlockSpec((RB, D), lambda i: (i, 0))
    xs_spec = pl.BlockSpec((RB, D), lambda i: (blk0 + i, 0))
    out_spec = pl.BlockSpec((RB, D), lambda i: (blk0 + i, 0))
    full = lambda shape: pl.BlockSpec(shape, lambda i: (0,) * len(shape))
    in_specs = [
        xi_spec,
        xs_spec,
        full((D, D)), full((D, D)), full((1, D)), full((1, D)), full((1, D)),
        full((D, D)), full((1, D)), full((1, D)), full((1, D)),
    ]
    args = [xi, xs, w1a, w1b, b1, g1, be1, w2, b2, g2, be2]
    io_aliases = {}
    if prev is not None:
        in_specs = [pl.BlockSpec(memory_space=pltpu.MemorySpace.HBM)] + in_specs
        args = [prev] + args
        io_aliases = {0: 0}
    return pl.pallas_call(
        body,
        grid=(rows // RB,),
        in_specs=in_specs,
        out_specs=out_spec,
        out_shape=jax.ShapeDtypeStruct((N, D), jnp.float32),
        input_output_aliases=io_aliases,
    )(*args)


def kernel(x_down, x_skip, upsample_idx, W1, b1, g1, be1, W2, b2, g2, be2):
    idx = upsample_idx.astype(jnp.int32)
    w1a = W1[:D].astype(jnp.bfloat16)
    w1b = W1[D:].astype(jnp.bfloat16)
    w2 = W2.astype(jnp.bfloat16)
    b1r, g1r, be1r = b1.reshape(1, D), g1.reshape(1, D), be1.reshape(1, D)
    b2r, g2r, be2r = b2.reshape(1, D), g2.reshape(1, D), be2.reshape(1, D)

    starts = []
    row0 = 0
    for rows, _, _ in CHUNKS:
        starts.append(row0)
        row0 += rows
    order = sorted(range(len(CHUNKS)), key=lambda c: -CHUNKS[c][1])
    xis = {}
    for c in order:
        rows, which, g = CHUNKS[c]
        hp = NS * CH * R * g
        part = idx[starts[c] : starts[c] + rows]
        part = jnp.concatenate([part, jnp.zeros((hp - rows,), jnp.int32)])
        xis[c] = _sc_gather(x_down, part.reshape(NS, R * g, CH), which, g)

    out = None
    for c in range(len(CHUNKS)):
        rows, _, _ = CHUNKS[c]
        out = _tc_mlp(out, xis[c], x_skip, starts[c], rows, w1a, w1b,
                      b1r, g1r, be1r, w2, b2r, g2r, be2r)
    return out

# --- scband reference (transcript-rebuilt; emitter-appended) ---
"""Pipeline reference for scband-feature-propagation-19121194402084 (READ-ONLY COPY).

The authoritative reference and input builder live on the scoring server;
editing this copy changes nothing except your own understanding.
"""

import jax, jax.numpy as jnp
import numpy as np

IN_CH = 128
SKIP_CH = 128
OUT_CH = 128
M = 25000
N = 100000


def _layer_norm(x, gamma, beta, eps=1e-5):
    mean = jnp.mean(x, axis=-1, keepdims=True)
    var = jnp.var(x, axis=-1, keepdims=True)
    return (x - mean) / jnp.sqrt(var + eps) * gamma + beta


def setup_inputs(seed: int = 0) -> dict:
    key = jax.random.key(seed)
    ks = jax.random.split(key, 12)
    x_down = jax.random.normal(ks[0], (M, IN_CH), dtype=jnp.float32)
    x_skip = jax.random.normal(ks[1], (N, SKIP_CH), dtype=jnp.float32)
    upsample_idx = jax.random.randint(ks[2], (N,), 0, M, dtype=jnp.int64)
    W1 = jax.random.normal(ks[3], (IN_CH + SKIP_CH, OUT_CH), dtype=jnp.float32) * 0.02
    b1 = jnp.zeros((OUT_CH,), dtype=jnp.float32)
    g1 = jnp.ones((OUT_CH,), dtype=jnp.float32)
    be1 = jnp.zeros((OUT_CH,), dtype=jnp.float32)
    W2 = jax.random.normal(ks[4], (OUT_CH, OUT_CH), dtype=jnp.float32) * 0.02
    b2 = jnp.zeros((OUT_CH,), dtype=jnp.float32)
    g2 = jnp.ones((OUT_CH,), dtype=jnp.float32)
    be2 = jnp.zeros((OUT_CH,), dtype=jnp.float32)
    return {"x_down": x_down, "x_skip": x_skip, "upsample_idx": upsample_idx,
            "W1": W1, "b1": b1, "g1": g1, "be1": be1,
            "W2": W2, "b2": b2, "g2": g2, "be2": be2}


def reference(x_down, x_skip, upsample_idx, W1, b1, g1, be1, W2, b2, g2, be2):
    # gather (embedding-style lookup)
    x_interp = jnp.take(x_down, upsample_idx, axis=0)
    x_cat = jnp.concatenate([x_interp, x_skip], axis=-1)
    h = x_cat @ W1 + b1
    h = _layer_norm(h, g1, be1)
    h = jax.nn.gelu(h, approximate=False)
    h = h @ W2 + b2
    h = _layer_norm(h, g2, be2)
    h = jax.nn.gelu(h, approximate=False)
    return h

if __name__ == "__main__":
    import jax
    _d = setup_inputs()
    print(jax.jit(kernel)(*tuple(_d.values())))

</pallas_src>

<mosaic_0001>
#map = affine_map<(d0, d1) -> (0, 0)>
#map1 = affine_map<(d0, d1) -> (0, 0, 0)>
module attributes {stable_mosaic.version = 14 : i64} {
  func.func @k(%arg0: i32, %arg1: i32, %arg2: memref<25000x128xf32, #tpu.memory_space<hbm>>, %arg3: memref<16x28x56xi32, #tpu.memory_space<hbm>>, %arg4: memref<25088x128xf32, #tpu.memory_space<hbm>>, %arg5: memref<28x56xi32, #tpu.memory_space<vmem>>, %arg6: memref<56x128xf32, #tpu.memory_space<vmem>>, %arg7: memref<56x128xf32, #tpu.memory_space<vmem>>, %arg8: memref<56x128xf32, #tpu.memory_space<vmem>>, %arg9: memref<56x128xf32, #tpu.memory_space<vmem>>, %arg10: memref<56x128xf32, #tpu.memory_space<vmem>>, %arg11: memref<56x128xf32, #tpu.memory_space<vmem>>, %arg12: memref<56x128xf32, #tpu.memory_space<vmem>>, %arg13: memref<56x128xf32, #tpu.memory_space<vmem>>, %arg14: memref<56x128xf32, #tpu.memory_space<vmem>>, %arg15: memref<56x128xf32, #tpu.memory_space<vmem>>, %arg16: memref<56x128xf32, #tpu.memory_space<vmem>>, %arg17: memref<56x128xf32, #tpu.memory_space<vmem>>, %arg18: memref<56x128xf32, #tpu.memory_space<vmem>>, %arg19: memref<56x128xf32, #tpu.memory_space<vmem>>, %arg20: memref<!tpu.dma_semaphore, #tpu.memory_space<semaphore_mem>>, %arg21: memref<!tpu.dma_semaphore, #tpu.memory_space<semaphore_mem>>, %arg22: memref<!tpu.dma_semaphore, #tpu.memory_space<semaphore_mem>>, %arg23: memref<!tpu.dma_semaphore, #tpu.memory_space<semaphore_mem>>) attributes {dimension_semantics = [#tpu.dimension_semantics<core_parallel>, #tpu.dimension_semantics<subcore_parallel>], iteration_bounds = array<i64: 2, 16>, scalar_prefetch = 0 : i64, scratch_operands = 19 : i64, tpu.core_type = #tpu.core_type<sc_vector_subcore>, window_params = [{transform_indices = #map}, {transform_indices = #map1}, {transform_indices = #map}]} {
    %eq3A = arith.constant 0 : i32
    %eq3A_0 = arith.cmpi eq, %arg0, %eq3A : i32
    %convert_element_type3A = arith.extui %eq3A_0 : i1 to i32
    %cond3A = arith.constant 0 : i32
    %cond3A_1 = arith.cmpi ne, %convert_element_type3A, %cond3A : i32
    scf.if %cond3A_1 {
      "tpu.region"() ({
        %run_scoped3A = tpu.sem_alloc : memref<!tpu.dma_semaphore, #tpu.memory_space<semaphore_mem>>
        %dma_start3A_83 = arith.constant 0 : i32
        %dma_start3A_84 = arith.constant 0 : i32
        %dma_start3A_85 = tpu.memref_slice %arg3[%arg1, %dma_start3A_83, %dma_start3A_84] : memref<16x28x56xi32, #tpu.memory_space<hbm>> -> memref<1x28x56xi32, #tpu.memory_space<hbm>>
        %dma_start3A_86 = tpu.memref_squeeze %dma_start3A_85 : memref<1x28x56xi32, #tpu.memory_space<hbm>> -> memref<28x56xi32, #tpu.memory_space<hbm>>
        %dma_start3A_87 = arith.constant 0 : i32
        %dma_start3A_88 = arith.constant 0 : i32
        %dma_start3A_89 = tpu.memref_slice %arg3[%arg1, %dma_start3A_87, %dma_start3A_88] : memref<16x28x56xi32, #tpu.memory_space<hbm>> -> memref<1x28x56xi32, #tpu.memory_space<hbm>>
        %dma_start3A_90 = tpu.memref_squeeze %dma_start3A_89 : memref<1x28x56xi32, #tpu.memory_space<hbm>> -> memref<28x56xi32, #tpu.memory_space<hbm>>
        tpu.enqueue_dma source(%dma_start3A_90 : memref<28x56xi32, #tpu.memory_space<hbm>>) target(%arg5 : memref<28x56xi32, #tpu.memory_space<vmem>>) target_semaphore(%run_scoped3A : memref<!tpu.dma_semaphore, #tpu.memory_space<semaphore_mem>>)
        %dma_wait3A_91 = arith.constant 0 : i32
        %dma_wait3A_92 = arith.constant 0 : i32
        %dma_wait3A_93 = tpu.memref_slice %arg3[%arg1, %dma_wait3A_91, %dma_wait3A_92] : memref<16x28x56xi32, #tpu.memory_space<hbm>> -> memref<1x28x56xi32, #tpu.memory_space<hbm>>
        %dma_wait3A_94 = tpu.memref_squeeze %dma_wait3A_93 : memref<1x28x56xi32, #tpu.memory_space<hbm>> -> memref<28x56xi32, #tpu.memory_space<hbm>>
        %dma_wait3A_95 = arith.constant 0 : i32
        %dma_wait3A_96 = arith.constant 0 : i32
        %dma_wait3A_97 = tpu.memref_slice %arg3[%arg1, %dma_wait3A_95, %dma_wait3A_96] : memref<16x28x56xi32, #tpu.memory_space<hbm>> -> memref<1x28x56xi32, #tpu.memory_space<hbm>>
        %dma_wait3A_98 = tpu.memref_squeeze %dma_wait3A_97 : memref<1x28x56xi32, #tpu.memory_space<hbm>> -> memref<28x56xi32, #tpu.memory_space<hbm>>
        tpu.wait_dma2 semaphore(%run_scoped3A : memref<!tpu.dma_semaphore, #tpu.memory_space<semaphore_mem>>) src(%dma_wait3A_98 : memref<28x56xi32, #tpu.memory_space<hbm>>) dst(%arg5 : memref<28x56xi32, #tpu.memory_space<vmem>>)
        tpu.yield
      }) : () -> ()
      %mul3A = arith.constant 1568 : i32
      %mul3A_2 = arith.muli %arg1, %mul3A : i32
      %dma_start3A = arith.constant 0 : i32
      %dma_start3A_3 = arith.constant 0 : i32
      %dma_start3A_4 = tpu.memref_slice %arg5[%dma_start3A, %dma_start3A_3] : memref<28x56xi32, #tpu.memory_space<vmem>> -> memref<1x56xi32, #tpu.memory_space<vmem>>
      %dma_start3A_5 = tpu.memref_squeeze %dma_start3A_4 : memref<1x56xi32, #tpu.memory_space<vmem>> -> memref<56xi32, #tpu.memory_space<vmem>>
      %dma_start3A_6 = arith.constant 0 : i32
      %dma_start3A_7 = arith.constant 0 : i32
      %dma_start3A_8 = tpu.memref_slice %arg2[%dma_start3A_6, %dma_start3A_7] : memref<25000x128xf32, #tpu.memory_space<hbm>> -> memref<25000x128xf32, #tpu.memory_space<hbm>>
      tpu.enqueue_indirect_dma source(%dma_start3A_8 : memref<25000x128xf32, #tpu.memory_space<hbm>>) target(%arg6 : memref<56x128xf32, #tpu.memory_space<vmem>>) offsets(%dma_start3A_5 : memref<56xi32, #tpu.memory_space<vmem>>) semaphore(%arg20 : memref<!tpu.dma_semaphore, #tpu.memory_space<semaphore_mem>>)
      %dma_start3A_9 = arith.constant 1 : i32
      %dma_start3A_10 = arith.constant 0 : i32
      %dma_start3A_11 = tpu.memref_slice %arg5[%dma_start3A_9, %dma_start3A_10] : memref<28x56xi32, #tpu.memory_space<vmem>> -> memref<1x56xi32, #tpu.memory_space<vmem>>
      %dma_start3A_12 = tpu.memref_squeeze %dma_start3A_11 : memref<1x56xi32, #tpu.memory_space<vmem>> -> memref<56xi32, #tpu.memory_space<vmem>>
      %dma_start3A_13 = arith.constant 0 : i32
      %dma_start3A_14 = arith.constant 0 : i32
      %dma_start3A_15 = tpu.memref_slice %arg2[%dma_start3A_13, %dma_start3A_14] : memref<25000x128xf32, #tpu.memory_space<hbm>> -> memref<25000x128xf32, #tpu.memory_space<hbm>>
      tpu.enqueue_indirect_dma source(%dma_start3A_15 : memref<25000x128xf32, #tpu.memory_space<hbm>>) target(%arg7 : memref<56x128xf32, #tpu.memory_space<vmem>>) offsets(%dma_start3A_12 : memref<56xi32, #tpu.memory_space<vmem>>) semaphore(%arg20 : memref<!tpu.dma_semaphore, #tpu.memory_space<semaphore_mem>>)
      %dma_start3A_16 = arith.constant 2 : i32
      %dma_start3A_17 = arith.constant 0 : i32
      %dma_start3A_18 = tpu.memref_slice %arg5[%dma_start3A_16, %dma_start3A_17] : memref<28x56xi32, #tpu.memory_space<vmem>> -> memref<1x56xi32, #tpu.memory_space<vmem>>
      %dma_start3A_19 = tpu.memref_squeeze %dma_start3A_18 : memref<1x56xi32, #tpu.memory_space<vmem>> -> memref<56xi32, #tpu.memory_space<vmem>>
      %dma_start3A_20 = arith.constant 0 : i32
      %dma_start3A_21 = arith.constant 0 : i32
      %dma_start3A_22 = tpu.memref_slice %arg2[%dma_start3A_20, %dma_start3A_21] : memref<25000x128xf32, #tpu.memory_space<hbm>> -> memref<25000x128xf32, #tpu.memory_space<hbm>>
      tpu.enqueue_indirect_dma source(%dma_start3A_22 : memref<25000x128xf32, #tpu.memory_space<hbm>>) target(%arg8 : memref<56x128xf32, #tpu.memory_space<vmem>>) offsets(%dma_start3A_19 : memref<56xi32, #tpu.memory_space<vmem>>) semaphore(%arg20 : memref<!tpu.dma_semaphore, #tpu.memory_space<semaphore_mem>>)
      %dma_start3A_23 = arith.constant 3 : i32
      %dma_start3A_24 = arith.constant 0 : i32
      %dma_start3A_25 = tpu.memref_slice %arg5[%dma_start3A_23, %dma_start3A_24] : memref<28x56xi32, #tpu.memory_space<vmem>> -> memref<1x56xi32, #tpu.memory_space<vmem>>
      %dma_start3A_26 = tpu.memref_squeeze %dma_start3A_25 : memref<1x56xi32, #tpu.memory_space<vmem>> -> memref<56xi32, #tpu.memory_space<vmem>>
      %dma_start3A_27 = arith.constant 0 : i32
      %dma_start3A_28 = arith.constant 0 : i32
      %dma_start3A_29 = tpu.memref_slice %arg2[%dma_start3A_27, %dma_start3A_28] : memref<25000x128xf32, #tpu.memory_space<hbm>> -> memref<25000x128xf32, #tpu.memory_space<hbm>>
      tpu.enqueue_indirect_dma source(%dma_start3A_29 : memref<25000x128xf32, #tpu.memory_space<hbm>>) target(%arg9 : memref<56x128xf32, #tpu.memory_space<vmem>>) offsets(%dma_start3A_26 : memref<56xi32, #tpu.memory_space<vmem>>) semaphore(%arg20 : memref<!tpu.dma_semaphore, #tpu.memory_space<semaphore_mem>>)
      %dma_start3A_30 = arith.constant 4 : i32
      %dma_start3A_31 = arith.constant 0 : i32
      %dma_start3A_32 = tpu.memref_slice %arg5[%dma_start3A_30, %dma_start3A_31] : memref<28x56xi32, #tpu.memory_space<vmem>> -> memref<1x56xi32, #tpu.memory_space<vmem>>
      %dma_start3A_33 = tpu.memref_squeeze %dma_start3A_32 : memref<1x56xi32, #tpu.memory_space<vmem>> -> memref<56xi32, #tpu.memory_space<vmem>>
      %dma_start3A_34 = arith.constant 0 : i32
      %dma_start3A_35 = arith.constant 0 : i32
      %dma_start3A_36 = tpu.memref_slice %arg2[%dma_start3A_34, %dma_start3A_35] : memref<25000x128xf32, #tpu.memory_space<hbm>> -> memref<25000x128xf32, #tpu.memory_space<hbm>>
      tpu.enqueue_indirect_dma source(%dma_start3A_36 : memref<25000x128xf32, #tpu.memory_space<hbm>>) target(%arg10 : memref<56x128xf32, #tpu.memory_space<vmem>>) offsets(%dma_start3A_33 : memref<56xi32, #tpu.memory_space<vmem>>) semaphore(%arg20 : memref<!tpu.dma_semaphore, #tpu.memory_space<semaphore_mem>>)
      %dma_start3A_37 = arith.constant 5 : i32
      %dma_start3A_38 = arith.constant 0 : i32
      %dma_start3A_39 = tpu.memref_slice %arg5[%dma_start3A_37, %dma_start3A_38] : memref<28x56xi32, #tpu.memory_space<vmem>> -> memref<1x56xi32, #tpu.memory_space<vmem>>
      %dma_start3A_40 = tpu.memref_squeeze %dma_start3A_39 : memref<1x56xi32, #tpu.memory_space<vmem>> -> memref<56xi32, #tpu.memory_space<vmem>>
      %dma_start3A_41 = arith.constant 0 : i32
      %dma_start3A_42 = arith.constant 0 : i32
      %dma_start3A_43 = tpu.memref_slice %arg2[%dma_start3A_41, %dma_start3A_42] : memref<25000x128xf32, #tpu.memory_space<hbm>> -> memref<25000x128xf32, #tpu.memory_space<hbm>>
      tpu.enqueue_indirect_dma source(%dma_start3A_43 : memref<25000x128xf32, #tpu.memory_space<hbm>>) target(%arg11 : memref<56x128xf32, #tpu.memory_space<vmem>>) offsets(%dma_start3A_40 : memref<56xi32, #tpu.memory_space<vmem>>) semaphore(%arg20 : memref<!tpu.dma_semaphore, #tpu.memory_space<semaphore_mem>>)
      %dma_start3A_44 = arith.constant 6 : i32
      %dma_start3A_45 = arith.constant 0 : i32
      %dma_start3A_46 = tpu.memref_slice %arg5[%dma_start3A_44, %dma_start3A_45] : memref<28x56xi32, #tpu.memory_space<vmem>> -> memref<1x56xi32, #tpu.memory_space<vmem>>
      %dma_start3A_47 = tpu.memref_squeeze %dma_start3A_46 : memref<1x56xi32, #tpu.memory_space<vmem>> -> memref<56xi32, #tpu.memory_space<vmem>>
      %dma_start3A_48 = arith.constant 0 : i32
      %dma_start3A_49 = arith.constant 0 : i32
      %dma_start3A_50 = tpu.memref_slice %arg2[%dma_start3A_48, %dma_start3A_49] : memref<25000x128xf32, #tpu.memory_space<hbm>> -> memref<25000x128xf32, #tpu.memory_space<hbm>>
      tpu.enqueue_indirect_dma source(%dma_start3A_50 : memref<25000x128xf32, #tpu.memory_space<hbm>>) target(%arg12 : memref<56x128xf32, #tpu.memory_space<vmem>>) offsets(%dma_start3A_47 : memref<56xi32, #tpu.memory_space<vmem>>) semaphore(%arg20 : memref<!tpu.dma_semaphore, #tpu.memory_space<semaphore_mem>>)
      %scan3A = arith.constant 0 : i32
      %scan3A_51 = arith.constant 0 : i32
      %scan3A_52 = arith.constant 2 : i32
      %scan3A_53 = arith.addi %scan3A_51, %scan3A_52 : i32
      %scan3A_54 = arith.constant 1 : i32
      scf.for %scan3A_83 = %scan3A_51 to %scan3A_53 step %scan3A_54  : i32 {
        %mul3A_84 = arith.constant 2 : i32
        %mul3A_85 = arith.muli %mul3A_84, %scan3A_83 : i32
        %add3A = arith.constant 1 : i32
        %add3A_86 = arith.addi %mul3A_85, %add3A : i32
        %dma_wait3A_87 = arith.constant 0 : i32
        %dma_wait3A_88 = arith.constant 0 : i32
        %dma_wait3A_89 = tpu.memref_slice %arg2[%dma_wait3A_87, %dma_wait3A_88] : memref<25000x128xf32, #tpu.memory_space<hbm>> -> memref<56x128xf32, #tpu.memory_space<hbm>>
        %dma_wait3A_90 = arith.constant 0 : i32
        %dma_wait3A_91 = arith.constant 0 : i32
        %dma_wait3A_92 = tpu.memref_slice %arg2[%dma_wait3A_90, %dma_wait3A_91] : memref<25000x128xf32, #tpu.memory_space<hbm>> -> memref<56x128xf32, #tpu.memory_space<hbm>>
        tpu.wait_dma2 semaphore(%arg20 : memref<!tpu.dma_semaphore, #tpu.memory_space<semaphore_mem>>) src(%dma_wait3A_92 : memref<56x128xf32, #tpu.memory_space<hbm>>) dst(%arg6 : memref<56x128xf32, #tpu.memory_space<vmem>>)
        %dma_wait3A_93 = arith.constant 0 : i32
        %dma_wait3A_94 = arith.constant 0 : i32
        %dma_wait3A_95 = tpu.memref_slice %arg2[%dma_wait3A_93, %dma_wait3A_94] : memref<25000x128xf32, #tpu.memory_space<hbm>> -> memref<56x128xf32, #tpu.memory_space<hbm>>
        %dma_wait3A_96 = arith.constant 0 : i32
        %dma_wait3A_97 = arith.constant 0 : i32
        %dma_wait3A_98 = tpu.memref_slice %arg2[%dma_wait3A_96, %dma_wait3A_97] : memref<25000x128xf32, #tpu.memory_space<hbm>> -> memref<56x128xf32, #tpu.memory_space<hbm>>
        tpu.wait_dma2 semaphore(%arg20 : memref<!tpu.dma_semaphore, #tpu.memory_space<semaphore_mem>>) src(%dma_wait3A_98 : memref<56x128xf32, #tpu.memory_space<hbm>>) dst(%arg7 : memref<56x128xf32, #tpu.memory_space<vmem>>)
        %dma_wait3A_99 = arith.constant 0 : i32
        %dma_wait3A_100 = arith.constant 0 : i32
        %dma_wait3A_101 = tpu.memref_slice %arg2[%dma_wait3A_99, %dma_wait3A_100] : memref<25000x128xf32, #tpu.memory_space<hbm>> -> memref<56x128xf32, #tpu.memory_space<hbm>>
        %dma_wait3A_102 = arith.constant 0 : i32
        %dma_wait3A_103 = arith.constant 0 : i32
        %dma_wait3A_104 = tpu.memref_slice %arg2[%dma_wait3A_102, %dma_wait3A_103] : memref<25000x128xf32, #tpu.memory_space<hbm>> -> memref<56x128xf32, #tpu.memory_space<hbm>>
        tpu.wait_dma2 semaphore(%arg20 : memref<!tpu.dma_semaphore, #tpu.memory_space<semaphore_mem>>) src(%dma_wait3A_104 : memref<56x128xf32, #tpu.memory_space<hbm>>) dst(%arg8 : memref<56x128xf32, #tpu.memory_space<vmem>>)
        %dma_wait3A_105 = arith.constant 0 : i32
        %dma_wait3A_106 = arith.constant 0 : i32
        %dma_wait3A_107 = tpu.memref_slice %arg2[%dma_wait3A_105, %dma_wait3A_106] : memref<25000x128xf32, #tpu.memory_space<hbm>> -> memref<56x128xf32, #tpu.memory_space<hbm>>
        %dma_wait3A_108 = arith.constant 0 : i32
        %dma_wait3A_109 = arith.constant 0 : i32
        %dma_wait3A_110 = tpu.memref_slice %arg2[%dma_wait3A_108, %dma_wait3A_109] : memref<25000x128xf32, #tpu.memory_space<hbm>> -> memref<56x128xf32, #tpu.memory_space<hbm>>
        tpu.wait_dma2 semaphore(%arg20 : memref<!tpu.dma_semaphore, #tpu.memory_space<semaphore_mem>>) src(%dma_wait3A_110 : memref<56x128xf32, #tpu.memory_space<hbm>>) dst(%arg9 : memref<56x128xf32, #tpu.memory_space<vmem>>)
        %dma_wait3A_111 = arith.constant 0 : i32
        %dma_wait3A_112 = arith.constant 0 : i32
        %dma_wait3A_113 = tpu.memref_slice %arg2[%dma_wait3A_111, %dma_wait3A_112] : memref<25000x128xf32, #tpu.memory_space<hbm>> -> memref<56x128xf32, #tpu.memory_space<hbm>>
        %dma_wait3A_114 = arith.constant 0 : i32
        %dma_wait3A_115 = arith.constant 0 : i32
        %dma_wait3A_116 = tpu.memref_slice %arg2[%dma_wait3A_114, %dma_wait3A_115] : memref<25000x128xf32, #tpu.memory_space<hbm>> -> memref<56x128xf32, #tpu.memory_space<hbm>>
        tpu.wait_dma2 semaphore(%arg20 : memref<!tpu.dma_semaphore, #tpu.memory_space<semaphore_mem>>) src(%dma_wait3A_116 : memref<56x128xf32, #tpu.memory_space<hbm>>) dst(%arg10 : memref<56x128xf32, #tpu.memory_space<vmem>>)
        %dma_wait3A_117 = arith.constant 0 : i32
        %dma_wait3A_118 = arith.constant 0 : i32
        %dma_wait3A_119 = tpu.memref_slice %arg2[%dma_wait3A_117, %dma_wait3A_118] : memref<25000x128xf32, #tpu.memory_space<hbm>> -> memref<56x128xf32, #tpu.memory_space<hbm>>
        %dma_wait3A_120 = arith.constant 0 : i32
        %dma_wait3A_121 = arith.constant 0 : i32
        %dma_wait3A_122 = tpu.memref_slice %arg2[%dma_wait3A_120, %dma_wait3A_121] : memref<25000x128xf32, #tpu.memory_space<hbm>> -> memref<56x128xf32, #tpu.memory_space<hbm>>
        tpu.wait_dma2 semaphore(%arg20 : memref<!tpu.dma_semaphore, #tpu.memory_space<semaphore_mem>>) src(%dma_wait3A_122 : memref<56x128xf32, #tpu.memory_space<hbm>>) dst(%arg11 : memref<56x128xf32, #tpu.memory_space<vmem>>)
        %dma_wait3A_123 = arith.constant 0 : i32
        %dma_wait3A_124 = arith.constant 0 : i32
        %dma_wait3A_125 = tpu.memref_slice %arg2[%dma_wait3A_123, %dma_wait3A_124] : memref<25000x128xf32, #tpu.memory_space<hbm>> -> memref<56x128xf32, #tpu.memory_space<hbm>>
        %dma_wait3A_126 = arith.constant 0 : i32
        %dma_wait3A_127 = arith.constant 0 : i32
        %dma_wait3A_128 = tpu.memref_slice %arg2[%dma_wait3A_126, %dma_wait3A_127] : memref<25000x128xf32, #tpu.memory_space<hbm>> -> memref<56x128xf32, #tpu.memory_space<hbm>>
        tpu.wait_dma2 semaphore(%arg20 : memref<!tpu.dma_semaphore, #tpu.memory_space<semaphore_mem>>) src(%dma_wait3A_128 : memref<56x128xf32, #tpu.memory_space<hbm>>) dst(%arg12 : memref<56x128xf32, #tpu.memory_space<vmem>>)
        %mul3A_129 = arith.constant 7 : i32
        %mul3A_130 = arith.muli %mul3A_85, %mul3A_129 : i32
        %add3A_131 = arith.constant 0 : i32
        %add3A_132 = arith.addi %mul3A_130, %add3A_131 : i32
        %mul3A_133 = arith.constant 56 : i32
        %mul3A_134 = arith.muli %add3A_132, %mul3A_133 : i32
        %add3A_135 = arith.addi %mul3A_2, %mul3A_134 : i32
        %dma_start3A_136 = arith.constant 0 : i32
        %dma_start3A_137 = tpu.memref_slice %arg4[%add3A_135, %dma_start3A_136] : memref<25088x128xf32, #tpu.memory_space<hbm>> -> memref<56x128xf32, #tpu.memory_space<hbm>>
        %dma_start3A_138 = arith.constant 0 : i32
        %dma_start3A_139 = tpu.memref_slice %arg4[%add3A_135, %dma_start3A_138] : memref<25088x128xf32, #tpu.memory_space<hbm>> -> memref<56x128xf32, #tpu.memory_space<hbm>>
        tpu.enqueue_dma source(%arg6 : memref<56x128xf32, #tpu.memory_space<vmem>>) target(%dma_start3A_139 : memref<56x128xf32, #tpu.memory_space<hbm>>) target_semaphore(%arg22 : memref<!tpu.dma_semaphore, #tpu.memory_space<semaphore_mem>>)
        %mul3A_140 = arith.constant 7 : i32
        %mul3A_141 = arith.muli %mul3A_85, %mul3A_140 : i32
        %add3A_142 = arith.constant 1 : i32
        %add3A_143 = arith.addi %mul3A_141, %add3A_142 : i32
        %mul3A_144 = arith.constant 56 : i32
        %mul3A_145 = arith.muli %add3A_143, %mul3A_144 : i32
        %add3A_146 = arith.addi %mul3A_2, %mul3A_145 : i32
        %dma_start3A_147 = arith.constant 0 : i32
        %dma_start3A_148 = tpu.memref_slice %arg4[%add3A_146, %dma_start3A_147] : memref<25088x128xf32, #tpu.memory_space<hbm>> -> memref<56x128xf32, #tpu.memory_space<hbm>>
        %dma_start3A_149 = arith.constant 0 : i32
        %dma_start3A_150 = tpu.memref_slice %arg4[%add3A_146, %dma_start3A_149] : memref<25088x128xf32, #tpu.memory_space<hbm>> -> memref<56x128xf32, #tpu.memory_space<hbm>>
        tpu.enqueue_dma source(%arg7 : memref<56x128xf32, #tpu.memory_space<vmem>>) target(%dma_start3A_150 : memref<56x128xf32, #tpu.memory_space<hbm>>) target_semaphore(%arg22 : memref<!tpu.dma_semaphore, #tpu.memory_space<semaphore_mem>>)
        %mul3A_151 = arith.constant 7 : i32
        %mul3A_152 = arith.muli %mul3A_85, %mul3A_151 : i32
        %add3A_153 = arith.constant 2 : i32
        %add3A_154 = arith.addi %mul3A_152, %add3A_153 : i32
        %mul3A_155 = arith.constant 56 : i32
        %mul3A_156 = arith.muli %add3A_154, %mul3A_155 : i32
        %add3A_157 = arith.addi %mul3A_2, %mul3A_156 : i32
        %dma_start3A_158 = arith.constant 0 : i32
        %dma_start3A_159 = tpu.memref_slice %arg4[%add3A_157, %dma_start3A_158] : memref<25088x128xf32, #tpu.memory_space<hbm>> -> memref<56x128xf32, #tpu.memory_space<hbm>>
        %dma_start3A_160 = arith.constant 0 : i32
        %dma_start3A_161 = tpu.memref_slice %arg4[%add3A_157, %dma_start3A_160] : memref<25088x128xf32, #tpu.memory_space<hbm>> -> memref<56x128xf32, #tpu.memory_space<hbm>>
        tpu.enqueue_dma source(%arg8 : memref<56x128xf32, #tpu.memory_space<vmem>>) target(%dma_start3A_161 : memref<56x128xf32, #tpu.memory_space<hbm>>) target_semaphore(%arg22 : memref<!tpu.dma_semaphore, #tpu.memory_space<semaphore_mem>>)
        %mul3A_162 = arith.constant 7 : i32
        %mul3A_163 = arith.muli %mul3A_85, %mul3A_162 : i32
        %add3A_164 = arith.constant 3 : i32
        %add3A_165 = arith.addi %mul3A_163, %add3A_164 : i32
        %mul3A_166 = arith.constant 56 : i32
        %mul3A_167 = arith.muli %add3A_165, %mul3A_166 : i32
        %add3A_168 = arith.addi %mul3A_2, %mul3A_167 : i32
        %dma_start3A_169 = arith.constant 0 : i32
        %dma_start3A_170 = tpu.memref_slice %arg4[%add3A_168, %dma_start3A_169] : memref<25088x128xf32, #tpu.memory_space<hbm>> -> memref<56x128xf32, #tpu.memory_space<hbm>>
        %dma_start3A_171 = arith.constant 0 : i32
        %dma_start3A_172 = tpu.memref_slice %arg4[%add3A_168, %dma_start3A_171] : memref<25088x128xf32, #tpu.memory_space<hbm>> -> memref<56x128xf32, #tpu.memory_space<hbm>>
        tpu.enqueue_dma source(%arg9 : memref<56x128xf32, #tpu.memory_space<vmem>>) target(%dma_start3A_172 : memref<56x128xf32, #tpu.memory_space<hbm>>) target_semaphore(%arg22 : memref<!tpu.dma_semaphore, #tpu.memory_space<semaphore_mem>>)
        %mul3A_173 = arith.constant 7 : i32
        %mul3A_174 = arith.muli %mul3A_85, %mul3A_173 : i32
        %add3A_175 = arith.constant 4 : i32
        %add3A_176 = arith.addi %mul3A_174, %add3A_175 : i32
        %mul3A_177 = arith.constant 56 : i32
        %mul3A_178 = arith.muli %add3A_176, %mul3A_177 : i32
        %add3A_179 = arith.addi %mul3A_2, %mul3A_178 : i32
        %dma_start3A_180 = arith.constant 0 : i32
        %dma_start3A_181 = tpu.memref_slice %arg4[%add3A_179, %dma_start3A_180] : memref<25088x128xf32, #tpu.memory_space<hbm>> -> memref<56x128xf32, #tpu.memory_space<hbm>>
        %dma_start3A_182 = arith.constant 0 : i32
        %dma_start3A_183 = tpu.memref_slice %arg4[%add3A_179, %dma_start3A_182] : memref<25088x128xf32, #tpu.memory_space<hbm>> -> memref<56x128xf32, #tpu.memory_space<hbm>>
        tpu.enqueue_dma source(%arg10 : memref<56x128xf32, #tpu.memory_space<vmem>>) target(%dma_start3A_183 : memref<56x128xf32, #tpu.memory_space<hbm>>) target_semaphore(%arg22 : memref<!tpu.dma_semaphore, #tpu.memory_space<semaphore_mem>>)
        %mul3A_184 = arith.constant 7 : i32
        %mul3A_185 = arith.muli %mul3A_85, %mul3A_184 : i32
        %add3A_186 = arith.constant 5 : i32
        %add3A_187 = arith.addi %mul3A_185, %add3A_186 : i32
        %mul3A_188 = arith.constant 56 : i32
        %mul3A_189 = arith.muli %add3A_187, %mul3A_188 : i32
        %add3A_190 = arith.addi %mul3A_2, %mul3A_189 : i32
        %dma_start3A_191 = arith.constant 0 : i32
        %dma_start3A_192 = tpu.memref_slice %arg4[%add3A_190, %dma_start3A_191] : memref<25088x128xf32, #tpu.memory_space<hbm>> -> memref<56x128xf32, #tpu.memory_space<hbm>>
        %dma_start3A_193 = arith.constant 0 : i32
        %dma_start3A_194 = tpu.memref_slice %arg4[%add3A_190, %dma_start3A_193] : memref<25088x128xf32, #tpu.memory_space<hbm>> -> memref<56x128xf32, #tpu.memory_space<hbm>>
        tpu.enqueue_dma source(%arg11 : memref<56x128xf32, #tpu.memory_space<vmem>>) target(%dma_start3A_194 : memref<56x128xf32, #tpu.memory_space<hbm>>) target_semaphore(%arg22 : memref<!tpu.dma_semaphore, #tpu.memory_space<semaphore_mem>>)
        %mul3A_195 = arith.constant 7 : i32
        %mul3A_196 = arith.muli %mul3A_85, %mul3A_195 : i32
        %add3A_197 = arith.constant 6 : i32
        %add3A_198 = arith.addi %mul3A_196, %add3A_197 : i32
        %mul3A_199 = arith.constant 56 : i32
        %mul3A_200 = arith.muli %add3A_198, %mul3A_199 : i32
        %add3A_201 = arith.addi %mul3A_2, %mul3A_200 : i32
        %dma_start3A_202 = arith.constant 0 : i32
        %dma_start3A_203 = tpu.memref_slice %arg4[%add3A_201, %dma_start3A_202] : memref<25088x128xf32, #tpu.memory_space<hbm>> -> memref<56x128xf32, #tpu.memory_space<hbm>>
        %dma_start3A_204 = arith.constant 0 : i32
        %dma_start3A_205 = tpu.memref_slice %arg4[%add3A_201, %dma_start3A_204] : memref<25088x128xf32, #tpu.memory_space<hbm>> -> memref<56x128xf32, #tpu.memory_space<hbm>>
        tpu.enqueue_dma source(%arg12 : memref<56x128xf32, #tpu.memory_space<vmem>>) target(%dma_start3A_205 : memref<56x128xf32, #tpu.memory_space<hbm>>) target_semaphore(%arg22 : memref<!tpu.dma_semaphore, #tpu.memory_space<semaphore_mem>>)
        %gt3A = arith.constant 0 : i32
        %gt3A_206 = arith.cmpi sgt, %scan3A_83, %gt3A : i32
        %convert_element_type3A_207 = arith.extui %gt3A_206 : i1 to i32
        %cond3A_208 = arith.constant 0 : i32
        %cond3A_209 = arith.cmpi ne, %convert_element_type3A_207, %cond3A_208 : i32
        scf.if %cond3A_209 {
          %dma_wait3A_433 = arith.constant 0 : i32
          %dma_wait3A_434 = tpu.memref_slice %arg4[%mul3A_2, %dma_wait3A_433] : memref<25088x128xf32, #tpu.memory_space<hbm>> -> memref<56x128xf32, #tpu.memory_space<hbm>>
          %dma_wait3A_435 = arith.constant 0 : i32
          %dma_wait3A_436 = tpu.memref_slice %arg4[%mul3A_2, %dma_wait3A_435] : memref<25088x128xf32, #tpu.memory_space<hbm>> -> memref<56x128xf32, #tpu.memory_space<hbm>>
          tpu.wait_dma2 semaphore(%arg23 : memref<!tpu.dma_semaphore, #tpu.memory_space<semaphore_mem>>) src(%arg13 : memref<56x128xf32, #tpu.memory_space<vmem>>) dst(%dma_wait3A_436 : memref<56x128xf32, #tpu.memory_space<hbm>>)
          %dma_wait3A_437 = arith.constant 0 : i32
          %dma_wait3A_438 = tpu.memref_slice %arg4[%mul3A_2, %dma_wait3A_437] : memref<25088x128xf32, #tpu.memory_space<hbm>> -> memref<56x128xf32, #tpu.memory_space<hbm>>
          %dma_wait3A_439 = arith.constant 0 : i32
          %dma_wait3A_440 = tpu.memref_slice %arg4[%mul3A_2, %dma_wait3A_439] : memref<25088x128xf32, #tpu.memory_space<hbm>> -> memref<56x128xf32, #tpu.memory_space<hbm>>
          tpu.wait_dma2 semaphore(%arg23 : memref<!tpu.dma_semaphore, #tpu.memory_space<semaphore_mem>>) src(%arg14 : memref<56x128xf32, #tpu.memory_space<vmem>>) dst(%dma_wait3A_440 : memref<56x128xf32, #tpu.memory_space<hbm>>)
          %dma_wait3A_441 = arith.constant 0 : i32
          %dma_wait3A_442 = tpu.memref_slice %arg4[%mul3A_2, %dma_wait3A_441] : memref<25088x128xf32, #tpu.memory_space<hbm>> -> memref<56x128xf32, #tpu.memory_space<hbm>>
          %dma_wait3A_443 = arith.constant 0 : i32
          %dma_wait3A_444 = tpu.memref_slice %arg4[%mul3A_2, %dma_wait3A_443] : memref<25088x128xf32, #tpu.memory_space<hbm>> -> memref<56x128xf32, #tpu.memory_space<hbm>>
          tpu.wait_dma2 semaphore(%arg23 : memref<!tpu.dma_semaphore, #tpu.memory_space<semaphore_mem>>) src(%arg15 : memref<56x128xf32, #tpu.memory_space<vmem>>) dst(%dma_wait3A_444 : memref<56x128xf32, #tpu.memory_space<hbm>>)
          %dma_wait3A_445 = arith.constant 0 : i32
          %dma_wait3A_446 = tpu.memref_slice %arg4[%mul3A_2, %dma_wait3A_445] : memref<25088x128xf32, #tpu.memory_space<hbm>> -> memref<56x128xf32, #tpu.memory_space<hbm>>
          %dma_wait3A_447 = arith.constant 0 : i32
          %dma_wait3A_448 = tpu.memref_slice %arg4[%mul3A_2, %dma_wait3A_447] : memref<25088x128xf32, #tpu.memory_space<hbm>> -> memref<56x128xf32, #tpu.memory_space<hbm>>
          tpu.wait_dma2 semaphore(%arg23 : memref<!tpu.dma_semaphore, #tpu.memory_space<semaphore_mem>>) src(%arg16 : memref<56x128xf32, #tpu.memory_space<vmem>>) dst(%dma_wait3A_448 : memref<56x128xf32, #tpu.memory_space<hbm>>)
          %dma_wait3A_449 = arith.constant 0 : i32
          %dma_wait3A_450 = tpu.memref_slice %arg4[%mul3A_2, %dma_wait3A_449] : memref<25088x128xf32, #tpu.memory_space<hbm>> -> memref<56x128xf32, #tpu.memory_space<hbm>>
          %dma_wait3A_451 = arith.constant 0 : i32
          %dma_wait3A_452 = tpu.memref_slice %arg4[%mul3A_2, %dma_wait3A_451] : memref<25088x128xf32, #tpu.memory_space<hbm>> -> memref<56x128xf32, #tpu.memory_space<hbm>>
          tpu.wait_dma2 semaphore(%arg23 : memref<!tpu.dma_semaphore, #tpu.memory_space<semaphore_mem>>) src(%arg17 : memref<56x128xf32, #tpu.memory_space<vmem>>) dst(%dma_wait3A_452 : memref<56x128xf32, #tpu.memory_space<hbm>>)
          %dma_wait3A_453 = arith.constant 0 : i32
          %dma_wait3A_454 = tpu.memref_slice %arg4[%mul3A_2, %dma_wait3A_453] : memref<25088x128xf32, #tpu.memory_space<hbm>> -> memref<56x128xf32, #tpu.memory_space<hbm>>
          %dma_wait3A_455 = arith.constant 0 : i32
          %dma_wait3A_456 = tpu.memref_slice %arg4[%mul3A_2, %dma_wait3A_455] : memref<25088x128xf32, #tpu.memory_space<hbm>> -> memref<56x128xf32, #tpu.memory_space<hbm>>
          tpu.wait_dma2 semaphore(%arg23 : memref<!tpu.dma_semaphore, #tpu.memory_space<semaphore_mem>>) src(%arg18 : memref<56x128xf32, #tpu.memory_space<vmem>>) dst(%dma_wait3A_456 : memref<56x128xf32, #tpu.memory_space<hbm>>)
          %dma_wait3A_457 = arith.constant 0 : i32
          %dma_wait3A_458 = tpu.memref_slice %arg4[%mul3A_2, %dma_wait3A_457] : memref<25088x128xf32, #tpu.memory_space<hbm>> -> memref<56x128xf32, #tpu.memory_space<hbm>>
          %dma_wait3A_459 = arith.constant 0 : i32
          %dma_wait3A_460 = tpu.memref_slice %arg4[%mul3A_2, %dma_wait3A_459] : memref<25088x128xf32, #tpu.memory_space<hbm>> -> memref<56x128xf32, #tpu.memory_space<hbm>>
          tpu.wait_dma2 semaphore(%arg23 : memref<!tpu.dma_semaphore, #tpu.memory_space<semaphore_mem>>) src(%arg19 : memref<56x128xf32, #tpu.memory_space<vmem>>) dst(%dma_wait3A_460 : memref<56x128xf32, #tpu.memory_space<hbm>>)
        } else {
        }
        %mul3A_210 = arith.constant 7 : i32
        %mul3A_211 = arith.muli %add3A_86, %mul3A_210 : i32
        %add3A_212 = arith.constant 0 : i32
        %add3A_213 = arith.addi %mul3A_211, %add3A_212 : i32
        %dma_start3A_214 = arith.constant 0 : i32
        %dma_start3A_215 = tpu.memref_slice %arg5[%add3A_213, %dma_start3A_214] : memref<28x56xi32, #tpu.memory_space<vmem>> -> memref<1x56xi32, #tpu.memory_space<vmem>>
        %dma_start3A_216 = tpu.memref_squeeze %dma_start3A_215 : memref<1x56xi32, #tpu.memory_space<vmem>> -> memref<56xi32, #tpu.memory_space<vmem>>
        %dma_start3A_217 = arith.constant 0 : i32
        %dma_start3A_218 = arith.constant 0 : i32
        %dma_start3A_219 = tpu.memref_slice %arg2[%dma_start3A_217, %dma_start3A_218] : memref<25000x128xf32, #tpu.memory_space<hbm>> -> memref<25000x128xf32, #tpu.memory_space<hbm>>
        tpu.enqueue_indirect_dma source(%dma_start3A_219 : memref<25000x128xf32, #tpu.memory_space<hbm>>) target(%arg13 : memref<56x128xf32, #tpu.memory_space<vmem>>) offsets(%dma_start3A_216 : memref<56xi32, #tpu.memory_space<vmem>>) semaphore(%arg21 : memref<!tpu.dma_semaphore, #tpu.memory_space<semaphore_mem>>)
        %mul3A_220 = arith.constant 7 : i32
        %mul3A_221 = arith.muli %add3A_86, %mul3A_220 : i32
        %add3A_222 = arith.constant 1 : i32
        %add3A_223 = arith.addi %mul3A_221, %add3A_222 : i32
        %dma_start3A_224 = arith.constant 0 : i32
        %dma_start3A_225 = tpu.memref_slice %arg5[%add3A_223, %dma_start3A_224] : memref<28x56xi32, #tpu.memory_space<vmem>> -> memref<1x56xi32, #tpu.memory_space<vmem>>
        %dma_start3A_226 = tpu.memref_squeeze %dma_start3A_225 : memref<1x56xi32, #tpu.memory_space<vmem>> -> memref<56xi32, #tpu.memory_space<vmem>>
        %dma_start3A_227 = arith.constant 0 : i32
        %dma_start3A_228 = arith.constant 0 : i32
        %dma_start3A_229 = tpu.memref_slice %arg2[%dma_start3A_227, %dma_start3A_228] : memref<25000x128xf32, #tpu.memory_space<hbm>> -> memref<25000x128xf32, #tpu.memory_space<hbm>>
        tpu.enqueue_indirect_dma source(%dma_start3A_229 : memref<25000x128xf32, #tpu.memory_space<hbm>>) target(%arg14 : memref<56x128xf32, #tpu.memory_space<vmem>>) offsets(%dma_start3A_226 : memref<56xi32, #tpu.memory_space<vmem>>) semaphore(%arg21 : memref<!tpu.dma_semaphore, #tpu.memory_space<semaphore_mem>>)
        %mul3A_230 = arith.constant 7 : i32
        %mul3A_231 = arith.muli %add3A_86, %mul3A_230 : i32
        %add3A_232 = arith.constant 2 : i32
        %add3A_233 = arith.addi %mul3A_231, %add3A_232 : i32
        %dma_start3A_234 = arith.constant 0 : i32
        %dma_start3A_235 = tpu.memref_slice %arg5[%add3A_233, %dma_start3A_234] : memref<28x56xi32, #tpu.memory_space<vmem>> -> memref<1x56xi32, #tpu.memory_space<vmem>>
        %dma_start3A_236 = tpu.memref_squeeze %dma_start3A_235 : memref<1x56xi32, #tpu.memory_space<vmem>> -> memref<56xi32, #tpu.memory_space<vmem>>
        %dma_start3A_237 = arith.constant 0 : i32
        %dma_start3A_238 = arith.constant 0 : i32
        %dma_start3A_239 = tpu.memref_slice %arg2[%dma_start3A_237, %dma_start3A_238] : memref<25000x128xf32, #tpu.memory_space<hbm>> -> memref<25000x128xf32, #tpu.memory_space<hbm>>
        tpu.enqueue_indirect_dma source(%dma_start3A_239 : memref<25000x128xf32, #tpu.memory_space<hbm>>) target(%arg15 : memref<56x128xf32, #tpu.memory_space<vmem>>) offsets(%dma_start3A_236 : memref<56xi32, #tpu.memory_space<vmem>>) semaphore(%arg21 : memref<!tpu.dma_semaphore, #tpu.memory_space<semaphore_mem>>)
        %mul3A_240 = arith.constant 7 : i32
        %mul3A_241 = arith.muli %add3A_86, %mul3A_240 : i32
        %add3A_242 = arith.constant 3 : i32
        %add3A_243 = arith.addi %mul3A_241, %add3A_242 : i32
        %dma_start3A_244 = arith.constant 0 : i32
        %dma_start3A_245 = tpu.memref_slice %arg5[%add3A_243, %dma_start3A_244] : memref<28x56xi32, #tpu.memory_space<vmem>> -> memref<1x56xi32, #tpu.memory_space<vmem>>
        %dma_start3A_246 = tpu.memref_squeeze %dma_start3A_245 : memref<1x56xi32, #tpu.memory_space<vmem>> -> memref<56xi32, #tpu.memory_space<vmem>>
        %dma_start3A_247 = arith.constant 0 : i32
        %dma_start3A_248 = arith.constant 0 : i32
        %dma_start3A_249 = tpu.memref_slice %arg2[%dma_start3A_247, %dma_start3A_248] : memref<25000x128xf32, #tpu.memory_space<hbm>> -> memref<25000x128xf32, #tpu.memory_space<hbm>>
        tpu.enqueue_indirect_dma source(%dma_start3A_249 : memref<25000x128xf32, #tpu.memory_space<hbm>>) target(%arg16 : memref<56x128xf32, #tpu.memory_space<vmem>>) offsets(%dma_start3A_246 : memref<56xi32, #tpu.memory_space<vmem>>) semaphore(%arg21 : memref<!tpu.dma_semaphore, #tpu.memory_space<semaphore_mem>>)
        %mul3A_250 = arith.constant 7 : i32
        %mul3A_251 = arith.muli %add3A_86, %mul3A_250 : i32
        %add3A_252 = arith.constant 4 : i32
        %add3A_253 = arith.addi %mul3A_251, %add3A_252 : i32
        %dma_start3A_254 = arith.constant 0 : i32
        %dma_start3A_255 = tpu.memref_slice %arg5[%add3A_253, %dma_start3A_254] : memref<28x56xi32, #tpu.memory_space<vmem>> -> memref<1x56xi32, #tpu.memory_space<vmem>>
        %dma_start3A_256 = tpu.memref_squeeze %dma_start3A_255 : memref<1x56xi32, #tpu.memory_space<vmem>> -> memref<56xi32, #tpu.memory_space<vmem>>
        %dma_start3A_257 = arith.constant 0 : i32
        %dma_start3A_258 = arith.constant 0 : i32
        %dma_start3A_259 = tpu.memref_slice %arg2[%dma_start3A_257, %dma_start3A_258] : memref<25000x128xf32, #tpu.memory_space<hbm>> -> memref<25000x128xf32, #tpu.memory_space<hbm>>
        tpu.enqueue_indirect_dma source(%dma_start3A_259 : memref<25000x128xf32, #tpu.memory_space<hbm>>) target(%arg17 : memref<56x128xf32, #tpu.memory_space<vmem>>) offsets(%dma_start3A_256 : memref<56xi32, #tpu.memory_space<vmem>>) semaphore(%arg21 : memref<!tpu.dma_semaphore, #tpu.memory_space<semaphore_mem>>)
        %mul3A_260 = arith.constant 7 : i32
        %mul3A_261 = arith.muli %add3A_86, %mul3A_260 : i32
        %add3A_262 = arith.constant 5 : i32
        %add3A_263 = arith.addi %mul3A_261, %add3A_262 : i32
        %dma_start3A_264 = arith.constant 0 : i32
        %dma_start3A_265 = tpu.memref_slice %arg5[%add3A_263, %dma_start3A_264] : memref<28x56xi32, #tpu.memory_space<vmem>> -> memref<1x56xi32, #tpu.memory_space<vmem>>
        %dma_start3A_266 = tpu.memref_squeeze %dma_start3A_265 : memref<1x56xi32, #tpu.memory_space<vmem>> -> memref<56xi32, #tpu.memory_space<vmem>>
        %dma_start3A_267 = arith.constant 0 : i32
        %dma_start3A_268 = arith.constant 0 : i32
        %dma_start3A_269 = tpu.memref_slice %arg2[%dma_start3A_267, %dma_start3A_268] : memref<25000x128xf32, #tpu.memory_space<hbm>> -> memref<25000x128xf32, #tpu.memory_space<hbm>>
        tpu.enqueue_indirect_dma source(%dma_start3A_269 : memref<25000x128xf32, #tpu.memory_space<hbm>>) target(%arg18 : memref<56x128xf32, #tpu.memory_space<vmem>>) offsets(%dma_start3A_266 : memref<56xi32, #tpu.memory_space<vmem>>) semaphore(%arg21 : memref<!tpu.dma_semaphore, #tpu.memory_space<semaphore_mem>>)
        %mul3A_270 = arith.constant 7 : i32
        %mul3A_271 = arith.muli %add3A_86, %mul3A_270 : i32
        %add3A_272 = arith.constant 6 : i32
        %add3A_273 = arith.addi %mul3A_271, %add3A_272 : i32
        %dma_start3A_274 = arith.constant 0 : i32
        %dma_start3A_275 = tpu.memref_slice %arg5[%add3A_273, %dma_start3A_274] : memref<28x56xi32, #tpu.memory_space<vmem>> -> memref<1x56xi32, #tpu.memory_space<vmem>>
        %dma_start3A_276 = tpu.memref_squeeze %dma_start3A_275 : memref<1x56xi32, #tpu.memory_space<vmem>> -> memref<56xi32, #tpu.memory_space<vmem>>
        %dma_start3A_277 = arith.constant 0 : i32
        %dma_start3A_278 = arith.constant 0 : i32
        %dma_start3A_279 = tpu.memref_slice %arg2[%dma_start3A_277, %dma_start3A_278] : memref<25000x128xf32, #tpu.memory_space<hbm>> -> memref<25000x128xf32, #tpu.memory_space<hbm>>
        tpu.enqueue_indirect_dma source(%dma_start3A_279 : memref<25000x128xf32, #tpu.memory_space<hbm>>) target(%arg19 : memref<56x128xf32, #tpu.memory_space<vmem>>) offsets(%dma_start3A_276 : memref<56xi32, #tpu.memory_space<vmem>>) semaphore(%arg21 : memref<!tpu.dma_semaphore, #tpu.memory_space<semaphore_mem>>)
        %dma_wait3A_280 = arith.constant 0 : i32
        %dma_wait3A_281 = tpu.memref_slice %arg5[%add3A_213, %dma_wait3A_280] : memref<28x56xi32, #tpu.memory_space<vmem>> -> memref<1x56xi32, #tpu.memory_space<vmem>>
        %dma_wait3A_282 = tpu.memref_squeeze %dma_wait3A_281 : memref<1x56xi32, #tpu.memory_space<vmem>> -> memref<56xi32, #tpu.memory_space<vmem>>
        %dma_wait3A_283 = arith.constant 0 : i32
        %dma_wait3A_284 = arith.constant 0 : i32
        %dma_wait3A_285 = tpu.memref_slice %arg2[%dma_wait3A_283, %dma_wait3A_284] : memref<25000x128xf32, #tpu.memory_space<hbm>> -> memref<25000x128xf32, #tpu.memory_space<hbm>>
        tpu.wait_indirect_dma semaphore(%arg21 : memref<!tpu.dma_semaphore, #tpu.memory_space<semaphore_mem>>) src(%dma_wait3A_285 : memref<25000x128xf32, #tpu.memory_space<hbm>>) dst(%arg13 : memref<56x128xf32, #tpu.memory_space<vmem>>)
        %dma_wait3A_286 = arith.constant 0 : i32
        %dma_wait3A_287 = tpu.memref_slice %arg5[%add3A_223, %dma_wait3A_286] : memref<28x56xi32, #tpu.memory_space<vmem>> -> memref<1x56xi32, #tpu.memory_space<vmem>>
        %dma_wait3A_288 = tpu.memref_squeeze %dma_wait3A_287 : memref<1x56xi32, #tpu.memory_space<vmem>> -> memref<56xi32, #tpu.memory_space<vmem>>
        %dma_wait3A_289 = arith.constant 0 : i32
        %dma_wait3A_290 = arith.constant 0 : i32
        %dma_wait3A_291 = tpu.memref_slice %arg2[%dma_wait3A_289, %dma_wait3A_290] : memref<25000x128xf32, #tpu.memory_space<hbm>> -> memref<25000x128xf32, #tpu.memory_space<hbm>>
        tpu.wait_indirect_dma semaphore(%arg21 : memref<!tpu.dma_semaphore, #tpu.memory_space<semaphore_mem>>) src(%dma_wait3A_291 : memref<25000x128xf32, #tpu.memory_space<hbm>>) dst(%arg14 : memref<56x128xf32, #tpu.memory_space<vmem>>)
        %dma_wait3A_292 = arith.constant 0 : i32
        %dma_wait3A_293 = tpu.memref_slice %arg5[%add3A_233, %dma_wait3A_292] : memref<28x56xi32, #tpu.memory_space<vmem>> -> memref<1x56xi32, #tpu.memory_space<vmem>>
        %dma_wait3A_294 = tpu.memref_squeeze %dma_wait3A_293 : memref<1x56xi32, #tpu.memory_space<vmem>> -> memref<56xi32, #tpu.memory_space<vmem>>
        %dma_wait3A_295 = arith.constant 0 : i32
        %dma_wait3A_296 = arith.constant 0 : i32
        %dma_wait3A_297 = tpu.memref_slice %arg2[%dma_wait3A_295, %dma_wait3A_296] : memref<25000x128xf32, #tpu.memory_space<hbm>> -> memref<25000x128xf32, #tpu.memory_space<hbm>>
        tpu.wait_indirect_dma semaphore(%arg21 : memref<!tpu.dma_semaphore, #tpu.memory_space<semaphore_mem>>) src(%dma_wait3A_297 : memref<25000x128xf32, #tpu.memory_space<hbm>>) dst(%arg15 : memref<56x128xf32, #tpu.memory_space<vmem>>)
        %dma_wait3A_298 = arith.constant 0 : i32
        %dma_wait3A_299 = tpu.memref_slice %arg5[%add3A_243, %dma_wait3A_298] : memref<28x56xi32, #tpu.memory_space<vmem>> -> memref<1x56xi32, #tpu.memory_space<vmem>>
        %dma_wait3A_300 = tpu.memref_squeeze %dma_wait3A_299 : memref<1x56xi32, #tpu.memory_space<vmem>> -> memref<56xi32, #tpu.memory_space<vmem>>
        %dma_wait3A_301 = arith.constant 0 : i32
        %dma_wait3A_302 = arith.constant 0 : i32
        %dma_wait3A_303 = tpu.memref_slice %arg2[%dma_wait3A_301, %dma_wait3A_302] : memref<25000x128xf32, #tpu.memory_space<hbm>> -> memref<25000x128xf32, #tpu.memory_space<hbm>>
        tpu.wait_indirect_dma semaphore(%arg21 : memref<!tpu.dma_semaphore, #tpu.memory_space<semaphore_mem>>) src(%dma_wait3A_303 : memref<25000x128xf32, #tpu.memory_space<hbm>>) dst(%arg16 : memref<56x128xf32, #tpu.memory_space<vmem>>)
        %dma_wait3A_304 = arith.constant 0 : i32
        %dma_wait3A_305 = tpu.memref_slice %arg5[%add3A_253, %dma_wait3A_304] : memref<28x56xi32, #tpu.memory_space<vmem>> -> memref<1x56xi32, #tpu.memory_space<vmem>>
        %dma_wait3A_306 = tpu.memref_squeeze %dma_wait3A_305 : memref<1x56xi32, #tpu.memory_space<vmem>> -> memref<56xi32, #tpu.memory_space<vmem>>
        %dma_wait3A_307 = arith.constant 0 : i32
        %dma_wait3A_308 = arith.constant 0 : i32
        %dma_wait3A_309 = tpu.memref_slice %arg2[%dma_wait3A_307, %dma_wait3A_308] : memref<25000x128xf32, #tpu.memory_space<hbm>> -> memref<25000x128xf32, #tpu.memory_space<hbm>>
        tpu.wait_indirect_dma semaphore(%arg21 : memref<!tpu.dma_semaphore, #tpu.memory_space<semaphore_mem>>) src(%dma_wait3A_309 : memref<25000x128xf32, #tpu.memory_space<hbm>>) dst(%arg17 : memref<56x128xf32, #tpu.memory_space<vmem>>)
        %dma_wait3A_310 = arith.constant 0 : i32
        %dma_wait3A_311 = tpu.memref_slice %arg5[%add3A_263, %dma_wait3A_310] : memref<28x56xi32, #tpu.memory_space<vmem>> -> memref<1x56xi32, #tpu.memory_space<vmem>>
        %dma_wait3A_312 = tpu.memref_squeeze %dma_wait3A_311 : memref<1x56xi32, #tpu.memory_space<vmem>> -> memref<56xi32, #tpu.memory_space<vmem>>
        %dma_wait3A_313 = arith.constant 0 : i32
        %dma_wait3A_314 = arith.constant 0 : i32
        %dma_wait3A_315 = tpu.memref_slice %arg2[%dma_wait3A_313, %dma_wait3A_314] : memref<25000x128xf32, #tpu.memory_space<hbm>> -> memref<25000x128xf32, #tpu.memory_space<hbm>>
        tpu.wait_indirect_dma semaphore(%arg21 : memref<!tpu.dma_semaphore, #tpu.memory_space<semaphore_mem>>) src(%dma_wait3A_315 : memref<25000x128xf32, #tpu.memory_space<hbm>>) dst(%arg18 : memref<56x128xf32, #tpu.memory_space<vmem>>)
        %dma_wait3A_316 = arith.constant 0 : i32
        %dma_wait3A_317 = tpu.memref_slice %arg5[%add3A_273, %dma_wait3A_316] : memref<28x56xi32, #tpu.memory_space<vmem>> -> memref<1x56xi32, #tpu.memory_space<vmem>>
        %dma_wait3A_318 = tpu.memref_squeeze %dma_wait3A_317 : memref<1x56xi32, #tpu.memory_space<vmem>> -> memref<56xi32, #tpu.memory_space<vmem>>
        %dma_wait3A_319 = arith.constant 0 : i32
        %dma_wait3A_320 = arith.constant 0 : i32
        %dma_wait3A_321 = tpu.memref_slice %arg2[%dma_wait3A_319, %dma_wait3A_320] : memref<25000x128xf32, #tpu.memory_space<hbm>> -> memref<25000x128xf32, #tpu.memory_space<hbm>>
        tpu.wait_indirect_dma semaphore(%arg21 : memref<!tpu.dma_semaphore, #tpu.memory_space<semaphore_mem>>) src(%dma_wait3A_321 : memref<25000x128xf32, #tpu.memory_space<hbm>>) dst(%arg19 : memref<56x128xf32, #tpu.memory_space<vmem>>)
        %mul3A_322 = arith.constant 7 : i32
        %mul3A_323 = arith.muli %add3A_86, %mul3A_322 : i32
        %add3A_324 = arith.constant 0 : i32
        %add3A_325 = arith.addi %mul3A_323, %add3A_324 : i32
        %mul3A_326 = arith.constant 56 : i32
        %mul3A_327 = arith.muli %add3A_325, %mul3A_326 : i32
        %add3A_328 = arith.addi %mul3A_2, %mul3A_327 : i32
        %dma_start3A_329 = arith.constant 0 : i32
        %dma_start3A_330 = tpu.memref_slice %arg4[%add3A_328, %dma_start3A_329] : memref<25088x128xf32, #tpu.memory_space<hbm>> -> memref<56x128xf32, #tpu.memory_space<hbm>>
        %dma_start3A_331 = arith.constant 0 : i32
        %dma_start3A_332 = tpu.memref_slice %arg4[%add3A_328, %dma_start3A_331] : memref<25088x128xf32, #tpu.memory_space<hbm>> -> memref<56x128xf32, #tpu.memory_space<hbm>>
        tpu.enqueue_dma source(%arg13 : memref<56x128xf32, #tpu.memory_space<vmem>>) target(%dma_start3A_332 : memref<56x128xf32, #tpu.memory_space<hbm>>) target_semaphore(%arg23 : memref<!tpu.dma_semaphore, #tpu.memory_space<semaphore_mem>>)
        %mul3A_333 = arith.constant 7 : i32
        %mul3A_334 = arith.muli %add3A_86, %mul3A_333 : i32
        %add3A_335 = arith.constant 1 : i32
        %add3A_336 = arith.addi %mul3A_334, %add3A_335 : i32
        %mul3A_337 = arith.constant 56 : i32
        %mul3A_338 = arith.muli %add3A_336, %mul3A_337 : i32
        %add3A_339 = arith.addi %mul3A_2, %mul3A_338 : i32
        %dma_start3A_340 = arith.constant 0 : i32
        %dma_start3A_341 = tpu.memref_slice %arg4[%add3A_339, %dma_start3A_340] : memref<25088x128xf32, #tpu.memory_space<hbm>> -> memref<56x128xf32, #tpu.memory_space<hbm>>
        %dma_start3A_342 = arith.constant 0 : i32
        %dma_start3A_343 = tpu.memref_slice %arg4[%add3A_339, %dma_start3A_342] : memref<25088x128xf32, #tpu.memory_space<hbm>> -> memref<56x128xf32, #tpu.memory_space<hbm>>
        tpu.enqueue_dma source(%arg14 : memref<56x128xf32, #tpu.memory_space<vmem>>) target(%dma_start3A_343 : memref<56x128xf32, #tpu.memory_space<hbm>>) target_semaphore(%arg23 : memref<!tpu.dma_semaphore, #tpu.memory_space<semaphore_mem>>)
        %mul3A_344 = arith.constant 7 : i32
        %mul3A_345 = arith.muli %add3A_86, %mul3A_344 : i32
        %add3A_346 = arith.constant 2 : i32
        %add3A_347 = arith.addi %mul3A_345, %add3A_346 : i32
        %mul3A_348 = arith.constant 56 : i32
        %mul3A_349 = arith.muli %add3A_347, %mul3A_348 : i32
        %add3A_350 = arith.addi %mul3A_2, %mul3A_349 : i32
        %dma_start3A_351 = arith.constant 0 : i32
        %dma_start3A_352 = tpu.memref_slice %arg4[%add3A_350, %dma_start3A_351] : memref<25088x128xf32, #tpu.memory_space<hbm>> -> memref<56x128xf32, #tpu.memory_space<hbm>>
        %dma_start3A_353 = arith.constant 0 : i32
        %dma_start3A_354 = tpu.memref_slice %arg4[%add3A_350, %dma_start3A_353] : memref<25088x128xf32, #tpu.memory_space<hbm>> -> memref<56x128xf32, #tpu.memory_space<hbm>>
        tpu.enqueue_dma source(%arg15 : memref<56x128xf32, #tpu.memory_space<vmem>>) target(%dma_start3A_354 : memref<56x128xf32, #tpu.memory_space<hbm>>) target_semaphore(%arg23 : memref<!tpu.dma_semaphore, #tpu.memory_space<semaphore_mem>>)
        %mul3A_355 = arith.constant 7 : i32
        %mul3A_356 = arith.muli %add3A_86, %mul3A_355 : i32
        %add3A_357 = arith.constant 3 : i32
        %add3A_358 = arith.addi %mul3A_356, %add3A_357 : i32
        %mul3A_359 = arith.constant 56 : i32
        %mul3A_360 = arith.muli %add3A_358, %mul3A_359 : i32
        %add3A_361 = arith.addi %mul3A_2, %mul3A_360 : i32
        %dma_start3A_362 = arith.constant 0 : i32
        %dma_start3A_363 = tpu.memref_slice %arg4[%add3A_361, %dma_start3A_362] : memref<25088x128xf32, #tpu.memory_space<hbm>> -> memref<56x128xf32, #tpu.memory_space<hbm>>
        %dma_start3A_364 = arith.constant 0 : i32
        %dma_start3A_365 = tpu.memref_slice %arg4[%add3A_361, %dma_start3A_364] : memref<25088x128xf32, #tpu.memory_space<hbm>> -> memref<56x128xf32, #tpu.memory_space<hbm>>
        tpu.enqueue_dma source(%arg16 : memref<56x128xf32, #tpu.memory_space<vmem>>) target(%dma_start3A_365 : memref<56x128xf32, #tpu.memory_space<hbm>>) target_semaphore(%arg23 : memref<!tpu.dma_semaphore, #tpu.memory_space<semaphore_mem>>)
        %mul3A_366 = arith.constant 7 : i32
        %mul3A_367 = arith.muli %add3A_86, %mul3A_366 : i32
        %add3A_368 = arith.constant 4 : i32
        %add3A_369 = arith.addi %mul3A_367, %add3A_368 : i32
        %mul3A_370 = arith.constant 56 : i32
        %mul3A_371 = arith.muli %add3A_369, %mul3A_370 : i32
        %add3A_372 = arith.addi %mul3A_2, %mul3A_371 : i32
        %dma_start3A_373 = arith.constant 0 : i32
        %dma_start3A_374 = tpu.memref_slice %arg4[%add3A_372, %dma_start3A_373] : memref<25088x128xf32, #tpu.memory_space<hbm>> -> memref<56x128xf32, #tpu.memory_space<hbm>>
        %dma_start3A_375 = arith.constant 0 : i32
        %dma_start3A_376 = tpu.memref_slice %arg4[%add3A_372, %dma_start3A_375] : memref<25088x128xf32, #tpu.memory_space<hbm>> -> memref<56x128xf32, #tpu.memory_space<hbm>>
        tpu.enqueue_dma source(%arg17 : memref<56x128xf32, #tpu.memory_space<vmem>>) target(%dma_start3A_376 : memref<56x128xf32, #tpu.memory_space<hbm>>) target_semaphore(%arg23 : memref<!tpu.dma_semaphore, #tpu.memory_space<semaphore_mem>>)
        %mul3A_377 = arith.constant 7 : i32
        %mul3A_378 = arith.muli %add3A_86, %mul3A_377 : i32
        %add3A_379 = arith.constant 5 : i32
        %add3A_380 = arith.addi %mul3A_378, %add3A_379 : i32
        %mul3A_381 = arith.constant 56 : i32
        %mul3A_382 = arith.muli %add3A_380, %mul3A_381 : i32
        %add3A_383 = arith.addi %mul3A_2, %mul3A_382 : i32
        %dma_start3A_384 = arith.constant 0 : i32
        %dma_start3A_385 = tpu.memref_slice %arg4[%add3A_383, %dma_start3A_384] : memref<25088x128xf32, #tpu.memory_space<hbm>> -> memref<56x128xf32, #tpu.memory_space<hbm>>
        %dma_start3A_386 = arith.constant 0 : i32
        %dma_start3A_387 = tpu.memref_slice %arg4[%add3A_383, %dma_start3A_386] : memref<25088x128xf32, #tpu.memory_space<hbm>> -> memref<56x128xf32, #tpu.memory_space<hbm>>
        tpu.enqueue_dma source(%arg18 : memref<56x128xf32, #tpu.memory_space<vmem>>) target(%dma_start3A_387 : memref<56x128xf32, #tpu.memory_space<hbm>>) target_semaphore(%arg23 : memref<!tpu.dma_semaphore, #tpu.memory_space<semaphore_mem>>)
        %mul3A_388 = arith.constant 7 : i32
        %mul3A_389 = arith.muli %add3A_86, %mul3A_388 : i32
        %add3A_390 = arith.constant 6 : i32
        %add3A_391 = arith.addi %mul3A_389, %add3A_390 : i32
        %mul3A_392 = arith.constant 56 : i32
        %mul3A_393 = arith.muli %add3A_391, %mul3A_392 : i32
        %add3A_394 = arith.addi %mul3A_2, %mul3A_393 : i32
        %dma_start3A_395 = arith.constant 0 : i32
        %dma_start3A_396 = tpu.memref_slice %arg4[%add3A_394, %dma_start3A_395] : memref<25088x128xf32, #tpu.memory_space<hbm>> -> memref<56x128xf32, #tpu.memory_space<hbm>>
        %dma_start3A_397 = arith.constant 0 : i32
        %dma_start3A_398 = tpu.memref_slice %arg4[%add3A_394, %dma_start3A_397] : memref<25088x128xf32, #tpu.memory_space<hbm>> -> memref<56x128xf32, #tpu.memory_space<hbm>>
        tpu.enqueue_dma source(%arg19 : memref<56x128xf32, #tpu.memory_space<vmem>>) target(%dma_start3A_398 : memref<56x128xf32, #tpu.memory_space<hbm>>) target_semaphore(%arg23 : memref<!tpu.dma_semaphore, #tpu.memory_space<semaphore_mem>>)
        %dma_wait3A_399 = arith.constant 0 : i32
        %dma_wait3A_400 = tpu.memref_slice %arg4[%add3A_135, %dma_wait3A_399] : memref<25088x128xf32, #tpu.memory_space<hbm>> -> memref<56x128xf32, #tpu.memory_space<hbm>>
        %dma_wait3A_401 = arith.constant 0 : i32
        %dma_wait3A_402 = tpu.memref_slice %arg4[%add3A_135, %dma_wait3A_401] : memref<25088x128xf32, #tpu.memory_space<hbm>> -> memref<56x128xf32, #tpu.memory_space<hbm>>
        tpu.wait_dma2 semaphore(%arg22 : memref<!tpu.dma_semaphore, #tpu.memory_space<semaphore_mem>>) src(%arg6 : memref<56x128xf32, #tpu.memory_space<vmem>>) dst(%dma_wait3A_402 : memref<56x128xf32, #tpu.memory_space<hbm>>)
        %dma_wait3A_403 = arith.constant 0 : i32
        %dma_wait3A_404 = tpu.memref_slice %arg4[%add3A_146, %dma_wait3A_403] : memref<25088x128xf32, #tpu.memory_space<hbm>> -> memref<56x128xf32, #tpu.memory_space<hbm>>
        %dma_wait3A_405 = arith.constant 0 : i32
        %dma_wait3A_406 = tpu.memref_slice %arg4[%add3A_146, %dma_wait3A_405] : memref<25088x128xf32, #tpu.memory_space<hbm>> -> memref<56x128xf32, #tpu.memory_space<hbm>>
        tpu.wait_dma2 semaphore(%arg22 : memref<!tpu.dma_semaphore, #tpu.memory_space<semaphore_mem>>) src(%arg7 : memref<56x128xf32, #tpu.memory_space<vmem>>) dst(%dma_wait3A_406 : memref<56x128xf32, #tpu.memory_space<hbm>>)
        %dma_wait3A_407 = arith.constant 0 : i32
        %dma_wait3A_408 = tpu.memref_slice %arg4[%add3A_157, %dma_wait3A_407] : memref<25088x128xf32, #tpu.memory_space<hbm>> -> memref<56x128xf32, #tpu.memory_space<hbm>>
        %dma_wait3A_409 = arith.constant 0 : i32
        %dma_wait3A_410 = tpu.memref_slice %arg4[%add3A_157, %dma_wait3A_409] : memref<25088x128xf32, #tpu.memory_space<hbm>> -> memref<56x128xf32, #tpu.memory_space<hbm>>
        tpu.wait_dma2 semaphore(%arg22 : memref<!tpu.dma_semaphore, #tpu.memory_space<semaphore_mem>>) src(%arg8 : memref<56x128xf32, #tpu.memory_space<vmem>>) dst(%dma_wait3A_410 : memref<56x128xf32, #tpu.memory_space<hbm>>)
        %dma_wait3A_411 = arith.constant 0 : i32
        %dma_wait3A_412 = tpu.memref_slice %arg4[%add3A_168, %dma_wait3A_411] : memref<25088x128xf32, #tpu.memory_space<hbm>> -> memref<56x128xf32, #tpu.memory_space<hbm>>
        %dma_wait3A_413 = arith.constant 0 : i32
        %dma_wait3A_414 = tpu.memref_slice %arg4[%add3A_168, %dma_wait3A_413] : memref<25088x128xf32, #tpu.memory_space<hbm>> -> memref<56x128xf32, #tpu.memory_space<hbm>>
        tpu.wait_dma2 semaphore(%arg22 : memref<!tpu.dma_semaphore, #tpu.memory_space<semaphore_mem>>) src(%arg9 : memref<56x128xf32, #tpu.memory_space<vmem>>) dst(%dma_wait3A_414 : memref<56x128xf32, #tpu.memory_space<hbm>>)
        %dma_wait3A_415 = arith.constant 0 : i32
        %dma_wait3A_416 = tpu.memref_slice %arg4[%add3A_179, %dma_wait3A_415] : memref<25088x128xf32, #tpu.memory_space<hbm>> -> memref<56x128xf32, #tpu.memory_space<hbm>>
        %dma_wait3A_417 = arith.constant 0 : i32
        %dma_wait3A_418 = tpu.memref_slice %arg4[%add3A_179, %dma_wait3A_417] : memref<25088x128xf32, #tpu.memory_space<hbm>> -> memref<56x128xf32, #tpu.memory_space<hbm>>
        tpu.wait_dma2 semaphore(%arg22 : memref<!tpu.dma_semaphore, #tpu.memory_space<semaphore_mem>>) src(%arg10 : memref<56x128xf32, #tpu.memory_space<vmem>>) dst(%dma_wait3A_418 : memref<56x128xf32, #tpu.memory_space<hbm>>)
        %dma_wait3A_419 = arith.constant 0 : i32
        %dma_wait3A_420 = tpu.memref_slice %arg4[%add3A_190, %dma_wait3A_419] : memref<25088x128xf32, #tpu.memory_space<hbm>> -> memref<56x128xf32, #tpu.memory_space<hbm>>
        %dma_wait3A_421 = arith.constant 0 : i32
        %dma_wait3A_422 = tpu.memref_slice %arg4[%add3A_190, %dma_wait3A_421] : memref<25088x128xf32, #tpu.memory_space<hbm>> -> memref<56x128xf32, #tpu.memory_space<hbm>>
        tpu.wait_dma2 semaphore(%arg22 : memref<!tpu.dma_semaphore, #tpu.memory_space<semaphore_mem>>) src(%arg11 : memref<56x128xf32, #tpu.memory_space<vmem>>) dst(%dma_wait3A_422 : memref<56x128xf32, #tpu.memory_space<hbm>>)
        %dma_wait3A_423 = arith.constant 0 : i32
        %dma_wait3A_424 = tpu.memref_slice %arg4[%add3A_201, %dma_wait3A_423] : memref<25088x128xf32, #tpu.memory_space<hbm>> -> memref<56x128xf32, #tpu.memory_space<hbm>>
        %dma_wait3A_425 = arith.constant 0 : i32
        %dma_wait3A_426 = tpu.memref_slice %arg4[%add3A_201, %dma_wait3A_425] : memref<25088x128xf32, #tpu.memory_space<hbm>> -> memref<56x128xf32, #tpu.memory_space<hbm>>
        tpu.wait_dma2 semaphore(%arg22 : memref<!tpu.dma_semaphore, #tpu.memory_space<semaphore_mem>>) src(%arg12 : memref<56x128xf32, #tpu.memory_space<vmem>>) dst(%dma_wait3A_426 : memref<56x128xf32, #tpu.memory_space<hbm>>)
        %add3A_427 = arith.constant 1 : i32
        %add3A_428 = arith.addi %scan3A_83, %add3A_427 : i32
        %lt3A = arith.constant 2 : i32
        %lt3A_429 = arith.cmpi slt, %add3A_428, %lt3A : i32
        %convert_element_type3A_430 = arith.extui %lt3A_429 : i1 to i32
        %cond3A_431 = arith.constant 0 : i32
        %cond3A_432 = arith.cmpi ne, %convert_element_type3A_430, %cond3A_431 : i32
        scf.if %cond3A_432 {
          %add3A_433 = arith.constant 2 : i32
          %add3A_434 = arith.addi %mul3A_85, %add3A_433 : i32
          %mul3A_435 = arith.constant 7 : i32
          %mul3A_436 = arith.muli %add3A_434, %mul3A_435 : i32
          %add3A_437 = arith.constant 0 : i32
          %add3A_438 = arith.addi %mul3A_436, %add3A_437 : i32
          %dma_start3A_439 = arith.constant 0 : i32
          %dma_start3A_440 = tpu.memref_slice %arg5[%add3A_438, %dma_start3A_439] : memref<28x56xi32, #tpu.memory_space<vmem>> -> memref<1x56xi32, #tpu.memory_space<vmem>>
          %dma_start3A_441 = tpu.memref_squeeze %dma_start3A_440 : memref<1x56xi32, #tpu.memory_space<vmem>> -> memref<56xi32, #tpu.memory_space<vmem>>
          %dma_start3A_442 = arith.constant 0 : i32
          %dma_start3A_443 = arith.constant 0 : i32
          %dma_start3A_444 = tpu.memref_slice %arg2[%dma_start3A_442, %dma_start3A_443] : memref<25000x128xf32, #tpu.memory_space<hbm>> -> memref<25000x128xf32, #tpu.memory_space<hbm>>
          tpu.enqueue_indirect_dma source(%dma_start3A_444 : memref<25000x128xf32, #tpu.memory_space<hbm>>) target(%arg6 : memref<56x128xf32, #tpu.memory_space<vmem>>) offsets(%dma_start3A_441 : memref<56xi32, #tpu.memory_space<vmem>>) semaphore(%arg20 : memref<!tpu.dma_semaphore, #tpu.memory_space<semaphore_mem>>)
          %add3A_445 = arith.constant 2 : i32
          %add3A_446 = arith.addi %mul3A_85, %add3A_445 : i32
          %mul3A_447 = arith.constant 7 : i32
          %mul3A_448 = arith.muli %add3A_446, %mul3A_447 : i32
          %add3A_449 = arith.constant 1 : i32
          %add3A_450 = arith.addi %mul3A_448, %add3A_449 : i32
          %dma_start3A_451 = arith.constant 0 : i32
          %dma_start3A_452 = tpu.memref_slice %arg5[%add3A_450, %dma_start3A_451] : memref<28x56xi32, #tpu.memory_space<vmem>> -> memref<1x56xi32, #tpu.memory_space<vmem>>
          %dma_start3A_453 = tpu.memref_squeeze %dma_start3A_452 : memref<1x56xi32, #tpu.memory_space<vmem>> -> memref<56xi32, #tpu.memory_space<vmem>>
          %dma_start3A_454 = arith.constant 0 : i32
          %dma_start3A_455 = arith.constant 0 : i32
          %dma_start3A_456 = tpu.memref_slice %arg2[%dma_start3A_454, %dma_start3A_455] : memref<25000x128xf32, #tpu.memory_space<hbm>> -> memref<25000x128xf32, #tpu.memory_space<hbm>>
          tpu.enqueue_indirect_dma source(%dma_start3A_456 : memref<25000x128xf32, #tpu.memory_space<hbm>>) target(%arg7 : memref<56x128xf32, #tpu.memory_space<vmem>>) offsets(%dma_start3A_453 : memref<56xi32, #tpu.memory_space<vmem>>) semaphore(%arg20 : memref<!tpu.dma_semaphore, #tpu.memory_space<semaphore_mem>>)
          %add3A_457 = arith.constant 2 : i32
          %add3A_458 = arith.addi %mul3A_85, %add3A_457 : i32
          %mul3A_459 = arith.constant 7 : i32
          %mul3A_460 = arith.muli %add3A_458, %mul3A_459 : i32
          %add3A_461 = arith.constant 2 : i32
          %add3A_462 = arith.addi %mul3A_460, %add3A_461 : i32
          %dma_start3A_463 = arith.constant 0 : i32
          %dma_start3A_464 = tpu.memref_slice %arg5[%add3A_462, %dma_start3A_463] : memref<28x56xi32, #tpu.memory_space<vmem>> -> memref<1x56xi32, #tpu.memory_space<vmem>>
          %dma_start3A_465 = tpu.memref_squeeze %dma_start3A_464 : memref<1x56xi32, #tpu.memory_space<vmem>> -> memref<56xi32, #tpu.memory_space<vmem>>
          %dma_start3A_466 = arith.constant 0 : i32
          %dma_start3A_467 = arith.constant 0 : i32
          %dma_start3A_468 = tpu.memref_slice %arg2[%dma_start3A_466, %dma_start3A_467] : memref<25000x128xf32, #tpu.memory_space<hbm>> -> memref<25000x128xf32, #tpu.memory_space<hbm>>
          tpu.enqueue_indirect_dma source(%dma_start3A_468 : memref<25000x128xf32, #tpu.memory_space<hbm>>) target(%arg8 : memref<56x128xf32, #tpu.memory_space<vmem>>) offsets(%dma_start3A_465 : memref<56xi32, #tpu.memory_space<vmem>>) semaphore(%arg20 : memref<!tpu.dma_semaphore, #tpu.memory_space<semaphore_mem>>)
          %add3A_469 = arith.constant 2 : i32
          %add3A_470 = arith.addi %mul3A_85, %add3A_469 : i32
          %mul3A_471 = arith.constant 7 : i32
          %mul3A_472 = arith.muli %add3A_470, %mul3A_471 : i32
          %add3A_473 = arith.constant 3 : i32
          %add3A_474 = arith.addi %mul3A_472, %add3A_473 : i32
          %dma_start3A_475 = arith.constant 0 : i32
          %dma_start3A_476 = tpu.memref_slice %arg5[%add3A_474, %dma_start3A_475] : memref<28x56xi32, #tpu.memory_space<vmem>> -> memref<1x56xi32, #tpu.memory_space<vmem>>
          %dma_start3A_477 = tpu.memref_squeeze %dma_start3A_476 : memref<1x56xi32, #tpu.memory_space<vmem>> -> memref<56xi32, #tpu.memory_space<vmem>>
          %dma_start3A_478 = arith.constant 0 : i32
          %dma_start3A_479 = arith.constant 0 : i32
          %dma_start3A_480 = tpu.memref_slice %arg2[%dma_start3A_478, %dma_start3A_479] : memref<25000x128xf32, #tpu.memory_space<hbm>> -> memref<25000x128xf32, #tpu.memory_space<hbm>>
          tpu.enqueue_indirect_dma source(%dma_start3A_480 : memref<25000x128xf32, #tpu.memory_space<hbm>>) target(%arg9 : memref<56x128xf32, #tpu.memory_space<vmem>>) offsets(%dma_start3A_477 : memref<56xi32, #tpu.memory_space<vmem>>) semaphore(%arg20 : memref<!tpu.dma_semaphore, #tpu.memory_space<semaphore_mem>>)
          %add3A_481 = arith.constant 2 : i32
          %add3A_482 = arith.addi %mul3A_85, %add3A_481 : i32
          %mul3A_483 = arith.constant 7 : i32
          %mul3A_484 = arith.muli %add3A_482, %mul3A_483 : i32
          %add3A_485 = arith.constant 4 : i32
          %add3A_486 = arith.addi %mul3A_484, %add3A_485 : i32
          %dma_start3A_487 = arith.constant 0 : i32
          %dma_start3A_488 = tpu.memref_slice %arg5[%add3A_486, %dma_start3A_487] : memref<28x56xi32, #tpu.memory_space<vmem>> -> memref<1x56xi32, #tpu.memory_space<vmem>>
          %dma_start3A_489 = tpu.memref_squeeze %dma_start3A_488 : memref<1x56xi32, #tpu.memory_space<vmem>> -> memref<56xi32, #tpu.memory_space<vmem>>
          %dma_start3A_490 = arith.constant 0 : i32
          %dma_start3A_491 = arith.constant 0 : i32
          %dma_start3A_492 = tpu.memref_slice %arg2[%dma_start3A_490, %dma_start3A_491] : memref<25000x128xf32, #tpu.memory_space<hbm>> -> memref<25000x128xf32, #tpu.memory_space<hbm>>
          tpu.enqueue_indirect_dma source(%dma_start3A_492 : memref<25000x128xf32, #tpu.memory_space<hbm>>) target(%arg10 : memref<56x128xf32, #tpu.memory_space<vmem>>) offsets(%dma_start3A_489 : memref<56xi32, #tpu.memory_space<vmem>>) semaphore(%arg20 : memref<!tpu.dma_semaphore, #tpu.memory_space<semaphore_mem>>)
          %add3A_493 = arith.constant 2 : i32
          %add3A_494 = arith.addi %mul3A_85, %add3A_493 : i32
          %mul3A_495 = arith.constant 7 : i32
          %mul3A_496 = arith.muli %add3A_494, %mul3A_495 : i32
          %add3A_497 = arith.constant 5 : i32
          %add3A_498 = arith.addi %mul3A_496, %add3A_497 : i32
          %dma_start3A_499 = arith.constant 0 : i32
          %dma_start3A_500 = tpu.memref_slice %arg5[%add3A_498, %dma_start3A_499] : memref<28x56xi32, #tpu.memory_space<vmem>> -> memref<1x56xi32, #tpu.memory_space<vmem>>
          %dma_start3A_501 = tpu.memref_squeeze %dma_start3A_500 : memref<1x56xi32, #tpu.memory_space<vmem>> -> memref<56xi32, #tpu.memory_space<vmem>>
          %dma_start3A_502 = arith.constant 0 : i32
          %dma_start3A_503 = arith.constant 0 : i32
          %dma_start3A_504 = tpu.memref_slice %arg2[%dma_start3A_502, %dma_start3A_503] : memref<25000x128xf32, #tpu.memory_space<hbm>> -> memref<25000x128xf32, #tpu.memory_space<hbm>>
          tpu.enqueue_indirect_dma source(%dma_start3A_504 : memref<25000x128xf32, #tpu.memory_space<hbm>>) target(%arg11 : memref<56x128xf32, #tpu.memory_space<vmem>>) offsets(%dma_start3A_501 : memref<56xi32, #tpu.memory_space<vmem>>) semaphore(%arg20 : memref<!tpu.dma_semaphore, #tpu.memory_space<semaphore_mem>>)
          %add3A_505 = arith.constant 2 : i32
          %add3A_506 = arith.addi %mul3A_85, %add3A_505 : i32
          %mul3A_507 = arith.constant 7 : i32
          %mul3A_508 = arith.muli %add3A_506, %mul3A_507 : i32
          %add3A_509 = arith.constant 6 : i32
          %add3A_510 = arith.addi %mul3A_508, %add3A_509 : i32
          %dma_start3A_511 = arith.constant 0 : i32
          %dma_start3A_512 = tpu.memref_slice %arg5[%add3A_510, %dma_start3A_511] : memref<28x56xi32, #tpu.memory_space<vmem>> -> memref<1x56xi32, #tpu.memory_space<vmem>>
          %dma_start3A_513 = tpu.memref_squeeze %dma_start3A_512 : memref<1x56xi32, #tpu.memory_space<vmem>> -> memref<56xi32, #tpu.memory_space<vmem>>
          %dma_start3A_514 = arith.constant 0 : i32
          %dma_start3A_515 = arith.constant 0 : i32
          %dma_start3A_516 = tpu.memref_slice %arg2[%dma_start3A_514, %dma_start3A_515] : memref<25000x128xf32, #tpu.memory_space<hbm>> -> memref<25000x128xf32, #tpu.memory_space<hbm>>
          tpu.enqueue_indirect_dma source(%dma_start3A_516 : memref<25000x128xf32, #tpu.memory_space<hbm>>) target(%arg12 : memref<56x128xf32, #tpu.memory_space<vmem>>) offsets(%dma_start3A_513 : memref<56xi32, #tpu.memory_space<vmem>>) semaphore(%arg20 : memref<!tpu.dma_semaphore, #tpu.memory_space<semaphore_mem>>)
        } else {
        }
      }
      %scan3A_55 = arith.constant 2 : i32
      %dma_wait3A = arith.constant 0 : i32
      %dma_wait3A_56 = tpu.memref_slice %arg4[%mul3A_2, %dma_wait3A] : memref<25088x128xf32, #tpu.memory_space<hbm>> -> memref<56x128xf32, #tpu.memory_space<hbm>>
      %dma_wait3A_57 = arith.constant 0 : i32
      %dma_wait3A_58 = tpu.memref_slice %arg4[%mul3A_2, %dma_wait3A_57] : memref<25088x128xf32, #tpu.memory_space<hbm>> -> memref<56x128xf32, #tpu.memory_space<hbm>>
      tpu.wait_dma2 semaphore(%arg23 : memref<!tpu.dma_semaphore, #tpu.memory_space<semaphore_mem>>) src(%arg13 : memref<56x128xf32, #tpu.memory_space<vmem>>) dst(%dma_wait3A_58 : memref<56x128xf32, #tpu.memory_space<hbm>>)
      %dma_wait3A_59 = arith.constant 0 : i32
      %dma_wait3A_60 = tpu.memref_slice %arg4[%mul3A_2, %dma_wait3A_59] : memref<25088x128xf32, #tpu.memory_space<hbm>> -> memref<56x128xf32, #tpu.memory_space<hbm>>
      %dma_wait3A_61 = arith.constant 0 : i32
      %dma_wait3A_62 = tpu.memref_slice %arg4[%mul3A_2, %dma_wait3A_61] : memref<25088x128xf32, #tpu.memory_space<hbm>> -> memref<56x128xf32, #tpu.memory_space<hbm>>
      tpu.wait_dma2 semaphore(%arg23 : memref<!tpu.dma_semaphore, #tpu.memory_space<semaphore_mem>>) src(%arg14 : memref<56x128xf32, #tpu.memory_space<vmem>>) dst(%dma_wait3A_62 : memref<56x128xf32, #tpu.memory_space<hbm>>)
      %dma_wait3A_63 = arith.constant 0 : i32
      %dma_wait3A_64 = tpu.memref_slice %arg4[%mul3A_2, %dma_wait3A_63] : memref<25088x128xf32, #tpu.memory_space<hbm>> -> memref<56x128xf32, #tpu.memory_space<hbm>>
      %dma_wait3A_65 = arith.constant 0 : i32
      %dma_wait3A_66 = tpu.memref_slice %arg4[%mul3A_2, %dma_wait3A_65] : memref<25088x128xf32, #tpu.memory_space<hbm>> -> memref<56x128xf32, #tpu.memory_space<hbm>>
      tpu.wait_dma2 semaphore(%arg23 : memref<!tpu.dma_semaphore, #tpu.memory_space<semaphore_mem>>) src(%arg15 : memref<56x128xf32, #tpu.memory_space<vmem>>) dst(%dma_wait3A_66 : memref<56x128xf32, #tpu.memory_space<hbm>>)
      %dma_wait3A_67 = arith.constant 0 : i32
      %dma_wait3A_68 = tpu.memref_slice %arg4[%mul3A_2, %dma_wait3A_67] : memref<25088x128xf32, #tpu.memory_space<hbm>> -> memref<56x128xf32, #tpu.memory_space<hbm>>
      %dma_wait3A_69 = arith.constant 0 : i32
      %dma_wait3A_70 = tpu.memref_slice %arg4[%mul3A_2, %dma_wait3A_69] : memref<25088x128xf32, #tpu.memory_space<hbm>> -> memref<56x128xf32, #tpu.memory_space<hbm>>
      tpu.wait_dma2 semaphore(%arg23 : memref<!tpu.dma_semaphore, #tpu.memory_space<semaphore_mem>>) src(%arg16 : memref<56x128xf32, #tpu.memory_space<vmem>>) dst(%dma_wait3A_70 : memref<56x128xf32, #tpu.memory_space<hbm>>)
      %dma_wait3A_71 = arith.constant 0 : i32
      %dma_wait3A_72 = tpu.memref_slice %arg4[%mul3A_2, %dma_wait3A_71] : memref<25088x128xf32, #tpu.memory_space<hbm>> -> memref<56x128xf32, #tpu.memory_space<hbm>>
      %dma_wait3A_73 = arith.constant 0 : i32
      %dma_wait3A_74 = tpu.memref_slice %arg4[%mul3A_2, %dma_wait3A_73] : memref<25088x128xf32, #tpu.memory_space<hbm>> -> memref<56x128xf32, #tpu.memory_space<hbm>>
      tpu.wait_dma2 semaphore(%arg23 : memref<!tpu.dma_semaphore, #tpu.memory_space<semaphore_mem>>) src(%arg17 : memref<56x128xf32, #tpu.memory_space<vmem>>) dst(%dma_wait3A_74 : memref<56x128xf32, #tpu.memory_space<hbm>>)
      %dma_wait3A_75 = arith.constant 0 : i32
      %dma_wait3A_76 = tpu.memref_slice %arg4[%mul3A_2, %dma_wait3A_75] : memref<25088x128xf32, #tpu.memory_space<hbm>> -> memref<56x128xf32, #tpu.memory_space<hbm>>
      %dma_wait3A_77 = arith.constant 0 : i32
      %dma_wait3A_78 = tpu.memref_slice %arg4[%mul3A_2, %dma_wait3A_77] : memref<25088x128xf32, #tpu.memory_space<hbm>> -> memref<56x128xf32, #tpu.memory_space<hbm>>
      tpu.wait_dma2 semaphore(%arg23 : memref<!tpu.dma_semaphore, #tpu.memory_space<semaphore_mem>>) src(%arg18 : memref<56x128xf32, #tpu.memory_space<vmem>>) dst(%dma_wait3A_78 : memref<56x128xf32, #tpu.memory_space<hbm>>)
      %dma_wait3A_79 = arith.constant 0 : i32
      %dma_wait3A_80 = tpu.memref_slice %arg4[%mul3A_2, %dma_wait3A_79] : memref<25088x128xf32, #tpu.memory_space<hbm>> -> memref<56x128xf32, #tpu.memory_space<hbm>>
      %dma_wait3A_81 = arith.constant 0 : i32
      %dma_wait3A_82 = tpu.memref_slice %arg4[%mul3A_2, %dma_wait3A_81] : memref<25088x128xf32, #tpu.memory_space<hbm>> -> memref<56x128xf32, #tpu.memory_space<hbm>>
      tpu.wait_dma2 semaphore(%arg23 : memref<!tpu.dma_semaphore, #tpu.memory_space<semaphore_mem>>) src(%arg19 : memref<56x128xf32, #tpu.memory_space<vmem>>) dst(%dma_wait3A_82 : memref<56x128xf32, #tpu.memory_space<hbm>>)
    } else {
    }
    return
  }
}

#map = affine_map<(d0, d1) -> (0, 0)>
#map1 = affine_map<(d0, d1) -> (0, 0, 0)>
module attributes {stable_mosaic.version = 14 : i64} {
  func.func @k(%arg0: i32, %arg1: i32, %arg2: memref<25000x128xf32, #tpu.memory_space<hbm>>, %arg3: memref<16x28x56xi32, #tpu.memory_space<hbm>>, %arg4: memref<25088x128xf32, #tpu.memory_space<hbm>>, %arg5: memref<28x56xi32, #tpu.memory_space<vmem>>, %arg6: memref<56x128xf32, #tpu.memory_space<vmem>>, %arg7: memref<56x128xf32, #tpu.memory_space<vmem>>, %arg8: memref<56x128xf32, #tpu.memory_space<vmem>>, %arg9: memref<56x128xf32, #tpu.memory_space<vmem>>, %arg10: memref<56x128xf32, #tpu.memory_space<vmem>>, %arg11: memref<56x128xf32, #tpu.memory_space<vmem>>, %arg12: memref<56x128xf32, #tpu.memory_space<vmem>>, %arg13: memref<56x128xf32, #tpu.memory_space<vmem>>, %arg14: memref<56x128xf32, #tpu.memory_space<vmem>>, %arg15: memref<56x128xf32, #tpu.memory_space<vmem>>, %arg16: memref<56x128xf32, #tpu.memory_space<vmem>>, %arg17: memref<56x128xf32, #tpu.memory_space<vmem>>, %arg18: memref<56x128xf32, #tpu.memory_space<vmem>>, %arg19: memref<56x128xf32, #tpu.memory_space<vmem>>, %arg20: memref<!tpu.dma_semaphore, #tpu.memory_space<semaphore_mem>>, %arg21: memref<!tpu.dma_semaphore, #tpu.memory_space<semaphore_mem>>, %arg22: memref<!tpu.dma_semaphore, #tpu.memory_space<semaphore_mem>>, %arg23: memref<!tpu.dma_semaphore, #tpu.memory_space<semaphore_mem>>) attributes {dimension_semantics = [#tpu.dimension_semantics<core_parallel>, #tpu.dimension_semantics<subcore_parallel>], iteration_bounds = array<i64: 2, 16>, scalar_prefetch = 0 : i64, scratch_operands = 19 : i64, tpu.core_type = #tpu.core_type<sc_vector_subcore>, window_params = [{transform_indices = #map}, {transform_indices = #map1}, {transform_indices = #map}]} {
    %eq3A = arith.constant 0 : i32
    %eq3A_0 = arith.cmpi eq, %arg0, %eq3A : i32
    %convert_element_type3A = arith.extui %eq3A_0 : i1 to i32
    %cond3A = arith.constant 0 : i32
    %cond3A_1 = arith.cmpi ne, %convert_element_type3A, %cond3A : i32
    scf.if %cond3A_1 {
      "tpu.region"() ({
        %run_scoped3A = tpu.sem_alloc : memref<!tpu.dma_semaphore, #tpu.memory_space<semaphore_mem>>
        %dma_start3A_83 = arith.constant 0 : i32
        %dma_start3A_84 = arith.constant 0 : i32
        %dma_start3A_85 = tpu.memref_slice %arg3[%arg1, %dma_start3A_83, %dma_start3A_84] : memref<16x28x56xi32, #tpu.memory_space<hbm>> -> memref<1x28x56xi32, #tpu.memory_space<hbm>>
        %dma_start3A_86 = tpu.memref_squeeze %dma_start3A_85 : memref<1x28x56xi32, #tpu.memory_space<hbm>> -> memref<28x56xi32, #tpu.memory_space<hbm>>
        %dma_start3A_87 = arith.constant 0 : i32
        %dma_start3A_88 = arith.constant 0 : i32
        %dma_start3A_89 = tpu.memref_slice %arg3[%arg1, %dma_start3A_87, %dma_start3A_88] : memref<16x28x56xi32, #tpu.memory_space<hbm>> -> memref<1x28x56xi32, #tpu.memory_space<hbm>>
        %dma_start3A_90 = tpu.memref_squeeze %dma_start3A_89 : memref<1x28x56xi32, #tpu.memory_space<hbm>> -> memref<28x56xi32, #tpu.memory_space<hbm>>
        tpu.enqueue_dma source(%dma_start3A_90 : memref<28x56xi32, #tpu.memory_space<hbm>>) target(%arg5 : memref<28x56xi32, #tpu.memory_space<vmem>>) target_semaphore(%run_scoped3A : memref<!tpu.dma_semaphore, #tpu.memory_space<semaphore_mem>>)
        %dma_wait3A_91 = arith.constant 0 : i32
        %dma_wait3A_92 = arith.constant 0 : i32
        %dma_wait3A_93 = tpu.memref_slice %arg3[%arg1, %dma_wait3A_91, %dma_wait3A_92] : memref<16x28x56xi32, #tpu.memory_space<hbm>> -> memref<1x28x56xi32, #tpu.memory_space<hbm>>
        %dma_wait3A_94 = tpu.memref_squeeze %dma_wait3A_93 : memref<1x28x56xi32, #tpu.memory_space<hbm>> -> memref<28x56xi32, #tpu.memory_space<hbm>>
        %dma_wait3A_95 = arith.constant 0 : i32
        %dma_wait3A_96 = arith.constant 0 : i32
        %dma_wait3A_97 = tpu.memref_slice %arg3[%arg1, %dma_wait3A_95, %dma_wait3A_96] : memref<16x28x56xi32, #tpu.memory_space<hbm>> -> memref<1x28x56xi32, #tpu.memory_space<hbm>>
        %dma_wait3A_98 = tpu.memref_squeeze %dma_wait3A_97 : memref<1x28x56xi32, #tpu.memory_space<hbm>> -> memref<28x56xi32, #tpu.memory_space<hbm>>
        tpu.wait_dma2 semaphore(%run_scoped3A : memref<!tpu.dma_semaphore, #tpu.memory_space<semaphore_mem>>) src(%dma_wait3A_98 : memref<28x56xi32, #tpu.memory_space<hbm>>) dst(%arg5 : memref<28x56xi32, #tpu.memory_space<vmem>>)
        tpu.yield
      }) : () -> ()
      %mul3A = arith.constant 1568 : i32
      %mul3A_2 = arith.muli %arg1, %mul3A : i32
      %dma_start3A = arith.constant 0 : i32
      %dma_start3A_3 = arith.constant 0 : i32
      %dma_start3A_4 = tpu.memref_slice %arg5[%dma_start3A, %dma_start3A_3] : memref<28x56xi32, #tpu.memory_space<vmem>> -> memref<1x56xi32, #tpu.memory_space<vmem>>
      %dma_start3A_5 = tpu.memref_squeeze %dma_start3A_4 : memref<1x56xi32, #tpu.memory_space<vmem>> -> memref<56xi32, #tpu.memory_space<vmem>>
      %dma_start3A_6 = arith.constant 0 : i32
      %dma_start3A_7 = arith.constant 0 : i32
      %dma_start3A_8 = tpu.memref_slice %arg2[%dma_start3A_6, %dma_start3A_7] : memref<25000x128xf32, #tpu.memory_space<hbm>> -> memref<25000x128xf32, #tpu.memory_space<hbm>>
      tpu.enqueue_indirect_dma source(%dma_start3A_8 : memref<25000x128xf32, #tpu.memory_space<hbm>>) target(%arg6 : memref<56x128xf32, #tpu.memory_space<vmem>>) offsets(%dma_start3A_5 : memref<56xi32, #tpu.memory_space<vmem>>) semaphore(%arg20 : memref<!tpu.dma_semaphore, #tpu.memory_space<semaphore_mem>>)
      %dma_start3A_9 = arith.constant 1 : i32
      %dma_start3A_10 = arith.constant 0 : i32
      %dma_start3A_11 = tpu.memref_slice %arg5[%dma_start3A_9, %dma_start3A_10] : memref<28x56xi32, #tpu.memory_space<vmem>> -> memref<1x56xi32, #tpu.memory_space<vmem>>
      %dma_start3A_12 = tpu.memref_squeeze %dma_start3A_11 : memref<1x56xi32, #tpu.memory_space<vmem>> -> memref<56xi32, #tpu.memory_space<vmem>>
      %dma_start3A_13 = arith.constant 0 : i32
      %dma_start3A_14 = arith.constant 0 : i32
      %dma_start3A_15 = tpu.memref_slice %arg2[%dma_start3A_13, %dma_start3A_14] : memref<25000x128xf32, #tpu.memory_space<hbm>> -> memref<25000x128xf32, #tpu.memory_space<hbm>>
      tpu.enqueue_indirect_dma source(%dma_start3A_15 : memref<25000x128xf32, #tpu.memory_space<hbm>>) target(%arg7 : memref<56x128xf32, #tpu.memory_space<vmem>>) offsets(%dma_start3A_12 : memref<56xi32, #tpu.memory_space<vmem>>) semaphore(%arg20 : memref<!tpu.dma_semaphore, #tpu.memory_space<semaphore_mem>>)
      %dma_start3A_16 = arith.constant 2 : i32
      %dma_start3A_17 = arith.constant 0 : i32
      %dma_start3A_18 = tpu.memref_slice %arg5[%dma_start3A_16, %dma_start3A_17] : memref<28x56xi32, #tpu.memory_space<vmem>> -> memref<1x56xi32, #tpu.memory_space<vmem>>
      %dma_start3A_19 = tpu.memref_squeeze %dma_start3A_18 : memref<1x56xi32, #tpu.memory_space<vmem>> -> memref<56xi32, #tpu.memory_space<vmem>>
      %dma_start3A_20 = arith.constant 0 : i32
      %dma_start3A_21 = arith.constant 0 : i32
      %dma_start3A_22 = tpu.memref_slice %arg2[%dma_start3A_20, %dma_start3A_21] : memref<25000x128xf32, #tpu.memory_space<hbm>> -> memref<25000x128xf32, #tpu.memory_space<hbm>>
      tpu.enqueue_indirect_dma source(%dma_start3A_22 : memref<25000x128xf32, #tpu.memory_space<hbm>>) target(%arg8 : memref<56x128xf32, #tpu.memory_space<vmem>>) offsets(%dma_start3A_19 : memref<56xi32, #tpu.memory_space<vmem>>) semaphore(%arg20 : memref<!tpu.dma_semaphore, #tpu.memory_space<semaphore_mem>>)
      %dma_start3A_23 = arith.constant 3 : i32
      %dma_start3A_24 = arith.constant 0 : i32
      %dma_start3A_25 = tpu.memref_slice %arg5[%dma_start3A_23, %dma_start3A_24] : memref<28x56xi32, #tpu.memory_space<vmem>> -> memref<1x56xi32, #tpu.memory_space<vmem>>
      %dma_start3A_26 = tpu.memref_squeeze %dma_start3A_25 : memref<1x56xi32, #tpu.memory_space<vmem>> -> memref<56xi32, #tpu.memory_space<vmem>>
      %dma_start3A_27 = arith.constant 0 : i32
      %dma_start3A_28 = arith.constant 0 : i32
      %dma_start3A_29 = tpu.memref_slice %arg2[%dma_start3A_27, %dma_start3A_28] : memref<25000x128xf32, #tpu.memory_space<hbm>> -> memref<25000x128xf32, #tpu.memory_space<hbm>>
      tpu.enqueue_indirect_dma source(%dma_start3A_29 : memref<25000x128xf32, #tpu.memory_space<hbm>>) target(%arg9 : memref<56x128xf32, #tpu.memory_space<vmem>>) offsets(%dma_start3A_26 : memref<56xi32, #tpu.memory_space<vmem>>) semaphore(%arg20 : memref<!tpu.dma_semaphore, #tpu.memory_space<semaphore_mem>>)
      %dma_start3A_30 = arith.constant 4 : i32
      %dma_start3A_31 = arith.constant 0 : i32
      %dma_start3A_32 = tpu.memref_slice %arg5[%dma_start3A_30, %dma_start3A_31] : memref<28x56xi32, #tpu.memory_space<vmem>> -> memref<1x56xi32, #tpu.memory_space<vmem>>
      %dma_start3A_33 = tpu.memref_squeeze %dma_start3A_32 : memref<1x56xi32, #tpu.memory_space<vmem>> -> memref<56xi32, #tpu.memory_space<vmem>>
      %dma_start3A_34 = arith.constant 0 : i32
      %dma_start3A_35 = arith.constant 0 : i32
      %dma_start3A_36 = tpu.memref_slice %arg2[%dma_start3A_34, %dma_start3A_35] : memref<25000x128xf32, #tpu.memory_space<hbm>> -> memref<25000x128xf32, #tpu.memory_space<hbm>>
      tpu.enqueue_indirect_dma source(%dma_start3A_36 : memref<25000x128xf32, #tpu.memory_space<hbm>>) target(%arg10 : memref<56x128xf32, #tpu.memory_space<vmem>>) offsets(%dma_start3A_33 : memref<56xi32, #tpu.memory_space<vmem>>) semaphore(%arg20 : memref<!tpu.dma_semaphore, #tpu.memory_space<semaphore_mem>>)
      %dma_start3A_37 = arith.constant 5 : i32
      %dma_start3A_38 = arith.constant 0 : i32
      %dma_start3A_39 = tpu.memref_slice %arg5[%dma_start3A_37, %dma_start3A_38] : memref<28x56xi32, #tpu.memory_space<vmem>> -> memref<1x56xi32, #tpu.memory_space<vmem>>
      %dma_start3A_40 = tpu.memref_squeeze %dma_start3A_39 : memref<1x56xi32, #tpu.memory_space<vmem>> -> memref<56xi32, #tpu.memory_space<vmem>>
      %dma_start3A_41 = arith.constant 0 : i32
      %dma_start3A_42 = arith.constant 0 : i32
      %dma_start3A_43 = tpu.memref_slice %arg2[%dma_start3A_41, %dma_start3A_42] : memref<25000x128xf32, #tpu.memory_space<hbm>> -> memref<25000x128xf32, #tpu.memory_space<hbm>>
      tpu.enqueue_indirect_dma source(%dma_start3A_43 : memref<25000x128xf32, #tpu.memory_space<hbm>>) target(%arg11 : memref<56x128xf32, #tpu.memory_space<vmem>>) offsets(%dma_start3A_40 : memref<56xi32, #tpu.memory_space<vmem>>) semaphore(%arg20 : memref<!tpu.dma_semaphore, #tpu.memory_space<semaphore_mem>>)
      %dma_start3A_44 = arith.constant 6 : i32
      %dma_start3A_45 = arith.constant 0 : i32
      %dma_start3A_46 = tpu.memref_slice %arg5[%dma_start3A_44, %dma_start3A_45] : memref<28x56xi32, #tpu.memory_space<vmem>> -> memref<1x56xi32, #tpu.memory_space<vmem>>
      %dma_start3A_47 = tpu.memref_squeeze %dma_start3A_46 : memref<1x56xi32, #tpu.memory_space<vmem>> -> memref<56xi32, #tpu.memory_space<vmem>>
      %dma_start3A_48 = arith.constant 0 : i32
      %dma_start3A_49 = arith.constant 0 : i32
      %dma_start3A_50 = tpu.memref_slice %arg2[%dma_start3A_48, %dma_start3A_49] : memref<25000x128xf32, #tpu.memory_space<hbm>> -> memref<25000x128xf32, #tpu.memory_space<hbm>>
      tpu.enqueue_indirect_dma source(%dma_start3A_50 : memref<25000x128xf32, #tpu.memory_space<hbm>>) target(%arg12 : memref<56x128xf32, #tpu.memory_space<vmem>>) offsets(%dma_start3A_47 : memref<56xi32, #tpu.memory_space<vmem>>) semaphore(%arg20 : memref<!tpu.dma_semaphore, #tpu.memory_space<semaphore_mem>>)
      %scan3A = arith.constant 0 : i32
      %scan3A_51 = arith.constant 0 : i32
      %scan3A_52 = arith.constant 2 : i32
      %scan3A_53 = arith.addi %scan3A_51, %scan3A_52 : i32
      %scan3A_54 = arith.constant 1 : i32
      scf.for %scan3A_83 = %scan3A_51 to %scan3A_53 step %scan3A_54  : i32 {
        %mul3A_84 = arith.constant 2 : i32
        %mul3A_85 = arith.muli %mul3A_84, %scan3A_83 : i32
        %add3A = arith.constant 1 : i32
        %add3A_86 = arith.addi %mul3A_85, %add3A : i32
        %dma_wait3A_87 = arith.constant 0 : i32
        %dma_wait3A_88 = arith.constant 0 : i32
        %dma_wait3A_89 = tpu.memref_slice %arg2[%dma_wait3A_87, %dma_wait3A_88] : memref<25000x128xf32, #tpu.memory_space<hbm>> -> memref<56x128xf32, #tpu.memory_space<hbm>>
        %dma_wait3A_90 = arith.constant 0 : i32
        %dma_wait3A_91 = arith.constant 0 : i32
        %dma_wait3A_92 = tpu.memref_slice %arg2[%dma_wait3A_90, %dma_wait3A_91] : memref<25000x128xf32, #tpu.memory_space<hbm>> -> memref<56x128xf32, #tpu.memory_space<hbm>>
        tpu.wait_dma2 semaphore(%arg20 : memref<!tpu.dma_semaphore, #tpu.memory_space<semaphore_mem>>) src(%dma_wait3A_92 : memref<56x128xf32, #tpu.memory_space<hbm>>) dst(%arg6 : memref<56x128xf32, #tpu.memory_space<vmem>>)
        %dma_wait3A_93 = arith.constant 0 : i32
        %dma_wait3A_94 = arith.constant 0 : i32
        %dma_wait3A_95 = tpu.memref_slice %arg2[%dma_wait3A_93, %dma_wait3A_94] : memref<25000x128xf32, #tpu.memory_space<hbm>> -> memref<56x128xf32, #tpu.memory_space<hbm>>
        %dma_wait3A_96 = arith.constant 0 : i32
        %dma_wait3A_97 = arith.constant 0 : i32
        %dma_wait3A_98 = tpu.memref_slice %arg2[%dma_wait3A_96, %dma_wait3A_97] : memref<25000x128xf32, #tpu.memory_space<hbm>> -> memref<56x128xf32, #tpu.memory_space<hbm>>
        tpu.wait_dma2 semaphore(%arg20 : memref<!tpu.dma_semaphore, #tpu.memory_space<semaphore_mem>>) src(%dma_wait3A_98 : memref<56x128xf32, #tpu.memory_space<hbm>>) dst(%arg7 : memref<56x128xf32, #tpu.memory_space<vmem>>)
        %dma_wait3A_99 = arith.constant 0 : i32
        %dma_wait3A_100 = arith.constant 0 : i32
        %dma_wait3A_101 = tpu.memref_slice %arg2[%dma_wait3A_99, %dma_wait3A_100] : memref<25000x128xf32, #tpu.memory_space<hbm>> -> memref<56x128xf32, #tpu.memory_space<hbm>>
        %dma_wait3A_102 = arith.constant 0 : i32
        %dma_wait3A_103 = arith.constant 0 : i32
        %dma_wait3A_104 = tpu.memref_slice %arg2[%dma_wait3A_102, %dma_wait3A_103] : memref<25000x128xf32, #tpu.memory_space<hbm>> -> memref<56x128xf32, #tpu.memory_space<hbm>>
        tpu.wait_dma2 semaphore(%arg20 : memref<!tpu.dma_semaphore, #tpu.memory_space<semaphore_mem>>) src(%dma_wait3A_104 : memref<56x128xf32, #tpu.memory_space<hbm>>) dst(%arg8 : memref<56x128xf32, #tpu.memory_space<vmem>>)
        %dma_wait3A_105 = arith.constant 0 : i32
        %dma_wait3A_106 = arith.constant 0 : i32
        %dma_wait3A_107 = tpu.memref_slice %arg2[%dma_wait3A_105, %dma_wait3A_106] : memref<25000x128xf32, #tpu.memory_space<hbm>> -> memref<56x128xf32, #tpu.memory_space<hbm>>
        %dma_wait3A_108 = arith.constant 0 : i32
        %dma_wait3A_109 = arith.constant 0 : i32
        %dma_wait3A_110 = tpu.memref_slice %arg2[%dma_wait3A_108, %dma_wait3A_109] : memref<25000x128xf32, #tpu.memory_space<hbm>> -> memref<56x128xf32, #tpu.memory_space<hbm>>
        tpu.wait_dma2 semaphore(%arg20 : memref<!tpu.dma_semaphore, #tpu.memory_space<semaphore_mem>>) src(%dma_wait3A_110 : memref<56x128xf32, #tpu.memory_space<hbm>>) dst(%arg9 : memref<56x128xf32, #tpu.memory_space<vmem>>)
        %dma_wait3A_111 = arith.constant 0 : i32
        %dma_wait3A_112 = arith.constant 0 : i32
        %dma_wait3A_113 = tpu.memref_slice %arg2[%dma_wait3A_111, %dma_wait3A_112] : memref<25000x128xf32, #tpu.memory_space<hbm>> -> memref<56x128xf32, #tpu.memory_space<hbm>>
        %dma_wait3A_114 = arith.constant 0 : i32
        %dma_wait3A_115 = arith.constant 0 : i32
        %dma_wait3A_116 = tpu.memref_slice %arg2[%dma_wait3A_114, %dma_wait3A_115] : memref<25000x128xf32, #tpu.memory_space<hbm>> -> memref<56x128xf32, #tpu.memory_space<hbm>>
        tpu.wait_dma2 semaphore(%arg20 : memref<!tpu.dma_semaphore, #tpu.memory_space<semaphore_mem>>) src(%dma_wait3A_116 : memref<56x128xf32, #tpu.memory_space<hbm>>) dst(%arg10 : memref<56x128xf32, #tpu.memory_space<vmem>>)
        %dma_wait3A_117 = arith.constant 0 : i32
        %dma_wait3A_118 = arith.constant 0 : i32
        %dma_wait3A_119 = tpu.memref_slice %arg2[%dma_wait3A_117, %dma_wait3A_118] : memref<25000x128xf32, #tpu.memory_space<hbm>> -> memref<56x128xf32, #tpu.memory_space<hbm>>
        %dma_wait3A_120 = arith.constant 0 : i32
        %dma_wait3A_121 = arith.constant 0 : i32
        %dma_wait3A_122 = tpu.memref_slice %arg2[%dma_wait3A_120, %dma_wait3A_121] : memref<25000x128xf32, #tpu.memory_space<hbm>> -> memref<56x128xf32, #tpu.memory_space<hbm>>
        tpu.wait_dma2 semaphore(%arg20 : memref<!tpu.dma_semaphore, #tpu.memory_space<semaphore_mem>>) src(%dma_wait3A_122 : memref<56x128xf32, #tpu.memory_space<hbm>>) dst(%arg11 : memref<56x128xf32, #tpu.memory_space<vmem>>)
        %dma_wait3A_123 = arith.constant 0 : i32
        %dma_wait3A_124 = arith.constant 0 : i32
        %dma_wait3A_125 = tpu.memref_slice %arg2[%dma_wait3A_123, %dma_wait3A_124] : memref<25000x128xf32, #tpu.memory_space<hbm>> -> memref<56x128xf32, #tpu.memory_space<hbm>>
        %dma_wait3A_126 = arith.constant 0 : i32
        %dma_wait3A_127 = arith.constant 0 : i32
        %dma_wait3A_128 = tpu.memref_slice %arg2[%dma_wait3A_126, %dma_wait3A_127] : memref<25000x128xf32, #tpu.memory_space<hbm>> -> memref<56x128xf32, #tpu.memory_space<hbm>>
        tpu.wait_dma2 semaphore(%arg20 : memref<!tpu.dma_semaphore, #tpu.memory_space<semaphore_mem>>) src(%dma_wait3A_128 : memref<56x128xf32, #tpu.memory_space<hbm>>) dst(%arg12 : memref<56x128xf32, #tpu.memory_space<vmem>>)
        %mul3A_129 = arith.constant 7 : i32
        %mul3A_130 = arith.muli %mul3A_85, %mul3A_129 : i32
        %add3A_131 = arith.constant 0 : i32
        %add3A_132 = arith.addi %mul3A_130, %add3A_131 : i32
        %mul3A_133 = arith.constant 56 : i32
        %mul3A_134 = arith.muli %add3A_132, %mul3A_133 : i32
        %add3A_135 = arith.addi %mul3A_2, %mul3A_134 : i32
        %dma_start3A_136 = arith.constant 0 : i32
        %dma_start3A_137 = tpu.memref_slice %arg4[%add3A_135, %dma_start3A_136] : memref<25088x128xf32, #tpu.memory_space<hbm>> -> memref<56x128xf32, #tpu.memory_space<hbm>>
        %dma_start3A_138 = arith.constant 0 : i32
        %dma_start3A_139 = tpu.memref_slice %arg4[%add3A_135, %dma_start3A_138] : memref<25088x128xf32, #tpu.memory_space<hbm>> -> memref<56x128xf32, #tpu.memory_space<hbm>>
        tpu.enqueue_dma source(%arg6 : memref<56x128xf32, #tpu.memory_space<vmem>>) target(%dma_start3A_139 : memref<56x128xf32, #tpu.memory_space<hbm>>) target_semaphore(%arg22 : memref<!tpu.dma_semaphore, #tpu.memory_space<semaphore_mem>>)
        %mul3A_140 = arith.constant 7 : i32
        %mul3A_141 = arith.muli %mul3A_85, %mul3A_140 : i32
        %add3A_142 = arith.constant 1 : i32
        %add3A_143 = arith.addi %mul3A_141, %add3A_142 : i32
        %mul3A_144 = arith.constant 56 : i32
        %mul3A_145 = arith.muli %add3A_143, %mul3A_144 : i32
        %add3A_146 = arith.addi %mul3A_2, %mul3A_145 : i32
        %dma_start3A_147 = arith.constant 0 : i32
        %dma_start3A_148 = tpu.memref_slice %arg4[%add3A_146, %dma_start3A_147] : memref<25088x128xf32, #tpu.memory_space<hbm>> -> memref<56x128xf32, #tpu.memory_space<hbm>>
        %dma_start3A_149 = arith.constant 0 : i32
        %dma_start3A_150 = tpu.memref_slice %arg4[%add3A_146, %dma_start3A_149] : memref<25088x128xf32, #tpu.memory_space<hbm>> -> memref<56x128xf32, #tpu.memory_space<hbm>>
        tpu.enqueue_dma source(%arg7 : memref<56x128xf32, #tpu.memory_space<vmem>>) target(%dma_start3A_150 : memref<56x128xf32, #tpu.memory_space<hbm>>) target_semaphore(%arg22 : memref<!tpu.dma_semaphore, #tpu.memory_space<semaphore_mem>>)
        %mul3A_151 = arith.constant 7 : i32
        %mul3A_152 = arith.muli %mul3A_85, %mul3A_151 : i32
        %add3A_153 = arith.constant 2 : i32
        %add3A_154 = arith.addi %mul3A_152, %add3A_153 : i32
        %mul3A_155 = arith.constant 56 : i32
        %mul3A_156 = arith.muli %add3A_154, %mul3A_155 : i32
        %add3A_157 = arith.addi %mul3A_2, %mul3A_156 : i32
        %dma_start3A_158 = arith.constant 0 : i32
        %dma_start3A_159 = tpu.memref_slice %arg4[%add3A_157, %dma_start3A_158] : memref<25088x128xf32, #tpu.memory_space<hbm>> -> memref<56x128xf32, #tpu.memory_space<hbm>>
        %dma_start3A_160 = arith.constant 0 : i32
        %dma_start3A_161 = tpu.memref_slice %arg4[%add3A_157, %dma_start3A_160] : memref<25088x128xf32, #tpu.memory_space<hbm>> -> memref<56x128xf32, #tpu.memory_space<hbm>>
        tpu.enqueue_dma source(%arg8 : memref<56x128xf32, #tpu.memory_space<vmem>>) target(%dma_start3A_161 : memref<56x128xf32, #tpu.memory_space<hbm>>) target_semaphore(%arg22 : memref<!tpu.dma_semaphore, #tpu.memory_space<semaphore_mem>>)
        %mul3A_162 = arith.constant 7 : i32
        %mul3A_163 = arith.muli %mul3A_85, %mul3A_162 : i32
        %add3A_164 = arith.constant 3 : i32
        %add3A_165 = arith.addi %mul3A_163, %add3A_164 : i32
        %mul3A_166 = arith.constant 56 : i32
        %mul3A_167 = arith.muli %add3A_165, %mul3A_166 : i32
        %add3A_168 = arith.addi %mul3A_2, %mul3A_167 : i32
        %dma_start3A_169 = arith.constant 0 : i32
        %dma_start3A_170 = tpu.memref_slice %arg4[%add3A_168, %dma_start3A_169] : memref<25088x128xf32, #tpu.memory_space<hbm>> -> memref<56x128xf32, #tpu.memory_space<hbm>>
        %dma_start3A_171 = arith.constant 0 : i32
        %dma_start3A_172 = tpu.memref_slice %arg4[%add3A_168, %dma_start3A_171] : memref<25088x128xf32, #tpu.memory_space<hbm>> -> memref<56x128xf32, #tpu.memory_space<hbm>>
        tpu.enqueue_dma source(%arg9 : memref<56x128xf32, #tpu.memory_space<vmem>>) target(%dma_start3A_172 : memref<56x128xf32, #tpu.memory_space<hbm>>) target_semaphore(%arg22 : memref<!tpu.dma_semaphore, #tpu.memory_space<semaphore_mem>>)
        %mul3A_173 = arith.constant 7 : i32
        %mul3A_174 = arith.muli %mul3A_85, %mul3A_173 : i32
        %add3A_175 = arith.constant 4 : i32
        %add3A_176 = arith.addi %mul3A_174, %add3A_175 : i32
        %mul3A_177 = arith.constant 56 : i32
        %mul3A_178 = arith.muli %add3A_176, %mul3A_177 : i32
        %add3A_179 = arith.addi %mul3A_2, %mul3A_178 : i32
        %dma_start3A_180 = arith.constant 0 : i32
        %dma_start3A_181 = tpu.memref_slice %arg4[%add3A_179, %dma_start3A_180] : memref<25088x128xf32, #tpu.memory_space<hbm>> -> memref<56x128xf32, #tpu.memory_space<hbm>>
        %dma_start3A_182 = arith.constant 0 : i32
        %dma_start3A_183 = tpu.memref_slice %arg4[%add3A_179, %dma_start3A_182] : memref<25088x128xf32, #tpu.memory_space<hbm>> -> memref<56x128xf32, #tpu.memory_space<hbm>>
        tpu.enqueue_dma source(%arg10 : memref<56x128xf32, #tpu.memory_space<vmem>>) target(%dma_start3A_183 : memref<56x128xf32, #tpu.memory_space<hbm>>) target_semaphore(%arg22 : memref<!tpu.dma_semaphore, #tpu.memory_space<semaphore_mem>>)
        %mul3A_184 = arith.constant 7 : i32
        %mul3A_185 = arith.muli %mul3A_85, %mul3A_184 : i32
        %add3A_186 = arith.constant 5 : i32
        %add3A_187 = arith.addi %mul3A_185, %add3A_186 : i32
        %mul3A_188 = arith.constant 56 : i32
        %mul3A_189 = arith.muli %add3A_187, %mul3A_188 : i32
        %add3A_190 = arith.addi %mul3A_2, %mul3A_189 : i32
        %dma_start3A_191 = arith.constant 0 : i32
        %dma_start3A_192 = tpu.memref_slice %arg4[%add3A_190, %dma_start3A_191] : memref<25088x128xf32, #tpu.memory_space<hbm>> -> memref<56x128xf32, #tpu.memory_space<hbm>>
        %dma_start3A_193 = arith.constant 0 : i32
        %dma_start3A_194 = tpu.memref_slice %arg4[%add3A_190, %dma_start3A_193] : memref<25088x128xf32, #tpu.memory_space<hbm>> -> memref<56x128xf32, #tpu.memory_space<hbm>>
        tpu.enqueue_dma source(%arg11 : memref<56x128xf32, #tpu.memory_space<vmem>>) target(%dma_start3A_194 : memref<56x128xf32, #tpu.memory_space<hbm>>) target_semaphore(%arg22 : memref<!tpu.dma_semaphore, #tpu.memory_space<semaphore_mem>>)
        %mul3A_195 = arith.constant 7 : i32
        %mul3A_196 = arith.muli %mul3A_85, %mul3A_195 : i32
        %add3A_197 = arith.constant 6 : i32
        %add3A_198 = arith.addi %mul3A_196, %add3A_197 : i32
        %mul3A_199 = arith.constant 56 : i32
        %mul3A_200 = arith.muli %add3A_198, %mul3A_199 : i32
        %add3A_201 = arith.addi %mul3A_2, %mul3A_200 : i32
        %dma_start3A_202 = arith.constant 0 : i32
        %dma_start3A_203 = tpu.memref_slice %arg4[%add3A_201, %dma_start3A_202] : memref<25088x128xf32, #tpu.memory_space<hbm>> -> memref<56x128xf32, #tpu.memory_space<hbm>>
        %dma_start3A_204 = arith.constant 0 : i32
        %dma_start3A_205 = tpu.memref_slice %arg4[%add3A_201, %dma_start3A_204] : memref<25088x128xf32, #tpu.memory_space<hbm>> -> memref<56x128xf32, #tpu.memory_space<hbm>>
        tpu.enqueue_dma source(%arg12 : memref<56x128xf32, #tpu.memory_space<vmem>>) target(%dma_start3A_205 : memref<56x128xf32, #tpu.memory_space<hbm>>) target_semaphore(%arg22 : memref<!tpu.dma_semaphore, #tpu.memory_space<semaphore_mem>>)
        %gt3A = arith.constant 0 : i32
        %gt3A_206 = arith.cmpi sgt, %scan3A_83, %gt3A : i32
        %convert_element_type3A_207 = arith.extui %gt3A_206 : i1 to i32
        %cond3A_208 = arith.constant 0 : i32
        %cond3A_209 = arith.cmpi ne, %convert_element_type3A_207, %cond3A_208 : i32
        scf.if %cond3A_209 {
          %dma_wait3A_433 = arith.constant 0 : i32
          %dma_wait3A_434 = tpu.memref_slice %arg4[%mul3A_2, %dma_wait3A_433] : memref<25088x128xf32, #tpu.memory_space<hbm>> -> memref<56x128xf32, #tpu.memory_space<hbm>>
          %dma_wait3A_435 = arith.constant 0 : i32
          %dma_wait3A_436 = tpu.memref_slice %arg4[%mul3A_2, %dma_wait3A_435] : memref<25088x128xf32, #tpu.memory_space<hbm>> -> memref<56x128xf32, #tpu.memory_space<hbm>>
          tpu.wait_dma2 semaphore(%arg23 : memref<!tpu.dma_semaphore, #tpu.memory_space<semaphore_mem>>) src(%arg13 : memref<56x128xf32, #tpu.memory_space<vmem>>) dst(%dma_wait3A_436 : memref<56x128xf32, #tpu.memory_space<hbm>>)
          %dma_wait3A_437 = arith.constant 0 : i32
          %dma_wait3A_438 = tpu.memref_slice %arg4[%mul3A_2, %dma_wait3A_437] : memref<25088x128xf32, #tpu.memory_space<hbm>> -> memref<56x128xf32, #tpu.memory_space<hbm>>
          %dma_wait3A_439 = arith.constant 0 : i32
          %dma_wait3A_440 = tpu.memref_slice %arg4[%mul3A_2, %dma_wait3A_439] : memref<25088x128xf32, #tpu.memory_space<hbm>> -> memref<56x128xf32, #tpu.memory_space<hbm>>
          tpu.wait_dma2 semaphore(%arg23 : memref<!tpu.dma_semaphore, #tpu.memory_space<semaphore_mem>>) src(%arg14 : memref<56x128xf32, #tpu.memory_space<vmem>>) dst(%dma_wait3A_440 : memref<56x128xf32, #tpu.memory_space<hbm>>)
          %dma_wait3A_441 = arith.constant 0 : i32
          %dma_wait3A_442 = tpu.memref_slice %arg4[%mul3A_2, %dma_wait3A_441] : memref<25088x128xf32, #tpu.memory_space<hbm>> -> memref<56x128xf32, #tpu.memory_space<hbm>>
          %dma_wait3A_443 = arith.constant 0 : i32
          %dma_wait3A_444 = tpu.memref_slice %arg4[%mul3A_2, %dma_wait3A_443] : memref<25088x128xf32, #tpu.memory_space<hbm>> -> memref<56x128xf32, #tpu.memory_space<hbm>>
          tpu.wait_dma2 semaphore(%arg23 : memref<!tpu.dma_semaphore, #tpu.memory_space<semaphore_mem>>) src(%arg15 : memref<56x128xf32, #tpu.memory_space<vmem>>) dst(%dma_wait3A_444 : memref<56x128xf32, #tpu.memory_space<hbm>>)
          %dma_wait3A_445 = arith.constant 0 : i32
          %dma_wait3A_446 = tpu.memref_slice %arg4[%mul3A_2, %dma_wait3A_445] : memref<25088x128xf32, #tpu.memory_space<hbm>> -> memref<56x128xf32, #tpu.memory_space<hbm>>
          %dma_wait3A_447 = arith.constant 0 : i32
          %dma_wait3A_448 = tpu.memref_slice %arg4[%mul3A_2, %dma_wait3A_447] : memref<25088x128xf32, #tpu.memory_space<hbm>> -> memref<56x128xf32, #tpu.memory_space<hbm>>
          tpu.wait_dma2 semaphore(%arg23 : memref<!tpu.dma_semaphore, #tpu.memory_space<semaphore_mem>>) src(%arg16 : memref<56x128xf32, #tpu.memory_space<vmem>>) dst(%dma_wait3A_448 : memref<56x128xf32, #tpu.memory_space<hbm>>)
          %dma_wait3A_449 = arith.constant 0 : i32
          %dma_wait3A_450 = tpu.memref_slice %arg4[%mul3A_2, %dma_wait3A_449] : memref<25088x128xf32, #tpu.memory_space<hbm>> -> memref<56x128xf32, #tpu.memory_space<hbm>>
          %dma_wait3A_451 = arith.constant 0 : i32
          %dma_wait3A_452 = tpu.memref_slice %arg4[%mul3A_2, %dma_wait3A_451] : memref<25088x128xf32, #tpu.memory_space<hbm>> -> memref<56x128xf32, #tpu.memory_space<hbm>>
          tpu.wait_dma2 semaphore(%arg23 : memref<!tpu.dma_semaphore, #tpu.memory_space<semaphore_mem>>) src(%arg17 : memref<56x128xf32, #tpu.memory_space<vmem>>) dst(%dma_wait3A_452 : memref<56x128xf32, #tpu.memory_space<hbm>>)
          %dma_wait3A_453 = arith.constant 0 : i32
          %dma_wait3A_454 = tpu.memref_slice %arg4[%mul3A_2, %dma_wait3A_453] : memref<25088x128xf32, #tpu.memory_space<hbm>> -> memref<56x128xf32, #tpu.memory_space<hbm>>
          %dma_wait3A_455 = arith.constant 0 : i32
          %dma_wait3A_456 = tpu.memref_slice %arg4[%mul3A_2, %dma_wait3A_455] : memref<25088x128xf32, #tpu.memory_space<hbm>> -> memref<56x128xf32, #tpu.memory_space<hbm>>
          tpu.wait_dma2 semaphore(%arg23 : memref<!tpu.dma_semaphore, #tpu.memory_space<semaphore_mem>>) src(%arg18 : memref<56x128xf32, #tpu.memory_space<vmem>>) dst(%dma_wait3A_456 : memref<56x128xf32, #tpu.memory_space<hbm>>)
          %dma_wait3A_457 = arith.constant 0 : i32
          %dma_wait3A_458 = tpu.memref_slice %arg4[%mul3A_2, %dma_wait3A_457] : memref<25088x128xf32, #tpu.memory_space<hbm>> -> memref<56x128xf32, #tpu.memory_space<hbm>>
          %dma_wait3A_459 = arith.constant 0 : i32
          %dma_wait3A_460 = tpu.memref_slice %arg4[%mul3A_2, %dma_wait3A_459] : memref<25088x128xf32, #tpu.memory_space<hbm>> -> memref<56x128xf32, #tpu.memory_space<hbm>>
          tpu.wait_dma2 semaphore(%arg23 : memref<!tpu.dma_semaphore, #tpu.memory_space<semaphore_mem>>) src(%arg19 : memref<56x128xf32, #tpu.memory_space<vmem>>) dst(%dma_wait3A_460 : memref<56x128xf32, #tpu.memory_space<hbm>>)
        } else {
        }
        %mul3A_210 = arith.constant 7 : i32
        %mul3A_211 = arith.muli %add3A_86, %mul3A_210 : i32
        %add3A_212 = arith.constant 0 : i32
        %add3A_213 = arith.addi %mul3A_211, %add3A_212 : i32
        %dma_start3A_214 = arith.constant 0 : i32
        %dma_start3A_215 = tpu.memref_slice %arg5[%add3A_213, %dma_start3A_214] : memref<28x56xi32, #tpu.memory_space<vmem>> -> memref<1x56xi32, #tpu.memory_space<vmem>>
        %dma_start3A_216 = tpu.memref_squeeze %dma_start3A_215 : memref<1x56xi32, #tpu.memory_space<vmem>> -> memref<56xi32, #tpu.memory_space<vmem>>
        %dma_start3A_217 = arith.constant 0 : i32
        %dma_start3A_218 = arith.constant 0 : i32
        %dma_start3A_219 = tpu.memref_slice %arg2[%dma_start3A_217, %dma_start3A_218] : memref<25000x128xf32, #tpu.memory_space<hbm>> -> memref<25000x128xf32, #tpu.memory_space<hbm>>
        tpu.enqueue_indirect_dma source(%dma_start3A_219 : memref<25000x128xf32, #tpu.memory_space<hbm>>) target(%arg13 : memref<56x128xf32, #tpu.memory_space<vmem>>) offsets(%dma_start3A_216 : memref<56xi32, #tpu.memory_space<vmem>>) semaphore(%arg21 : memref<!tpu.dma_semaphore, #tpu.memory_space<semaphore_mem>>)
        %mul3A_220 = arith.constant 7 : i32
        %mul3A_221 = arith.muli %add3A_86, %mul3A_220 : i32
        %add3A_222 = arith.constant 1 : i32
        %add3A_223 = arith.addi %mul3A_221, %add3A_222 : i32
        %dma_start3A_224 = arith.constant 0 : i32
        %dma_start3A_225 = tpu.memref_slice %arg5[%add3A_223, %dma_start3A_224] : memref<28x56xi32, #tpu.memory_space<vmem>> -> memref<1x56xi32, #tpu.memory_space<vmem>>
        %dma_start3A_226 = tpu.memref_squeeze %dma_start3A_225 : memref<1x56xi32, #tpu.memory_space<vmem>> -> memref<56xi32, #tpu.memory_space<vmem>>
        %dma_start3A_227 = arith.constant 0 : i32
        %dma_start3A_228 = arith.constant 0 : i32
        %dma_start3A_229 = tpu.memref_slice %arg2[%dma_start3A_227, %dma_start3A_228] : memref<25000x128xf32, #tpu.memory_space<hbm>> -> memref<25000x128xf32, #tpu.memory_space<hbm>>
        tpu.enqueue_indirect_dma source(%dma_start3A_229 : memref<25000x128xf32, #tpu.memory_space<hbm>>) target(%arg14 : memref<56x128xf32, #tpu.memory_space<vmem>>) offsets(%dma_start3A_226 : memref<56xi32, #tpu.memory_space<vmem>>) semaphore(%arg21 : memref<!tpu.dma_semaphore, #tpu.memory_space<semaphore_mem>>)
        %mul3A_230 = arith.constant 7 : i32
        %mul3A_231 = arith.muli %add3A_86, %mul3A_230 : i32
        %add3A_232 = arith.constant 2 : i32
        %add3A_233 = arith.addi %mul3A_231, %add3A_232 : i32
        %dma_start3A_234 = arith.constant 0 : i32
        %dma_start3A_235 = tpu.memref_slice %arg5[%add3A_233, %dma_start3A_234] : memref<28x56xi32, #tpu.memory_space<vmem>> -> memref<1x56xi32, #tpu.memory_space<vmem>>
        %dma_start3A_236 = tpu.memref_squeeze %dma_start3A_235 : memref<1x56xi32, #tpu.memory_space<vmem>> -> memref<56xi32, #tpu.memory_space<vmem>>
        %dma_start3A_237 = arith.constant 0 : i32
        %dma_start3A_238 = arith.constant 0 : i32
        %dma_start3A_239 = tpu.memref_slice %arg2[%dma_start3A_237, %dma_start3A_238] : memref<25000x128xf32, #tpu.memory_space<hbm>> -> memref<25000x128xf32, #tpu.memory_space<hbm>>
        tpu.enqueue_indirect_dma source(%dma_start3A_239 : memref<25000x128xf32, #tpu.memory_space<hbm>>) target(%arg15 : memref<56x128xf32, #tpu.memory_space<vmem>>) offsets(%dma_start3A_236 : memref<56xi32, #tpu.memory_space<vmem>>) semaphore(%arg21 : memref<!tpu.dma_semaphore, #tpu.memory_space<semaphore_mem>>)
        %mul3A_240 = arith.constant 7 : i32
        %mul3A_241 = arith.muli %add3A_86, %mul3A_240 : i32
        %add3A_242 = arith.constant 3 : i32
        %add3A_243 = arith.addi %mul3A_241, %add3A_242 : i32
        %dma_start3A_244 = arith.constant 0 : i32
        %dma_start3A_245 = tpu.memref_slice %arg5[%add3A_243, %dma_start3A_244] : memref<28x56xi32, #tpu.memory_space<vmem>> -> memref<1x56xi32, #tpu.memory_space<vmem>>
        %dma_start3A_246 = tpu.memref_squeeze %dma_start3A_245 : memref<1x56xi32, #tpu.memory_space<vmem>> -> memref<56xi32, #tpu.memory_space<vmem>>
        %dma_start3A_247 = arith.constant 0 : i32
        %dma_start3A_248 = arith.constant 0 : i32
        %dma_start3A_249 = tpu.memref_slice %arg2[%dma_start3A_247, %dma_start3A_248] : memref<25000x128xf32, #tpu.memory_space<hbm>> -> memref<25000x128xf32, #tpu.memory_space<hbm>>
        tpu.enqueue_indirect_dma source(%dma_start3A_249 : memref<25000x128xf32, #tpu.memory_space<hbm>>) target(%arg16 : memref<56x128xf32, #tpu.memory_space<vmem>>) offsets(%dma_start3A_246 : memref<56xi32, #tpu.memory_space<vmem>>) semaphore(%arg21 : memref<!tpu.dma_semaphore, #tpu.memory_space<semaphore_mem>>)
        %mul3A_250 = arith.constant 7 : i32
        %mul3A_251 = arith.muli %add3A_86, %mul3A_250 : i32
        %add3A_252 = arith.constant 4 : i32
        %add3A_253 = arith.addi %mul3A_251, %add3A_252 : i32
        %dma_start3A_254 = arith.constant 0 : i32
        %dma_start3A_255 = tpu.memref_slice %arg5[%add3A_253, %dma_start3A_254] : memref<28x56xi32, #tpu.memory_space<vmem>> -> memref<1x56xi32, #tpu.memory_space<vmem>>
        %dma_start3A_256 = tpu.memref_squeeze %dma_start3A_255 : memref<1x56xi32, #tpu.memory_space<vmem>> -> memref<56xi32, #tpu.memory_space<vmem>>
        %dma_start3A_257 = arith.constant 0 : i32
        %dma_start3A_258 = arith.constant 0 : i32
        %dma_start3A_259 = tpu.memref_slice %arg2[%dma_start3A_257, %dma_start3A_258] : memref<25000x128xf32, #tpu.memory_space<hbm>> -> memref<25000x128xf32, #tpu.memory_space<hbm>>
        tpu.enqueue_indirect_dma source(%dma_start3A_259 : memref<25000x128xf32, #tpu.memory_space<hbm>>) target(%arg17 : memref<56x128xf32, #tpu.memory_space<vmem>>) offsets(%dma_start3A_256 : memref<56xi32, #tpu.memory_space<vmem>>) semaphore(%arg21 : memref<!tpu.dma_semaphore, #tpu.memory_space<semaphore_mem>>)
        %mul3A_260 = arith.constant 7 : i32
        %mul3A_261 = arith.muli %add3A_86, %mul3A_260 : i32
        %add3A_262 = arith.constant 5 : i32
        %add3A_263 = arith.addi %mul3A_261, %add3A_262 : i32
        %dma_start3A_264 = arith.constant 0 : i32
        %dma_start3A_265 = tpu.memref_slice %arg5[%add3A_263, %dma_start3A_264] : memref<28x56xi32, #tpu.memory_space<vmem>> -> memref<1x56xi32, #tpu.memory_space<vmem>>
        %dma_start3A_266 = tpu.memref_squeeze %dma_start3A_265 : memref<1x56xi32, #tpu.memory_space<vmem>> -> memref<56xi32, #tpu.memory_space<vmem>>
        %dma_start3A_267 = arith.constant 0 : i32
        %dma_start3A_268 = arith.constant 0 : i32
        %dma_start3A_269 = tpu.memref_slice %arg2[%dma_start3A_267, %dma_start3A_268] : memref<25000x128xf32, #tpu.memory_space<hbm>> -> memref<25000x128xf32, #tpu.memory_space<hbm>>
        tpu.enqueue_indirect_dma source(%dma_start3A_269 : memref<25000x128xf32, #tpu.memory_space<hbm>>) target(%arg18 : memref<56x128xf32, #tpu.memory_space<vmem>>) offsets(%dma_start3A_266 : memref<56xi32, #tpu.memory_space<vmem>>) semaphore(%arg21 : memref<!tpu.dma_semaphore, #tpu.memory_space<semaphore_mem>>)
        %mul3A_270 = arith.constant 7 : i32
        %mul3A_271 = arith.muli %add3A_86, %mul3A_270 : i32
        %add3A_272 = arith.constant 6 : i32
        %add3A_273 = arith.addi %mul3A_271, %add3A_272 : i32
        %dma_start3A_274 = arith.constant 0 : i32
        %dma_start3A_275 = tpu.memref_slice %arg5[%add3A_273, %dma_start3A_274] : memref<28x56xi32, #tpu.memory_space<vmem>> -> memref<1x56xi32, #tpu.memory_space<vmem>>
        %dma_start3A_276 = tpu.memref_squeeze %dma_start3A_275 : memref<1x56xi32, #tpu.memory_space<vmem>> -> memref<56xi32, #tpu.memory_space<vmem>>
        %dma_start3A_277 = arith.constant 0 : i32
        %dma_start3A_278 = arith.constant 0 : i32
        %dma_start3A_279 = tpu.memref_slice %arg2[%dma_start3A_277, %dma_start3A_278] : memref<25000x128xf32, #tpu.memory_space<hbm>> -> memref<25000x128xf32, #tpu.memory_space<hbm>>
        tpu.enqueue_indirect_dma source(%dma_start3A_279 : memref<25000x128xf32, #tpu.memory_space<hbm>>) target(%arg19 : memref<56x128xf32, #tpu.memory_space<vmem>>) offsets(%dma_start3A_276 : memref<56xi32, #tpu.memory_space<vmem>>) semaphore(%arg21 : memref<!tpu.dma_semaphore, #tpu.memory_space<semaphore_mem>>)
        %dma_wait3A_280 = arith.constant 0 : i32
        %dma_wait3A_281 = tpu.memref_slice %arg5[%add3A_213, %dma_wait3A_280] : memref<28x56xi32, #tpu.memory_space<vmem>> -> memref<1x56xi32, #tpu.memory_space<vmem>>
        %dma_wait3A_282 = tpu.memref_squeeze %dma_wait3A_281 : memref<1x56xi32, #tpu.memory_space<vmem>> -> memref<56xi32, #tpu.memory_space<vmem>>
        %dma_wait3A_283 = arith.constant 0 : i32
        %dma_wait3A_284 = arith.constant 0 : i32
        %dma_wait3A_285 = tpu.memref_slice %arg2[%dma_wait3A_283, %dma_wait3A_284] : memref<25000x128xf32, #tpu.memory_space<hbm>> -> memref<25000x128xf32, #tpu.memory_space<hbm>>
        tpu.wait_indirect_dma semaphore(%arg21 : memref<!tpu.dma_semaphore, #tpu.memory_space<semaphore_mem>>) src(%dma_wait3A_285 : memref<25000x128xf32, #tpu.memory_space<hbm>>) dst(%arg13 : memref<56x128xf32, #tpu.memory_space<vmem>>)
        %dma_wait3A_286 = arith.constant 0 : i32
        %dma_wait3A_287 = tpu.memref_slice %arg5[%add3A_223, %dma_wait3A_286] : memref<28x56xi32, #tpu.memory_space<vmem>> -> memref<1x56xi32, #tpu.memory_space<vmem>>
        %dma_wait3A_288 = tpu.memref_squeeze %dma_wait3A_287 : memref<1x56xi32, #tpu.memory_space<vmem>> -> memref<56xi32, #tpu.memory_space<vmem>>
        %dma_wait3A_289 = arith.constant 0 : i32
        %dma_wait3A_290 = arith.constant 0 : i32
        %dma_wait3A_291 = tpu.memref_slice %arg2[%dma_wait3A_289, %dma_wait3A_290] : memref<25000x128xf32, #tpu.memory_space<hbm>> -> memref<25000x128xf32, #tpu.memory_space<hbm>>
        tpu.wait_indirect_dma semaphore(%arg21 : memref<!tpu.dma_semaphore, #tpu.memory_space<semaphore_mem>>) src(%dma_wait3A_291 : memref<25000x128xf32, #tpu.memory_space<hbm>>) dst(%arg14 : memref<56x128xf32, #tpu.memory_space<vmem>>)
        %dma_wait3A_292 = arith.constant 0 : i32
        %dma_wait3A_293 = tpu.memref_slice %arg5[%add3A_233, %dma_wait3A_292] : memref<28x56xi32, #tpu.memory_space<vmem>> -> memref<1x56xi32, #tpu.memory_space<vmem>>
        %dma_wait3A_294 = tpu.memref_squeeze %dma_wait3A_293 : memref<1x56xi32, #tpu.memory_space<vmem>> -> memref<56xi32, #tpu.memory_space<vmem>>
        %dma_wait3A_295 = arith.constant 0 : i32
        %dma_wait3A_296 = arith.constant 0 : i32
        %dma_wait3A_297 = tpu.memref_slice %arg2[%dma_wait3A_295, %dma_wait3A_296] : memref<25000x128xf32, #tpu.memory_space<hbm>> -> memref<25000x128xf32, #tpu.memory_space<hbm>>
        tpu.wait_indirect_dma semaphore(%arg21 : memref<!tpu.dma_semaphore, #tpu.memory_space<semaphore_mem>>) src(%dma_wait3A_297 : memref<25000x128xf32, #tpu.memory_space<hbm>>) dst(%arg15 : memref<56x128xf32, #tpu.memory_space<vmem>>)
        %dma_wait3A_298 = arith.constant 0 : i32
        %dma_wait3A_299 = tpu.memref_slice %arg5[%add3A_243, %dma_wait3A_298] : memref<28x56xi32, #tpu.memory_space<vmem>> -> memref<1x56xi32, #tpu.memory_space<vmem>>
        %dma_wait3A_300 = tpu.memref_squeeze %dma_wait3A_299 : memref<1x56xi32, #tpu.memory_space<vmem>> -> memref<56xi32, #tpu.memory_space<vmem>>
        %dma_wait3A_301 = arith.constant 0 : i32
        %dma_wait3A_302 = arith.constant 0 : i32
        %dma_wait3A_303 = tpu.memref_slice %arg2[%dma_wait3A_301, %dma_wait3A_302] : memref<25000x128xf32, #tpu.memory_space<hbm>> -> memref<25000x128xf32, #tpu.memory_space<hbm>>
        tpu.wait_indirect_dma semaphore(%arg21 : memref<!tpu.dma_semaphore, #tpu.memory_space<semaphore_mem>>) src(%dma_wait3A_303 : memref<25000x128xf32, #tpu.memory_space<hbm>>) dst(%arg16 : memref<56x128xf32, #tpu.memory_space<vmem>>)
        %dma_wait3A_304 = arith.constant 0 : i32
        %dma_wait3A_305 = tpu.memref_slice %arg5[%add3A_253, %dma_wait3A_304] : memref<28x56xi32, #tpu.memory_space<vmem>> -> memref<1x56xi32, #tpu.memory_space<vmem>>
        %dma_wait3A_306 = tpu.memref_squeeze %dma_wait3A_305 : memref<1x56xi32, #tpu.memory_space<vmem>> -> memref<56xi32, #tpu.memory_space<vmem>>
        %dma_wait3A_307 = arith.constant 0 : i32
        %dma_wait3A_308 = arith.constant 0 : i32
        %dma_wait3A_309 = tpu.memref_slice %arg2[%dma_wait3A_307, %dma_wait3A_308] : memref<25000x128xf32, #tpu.memory_space<hbm>> -> memref<25000x128xf32, #tpu.memory_space<hbm>>
        tpu.wait_indirect_dma semaphore(%arg21 : memref<!tpu.dma_semaphore, #tpu.memory_space<semaphore_mem>>) src(%dma_wait3A_309 : memref<25000x128xf32, #tpu.memory_space<hbm>>) dst(%arg17 : memref<56x128xf32, #tpu.memory_space<vmem>>)
        %dma_wait3A_310 = arith.constant 0 : i32
        %dma_wait3A_311 = tpu.memref_slice %arg5[%add3A_263, %dma_wait3A_310] : memref<28x56xi32, #tpu.memory_space<vmem>> -> memref<1x56xi32, #tpu.memory_space<vmem>>
        %dma_wait3A_312 = tpu.memref_squeeze %dma_wait3A_311 : memref<1x56xi32, #tpu.memory_space<vmem>> -> memref<56xi32, #tpu.memory_space<vmem>>
        %dma_wait3A_313 = arith.constant 0 : i32
        %dma_wait3A_314 = arith.constant 0 : i32
        %dma_wait3A_315 = tpu.memref_slice %arg2[%dma_wait3A_313, %dma_wait3A_314] : memref<25000x128xf32, #tpu.memory_space<hbm>> -> memref<25000x128xf32, #tpu.memory_space<hbm>>
        tpu.wait_indirect_dma semaphore(%arg21 : memref<!tpu.dma_semaphore, #tpu.memory_space<semaphore_mem>>) src(%dma_wait3A_315 : memref<25000x128xf32, #tpu.memory_space<hbm>>) dst(%arg18 : memref<56x128xf32, #tpu.memory_space<vmem>>)
        %dma_wait3A_316 = arith.constant 0 : i32
        %dma_wait3A_317 = tpu.memref_slice %arg5[%add3A_273, %dma_wait3A_316] : memref<28x56xi32, #tpu.memory_space<vmem>> -> memref<1x56xi32, #tpu.memory_space<vmem>>
        %dma_wait3A_318 = tpu.memref_squeeze %dma_wait3A_317 : memref<1x56xi32, #tpu.memory_space<vmem>> -> memref<56xi32, #tpu.memory_space<vmem>>
        %dma_wait3A_319 = arith.constant 0 : i32
        %dma_wait3A_320 = arith.constant 0 : i32
        %dma_wait3A_321 = tpu.memref_slice %arg2[%dma_wait3A_319, %dma_wait3A_320] : memref<25000x128xf32, #tpu.memory_space<hbm>> -> memref<25000x128xf32, #tpu.memory_space<hbm>>
        tpu.wait_indirect_dma semaphore(%arg21 : memref<!tpu.dma_semaphore, #tpu.memory_space<semaphore_mem>>) src(%dma_wait3A_321 : memref<25000x128xf32, #tpu.memory_space<hbm>>) dst(%arg19 : memref<56x128xf32, #tpu.memory_space<vmem>>)
        %mul3A_322 = arith.constant 7 : i32
        %mul3A_323 = arith.muli %add3A_86, %mul3A_322 : i32
        %add3A_324 = arith.constant 0 : i32
        %add3A_325 = arith.addi %mul3A_323, %add3A_324 : i32
        %mul3A_326 = arith.constant 56 : i32
        %mul3A_327 = arith.muli %add3A_325, %mul3A_326 : i32
        %add3A_328 = arith.addi %mul3A_2, %mul3A_327 : i32
        %dma_start3A_329 = arith.constant 0 : i32
        %dma_start3A_330 = tpu.memref_slice %arg4[%add3A_328, %dma_start3A_329] : memref<25088x128xf32, #tpu.memory_space<hbm>> -> memref<56x128xf32, #tpu.memory_space<hbm>>
        %dma_start3A_331 = arith.constant 0 : i32
        %dma_start3A_332 = tpu.memref_slice %arg4[%add3A_328, %dma_start3A_331] : memref<25088x128xf32, #tpu.memory_space<hbm>> -> memref<56x128xf32, #tpu.memory_space<hbm>>
        tpu.enqueue_dma source(%arg13 : memref<56x128xf32, #tpu.memory_space<vmem>>) target(%dma_start3A_332 : memref<56x128xf32, #tpu.memory_space<hbm>>) target_semaphore(%arg23 : memref<!tpu.dma_semaphore, #tpu.memory_space<semaphore_mem>>)
        %mul3A_333 = arith.constant 7 : i32
        %mul3A_334 = arith.muli %add3A_86, %mul3A_333 : i32
        %add3A_335 = arith.constant 1 : i32
        %add3A_336 = arith.addi %mul3A_334, %add3A_335 : i32
        %mul3A_337 = arith.constant 56 : i32
        %mul3A_338 = arith.muli %add3A_336, %mul3A_337 : i32
        %add3A_339 = arith.addi %mul3A_2, %mul3A_338 : i32
        %dma_start3A_340 = arith.constant 0 : i32
        %dma_start3A_341 = tpu.memref_slice %arg4[%add3A_339, %dma_start3A_340] : memref<25088x128xf32, #tpu.memory_space<hbm>> -> memref<56x128xf32, #tpu.memory_space<hbm>>
        %dma_start3A_342 = arith.constant 0 : i32
        %dma_start3A_343 = tpu.memref_slice %arg4[%add3A_339, %dma_start3A_342] : memref<25088x128xf32, #tpu.memory_space<hbm>> -> memref<56x128xf32, #tpu.memory_space<hbm>>
        tpu.enqueue_dma source(%arg14 : memref<56x128xf32, #tpu.memory_space<vmem>>) target(%dma_start3A_343 : memref<56x128xf32, #tpu.memory_space<hbm>>) target_semaphore(%arg23 : memref<!tpu.dma_semaphore, #tpu.memory_space<semaphore_mem>>)
        %mul3A_344 = arith.constant 7 : i32
        %mul3A_345 = arith.muli %add3A_86, %mul3A_344 : i32
        %add3A_346 = arith.constant 2 : i32
        %add3A_347 = arith.addi %mul3A_345, %add3A_346 : i32
        %mul3A_348 = arith.constant 56 : i32
        %mul3A_349 = arith.muli %add3A_347, %mul3A_348 : i32
        %add3A_350 = arith.addi %mul3A_2, %mul3A_349 : i32
        %dma_start3A_351 = arith.constant 0 : i32
        %dma_start3A_352 = tpu.memref_slice %arg4[%add3A_350, %dma_start3A_351] : memref<25088x128xf32, #tpu.memory_space<hbm>> -> memref<56x128xf32, #tpu.memory_space<hbm>>
        %dma_start3A_353 = arith.constant 0 : i32
        %dma_start3A_354 = tpu.memref_slice %arg4[%add3A_350, %dma_start3A_353] : memref<25088x128xf32, #tpu.memory_space<hbm>> -> memref<56x128xf32, #tpu.memory_space<hbm>>
        tpu.enqueue_dma source(%arg15 : memref<56x128xf32, #tpu.memory_space<vmem>>) target(%dma_start3A_354 : memref<56x128xf32, #tpu.memory_space<hbm>>) target_semaphore(%arg23 : memref<!tpu.dma_semaphore, #tpu.memory_space<semaphore_mem>>)
        %mul3A_355 = arith.constant 7 : i32
        %mul3A_356 = arith.muli %add3A_86, %mul3A_355 : i32
        %add3A_357 = arith.constant 3 : i32
        %add3A_358 = arith.addi %mul3A_356, %add3A_357 : i32
        %mul3A_359 = arith.constant 56 : i32
        %mul3A_360 = arith.muli %add3A_358, %mul3A_359 : i32
        %add3A_361 = arith.addi %mul3A_2, %mul3A_360 : i32
        %dma_start3A_362 = arith.constant 0 : i32
        %dma_start3A_363 = tpu.memref_slice %arg4[%add3A_361, %dma_start3A_362] : memref<25088x128xf32, #tpu.memory_space<hbm>> -> memref<56x128xf32, #tpu.memory_space<hbm>>
        %dma_start3A_364 = arith.constant 0 : i32
        %dma_start3A_365 = tpu.memref_slice %arg4[%add3A_361, %dma_start3A_364] : memref<25088x128xf32, #tpu.memory_space<hbm>> -> memref<56x128xf32, #tpu.memory_space<hbm>>
        tpu.enqueue_dma source(%arg16 : memref<56x128xf32, #tpu.memory_space<vmem>>) target(%dma_start3A_365 : memref<56x128xf32, #tpu.memory_space<hbm>>) target_semaphore(%arg23 : memref<!tpu.dma_semaphore, #tpu.memory_space<semaphore_mem>>)
        %mul3A_366 = arith.constant 7 : i32
        %mul3A_367 = arith.muli %add3A_86, %mul3A_366 : i32
        %add3A_368 = arith.constant 4 : i32
        %add3A_369 = arith.addi %mul3A_367, %add3A_368 : i32
        %mul3A_370 = arith.constant 56 : i32
        %mul3A_371 = arith.muli %add3A_369, %mul3A_370 : i32
        %add3A_372 = arith.addi %mul3A_2, %mul3A_371 : i32
        %dma_start3A_373 = arith.constant 0 : i32
        %dma_start3A_374 = tpu.memref_slice %arg4[%add3A_372, %dma_start3A_373] : memref<25088x128xf32, #tpu.memory_space<hbm>> -> memref<56x128xf32, #tpu.memory_space<hbm>>
        %dma_start3A_375 = arith.constant 0 : i32
        %dma_start3A_376 = tpu.memref_slice %arg4[%add3A_372, %dma_start3A_375] : memref<25088x128xf32, #tpu.memory_space<hbm>> -> memref<56x128xf32, #tpu.memory_space<hbm>>
        tpu.enqueue_dma source(%arg17 : memref<56x128xf32, #tpu.memory_space<vmem>>) target(%dma_start3A_376 : memref<56x128xf32, #tpu.memory_space<hbm>>) target_semaphore(%arg23 : memref<!tpu.dma_semaphore, #tpu.memory_space<semaphore_mem>>)
        %mul3A_377 = arith.constant 7 : i32
        %mul3A_378 = arith.muli %add3A_86, %mul3A_377 : i32
        %add3A_379 = arith.constant 5 : i32
        %add3A_380 = arith.addi %mul3A_378, %add3A_379 : i32
        %mul3A_381 = arith.constant 56 : i32
        %mul3A_382 = arith.muli %add3A_380, %mul3A_381 : i32
        %add3A_383 = arith.addi %mul3A_2, %mul3A_382 : i32
        %dma_start3A_384 = arith.constant 0 : i32
        %dma_start3A_385 = tpu.memref_slice %arg4[%add3A_383, %dma_start3A_384] : memref<25088x128xf32, #tpu.memory_space<hbm>> -> memref<56x128xf32, #tpu.memory_space<hbm>>
        %dma_start3A_386 = arith.constant 0 : i32
        %dma_start3A_387 = tpu.memref_slice %arg4[%add3A_383, %dma_start3A_386] : memref<25088x128xf32, #tpu.memory_space<hbm>> -> memref<56x128xf32, #tpu.memory_space<hbm>>
        tpu.enqueue_dma source(%arg18 : memref<56x128xf32, #tpu.memory_space<vmem>>) target(%dma_start3A_387 : memref<56x128xf32, #tpu.memory_space<hbm>>) target_semaphore(%arg23 : memref<!tpu.dma_semaphore, #tpu.memory_space<semaphore_mem>>)
        %mul3A_388 = arith.constant 7 : i32
        %mul3A_389 = arith.muli %add3A_86, %mul3A_388 : i32
        %add3A_390 = arith.constant 6 : i32
        %add3A_391 = arith.addi %mul3A_389, %add3A_390 : i32
        %mul3A_392 = arith.constant 56 : i32
        %mul3A_393 = arith.muli %add3A_391, %mul3A_392 : i32
        %add3A_394 = arith.addi %mul3A_2, %mul3A_393 : i32
        %dma_start3A_395 = arith.constant 0 : i32
        %dma_start3A_396 = tpu.memref_slice %arg4[%add3A_394, %dma_start3A_395] : memref<25088x128xf32, #tpu.memory_space<hbm>> -> memref<56x128xf32, #tpu.memory_space<hbm>>
        %dma_start3A_397 = arith.constant 0 : i32
        %dma_start3A_398 = tpu.memref_slice %arg4[%add3A_394, %dma_start3A_397] : memref<25088x128xf32, #tpu.memory_space<hbm>> -> memref<56x128xf32, #tpu.memory_space<hbm>>
        tpu.enqueue_dma source(%arg19 : memref<56x128xf32, #tpu.memory_space<vmem>>) target(%dma_start3A_398 : memref<56x128xf32, #tpu.memory_space<hbm>>) target_semaphore(%arg23 : memref<!tpu.dma_semaphore, #tpu.memory_space<semaphore_mem>>)
        %dma_wait3A_399 = arith.constant 0 : i32
        %dma_wait3A_400 = tpu.memref_slice %arg4[%add3A_135, %dma_wait3A_399] : memref<25088x128xf32, #tpu.memory_space<hbm>> -> memref<56x128xf32, #tpu.memory_space<hbm>>
        %dma_wait3A_401 = arith.constant 0 : i32
        %dma_wait3A_402 = tpu.memref_slice %arg4[%add3A_135, %dma_wait3A_401] : memref<25088x128xf32, #tpu.memory_space<hbm>> -> memref<56x128xf32, #tpu.memory_space<hbm>>
        tpu.wait_dma2 semaphore(%arg22 : memref<!tpu.dma_semaphore, #tpu.memory_space<semaphore_mem>>) src(%arg6 : memref<56x128xf32, #tpu.memory_space<vmem>>) dst(%dma_wait3A_402 : memref<56x128xf32, #tpu.memory_space<hbm>>)
        %dma_wait3A_403 = arith.constant 0 : i32
        %dma_wait3A_404 = tpu.memref_slice %arg4[%add3A_146, %dma_wait3A_403] : memref<25088x128xf32, #tpu.memory_space<hbm>> -> memref<56x128xf32, #tpu.memory_space<hbm>>
        %dma_wait3A_405 = arith.constant 0 : i32
        %dma_wait3A_406 = tpu.memref_slice %arg4[%add3A_146, %dma_wait3A_405] : memref<25088x128xf32, #tpu.memory_space<hbm>> -> memref<56x128xf32, #tpu.memory_space<hbm>>
        tpu.wait_dma2 semaphore(%arg22 : memref<!tpu.dma_semaphore, #tpu.memory_space<semaphore_mem>>) src(%arg7 : memref<56x128xf32, #tpu.memory_space<vmem>>) dst(%dma_wait3A_406 : memref<56x128xf32, #tpu.memory_space<hbm>>)
        %dma_wait3A_407 = arith.constant 0 : i32
        %dma_wait3A_408 = tpu.memref_slice %arg4[%add3A_157, %dma_wait3A_407] : memref<25088x128xf32, #tpu.memory_space<hbm>> -> memref<56x128xf32, #tpu.memory_space<hbm>>
        %dma_wait3A_409 = arith.constant 0 : i32
        %dma_wait3A_410 = tpu.memref_slice %arg4[%add3A_157, %dma_wait3A_409] : memref<25088x128xf32, #tpu.memory_space<hbm>> -> memref<56x128xf32, #tpu.memory_space<hbm>>
        tpu.wait_dma2 semaphore(%arg22 : memref<!tpu.dma_semaphore, #tpu.memory_space<semaphore_mem>>) src(%arg8 : memref<56x128xf32, #tpu.memory_space<vmem>>) dst(%dma_wait3A_410 : memref<56x128xf32, #tpu.memory_space<hbm>>)
        %dma_wait3A_411 = arith.constant 0 : i32
        %dma_wait3A_412 = tpu.memref_slice %arg4[%add3A_168, %dma_wait3A_411] : memref<25088x128xf32, #tpu.memory_space<hbm>> -> memref<56x128xf32, #tpu.memory_space<hbm>>
        %dma_wait3A_413 = arith.constant 0 : i32
        %dma_wait3A_414 = tpu.memref_slice %arg4[%add3A_168, %dma_wait3A_413] : memref<25088x128xf32, #tpu.memory_space<hbm>> -> memref<56x128xf32, #tpu.memory_space<hbm>>
        tpu.wait_dma2 semaphore(%arg22 : memref<!tpu.dma_semaphore, #tpu.memory_space<semaphore_mem>>) src(%arg9 : memref<56x128xf32, #tpu.memory_space<vmem>>) dst(%dma_wait3A_414 : memref<56x128xf32, #tpu.memory_space<hbm>>)
        %dma_wait3A_415 = arith.constant 0 : i32
        %dma_wait3A_416 = tpu.memref_slice %arg4[%add3A_179, %dma_wait3A_415] : memref<25088x128xf32, #tpu.memory_space<hbm>> -> memref<56x128xf32, #tpu.memory_space<hbm>>
        %dma_wait3A_417 = arith.constant 0 : i32
        %dma_wait3A_418 = tpu.memref_slice %arg4[%add3A_179, %dma_wait3A_417] : memref<25088x128xf32, #tpu.memory_space<hbm>> -> memref<56x128xf32, #tpu.memory_space<hbm>>
        tpu.wait_dma2 semaphore(%arg22 : memref<!tpu.dma_semaphore, #tpu.memory_space<semaphore_mem>>) src(%arg10 : memref<56x128xf32, #tpu.memory_space<vmem>>) dst(%dma_wait3A_418 : memref<56x128xf32, #tpu.memory_space<hbm>>)
        %dma_wait3A_419 = arith.constant 0 : i32
        %dma_wait3A_420 = tpu.memref_slice %arg4[%add3A_190, %dma_wait3A_419] : memref<25088x128xf32, #tpu.memory_space<hbm>> -> memref<56x128xf32, #tpu.memory_space<hbm>>
        %dma_wait3A_421 = arith.constant 0 : i32
        %dma_wait3A_422 = tpu.memref_slice %arg4[%add3A_190, %dma_wait3A_421] : memref<25088x128xf32, #tpu.memory_space<hbm>> -> memref<56x128xf32, #tpu.memory_space<hbm>>
        tpu.wait_dma2 semaphore(%arg22 : memref<!tpu.dma_semaphore, #tpu.memory_space<semaphore_mem>>) src(%arg11 : memref<56x128xf32, #tpu.memory_space<vmem>>) dst(%dma_wait3A_422 : memref<56x128xf32, #tpu.memory_space<hbm>>)
        %dma_wait3A_423 = arith.constant 0 : i32
        %dma_wait3A_424 = tpu.memref_slice %arg4[%add3A_201, %dma_wait3A_423] : memref<25088x128xf32, #tpu.memory_space<hbm>> -> memref<56x128xf32, #tpu.memory_space<hbm>>
        %dma_wait3A_425 = arith.constant 0 : i32
        %dma_wait3A_426 = tpu.memref_slice %arg4[%add3A_201, %dma_wait3A_425] : memref<25088x128xf32, #tpu.memory_space<hbm>> -> memref<56x128xf32, #tpu.memory_space<hbm>>
        tpu.wait_dma2 semaphore(%arg22 : memref<!tpu.dma_semaphore, #tpu.memory_space<semaphore_mem>>) src(%arg12 : memref<56x128xf32, #tpu.memory_space<vmem>>) dst(%dma_wait3A_426 : memref<56x128xf32, #tpu.memory_space<hbm>>)
        %add3A_427 = arith.constant 1 : i32
        %add3A_428 = arith.addi %scan3A_83, %add3A_427 : i32
        %lt3A = arith.constant 2 : i32
        %lt3A_429 = arith.cmpi slt, %add3A_428, %lt3A : i32
        %convert_element_type3A_430 = arith.extui %lt3A_429 : i1 to i32
        %cond3A_431 = arith.constant 0 : i32
        %cond3A_432 = arith.cmpi ne, %convert_element_type3A_430, %cond3A_431 : i32
        scf.if %cond3A_432 {
          %add3A_433 = arith.constant 2 : i32
          %add3A_434 = arith.addi %mul3A_85, %add3A_433 : i32
          %mul3A_435 = arith.constant 7 : i32
          %mul3A_436 = arith.muli %add3A_434, %mul3A_435 : i32
          %add3A_437 = arith.constant 0 : i32
          %add3A_438 = arith.addi %mul3A_436, %add3A_437 : i32
          %dma_start3A_439 = arith.constant 0 : i32
          %dma_start3A_440 = tpu.memref_slice %arg5[%add3A_438, %dma_start3A_439] : memref<28x56xi32, #tpu.memory_space<vmem>> -> memref<1x56xi32, #tpu.memory_space<vmem>>
          %dma_start3A_441 = tpu.memref_squeeze %dma_start3A_440 : memref<1x56xi32, #tpu.memory_space<vmem>> -> memref<56xi32, #tpu.memory_space<vmem>>
          %dma_start3A_442 = arith.constant 0 : i32
          %dma_start3A_443 = arith.constant 0 : i32
          %dma_start3A_444 = tpu.memref_slice %arg2[%dma_start3A_442, %dma_start3A_443] : memref<25000x128xf32, #tpu.memory_space<hbm>> -> memref<25000x128xf32, #tpu.memory_space<hbm>>
          tpu.enqueue_indirect_dma source(%dma_start3A_444 : memref<25000x128xf32, #tpu.memory_space<hbm>>) target(%arg6 : memref<56x128xf32, #tpu.memory_space<vmem>>) offsets(%dma_start3A_441 : memref<56xi32, #tpu.memory_space<vmem>>) semaphore(%arg20 : memref<!tpu.dma_semaphore, #tpu.memory_space<semaphore_mem>>)
          %add3A_445 = arith.constant 2 : i32
          %add3A_446 = arith.addi %mul3A_85, %add3A_445 : i32
          %mul3A_447 = arith.constant 7 : i32
          %mul3A_448 = arith.muli %add3A_446, %mul3A_447 : i32
          %add3A_449 = arith.constant 1 : i32
          %add3A_450 = arith.addi %mul3A_448, %add3A_449 : i32
          %dma_start3A_451 = arith.constant 0 : i32
          %dma_start3A_452 = tpu.memref_slice %arg5[%add3A_450, %dma_start3A_451] : memref<28x56xi32, #tpu.memory_space<vmem>> -> memref<1x56xi32, #tpu.memory_space<vmem>>
          %dma_start3A_453 = tpu.memref_squeeze %dma_start3A_452 : memref<1x56xi32, #tpu.memory_space<vmem>> -> memref<56xi32, #tpu.memory_space<vmem>>
          %dma_start3A_454 = arith.constant 0 : i32
          %dma_start3A_455 = arith.constant 0 : i32
          %dma_start3A_456 = tpu.memref_slice %arg2[%dma_start3A_454, %dma_start3A_455] : memref<25000x128xf32, #tpu.memory_space<hbm>> -> memref<25000x128xf32, #tpu.memory_space<hbm>>
          tpu.enqueue_indirect_dma source(%dma_start3A_456 : memref<25000x128xf32, #tpu.memory_space<hbm>>) target(%arg7 : memref<56x128xf32, #tpu.memory_space<vmem>>) offsets(%dma_start3A_453 : memref<56xi32, #tpu.memory_space<vmem>>) semaphore(%arg20 : memref<!tpu.dma_semaphore, #tpu.memory_space<semaphore_mem>>)
          %add3A_457 = arith.constant 2 : i32
          %add3A_458 = arith.addi %mul3A_85, %add3A_457 : i32
          %mul3A_459 = arith.constant 7 : i32
          %mul3A_460 = arith.muli %add3A_458, %mul3A_459 : i32
          %add3A_461 = arith.constant 2 : i32
          %add3A_462 = arith.addi %mul3A_460, %add3A_461 : i32
          %dma_start3A_463 = arith.constant 0 : i32
          %dma_start3A_464 = tpu.memref_slice %arg5[%add3A_462, %dma_start3A_463] : memref<28x56xi32, #tpu.memory_space<vmem>> -> memref<1x56xi32, #tpu.memory_space<vmem>>
          %dma_start3A_465 = tpu.memref_squeeze %dma_start3A_464 : memref<1x56xi32, #tpu.memory_space<vmem>> -> memref<56xi32, #tpu.memory_space<vmem>>
          %dma_start3A_466 = arith.constant 0 : i32
          %dma_start3A_467 = arith.constant 0 : i32
          %dma_start3A_468 = tpu.memref_slice %arg2[%dma_start3A_466, %dma_start3A_467] : memref<25000x128xf32, #tpu.memory_space<hbm>> -> memref<25000x128xf32, #tpu.memory_space<hbm>>
          tpu.enqueue_indirect_dma source(%dma_start3A_468 : memref<25000x128xf32, #tpu.memory_space<hbm>>) target(%arg8 : memref<56x128xf32, #tpu.memory_space<vmem>>) offsets(%dma_start3A_465 : memref<56xi32, #tpu.memory_space<vmem>>) semaphore(%arg20 : memref<!tpu.dma_semaphore, #tpu.memory_space<semaphore_mem>>)
          %add3A_469 = arith.constant 2 : i32
          %add3A_470 = arith.addi %mul3A_85, %add3A_469 : i32
          %mul3A_471 = arith.constant 7 : i32
          %mul3A_472 = arith.muli %add3A_470, %mul3A_471 : i32
          %add3A_473 = arith.constant 3 : i32
          %add3A_474 = arith.addi %mul3A_472, %add3A_473 : i32
          %dma_start3A_475 = arith.constant 0 : i32
          %dma_start3A_476 = tpu.memref_slice %arg5[%add3A_474, %dma_start3A_475] : memref<28x56xi32, #tpu.memory_space<vmem>> -> memref<1x56xi32, #tpu.memory_space<vmem>>
          %dma_start3A_477 = tpu.memref_squeeze %dma_start3A_476 : memref<1x56xi32, #tpu.memory_space<vmem>> -> memref<56xi32, #tpu.memory_space<vmem>>
          %dma_start3A_478 = arith.constant 0 : i32
          %dma_start3A_479 = arith.constant 0 : i32
          %dma_start3A_480 = tpu.memref_slice %arg2[%dma_start3A_478, %dma_start3A_479] : memref<25000x128xf32, #tpu.memory_space<hbm>> -> memref<25000x128xf32, #tpu.memory_space<hbm>>
          tpu.enqueue_indirect_dma source(%dma_start3A_480 : memref<25000x128xf32, #tpu.memory_space<hbm>>) target(%arg9 : memref<56x128xf32, #tpu.memory_space<vmem>>) offsets(%dma_start3A_477 : memref<56xi32, #tpu.memory_space<vmem>>) semaphore(%arg20 : memref<!tpu.dma_semaphore, #tpu.memory_space<semaphore_mem>>)
          %add3A_481 = arith.constant 2 : i32
          %add3A_482 = arith.addi %mul3A_85, %add3A_481 : i32
          %mul3A_483 = arith.constant 7 : i32
          %mul3A_484 = arith.muli %add3A_482, %mul3A_483 : i32
          %add3A_485 = arith.constant 4 : i32
          %add3A_486 = arith.addi %mul3A_484, %add3A_485 : i32
          %dma_start3A_487 = arith.constant 0 : i32
          %dma_start3A_488 = tpu.memref_slice %arg5[%add3A_486, %dma_start3A_487] : memref<28x56xi32, #tpu.memory_space<vmem>> -> memref<1x56xi32, #tpu.memory_space<vmem>>
          %dma_start3A_489 = tpu.memref_squeeze %dma_start3A_488 : memref<1x56xi32, #tpu.memory_space<vmem>> -> memref<56xi32, #tpu.memory_space<vmem>>
          %dma_start3A_490 = arith.constant 0 : i32
          %dma_start3A_491 = arith.constant 0 : i32
          %dma_start3A_492 = tpu.memref_slice %arg2[%dma_start3A_490, %dma_start3A_491] : memref<25000x128xf32, #tpu.memory_space<hbm>> -> memref<25000x128xf32, #tpu.memory_space<hbm>>
          tpu.enqueue_indirect_dma source(%dma_start3A_492 : memref<25000x128xf32, #tpu.memory_space<hbm>>) target(%arg10 : memref<56x128xf32, #tpu.memory_space<vmem>>) offsets(%dma_start3A_489 : memref<56xi32, #tpu.memory_space<vmem>>) semaphore(%arg20 : memref<!tpu.dma_semaphore, #tpu.memory_space<semaphore_mem>>)
          %add3A_493 = arith.constant 2 : i32
          %add3A_494 = arith.addi %mul3A_85, %add3A_493 : i32
          %mul3A_495 = arith.constant 7 : i32
          %mul3A_496 = arith.muli %add3A_494, %mul3A_495 : i32
          %add3A_497 = arith.constant 5 : i32
          %add3A_498 = arith.addi %mul3A_496, %add3A_497 : i32
          %dma_start3A_499 = arith.constant 0 : i32
          %dma_start3A_500 = tpu.memref_slice %arg5[%add3A_498, %dma_start3A_499] : memref<28x56xi32, #tpu.memory_space<vmem>> -> memref<1x56xi32, #tpu.memory_space<vmem>>
          %dma_start3A_501 = tpu.memref_squeeze %dma_start3A_500 : memref<1x56xi32, #tpu.memory_space<vmem>> -> memref<56xi32, #tpu.memory_space<vmem>>
          %dma_start3A_502 = arith.constant 0 : i32
          %dma_start3A_503 = arith.constant 0 : i32
          %dma_start3A_504 = tpu.memref_slice %arg2[%dma_start3A_502, %dma_start3A_503] : memref<25000x128xf32, #tpu.memory_space<hbm>> -> memref<25000x128xf32, #tpu.memory_space<hbm>>
          tpu.enqueue_indirect_dma source(%dma_start3A_504 : memref<25000x128xf32, #tpu.memory_space<hbm>>) target(%arg11 : memref<56x128xf32, #tpu.memory_space<vmem>>) offsets(%dma_start3A_501 : memref<56xi32, #tpu.memory_space<vmem>>) semaphore(%arg20 : memref<!tpu.dma_semaphore, #tpu.memory_space<semaphore_mem>>)
          %add3A_505 = arith.constant 2 : i32
          %add3A_506 = arith.addi %mul3A_85, %add3A_505 : i32
          %mul3A_507 = arith.constant 7 : i32
          %mul3A_508 = arith.muli %add3A_506, %mul3A_507 : i32
          %add3A_509 = arith.constant 6 : i32
          %add3A_510 = arith.addi %mul3A_508, %add3A_509 : i32
          %dma_start3A_511 = arith.constant 0 : i32
          %dma_start3A_512 = tpu.memref_slice %arg5[%add3A_510, %dma_start3A_511] : memref<28x56xi32, #tpu.memory_space<vmem>> -> memref<1x56xi32, #tpu.memory_space<vmem>>
          %dma_start3A_513 = tpu.memref_squeeze %dma_start3A_512 : memref<1x56xi32, #tpu.memory_space<vmem>> -> memref<56xi32, #tpu.memory_space<vmem>>
          %dma_start3A_514 = arith.constant 0 : i32
          %dma_start3A_515 = arith.constant 0 : i32
          %dma_start3A_516 = tpu.memref_slice %arg2[%dma_start3A_514, %dma_start3A_515] : memref<25000x128xf32, #tpu.memory_space<hbm>> -> memref<25000x128xf32, #tpu.memory_space<hbm>>
          tpu.enqueue_indirect_dma source(%dma_start3A_516 : memref<25000x128xf32, #tpu.memory_space<hbm>>) target(%arg12 : memref<56x128xf32, #tpu.memory_space<vmem>>) offsets(%dma_start3A_513 : memref<56xi32, #tpu.memory_space<vmem>>) semaphore(%arg20 : memref<!tpu.dma_semaphore, #tpu.memory_space<semaphore_mem>>)
        } else {
        }
      }
      %scan3A_55 = arith.constant 2 : i32
      %dma_wait3A = arith.constant 0 : i32
      %dma_wait3A_56 = tpu.memref_slice %arg4[%mul3A_2, %dma_wait3A] : memref<25088x128xf32, #tpu.memory_space<hbm>> -> memref<56x128xf32, #tpu.memory_space<hbm>>
      %dma_wait3A_57 = arith.constant 0 : i32
      %dma_wait3A_58 = tpu.memref_slice %arg4[%mul3A_2, %dma_wait3A_57] : memref<25088x128xf32, #tpu.memory_space<hbm>> -> memref<56x128xf32, #tpu.memory_space<hbm>>
      tpu.wait_dma2 semaphore(%arg23 : memref<!tpu.dma_semaphore, #tpu.memory_space<semaphore_mem>>) src(%arg13 : memref<56x128xf32, #tpu.memory_space<vmem>>) dst(%dma_wait3A_58 : memref<56x128xf32, #tpu.memory_space<hbm>>)
      %dma_wait3A_59 = arith.constant 0 : i32
      %dma_wait3A_60 = tpu.memref_slice %arg4[%mul3A_2, %dma_wait3A_59] : memref<25088x128xf32, #tpu.memory_space<hbm>> -> memref<56x128xf32, #tpu.memory_space<hbm>>
      %dma_wait3A_61 = arith.constant 0 : i32
      %dma_wait3A_62 = tpu.memref_slice %arg4[%mul3A_2, %dma_wait3A_61] : memref<25088x128xf32, #tpu.memory_space<hbm>> -> memref<56x128xf32, #tpu.memory_space<hbm>>
      tpu.wait_dma2 semaphore(%arg23 : memref<!tpu.dma_semaphore, #tpu.memory_space<semaphore_mem>>) src(%arg14 : memref<56x128xf32, #tpu.memory_space<vmem>>) dst(%dma_wait3A_62 : memref<56x128xf32, #tpu.memory_space<hbm>>)
      %dma_wait3A_63 = arith.constant 0 : i32
      %dma_wait3A_64 = tpu.memref_slice %arg4[%mul3A_2, %dma_wait3A_63] : memref<25088x128xf32, #tpu.memory_space<hbm>> -> memref<56x128xf32, #tpu.memory_space<hbm>>
      %dma_wait3A_65 = arith.constant 0 : i32
      %dma_wait3A_66 = tpu.memref_slice %arg4[%mul3A_2, %dma_wait3A_65] : memref<25088x128xf32, #tpu.memory_space<hbm>> -> memref<56x128xf32, #tpu.memory_space<hbm>>
      tpu.wait_dma2 semaphore(%arg23 : memref<!tpu.dma_semaphore, #tpu.memory_space<semaphore_mem>>) src(%arg15 : memref<56x128xf32, #tpu.memory_space<vmem>>) dst(%dma_wait3A_66 : memref<56x128xf32, #tpu.memory_space<hbm>>)
      %dma_wait3A_67 = arith.constant 0 : i32
      %dma_wait3A_68 = tpu.memref_slice %arg4[%mul3A_2, %dma_wait3A_67] : memref<25088x128xf32, #tpu.memory_space<hbm>> -> memref<56x128xf32, #tpu.memory_space<hbm>>
      %dma_wait3A_69 = arith.constant 0 : i32
      %dma_wait3A_70 = tpu.memref_slice %arg4[%mul3A_2, %dma_wait3A_69] : memref<25088x128xf32, #tpu.memory_space<hbm>> -> memref<56x128xf32, #tpu.memory_space<hbm>>
      tpu.wait_dma2 semaphore(%arg23 : memref<!tpu.dma_semaphore, #tpu.memory_space<semaphore_mem>>) src(%arg16 : memref<56x128xf32, #tpu.memory_space<vmem>>) dst(%dma_wait3A_70 : memref<56x128xf32, #tpu.memory_space<hbm>>)
      %dma_wait3A_71 = arith.constant 0 : i32
      %dma_wait3A_72 = tpu.memref_slice %arg4[%mul3A_2, %dma_wait3A_71] : memref<25088x128xf32, #tpu.memory_space<hbm>> -> memref<56x128xf32, #tpu.memory_space<hbm>>
      %dma_wait3A_73 = arith.constant 0 : i32
      %dma_wait3A_74 = tpu.memref_slice %arg4[%mul3A_2, %dma_wait3A_73] : memref<25088x128xf32, #tpu.memory_space<hbm>> -> memref<56x128xf32, #tpu.memory_space<hbm>>
      tpu.wait_dma2 semaphore(%arg23 : memref<!tpu.dma_semaphore, #tpu.memory_space<semaphore_mem>>) src(%arg17 : memref<56x128xf32, #tpu.memory_space<vmem>>) dst(%dma_wait3A_74 : memref<56x128xf32, #tpu.memory_space<hbm>>)
      %dma_wait3A_75 = arith.constant 0 : i32
      %dma_wait3A_76 = tpu.memref_slice %arg4[%mul3A_2, %dma_wait3A_75] : memref<25088x128xf32, #tpu.memory_space<hbm>> -> memref<56x128xf32, #tpu.memory_space<hbm>>
      %dma_wait3A_77 = arith.constant 0 : i32
      %dma_wait3A_78 = tpu.memref_slice %arg4[%mul3A_2, %dma_wait3A_77] : memref<25088x128xf32, #tpu.memory_space<hbm>> -> memref<56x128xf32, #tpu.memory_space<hbm>>
      tpu.wait_dma2 semaphore(%arg23 : memref<!tpu.dma_semaphore, #tpu.memory_space<semaphore_mem>>) src(%arg18 : memref<56x128xf32, #tpu.memory_space<vmem>>) dst(%dma_wait3A_78 : memref<56x128xf32, #tpu.memory_space<hbm>>)
      %dma_wait3A_79 = arith.constant 0 : i32
      %dma_wait3A_80 = tpu.memref_slice %arg4[%mul3A_2, %dma_wait3A_79] : memref<25088x128xf32, #tpu.memory_space<hbm>> -> memref<56x128xf32, #tpu.memory_space<hbm>>
      %dma_wait3A_81 = arith.constant 0 : i32
      %dma_wait3A_82 = tpu.memref_slice %arg4[%mul3A_2, %dma_wait3A_81] : memref<25088x128xf32, #tpu.memory_space<hbm>> -> memref<56x128xf32, #tpu.memory_space<hbm>>
      tpu.wait_dma2 semaphore(%arg23 : memref<!tpu.dma_semaphore, #tpu.memory_space<semaphore_mem>>) src(%arg19 : memref<56x128xf32, #tpu.memory_space<vmem>>) dst(%dma_wait3A_82 : memref<56x128xf32, #tpu.memory_space<hbm>>)
    } else {
    }
    return
  }
}

#map = affine_map<(d0, d1) -> (0, 0)>
#map1 = affine_map<(d0, d1) -> (0, 0, 0)>
module attributes {stable_mosaic.version = 14 : i64} {
  func.func @k(%arg0: i32, %arg1: i32, %arg2: memref<25000x128xf32, #tpu.memory_space<hbm>>, %arg3: memref<16x28x56xi32, #tpu.memory_space<hbm>>, %arg4: memref<25088x128xf32, #tpu.memory_space<hbm>>, %arg5: memref<28x56xi32, #tpu.memory_space<vmem>>, %arg6: memref<56x128xf32, #tpu.memory_space<vmem>>, %arg7: memref<56x128xf32, #tpu.memory_space<vmem>>, %arg8: memref<56x128xf32, #tpu.memory_space<vmem>>, %arg9: memref<56x128xf32, #tpu.memory_space<vmem>>, %arg10: memref<56x128xf32, #tpu.memory_space<vmem>>, %arg11: memref<56x128xf32, #tpu.memory_space<vmem>>, %arg12: memref<56x128xf32, #tpu.memory_space<vmem>>, %arg13: memref<56x128xf32, #tpu.memory_space<vmem>>, %arg14: memref<56x128xf32, #tpu.memory_space<vmem>>, %arg15: memref<56x128xf32, #tpu.memory_space<vmem>>, %arg16: memref<56x128xf32, #tpu.memory_space<vmem>>, %arg17: memref<56x128xf32, #tpu.memory_space<vmem>>, %arg18: memref<56x128xf32, #tpu.memory_space<vmem>>, %arg19: memref<56x128xf32, #tpu.memory_space<vmem>>, %arg20: memref<!tpu.dma_semaphore, #tpu.memory_space<semaphore_mem>>, %arg21: memref<!tpu.dma_semaphore, #tpu.memory_space<semaphore_mem>>, %arg22: memref<!tpu.dma_semaphore, #tpu.memory_space<semaphore_mem>>, %arg23: memref<!tpu.dma_semaphore, #tpu.memory_space<semaphore_mem>>) attributes {dimension_semantics = [#tpu.dimension_semantics<core_parallel>, #tpu.dimension_semantics<subcore_parallel>], iteration_bounds = array<i64: 2, 16>, scalar_prefetch = 0 : i64, scratch_operands = 19 : i64, tpu.core_type = #tpu.core_type<sc_vector_subcore>, window_params = [{transform_indices = #map}, {transform_indices = #map1}, {transform_indices = #map}]} {
    %eq3A = arith.constant 0 : i32
    %eq3A_0 = arith.cmpi eq, %arg0, %eq3A : i32
    %convert_element_type3A = arith.extui %eq3A_0 : i1 to i32
    %cond3A = arith.constant 0 : i32
    %cond3A_1 = arith.cmpi ne, %convert_element_type3A, %cond3A : i32
    scf.if %cond3A_1 {
      "tpu.region"() ({
        %run_scoped3A = tpu.sem_alloc : memref<!tpu.dma_semaphore, #tpu.memory_space<semaphore_mem>>
        %dma_start3A_83 = arith.constant 0 : i32
        %dma_start3A_84 = arith.constant 0 : i32
        %dma_start3A_85 = tpu.memref_slice %arg3[%arg1, %dma_start3A_83, %dma_start3A_84] : memref<16x28x56xi32, #tpu.memory_space<hbm>> -> memref<1x28x56xi32, #tpu.memory_space<hbm>>
        %dma_start3A_86 = tpu.memref_squeeze %dma_start3A_85 : memref<1x28x56xi32, #tpu.memory_space<hbm>> -> memref<28x56xi32, #tpu.memory_space<hbm>>
        %dma_start3A_87 = arith.constant 0 : i32
        %dma_start3A_88 = arith.constant 0 : i32
        %dma_start3A_89 = tpu.memref_slice %arg3[%arg1, %dma_start3A_87, %dma_start3A_88] : memref<16x28x56xi32, #tpu.memory_space<hbm>> -> memref<1x28x56xi32, #tpu.memory_space<hbm>>
        %dma_start3A_90 = tpu.memref_squeeze %dma_start3A_89 : memref<1x28x56xi32, #tpu.memory_space<hbm>> -> memref<28x56xi32, #tpu.memory_space<hbm>>
        tpu.enqueue_dma source(%dma_start3A_90 : memref<28x56xi32, #tpu.memory_space<hbm>>) target(%arg5 : memref<28x56xi32, #tpu.memory_space<vmem>>) target_semaphore(%run_scoped3A : memref<!tpu.dma_semaphore, #tpu.memory_space<semaphore_mem>>)
        %dma_wait3A_91 = arith.constant 0 : i32
        %dma_wait3A_92 = arith.constant 0 : i32
        %dma_wait3A_93 = tpu.memref_slice %arg3[%arg1, %dma_wait3A_91, %dma_wait3A_92] : memref<16x28x56xi32, #tpu.memory_space<hbm>> -> memref<1x28x56xi32, #tpu.memory_space<hbm>>
        %dma_wait3A_94 = tpu.memref_squeeze %dma_wait3A_93 : memref<1x28x56xi32, #tpu.memory_space<hbm>> -> memref<28x56xi32, #tpu.memory_space<hbm>>
        %dma_wait3A_95 = arith.constant 0 : i32
        %dma_wait3A_96 = arith.constant 0 : i32
        %dma_wait3A_97 = tpu.memref_slice %arg3[%arg1, %dma_wait3A_95, %dma_wait3A_96] : memref<16x28x56xi32, #tpu.memory_space<hbm>> -> memref<1x28x56xi32, #tpu.memory_space<hbm>>
        %dma_wait3A_98 = tpu.memref_squeeze %dma_wait3A_97 : memref<1x28x56xi32, #tpu.memory_space<hbm>> -> memref<28x56xi32, #tpu.memory_space<hbm>>
        tpu.wait_dma2 semaphore(%run_scoped3A : memref<!tpu.dma_semaphore, #tpu.memory_space<semaphore_mem>>) src(%dma_wait3A_98 : memref<28x56xi32, #tpu.memory_space<hbm>>) dst(%arg5 : memref<28x56xi32, #tpu.memory_space<vmem>>)
        tpu.yield
      }) : () -> ()
      %mul3A = arith.constant 1568 : i32
      %mul3A_2 = arith.muli %arg1, %mul3A : i32
      %dma_start3A = arith.constant 0 : i32
      %dma_start3A_3 = arith.constant 0 : i32
      %dma_start3A_4 = tpu.memref_slice %arg5[%dma_start3A, %dma_start3A_3] : memref<28x56xi32, #tpu.memory_space<vmem>> -> memref<1x56xi32, #tpu.memory_space<vmem>>
      %dma_start3A_5 = tpu.memref_squeeze %dma_start3A_4 : memref<1x56xi32, #tpu.memory_space<vmem>> -> memref<56xi32, #tpu.memory_space<vmem>>
      %dma_start3A_6 = arith.constant 0 : i32
      %dma_start3A_7 = arith.constant 0 : i32
      %dma_start3A_8 = tpu.memref_slice %arg2[%dma_start3A_6, %dma_start3A_7] : memref<25000x128xf32, #tpu.memory_space<hbm>> -> memref<25000x128xf32, #tpu.memory_space<hbm>>
      tpu.enqueue_indirect_dma source(%dma_start3A_8 : memref<25000x128xf32, #tpu.memory_space<hbm>>) target(%arg6 : memref<56x128xf32, #tpu.memory_space<vmem>>) offsets(%dma_start3A_5 : memref<56xi32, #tpu.memory_space<vmem>>) semaphore(%arg20 : memref<!tpu.dma_semaphore, #tpu.memory_space<semaphore_mem>>)
      %dma_start3A_9 = arith.constant 1 : i32
      %dma_start3A_10 = arith.constant 0 : i32
      %dma_start3A_11 = tpu.memref_slice %arg5[%dma_start3A_9, %dma_start3A_10] : memref<28x56xi32, #tpu.memory_space<vmem>> -> memref<1x56xi32, #tpu.memory_space<vmem>>
      %dma_start3A_12 = tpu.memref_squeeze %dma_start3A_11 : memref<1x56xi32, #tpu.memory_space<vmem>> -> memref<56xi32, #tpu.memory_space<vmem>>
      %dma_start3A_13 = arith.constant 0 : i32
      %dma_start3A_14 = arith.constant 0 : i32
      %dma_start3A_15 = tpu.memref_slice %arg2[%dma_start3A_13, %dma_start3A_14] : memref<25000x128xf32, #tpu.memory_space<hbm>> -> memref<25000x128xf32, #tpu.memory_space<hbm>>
      tpu.enqueue_indirect_dma source(%dma_start3A_15 : memref<25000x128xf32, #tpu.memory_space<hbm>>) target(%arg7 : memref<56x128xf32, #tpu.memory_space<vmem>>) offsets(%dma_start3A_12 : memref<56xi32, #tpu.memory_space<vmem>>) semaphore(%arg20 : memref<!tpu.dma_semaphore, #tpu.memory_space<semaphore_mem>>)
      %dma_start3A_16 = arith.constant 2 : i32
      %dma_start3A_17 = arith.constant 0 : i32
      %dma_start3A_18 = tpu.memref_slice %arg5[%dma_start3A_16, %dma_start3A_17] : memref<28x56xi32, #tpu.memory_space<vmem>> -> memref<1x56xi32, #tpu.memory_space<vmem>>
      %dma_start3A_19 = tpu.memref_squeeze %dma_start3A_18 : memref<1x56xi32, #tpu.memory_space<vmem>> -> memref<56xi32, #tpu.memory_space<vmem>>
      %dma_start3A_20 = arith.constant 0 : i32
      %dma_start3A_21 = arith.constant 0 : i32
      %dma_start3A_22 = tpu.memref_slice %arg2[%dma_start3A_20, %dma_start3A_21] : memref<25000x128xf32, #tpu.memory_space<hbm>> -> memref<25000x128xf32, #tpu.memory_space<hbm>>
      tpu.enqueue_indirect_dma source(%dma_start3A_22 : memref<25000x128xf32, #tpu.memory_space<hbm>>) target(%arg8 : memref<56x128xf32, #tpu.memory_space<vmem>>) offsets(%dma_start3A_19 : memref<56xi32, #tpu.memory_space<vmem>>) semaphore(%arg20 : memref<!tpu.dma_semaphore, #tpu.memory_space<semaphore_mem>>)
      %dma_start3A_23 = arith.constant 3 : i32
      %dma_start3A_24 = arith.constant 0 : i32
      %dma_start3A_25 = tpu.memref_slice %arg5[%dma_start3A_23, %dma_start3A_24] : memref<28x56xi32, #tpu.memory_space<vmem>> -> memref<1x56xi32, #tpu.memory_space<vmem>>
      %dma_start3A_26 = tpu.memref_squeeze %dma_start3A_25 : memref<1x56xi32, #tpu.memory_space<vmem>> -> memref<56xi32, #tpu.memory_space<vmem>>
      %dma_start3A_27 = arith.constant 0 : i32
      %dma_start3A_28 = arith.constant 0 : i32
      %dma_start3A_29 = tpu.memref_slice %arg2[%dma_start3A_27, %dma_start3A_28] : memref<25000x128xf32, #tpu.memory_space<hbm>> -> memref<25000x128xf32, #tpu.memory_space<hbm>>
      tpu.enqueue_indirect_dma source(%dma_start3A_29 : memref<25000x128xf32, #tpu.memory_space<hbm>>) target(%arg9 : memref<56x128xf32, #tpu.memory_space<vmem>>) offsets(%dma_start3A_26 : memref<56xi32, #tpu.memory_space<vmem>>) semaphore(%arg20 : memref<!tpu.dma_semaphore, #tpu.memory_space<semaphore_mem>>)
      %dma_start3A_30 = arith.constant 4 : i32
      %dma_start3A_31 = arith.constant 0 : i32
      %dma_start3A_32 = tpu.memref_slice %arg5[%dma_start3A_30, %dma_start3A_31] : memref<28x56xi32, #tpu.memory_space<vmem>> -> memref<1x56xi32, #tpu.memory_space<vmem>>
      %dma_start3A_33 = tpu.memref_squeeze %dma_start3A_32 : memref<1x56xi32, #tpu.memory_space<vmem>> -> memref<56xi32, #tpu.memory_space<vmem>>
      %dma_start3A_34 = arith.constant 0 : i32
      %dma_start3A_35 = arith.constant 0 : i32
      %dma_start3A_36 = tpu.memref_slice %arg2[%dma_start3A_34, %dma_start3A_35] : memref<25000x128xf32, #tpu.memory_space<hbm>> -> memref<25000x128xf32, #tpu.memory_space<hbm>>
      tpu.enqueue_indirect_dma source(%dma_start3A_36 : memref<25000x128xf32, #tpu.memory_space<hbm>>) target(%arg10 : memref<56x128xf32, #tpu.memory_space<vmem>>) offsets(%dma_start3A_33 : memref<56xi32, #tpu.memory_space<vmem>>) semaphore(%arg20 : memref<!tpu.dma_semaphore, #tpu.memory_space<semaphore_mem>>)
      %dma_start3A_37 = arith.constant 5 : i32
      %dma_start3A_38 = arith.constant 0 : i32
      %dma_start3A_39 = tpu.memref_slice %arg5[%dma_start3A_37, %dma_start3A_38] : memref<28x56xi32, #tpu.memory_space<vmem>> -> memref<1x56xi32, #tpu.memory_space<vmem>>
      %dma_start3A_40 = tpu.memref_squeeze %dma_start3A_39 : memref<1x56xi32, #tpu.memory_space<vmem>> -> memref<56xi32, #tpu.memory_space<vmem>>
      %dma_start3A_41 = arith.constant 0 : i32
      %dma_start3A_42 = arith.constant 0 : i32
      %dma_start3A_43 = tpu.memref_slice %arg2[%dma_start3A_41, %dma_start3A_42] : memref<25000x128xf32, #tpu.memory_space<hbm>> -> memref<25000x128xf32, #tpu.memory_space<hbm>>
      tpu.enqueue_indirect_dma source(%dma_start3A_43 : memref<25000x128xf32, #tpu.memory_space<hbm>>) target(%arg11 : memref<56x128xf32, #tpu.memory_space<vmem>>) offsets(%dma_start3A_40 : memref<56xi32, #tpu.memory_space<vmem>>) semaphore(%arg20 : memref<!tpu.dma_semaphore, #tpu.memory_space<semaphore_mem>>)
      %dma_start3A_44 = arith.constant 6 : i32
      %dma_start3A_45 = arith.constant 0 : i32
      %dma_start3A_46 = tpu.memref_slice %arg5[%dma_start3A_44, %dma_start3A_45] : memref<28x56xi32, #tpu.memory_space<vmem>> -> memref<1x56xi32, #tpu.memory_space<vmem>>
      %dma_start3A_47 = tpu.memref_squeeze %dma_start3A_46 : memref<1x56xi32, #tpu.memory_space<vmem>> -> memref<56xi32, #tpu.memory_space<vmem>>
      %dma_start3A_48 = arith.constant 0 : i32
      %dma_start3A_49 = arith.constant 0 : i32
      %dma_start3A_50 = tpu.memref_slice %arg2[%dma_start3A_48, %dma_start3A_49] : memref<25000x128xf32, #tpu.memory_space<hbm>> -> memref<25000x128xf32, #tpu.memory_space<hbm>>
      tpu.enqueue_indirect_dma source(%dma_start3A_50 : memref<25000x128xf32, #tpu.memory_space<hbm>>) target(%arg12 : memref<56x128xf32, #tpu.memory_space<vmem>>) offsets(%dma_start3A_47 : memref<56xi32, #tpu.memory_space<vmem>>) semaphore(%arg20 : memref<!tpu.dma_semaphore, #tpu.memory_space<semaphore_mem>>)
      %scan3A = arith.constant 0 : i32
      %scan3A_51 = arith.constant 0 : i32
      %scan3A_52 = arith.constant 2 : i32
      %scan3A_53 = arith.addi %scan3A_51, %scan3A_52 : i32
      %scan3A_54 = arith.constant 1 : i32
      scf.for %scan3A_83 = %scan3A_51 to %scan3A_53 step %scan3A_54  : i32 {
        %mul3A_84 = arith.constant 2 : i32
        %mul3A_85 = arith.muli %mul3A_84, %scan3A_83 : i32
        %add3A = arith.constant 1 : i32
        %add3A_86 = arith.addi %mul3A_85, %add3A : i32
        %dma_wait3A_87 = arith.constant 0 : i32
        %dma_wait3A_88 = arith.constant 0 : i32
        %dma_wait3A_89 = tpu.memref_slice %arg2[%dma_wait3A_87, %dma_wait3A_88] : memref<25000x128xf32, #tpu.memory_space<hbm>> -> memref<56x128xf32, #tpu.memory_space<hbm>>
        %dma_wait3A_90 = arith.constant 0 : i32
        %dma_wait3A_91 = arith.constant 0 : i32
        %dma_wait3A_92 = tpu.memref_slice %arg2[%dma_wait3A_90, %dma_wait3A_91] : memref<25000x128xf32, #tpu.memory_space<hbm>> -> memref<56x128xf32, #tpu.memory_space<hbm>>
        tpu.wait_dma2 semaphore(%arg20 : memref<!tpu.dma_semaphore, #tpu.memory_space<semaphore_mem>>) src(%dma_wait3A_92 : memref<56x128xf32, #tpu.memory_space<hbm>>) dst(%arg6 : memref<56x128xf32, #tpu.memory_space<vmem>>)
        %dma_wait3A_93 = arith.constant 0 : i32
        %dma_wait3A_94 = arith.constant 0 : i32
        %dma_wait3A_95 = tpu.memref_slice %arg2[%dma_wait3A_93, %dma_wait3A_94] : memref<25000x128xf32, #tpu.memory_space<hbm>> -> memref<56x128xf32, #tpu.memory_space<hbm>>
        %dma_wait3A_96 = arith.constant 0 : i32
        %dma_wait3A_97 = arith.constant 0 : i32
        %dma_wait3A_98 = tpu.memref_slice %arg2[%dma_wait3A_96, %dma_wait3A_97] : memref<25000x128xf32, #tpu.memory_space<hbm>> -> memref<56x128xf32, #tpu.memory_space<hbm>>
        tpu.wait_dma2 semaphore(%arg20 : memref<!tpu.dma_semaphore, #tpu.memory_space<semaphore_mem>>) src(%dma_wait3A_98 : memref<56x128xf32, #tpu.memory_space<hbm>>) dst(%arg7 : memref<56x128xf32, #tpu.memory_space<vmem>>)
        %dma_wait3A_99 = arith.constant 0 : i32
        %dma_wait3A_100 = arith.constant 0 : i32
        %dma_wait3A_101 = tpu.memref_slice %arg2[%dma_wait3A_99, %dma_wait3A_100] : memref<25000x128xf32, #tpu.memory_space<hbm>> -> memref<56x128xf32, #tpu.memory_space<hbm>>
        %dma_wait3A_102 = arith.constant 0 : i32
        %dma_wait3A_103 = arith.constant 0 : i32
        %dma_wait3A_104 = tpu.memref_slice %arg2[%dma_wait3A_102, %dma_wait3A_103] : memref<25000x128xf32, #tpu.memory_space<hbm>> -> memref<56x128xf32, #tpu.memory_space<hbm>>
        tpu.wait_dma2 semaphore(%arg20 : memref<!tpu.dma_semaphore, #tpu.memory_space<semaphore_mem>>) src(%dma_wait3A_104 : memref<56x128xf32, #tpu.memory_space<hbm>>) dst(%arg8 : memref<56x128xf32, #tpu.memory_space<vmem>>)
        %dma_wait3A_105 = arith.constant 0 : i32
        %dma_wait3A_106 = arith.constant 0 : i32
        %dma_wait3A_107 = tpu.memref_slice %arg2[%dma_wait3A_105, %dma_wait3A_106] : memref<25000x128xf32, #tpu.memory_space<hbm>> -> memref<56x128xf32, #tpu.memory_space<hbm>>
        %dma_wait3A_108 = arith.constant 0 : i32
        %dma_wait3A_109 = arith.constant 0 : i32
        %dma_wait3A_110 = tpu.memref_slice %arg2[%dma_wait3A_108, %dma_wait3A_109] : memref<25000x128xf32, #tpu.memory_space<hbm>> -> memref<56x128xf32, #tpu.memory_space<hbm>>
        tpu.wait_dma2 semaphore(%arg20 : memref<!tpu.dma_semaphore, #tpu.memory_space<semaphore_mem>>) src(%dma_wait3A_110 : memref<56x128xf32, #tpu.memory_space<hbm>>) dst(%arg9 : memref<56x128xf32, #tpu.memory_space<vmem>>)
        %dma_wait3A_111 = arith.constant 0 : i32
        %dma_wait3A_112 = arith.constant 0 : i32
        %dma_wait3A_113 = tpu.memref_slice %arg2[%dma_wait3A_111, %dma_wait3A_112] : memref<25000x128xf32, #tpu.memory_space<hbm>> -> memref<56x128xf32, #tpu.memory_space<hbm>>
        %dma_wait3A_114 = arith.constant 0 : i32
        %dma_wait3A_115 = arith.constant 0 : i32
        %dma_wait3A_116 = tpu.memref_slice %arg2[%dma_wait3A_114, %dma_wait3A_115] : memref<25000x128xf32, #tpu.memory_space<hbm>> -> memref<56x128xf32, #tpu.memory_space<hbm>>
        tpu.wait_dma2 semaphore(%arg20 : memref<!tpu.dma_semaphore, #tpu.memory_space<semaphore_mem>>) src(%dma_wait3A_116 : memref<56x128xf32, #tpu.memory_space<hbm>>) dst(%arg10 : memref<56x128xf32, #tpu.memory_space<vmem>>)
        %dma_wait3A_117 = arith.constant 0 : i32
        %dma_wait3A_118 = arith.constant 0 : i32
        %dma_wait3A_119 = tpu.memref_slice %arg2[%dma_wait3A_117, %dma_wait3A_118] : memref<25000x128xf32, #tpu.memory_space<hbm>> -> memref<56x128xf32, #tpu.memory_space<hbm>>
        %dma_wait3A_120 = arith.constant 0 : i32
        %dma_wait3A_121 = arith.constant 0 : i32
        %dma_wait3A_122 = tpu.memref_slice %arg2[%dma_wait3A_120, %dma_wait3A_121] : memref<25000x128xf32, #tpu.memory_space<hbm>> -> memref<56x128xf32, #tpu.memory_space<hbm>>
        tpu.wait_dma2 semaphore(%arg20 : memref<!tpu.dma_semaphore, #tpu.memory_space<semaphore_mem>>) src(%dma_wait3A_122 : memref<56x128xf32, #tpu.memory_space<hbm>>) dst(%arg11 : memref<56x128xf32, #tpu.memory_space<vmem>>)
        %dma_wait3A_123 = arith.constant 0 : i32
        %dma_wait3A_124 = arith.constant 0 : i32
        %dma_wait3A_125 = tpu.memref_slice %arg2[%dma_wait3A_123, %dma_wait3A_124] : memref<25000x128xf32, #tpu.memory_space<hbm>> -> memref<56x128xf32, #tpu.memory_space<hbm>>
        %dma_wait3A_126 = arith.constant 0 : i32
        %dma_wait3A_127 = arith.constant 0 : i32
        %dma_wait3A_128 = tpu.memref_slice %arg2[%dma_wait3A_126, %dma_wait3A_127] : memref<25000x128xf32, #tpu.memory_space<hbm>> -> memref<56x128xf32, #tpu.memory_space<hbm>>
        tpu.wait_dma2 semaphore(%arg20 : memref<!tpu.dma_semaphore, #tpu.memory_space<semaphore_mem>>) src(%dma_wait3A_128 : memref<56x128xf32, #tpu.memory_space<hbm>>) dst(%arg12 : memref<56x128xf32, #tpu.memory_space<vmem>>)
        %mul3A_129 = arith.constant 7 : i32
        %mul3A_130 = arith.muli %mul3A_85, %mul3A_129 : i32
        %add3A_131 = arith.constant 0 : i32
        %add3A_132 = arith.addi %mul3A_130, %add3A_131 : i32
        %mul3A_133 = arith.constant 56 : i32
        %mul3A_134 = arith.muli %add3A_132, %mul3A_133 : i32
        %add3A_135 = arith.addi %mul3A_2, %mul3A_134 : i32
        %dma_start3A_136 = arith.constant 0 : i32
        %dma_start3A_137 = tpu.memref_slice %arg4[%add3A_135, %dma_start3A_136] : memref<25088x128xf32, #tpu.memory_space<hbm>> -> memref<56x128xf32, #tpu.memory_space<hbm>>
        %dma_start3A_138 = arith.constant 0 : i32
        %dma_start3A_139 = tpu.memref_slice %arg4[%add3A_135, %dma_start3A_138] : memref<25088x128xf32, #tpu.memory_space<hbm>> -> memref<56x128xf32, #tpu.memory_space<hbm>>
        tpu.enqueue_dma source(%arg6 : memref<56x128xf32, #tpu.memory_space<vmem>>) target(%dma_start3A_139 : memref<56x128xf32, #tpu.memory_space<hbm>>) target_semaphore(%arg22 : memref<!tpu.dma_semaphore, #tpu.memory_space<semaphore_mem>>)
        %mul3A_140 = arith.constant 7 : i32
        %mul3A_141 = arith.muli %mul3A_85, %mul3A_140 : i32
        %add3A_142 = arith.constant 1 : i32
        %add3A_143 = arith.addi %mul3A_141, %add3A_142 : i32
        %mul3A_144 = arith.constant 56 : i32
        %mul3A_145 = arith.muli %add3A_143, %mul3A_144 : i32
        %add3A_146 = arith.addi %mul3A_2, %mul3A_145 : i32
        %dma_start3A_147 = arith.constant 0 : i32
        %dma_start3A_148 = tpu.memref_slice %arg4[%add3A_146, %dma_start3A_147] : memref<25088x128xf32, #tpu.memory_space<hbm>> -> memref<56x128xf32, #tpu.memory_space<hbm>>
        %dma_start3A_149 = arith.constant 0 : i32
        %dma_start3A_150 = tpu.memref_slice %arg4[%add3A_146, %dma_start3A_149] : memref<25088x128xf32, #tpu.memory_space<hbm>> -> memref<56x128xf32, #tpu.memory_space<hbm>>
        tpu.enqueue_dma source(%arg7 : memref<56x128xf32, #tpu.memory_space<vmem>>) target(%dma_start3A_150 : memref<56x128xf32, #tpu.memory_space<hbm>>) target_semaphore(%arg22 : memref<!tpu.dma_semaphore, #tpu.memory_space<semaphore_mem>>)
        %mul3A_151 = arith.constant 7 : i32
        %mul3A_152 = arith.muli %mul3A_85, %mul3A_151 : i32
        %add3A_153 = arith.constant 2 : i32
        %add3A_154 = arith.addi %mul3A_152, %add3A_153 : i32
        %mul3A_155 = arith.constant 56 : i32
        %mul3A_156 = arith.muli %add3A_154, %mul3A_155 : i32
        %add3A_157 = arith.addi %mul3A_2, %mul3A_156 : i32
        %dma_start3A_158 = arith.constant 0 : i32
        %dma_start3A_159 = tpu.memref_slice %arg4[%add3A_157, %dma_start3A_158] : memref<25088x128xf32, #tpu.memory_space<hbm>> -> memref<56x128xf32, #tpu.memory_space<hbm>>
        %dma_start3A_160 = arith.constant 0 : i32
        %dma_start3A_161 = tpu.memref_slice %arg4[%add3A_157, %dma_start3A_160] : memref<25088x128xf32, #tpu.memory_space<hbm>> -> memref<56x128xf32, #tpu.memory_space<hbm>>
        tpu.enqueue_dma source(%arg8 : memref<56x128xf32, #tpu.memory_space<vmem>>) target(%dma_start3A_161 : memref<56x128xf32, #tpu.memory_space<hbm>>) target_semaphore(%arg22 : memref<!tpu.dma_semaphore, #tpu.memory_space<semaphore_mem>>)
        %mul3A_162 = arith.constant 7 : i32
        %mul3A_163 = arith.muli %mul3A_85, %mul3A_162 : i32
        %add3A_164 = arith.constant 3 : i32
        %add3A_165 = arith.addi %mul3A_163, %add3A_164 : i32
        %mul3A_166 = arith.constant 56 : i32
        %mul3A_167 = arith.muli %add3A_165, %mul3A_166 : i32
        %add3A_168 = arith.addi %mul3A_2, %mul3A_167 : i32
        %dma_start3A_169 = arith.constant 0 : i32
        %dma_start3A_170 = tpu.memref_slice %arg4[%add3A_168, %dma_start3A_169] : memref<25088x128xf32, #tpu.memory_space<hbm>> -> memref<56x128xf32, #tpu.memory_space<hbm>>
        %dma_start3A_171 = arith.constant 0 : i32
        %dma_start3A_172 = tpu.memref_slice %arg4[%add3A_168, %dma_start3A_171] : memref<25088x128xf32, #tpu.memory_space<hbm>> -> memref<56x128xf32, #tpu.memory_space<hbm>>
        tpu.enqueue_dma source(%arg9 : memref<56x128xf32, #tpu.memory_space<vmem>>) target(%dma_start3A_172 : memref<56x128xf32, #tpu.memory_space<hbm>>) target_semaphore(%arg22 : memref<!tpu.dma_semaphore, #tpu.memory_space<semaphore_mem>>)
        %mul3A_173 = arith.constant 7 : i32
        %mul3A_174 = arith.muli %mul3A_85, %mul3A_173 : i32
        %add3A_175 = arith.constant 4 : i32
        %add3A_176 = arith.addi %mul3A_174, %add3A_175 : i32
        %mul3A_177 = arith.constant 56 : i32
        %mul3A_178 = arith.muli %add3A_176, %mul3A_177 : i32
        %add3A_179 = arith.addi %mul3A_2, %mul3A_178 : i32
        %dma_start3A_180 = arith.constant 0 : i32
        %dma_start3A_181 = tpu.memref_slice %arg4[%add3A_179, %dma_start3A_180] : memref<25088x128xf32, #tpu.memory_space<hbm>> -> memref<56x128xf32, #tpu.memory_space<hbm>>
        %dma_start3A_182 = arith.constant 0 : i32
        %dma_start3A_183 = tpu.memref_slice %arg4[%add3A_179, %dma_start3A_182] : memref<25088x128xf32, #tpu.memory_space<hbm>> -> memref<56x128xf32, #tpu.memory_space<hbm>>
        tpu.enqueue_dma source(%arg10 : memref<56x128xf32, #tpu.memory_space<vmem>>) target(%dma_start3A_183 : memref<56x128xf32, #tpu.memory_space<hbm>>) target_semaphore(%arg22 : memref<!tpu.dma_semaphore, #tpu.memory_space<semaphore_mem>>)
        %mul3A_184 = arith.constant 7 : i32
        %mul3A_185 = arith.muli %mul3A_85, %mul3A_184 : i32
        %add3A_186 = arith.constant 5 : i32
        %add3A_187 = arith.addi %mul3A_185, %add3A_186 : i32
        %mul3A_188 = arith.constant 56 : i32
        %mul3A_189 = arith.muli %add3A_187, %mul3A_188 : i32
        %add3A_190 = arith.addi %mul3A_2, %mul3A_189 : i32
        %dma_start3A_191 = arith.constant 0 : i32
        %dma_start3A_192 = tpu.memref_slice %arg4[%add3A_190, %dma_start3A_191] : memref<25088x128xf32, #tpu.memory_space<hbm>> -> memref<56x128xf32, #tpu.memory_space<hbm>>
        %dma_start3A_193 = arith.constant 0 : i32
        %dma_start3A_194 = tpu.memref_slice %arg4[%add3A_190, %dma_start3A_193] : memref<25088x128xf32, #tpu.memory_space<hbm>> -> memref<56x128xf32, #tpu.memory_space<hbm>>
        tpu.enqueue_dma source(%arg11 : memref<56x128xf32, #tpu.memory_space<vmem>>) target(%dma_start3A_194 : memref<56x128xf32, #tpu.memory_space<hbm>>) target_semaphore(%arg22 : memref<!tpu.dma_semaphore, #tpu.memory_space<semaphore_mem>>)
        %mul3A_195 = arith.constant 7 : i32
        %mul3A_196 = arith.muli %mul3A_85, %mul3A_195 : i32
        %add3A_197 = arith.constant 6 : i32
        %add3A_198 = arith.addi %mul3A_196, %add3A_197 : i32
        %mul3A_199 = arith.constant 56 : i32
        %mul3A_200 = arith.muli %add3A_198, %mul3A_199 : i32
        %add3A_201 = arith.addi %mul3A_2, %mul3A_200 : i32
        %dma_start3A_202 = arith.constant 0 : i32
        %dma_start3A_203 = tpu.memref_slice %arg4[%add3A_201, %dma_start3A_202] : memref<25088x128xf32, #tpu.memory_space<hbm>> -> memref<56x128xf32, #tpu.memory_space<hbm>>
        %dma_start3A_204 = arith.constant 0 : i32
        %dma_start3A_205 = tpu.memref_slice %arg4[%add3A_201, %dma_start3A_204] : memref<25088x128xf32, #tpu.memory_space<hbm>> -> memref<56x128xf32, #tpu.memory_space<hbm>>
        tpu.enqueue_dma source(%arg12 : memref<56x128xf32, #tpu.memory_space<vmem>>) target(%dma_start3A_205 : memref<56x128xf32, #tpu.memory_space<hbm>>) target_semaphore(%arg22 : memref<!tpu.dma_semaphore, #tpu.memory_space<semaphore_mem>>)
        %gt3A = arith.constant 0 : i32
        %gt3A_206 = arith.cmpi sgt, %scan3A_83, %gt3A : i32
        %convert_element_type3A_207 = arith.extui %gt3A_206 : i1 to i32
        %cond3A_208 = arith.constant 0 : i32
        %cond3A_209 = arith.cmpi ne, %convert_element_type3A_207, %cond3A_208 : i32
        scf.if %cond3A_209 {
          %dma_wait3A_433 = arith.constant 0 : i32
          %dma_wait3A_434 = tpu.memref_slice %arg4[%mul3A_2, %dma_wait3A_433] : memref<25088x128xf32, #tpu.memory_space<hbm>> -> memref<56x128xf32, #tpu.memory_space<hbm>>
          %dma_wait3A_435 = arith.constant 0 : i32
          %dma_wait3A_436 = tpu.memref_slice %arg4[%mul3A_2, %dma_wait3A_435] : memref<25088x128xf32, #tpu.memory_space<hbm>> -> memref<56x128xf32, #tpu.memory_space<hbm>>
          tpu.wait_dma2 semaphore(%arg23 : memref<!tpu.dma_semaphore, #tpu.memory_space<semaphore_mem>>) src(%arg13 : memref<56x128xf32, #tpu.memory_space<vmem>>) dst(%dma_wait3A_436 : memref<56x128xf32, #tpu.memory_space<hbm>>)
          %dma_wait3A_437 = arith.constant 0 : i32
          %dma_wait3A_438 = tpu.memref_slice %arg4[%mul3A_2, %dma_wait3A_437] : memref<25088x128xf32, #tpu.memory_space<hbm>> -> memref<56x128xf32, #tpu.memory_space<hbm>>
          %dma_wait3A_439 = arith.constant 0 : i32
          %dma_wait3A_440 = tpu.memref_slice %arg4[%mul3A_2, %dma_wait3A_439] : memref<25088x128xf32, #tpu.memory_space<hbm>> -> memref<56x128xf32, #tpu.memory_space<hbm>>
          tpu.wait_dma2 semaphore(%arg23 : memref<!tpu.dma_semaphore, #tpu.memory_space<semaphore_mem>>) src(%arg14 : memref<56x128xf32, #tpu.memory_space<vmem>>) dst(%dma_wait3A_440 : memref<56x128xf32, #tpu.memory_space<hbm>>)
          %dma_wait3A_441 = arith.constant 0 : i32
          %dma_wait3A_442 = tpu.memref_slice %arg4[%mul3A_2, %dma_wait3A_441] : memref<25088x128xf32, #tpu.memory_space<hbm>> -> memref<56x128xf32, #tpu.memory_space<hbm>>
          %dma_wait3A_443 = arith.constant 0 : i32
          %dma_wait3A_444 = tpu.memref_slice %arg4[%mul3A_2, %dma_wait3A_443] : memref<25088x128xf32, #tpu.memory_space<hbm>> -> memref<56x128xf32, #tpu.memory_space<hbm>>
          tpu.wait_dma2 semaphore(%arg23 : memref<!tpu.dma_semaphore, #tpu.memory_space<semaphore_mem>>) src(%arg15 : memref<56x128xf32, #tpu.memory_space<vmem>>) dst(%dma_wait3A_444 : memref<56x128xf32, #tpu.memory_space<hbm>>)
          %dma_wait3A_445 = arith.constant 0 : i32
          %dma_wait3A_446 = tpu.memref_slice %arg4[%mul3A_2, %dma_wait3A_445] : memref<25088x128xf32, #tpu.memory_space<hbm>> -> memref<56x128xf32, #tpu.memory_space<hbm>>
          %dma_wait3A_447 = arith.constant 0 : i32
          %dma_wait3A_448 = tpu.memref_slice %arg4[%mul3A_2, %dma_wait3A_447] : memref<25088x128xf32, #tpu.memory_space<hbm>> -> memref<56x128xf32, #tpu.memory_space<hbm>>
          tpu.wait_dma2 semaphore(%arg23 : memref<!tpu.dma_semaphore, #tpu.memory_space<semaphore_mem>>) src(%arg16 : memref<56x128xf32, #tpu.memory_space<vmem>>) dst(%dma_wait3A_448 : memref<56x128xf32, #tpu.memory_space<hbm>>)
          %dma_wait3A_449 = arith.constant 0 : i32
          %dma_wait3A_450 = tpu.memref_slice %arg4[%mul3A_2, %dma_wait3A_449] : memref<25088x128xf32, #tpu.memory_space<hbm>> -> memref<56x128xf32, #tpu.memory_space<hbm>>
          %dma_wait3A_451 = arith.constant 0 : i32
          %dma_wait3A_452 = tpu.memref_slice %arg4[%mul3A_2, %dma_wait3A_451] : memref<25088x128xf32, #tpu.memory_space<hbm>> -> memref<56x128xf32, #tpu.memory_space<hbm>>
          tpu.wait_dma2 semaphore(%arg23 : memref<!tpu.dma_semaphore, #tpu.memory_space<semaphore_mem>>) src(%arg17 : memref<56x128xf32, #tpu.memory_space<vmem>>) dst(%dma_wait3A_452 : memref<56x128xf32, #tpu.memory_space<hbm>>)
          %dma_wait3A_453 = arith.constant 0 : i32
          %dma_wait3A_454 = tpu.memref_slice %arg4[%mul3A_2, %dma_wait3A_453] : memref<25088x128xf32, #tpu.memory_space<hbm>> -> memref<56x128xf32, #tpu.memory_space<hbm>>
          %dma_wait3A_455 = arith.constant 0 : i32
          %dma_wait3A_456 = tpu.memref_slice %arg4[%mul3A_2, %dma_wait3A_455] : memref<25088x128xf32, #tpu.memory_space<hbm>> -> memref<56x128xf32, #tpu.memory_space<hbm>>
          tpu.wait_dma2 semaphore(%arg23 : memref<!tpu.dma_semaphore, #tpu.memory_space<semaphore_mem>>) src(%arg18 : memref<56x128xf32, #tpu.memory_space<vmem>>) dst(%dma_wait3A_456 : memref<56x128xf32, #tpu.memory_space<hbm>>)
          %dma_wait3A_457 = arith.constant 0 : i32
          %dma_wait3A_458 = tpu.memref_slice %arg4[%mul3A_2, %dma_wait3A_457] : memref<25088x128xf32, #tpu.memory_space<hbm>> -> memref<56x128xf32, #tpu.memory_space<hbm>>
          %dma_wait3A_459 = arith.constant 0 : i32
          %dma_wait3A_460 = tpu.memref_slice %arg4[%mul3A_2, %dma_wait3A_459] : memref<25088x128xf32, #tpu.memory_space<hbm>> -> memref<56x128xf32, #tpu.memory_space<hbm>>
          tpu.wait_dma2 semaphore(%arg23 : memref<!tpu.dma_semaphore, #tpu.memory_space<semaphore_mem>>) src(%arg19 : memref<56x128xf32, #tpu.memory_space<vmem>>) dst(%dma_wait3A_460 : memref<56x128xf32, #tpu.memory_space<hbm>>)
        } else {
        }
        %mul3A_210 = arith.constant 7 : i32
        %mul3A_211 = arith.muli %add3A_86, %mul3A_210 : i32
        %add3A_212 = arith.constant 0 : i32
        %add3A_213 = arith.addi %mul3A_211, %add3A_212 : i32
        %dma_start3A_214 = arith.constant 0 : i32
        %dma_start3A_215 = tpu.memref_slice %arg5[%add3A_213, %dma_start3A_214] : memref<28x56xi32, #tpu.memory_space<vmem>> -> memref<1x56xi32, #tpu.memory_space<vmem>>
        %dma_start3A_216 = tpu.memref_squeeze %dma_start3A_215 : memref<1x56xi32, #tpu.memory_space<vmem>> -> memref<56xi32, #tpu.memory_space<vmem>>
        %dma_start3A_217 = arith.constant 0 : i32
        %dma_start3A_218 = arith.constant 0 : i32
        %dma_start3A_219 = tpu.memref_slice %arg2[%dma_start3A_217, %dma_start3A_218] : memref<25000x128xf32, #tpu.memory_space<hbm>> -> memref<25000x128xf32, #tpu.memory_space<hbm>>
        tpu.enqueue_indirect_dma source(%dma_start3A_219 : memref<25000x128xf32, #tpu.memory_space<hbm>>) target(%arg13 : memref<56x128xf32, #tpu.memory_space<vmem>>) offsets(%dma_start3A_216 : memref<56xi32, #tpu.memory_space<vmem>>) semaphore(%arg21 : memref<!tpu.dma_semaphore, #tpu.memory_space<semaphore_mem>>)
        %mul3A_220 = arith.constant 7 : i32
        %mul3A_221 = arith.muli %add3A_86, %mul3A_220 : i32
        %add3A_222 = arith.constant 1 : i32
        %add3A_223 = arith.addi %mul3A_221, %add3A_222 : i32
        %dma_start3A_224 = arith.constant 0 : i32
        %dma_start3A_225 = tpu.memref_slice %arg5[%add3A_223, %dma_start3A_224] : memref<28x56xi32, #tpu.memory_space<vmem>> -> memref<1x56xi32, #tpu.memory_space<vmem>>
        %dma_start3A_226 = tpu.memref_squeeze %dma_start3A_225 : memref<1x56xi32, #tpu.memory_space<vmem>> -> memref<56xi32, #tpu.memory_space<vmem>>
        %dma_start3A_227 = arith.constant 0 : i32
        %dma_start3A_228 = arith.constant 0 : i32
        %dma_start3A_229 = tpu.memref_slice %arg2[%dma_start3A_227, %dma_start3A_228] : memref<25000x128xf32, #tpu.memory_space<hbm>> -> memref<25000x128xf32, #tpu.memory_space<hbm>>
        tpu.enqueue_indirect_dma source(%dma_start3A_229 : memref<25000x128xf32, #tpu.memory_space<hbm>>) target(%arg14 : memref<56x128xf32, #tpu.memory_space<vmem>>) offsets(%dma_start3A_226 : memref<56xi32, #tpu.memory_space<vmem>>) semaphore(%arg21 : memref<!tpu.dma_semaphore, #tpu.memory_space<semaphore_mem>>)
        %mul3A_230 = arith.constant 7 : i32
        %mul3A_231 = arith.muli %add3A_86, %mul3A_230 : i32
        %add3A_232 = arith.constant 2 : i32
        %add3A_233 = arith.addi %mul3A_231, %add3A_232 : i32
        %dma_start3A_234 = arith.constant 0 : i32
        %dma_start3A_235 = tpu.memref_slice %arg5[%add3A_233, %dma_start3A_234] : memref<28x56xi32, #tpu.memory_space<vmem>> -> memref<1x56xi32, #tpu.memory_space<vmem>>
        %dma_start3A_236 = tpu.memref_squeeze %dma_start3A_235 : memref<1x56xi32, #tpu.memory_space<vmem>> -> memref<56xi32, #tpu.memory_space<vmem>>
        %dma_start3A_237 = arith.constant 0 : i32
        %dma_start3A_238 = arith.constant 0 : i32
        %dma_start3A_239 = tpu.memref_slice %arg2[%dma_start3A_237, %dma_start3A_238] : memref<25000x128xf32, #tpu.memory_space<hbm>> -> memref<25000x128xf32, #tpu.memory_space<hbm>>
        tpu.enqueue_indirect_dma source(%dma_start3A_239 : memref<25000x128xf32, #tpu.memory_space<hbm>>) target(%arg15 : memref<56x128xf32, #tpu.memory_space<vmem>>) offsets(%dma_start3A_236 : memref<56xi32, #tpu.memory_space<vmem>>) semaphore(%arg21 : memref<!tpu.dma_semaphore, #tpu.memory_space<semaphore_mem>>)
        %mul3A_240 = arith.constant 7 : i32
        %mul3A_241 = arith.muli %add3A_86, %mul3A_240 : i32
        %add3A_242 = arith.constant 3 : i32
        %add3A_243 = arith.addi %mul3A_241, %add3A_242 : i32
        %dma_start3A_244 = arith.constant 0 : i32
        %dma_start3A_245 = tpu.memref_slice %arg5[%add3A_243, %dma_start3A_244] : memref<28x56xi32, #tpu.memory_space<vmem>> -> memref<1x56xi32, #tpu.memory_space<vmem>>
        %dma_start3A_246 = tpu.memref_squeeze %dma_start3A_245 : memref<1x56xi32, #tpu.memory_space<vmem>> -> memref<56xi32, #tpu.memory_space<vmem>>
        %dma_start3A_247 = arith.constant 0 : i32
        %dma_start3A_248 = arith.constant 0 : i32
        %dma_start3A_249 = tpu.memref_slice %arg2[%dma_start3A_247, %dma_start3A_248] : memref<25000x128xf32, #tpu.memory_space<hbm>> -> memref<25000x128xf32, #tpu.memory_space<hbm>>
        tpu.enqueue_indirect_dma source(%dma_start3A_249 : memref<25000x128xf32, #tpu.memory_space<hbm>>) target(%arg16 : memref<56x128xf32, #tpu.memory_space<vmem>>) offsets(%dma_start3A_246 : memref<56xi32, #tpu.memory_space<vmem>>) semaphore(%arg21 : memref<!tpu.dma_semaphore, #tpu.memory_space<semaphore_mem>>)
        %mul3A_250 = arith.constant 7 : i32
        %mul3A_251 = arith.muli %add3A_86, %mul3A_250 : i32
        %add3A_252 = arith.constant 4 : i32
        %add3A_253 = arith.addi %mul3A_251, %add3A_252 : i32
        %dma_start3A_254 = arith.constant 0 : i32
        %dma_start3A_255 = tpu.memref_slice %arg5[%add3A_253, %dma_start3A_254] : memref<28x56xi32, #tpu.memory_space<vmem>> -> memref<1x56xi32, #tpu.memory_space<vmem>>
        %dma_start3A_256 = tpu.memref_squeeze %dma_start3A_255 : memref<1x56xi32, #tpu.memory_space<vmem>> -> memref<56xi32, #tpu.memory_space<vmem>>
        %dma_start3A_257 = arith.constant 0 : i32
        %dma_start3A_258 = arith.constant 0 : i32
        %dma_start3A_259 = tpu.memref_slice %arg2[%dma_start3A_257, %dma_start3A_258] : memref<25000x128xf32, #tpu.memory_space<hbm>> -> memref<25000x128xf32, #tpu.memory_space<hbm>>
        tpu.enqueue_indirect_dma source(%dma_start3A_259 : memref<25000x128xf32, #tpu.memory_space<hbm>>) target(%arg17 : memref<56x128xf32, #tpu.memory_space<vmem>>) offsets(%dma_start3A_256 : memref<56xi32, #tpu.memory_space<vmem>>) semaphore(%arg21 : memref<!tpu.dma_semaphore, #tpu.memory_space<semaphore_mem>>)
        %mul3A_260 = arith.constant 7 : i32
        %mul3A_261 = arith.muli %add3A_86, %mul3A_260 : i32
        %add3A_262 = arith.constant 5 : i32
        %add3A_263 = arith.addi %mul3A_261, %add3A_262 : i32
        %dma_start3A_264 = arith.constant 0 : i32
        %dma_start3A_265 = tpu.memref_slice %arg5[%add3A_263, %dma_start3A_264] : memref<28x56xi32, #tpu.memory_space<vmem>> -> memref<1x56xi32, #tpu.memory_space<vmem>>
        %dma_start3A_266 = tpu.memref_squeeze %dma_start3A_265 : memref<1x56xi32, #tpu.memory_space<vmem>> -> memref<56xi32, #tpu.memory_space<vmem>>
        %dma_start3A_267 = arith.constant 0 : i32
        %dma_start3A_268 = arith.constant 0 : i32
        %dma_start3A_269 = tpu.memref_slice %arg2[%dma_start3A_267, %dma_start3A_268] : memref<25000x128xf32, #tpu.memory_space<hbm>> -> memref<25000x128xf32, #tpu.memory_space<hbm>>
        tpu.enqueue_indirect_dma source(%dma_start3A_269 : memref<25000x128xf32, #tpu.memory_space<hbm>>) target(%arg18 : memref<56x128xf32, #tpu.memory_space<vmem>>) offsets(%dma_start3A_266 : memref<56xi32, #tpu.memory_space<vmem>>) semaphore(%arg21 : memref<!tpu.dma_semaphore, #tpu.memory_space<semaphore_mem>>)
        %mul3A_270 = arith.constant 7 : i32
        %mul3A_271 = arith.muli %add3A_86, %mul3A_270 : i32
        %add3A_272 = arith.constant 6 : i32
        %add3A_273 = arith.addi %mul3A_271, %add3A_272 : i32
        %dma_start3A_274 = arith.constant 0 : i32
        %dma_start3A_275 = tpu.memref_slice %arg5[%add3A_273, %dma_start3A_274] : memref<28x56xi32, #tpu.memory_space<vmem>> -> memref<1x56xi32, #tpu.memory_space<vmem>>
        %dma_start3A_276 = tpu.memref_squeeze %dma_start3A_275 : memref<1x56xi32, #tpu.memory_space<vmem>> -> memref<56xi32, #tpu.memory_space<vmem>>
        %dma_start3A_277 = arith.constant 0 : i32
        %dma_start3A_278 = arith.constant 0 : i32
        %dma_start3A_279 = tpu.memref_slice %arg2[%dma_start3A_277, %dma_start3A_278] : memref<25000x128xf32, #tpu.memory_space<hbm>> -> memref<25000x128xf32, #tpu.memory_space<hbm>>
        tpu.enqueue_indirect_dma source(%dma_start3A_279 : memref<25000x128xf32, #tpu.memory_space<hbm>>) target(%arg19 : memref<56x128xf32, #tpu.memory_space<vmem>>) offsets(%dma_start3A_276 : memref<56xi32, #tpu.memory_space<vmem>>) semaphore(%arg21 : memref<!tpu.dma_semaphore, #tpu.memory_space<semaphore_mem>>)
        %dma_wait3A_280 = arith.constant 0 : i32
        %dma_wait3A_281 = tpu.memref_slice %arg5[%add3A_213, %dma_wait3A_280] : memref<28x56xi32, #tpu.memory_space<vmem>> -> memref<1x56xi32, #tpu.memory_space<vmem>>
        %dma_wait3A_282 = tpu.memref_squeeze %dma_wait3A_281 : memref<1x56xi32, #tpu.memory_space<vmem>> -> memref<56xi32, #tpu.memory_space<vmem>>
        %dma_wait3A_283 = arith.constant 0 : i32
        %dma_wait3A_284 = arith.constant 0 : i32
        %dma_wait3A_285 = tpu.memref_slice %arg2[%dma_wait3A_283, %dma_wait3A_284] : memref<25000x128xf32, #tpu.memory_space<hbm>> -> memref<25000x128xf32, #tpu.memory_space<hbm>>
        tpu.wait_indirect_dma semaphore(%arg21 : memref<!tpu.dma_semaphore, #tpu.memory_space<semaphore_mem>>) src(%dma_wait3A_285 : memref<25000x128xf32, #tpu.memory_space<hbm>>) dst(%arg13 : memref<56x128xf32, #tpu.memory_space<vmem>>)
        %dma_wait3A_286 = arith.constant 0 : i32
        %dma_wait3A_287 = tpu.memref_slice %arg5[%add3A_223, %dma_wait3A_286] : memref<28x56xi32, #tpu.memory_space<vmem>> -> memref<1x56xi32, #tpu.memory_space<vmem>>
        %dma_wait3A_288 = tpu.memref_squeeze %dma_wait3A_287 : memref<1x56xi32, #tpu.memory_space<vmem>> -> memref<56xi32, #tpu.memory_space<vmem>>
        %dma_wait3A_289 = arith.constant 0 : i32
        %dma_wait3A_290 = arith.constant 0 : i32
        %dma_wait3A_291 = tpu.memref_slice %arg2[%dma_wait3A_289, %dma_wait3A_290] : memref<25000x128xf32, #tpu.memory_space<hbm>> -> memref<25000x128xf32, #tpu.memory_space<hbm>>
        tpu.wait_indirect_dma semaphore(%arg21 : memref<!tpu.dma_semaphore, #tpu.memory_space<semaphore_mem>>) src(%dma_wait3A_291 : memref<25000x128xf32, #tpu.memory_space<hbm>>) dst(%arg14 : memref<56x128xf32, #tpu.memory_space<vmem>>)
        %dma_wait3A_292 = arith.constant 0 : i32
        %dma_wait3A_293 = tpu.memref_slice %arg5[%add3A_233, %dma_wait3A_292] : memref<28x56xi32, #tpu.memory_space<vmem>> -> memref<1x56xi32, #tpu.memory_space<vmem>>
        %dma_wait3A_294 = tpu.memref_squeeze %dma_wait3A_293 : memref<1x56xi32, #tpu.memory_space<vmem>> -> memref<56xi32, #tpu.memory_space<vmem>>
        %dma_wait3A_295 = arith.constant 0 : i32
        %dma_wait3A_296 = arith.constant 0 : i32
        %dma_wait3A_297 = tpu.memref_slice %arg2[%dma_wait3A_295, %dma_wait3A_296] : memref<25000x128xf32, #tpu.memory_space<hbm>> -> memref<25000x128xf32, #tpu.memory_space<hbm>>
        tpu.wait_indirect_dma semaphore(%arg21 : memref<!tpu.dma_semaphore, #tpu.memory_space<semaphore_mem>>) src(%dma_wait3A_297 : memref<25000x128xf32, #tpu.memory_space<hbm>>) dst(%arg15 : memref<56x128xf32, #tpu.memory_space<vmem>>)
        %dma_wait3A_298 = arith.constant 0 : i32
        %dma_wait3A_299 = tpu.memref_slice %arg5[%add3A_243, %dma_wait3A_298] : memref<28x56xi32, #tpu.memory_space<vmem>> -> memref<1x56xi32, #tpu.memory_space<vmem>>
        %dma_wait3A_300 = tpu.memref_squeeze %dma_wait3A_299 : memref<1x56xi32, #tpu.memory_space<vmem>> -> memref<56xi32, #tpu.memory_space<vmem>>
        %dma_wait3A_301 = arith.constant 0 : i32
        %dma_wait3A_302 = arith.constant 0 : i32
        %dma_wait3A_303 = tpu.memref_slice %arg2[%dma_wait3A_301, %dma_wait3A_302] : memref<25000x128xf32, #tpu.memory_space<hbm>> -> memref<25000x128xf32, #tpu.memory_space<hbm>>
        tpu.wait_indirect_dma semaphore(%arg21 : memref<!tpu.dma_semaphore, #tpu.memory_space<semaphore_mem>>) src(%dma_wait3A_303 : memref<25000x128xf32, #tpu.memory_space<hbm>>) dst(%arg16 : memref<56x128xf32, #tpu.memory_space<vmem>>)
        %dma_wait3A_304 = arith.constant 0 : i32
        %dma_wait3A_305 = tpu.memref_slice %arg5[%add3A_253, %dma_wait3A_304] : memref<28x56xi32, #tpu.memory_space<vmem>> -> memref<1x56xi32, #tpu.memory_space<vmem>>
        %dma_wait3A_306 = tpu.memref_squeeze %dma_wait3A_305 : memref<1x56xi32, #tpu.memory_space<vmem>> -> memref<56xi32, #tpu.memory_space<vmem>>
        %dma_wait3A_307 = arith.constant 0 : i32
        %dma_wait3A_308 = arith.constant 0 : i32
        %dma_wait3A_309 = tpu.memref_slice %arg2[%dma_wait3A_307, %dma_wait3A_308] : memref<25000x128xf32, #tpu.memory_space<hbm>> -> memref<25000x128xf32, #tpu.memory_space<hbm>>
        tpu.wait_indirect_dma semaphore(%arg21 : memref<!tpu.dma_semaphore, #tpu.memory_space<semaphore_mem>>) src(%dma_wait3A_309 : memref<25000x128xf32, #tpu.memory_space<hbm>>) dst(%arg17 : memref<56x128xf32, #tpu.memory_space<vmem>>)
        %dma_wait3A_310 = arith.constant 0 : i32
        %dma_wait3A_311 = tpu.memref_slice %arg5[%add3A_263, %dma_wait3A_310] : memref<28x56xi32, #tpu.memory_space<vmem>> -> memref<1x56xi32, #tpu.memory_space<vmem>>
        %dma_wait3A_312 = tpu.memref_squeeze %dma_wait3A_311 : memref<1x56xi32, #tpu.memory_space<vmem>> -> memref<56xi32, #tpu.memory_space<vmem>>
        %dma_wait3A_313 = arith.constant 0 : i32
        %dma_wait3A_314 = arith.constant 0 : i32
        %dma_wait3A_315 = tpu.memref_slice %arg2[%dma_wait3A_313, %dma_wait3A_314] : memref<25000x128xf32, #tpu.memory_space<hbm>> -> memref<25000x128xf32, #tpu.memory_space<hbm>>
        tpu.wait_indirect_dma semaphore(%arg21 : memref<!tpu.dma_semaphore, #tpu.memory_space<semaphore_mem>>) src(%dma_wait3A_315 : memref<25000x128xf32, #tpu.memory_space<hbm>>) dst(%arg18 : memref<56x128xf32, #tpu.memory_space<vmem>>)
        %dma_wait3A_316 = arith.constant 0 : i32
        %dma_wait3A_317 = tpu.memref_slice %arg5[%add3A_273, %dma_wait3A_316] : memref<28x56xi32, #tpu.memory_space<vmem>> -> memref<1x56xi32, #tpu.memory_space<vmem>>
        %dma_wait3A_318 = tpu.memref_squeeze %dma_wait3A_317 : memref<1x56xi32, #tpu.memory_space<vmem>> -> memref<56xi32, #tpu.memory_space<vmem>>
        %dma_wait3A_319 = arith.constant 0 : i32
        %dma_wait3A_320 = arith.constant 0 : i32
        %dma_wait3A_321 = tpu.memref_slice %arg2[%dma_wait3A_319, %dma_wait3A_320] : memref<25000x128xf32, #tpu.memory_space<hbm>> -> memref<25000x128xf32, #tpu.memory_space<hbm>>
        tpu.wait_indirect_dma semaphore(%arg21 : memref<!tpu.dma_semaphore, #tpu.memory_space<semaphore_mem>>) src(%dma_wait3A_321 : memref<25000x128xf32, #tpu.memory_space<hbm>>) dst(%arg19 : memref<56x128xf32, #tpu.memory_space<vmem>>)
        %mul3A_322 = arith.constant 7 : i32
        %mul3A_323 = arith.muli %add3A_86, %mul3A_322 : i32
        %add3A_324 = arith.constant 0 : i32
        %add3A_325 = arith.addi %mul3A_323, %add3A_324 : i32
        %mul3A_326 = arith.constant 56 : i32
        %mul3A_327 = arith.muli %add3A_325, %mul3A_326 : i32
        %add3A_328 = arith.addi %mul3A_2, %mul3A_327 : i32
        %dma_start3A_329 = arith.constant 0 : i32
        %dma_start3A_330 = tpu.memref_slice %arg4[%add3A_328, %dma_start3A_329] : memref<25088x128xf32, #tpu.memory_space<hbm>> -> memref<56x128xf32, #tpu.memory_space<hbm>>
        %dma_start3A_331 = arith.constant 0 : i32
        %dma_start3A_332 = tpu.memref_slice %arg4[%add3A_328, %dma_start3A_331] : memref<25088x128xf32, #tpu.memory_space<hbm>> -> memref<56x128xf32, #tpu.memory_space<hbm>>
        tpu.enqueue_dma source(%arg13 : memref<56x128xf32, #tpu.memory_space<vmem>>) target(%dma_start3A_332 : memref<56x128xf32, #tpu.memory_space<hbm>>) target_semaphore(%arg23 : memref<!tpu.dma_semaphore, #tpu.memory_space<semaphore_mem>>)
        %mul3A_333 = arith.constant 7 : i32
        %mul3A_334 = arith.muli %add3A_86, %mul3A_333 : i32
        %add3A_335 = arith.constant 1 : i32
        %add3A_336 = arith.addi %mul3A_334, %add3A_335 : i32
        %mul3A_337 = arith.constant 56 : i32
        %mul3A_338 = arith.muli %add3A_336, %mul3A_337 : i32
        %add3A_339 = arith.addi %mul3A_2, %mul3A_338 : i32
        %dma_start3A_340 = arith.constant 0 : i32
        %dma_start3A_341 = tpu.memref_slice %arg4[%add3A_339, %dma_start3A_340] : memref<25088x128xf32, #tpu.memory_space<hbm>> -> memref<56x128xf32, #tpu.memory_space<hbm>>
        %dma_start3A_342 = arith.constant 0 : i32
        %dma_start3A_343 = tpu.memref_slice %arg4[%add3A_339, %dma_start3A_342] : memref<25088x128xf32, #tpu.memory_space<hbm>> -> memref<56x128xf32, #tpu.memory_space<hbm>>
        tpu.enqueue_dma source(%arg14 : memref<56x128xf32, #tpu.memory_space<vmem>>) target(%dma_start3A_343 : memref<56x128xf32, #tpu.memory_space<hbm>>) target_semaphore(%arg23 : memref<!tpu.dma_semaphore, #tpu.memory_space<semaphore_mem>>)
        %mul3A_344 = arith.constant 7 : i32
        %mul3A_345 = arith.muli %add3A_86, %mul3A_344 : i32
        %add3A_346 = arith.constant 2 : i32
        %add3A_347 = arith.addi %mul3A_345, %add3A_346 : i32
        %mul3A_348 = arith.constant 56 : i32
        %mul3A_349 = arith.muli %add3A_347, %mul3A_348 : i32
        %add3A_350 = arith.addi %mul3A_2, %mul3A_349 : i32
        %dma_start3A_351 = arith.constant 0 : i32
        %dma_start3A_352 = tpu.memref_slice %arg4[%add3A_350, %dma_start3A_351] : memref<25088x128xf32, #tpu.memory_space<hbm>> -> memref<56x128xf32, #tpu.memory_space<hbm>>
        %dma_start3A_353 = arith.constant 0 : i32
        %dma_start3A_354 = tpu.memref_slice %arg4[%add3A_350, %dma_start3A_353] : memref<25088x128xf32, #tpu.memory_space<hbm>> -> memref<56x128xf32, #tpu.memory_space<hbm>>
        tpu.enqueue_dma source(%arg15 : memref<56x128xf32, #tpu.memory_space<vmem>>) target(%dma_start3A_354 : memref<56x128xf32, #tpu.memory_space<hbm>>) target_semaphore(%arg23 : memref<!tpu.dma_semaphore, #tpu.memory_space<semaphore_mem>>)
        %mul3A_355 = arith.constant 7 : i32
        %mul3A_356 = arith.muli %add3A_86, %mul3A_355 : i32
        %add3A_357 = arith.constant 3 : i32
        %add3A_358 = arith.addi %mul3A_356, %add3A_357 : i32
        %mul3A_359 = arith.constant 56 : i32
        %mul3A_360 = arith.muli %add3A_358, %mul3A_359 : i32
        %add3A_361 = arith.addi %mul3A_2, %mul3A_360 : i32
        %dma_start3A_362 = arith.constant 0 : i32
        %dma_start3A_363 = tpu.memref_slice %arg4[%add3A_361, %dma_start3A_362] : memref<25088x128xf32, #tpu.memory_space<hbm>> -> memref<56x128xf32, #tpu.memory_space<hbm>>
        %dma_start3A_364 = arith.constant 0 : i32
        %dma_start3A_365 = tpu.memref_slice %arg4[%add3A_361, %dma_start3A_364] : memref<25088x128xf32, #tpu.memory_space<hbm>> -> memref<56x128xf32, #tpu.memory_space<hbm>>
        tpu.enqueue_dma source(%arg16 : memref<56x128xf32, #tpu.memory_space<vmem>>) target(%dma_start3A_365 : memref<56x128xf32, #tpu.memory_space<hbm>>) target_semaphore(%arg23 : memref<!tpu.dma_semaphore, #tpu.memory_space<semaphore_mem>>)
        %mul3A_366 = arith.constant 7 : i32
        %mul3A_367 = arith.muli %add3A_86, %mul3A_366 : i32
        %add3A_368 = arith.constant 4 : i32
        %add3A_369 = arith.addi %mul3A_367, %add3A_368 : i32
        %mul3A_370 = arith.constant 56 : i32
        %mul3A_371 = arith.muli %add3A_369, %mul3A_370 : i32
        %add3A_372 = arith.addi %mul3A_2, %mul3A_371 : i32
        %dma_start3A_373 = arith.constant 0 : i32
        %dma_start3A_374 = tpu.memref_slice %arg4[%add3A_372, %dma_start3A_373] : memref<25088x128xf32, #tpu.memory_space<hbm>> -> memref<56x128xf32, #tpu.memory_space<hbm>>
        %dma_start3A_375 = arith.constant 0 : i32
        %dma_start3A_376 = tpu.memref_slice %arg4[%add3A_372, %dma_start3A_375] : memref<25088x128xf32, #tpu.memory_space<hbm>> -> memref<56x128xf32, #tpu.memory_space<hbm>>
        tpu.enqueue_dma source(%arg17 : memref<56x128xf32, #tpu.memory_space<vmem>>) target(%dma_start3A_376 : memref<56x128xf32, #tpu.memory_space<hbm>>) target_semaphore(%arg23 : memref<!tpu.dma_semaphore, #tpu.memory_space<semaphore_mem>>)
        %mul3A_377 = arith.constant 7 : i32
        %mul3A_378 = arith.muli %add3A_86, %mul3A_377 : i32
        %add3A_379 = arith.constant 5 : i32
        %add3A_380 = arith.addi %mul3A_378, %add3A_379 : i32
        %mul3A_381 = arith.constant 56 : i32
        %mul3A_382 = arith.muli %add3A_380, %mul3A_381 : i32
        %add3A_383 = arith.addi %mul3A_2, %mul3A_382 : i32
        %dma_start3A_384 = arith.constant 0 : i32
        %dma_start3A_385 = tpu.memref_slice %arg4[%add3A_383, %dma_start3A_384] : memref<25088x128xf32, #tpu.memory_space<hbm>> -> memref<56x128xf32, #tpu.memory_space<hbm>>
        %dma_start3A_386 = arith.constant 0 : i32
        %dma_start3A_387 = tpu.memref_slice %arg4[%add3A_383, %dma_start3A_386] : memref<25088x128xf32, #tpu.memory_space<hbm>> -> memref<56x128xf32, #tpu.memory_space<hbm>>
        tpu.enqueue_dma source(%arg18 : memref<56x128xf32, #tpu.memory_space<vmem>>) target(%dma_start3A_387 : memref<56x128xf32, #tpu.memory_space<hbm>>) target_semaphore(%arg23 : memref<!tpu.dma_semaphore, #tpu.memory_space<semaphore_mem>>)
        %mul3A_388 = arith.constant 7 : i32
        %mul3A_389 = arith.muli %add3A_86, %mul3A_388 : i32
        %add3A_390 = arith.constant 6 : i32
        %add3A_391 = arith.addi %mul3A_389, %add3A_390 : i32
        %mul3A_392 = arith.constant 56 : i32
        %mul3A_393 = arith.muli %add3A_391, %mul3A_392 : i32
        %add3A_394 = arith.addi %mul3A_2, %mul3A_393 : i32
        %dma_start3A_395 = arith.constant 0 : i32
        %dma_start3A_396 = tpu.memref_slice %arg4[%add3A_394, %dma_start3A_395] : memref<25088x128xf32, #tpu.memory_space<hbm>> -> memref<56x128xf32, #tpu.memory_space<hbm>>
        %dma_start3A_397 = arith.constant 0 : i32
        %dma_start3A_398 = tpu.memref_slice %arg4[%add3A_394, %dma_start3A_397] : memref<25088x128xf32, #tpu.memory_space<hbm>> -> memref<56x128xf32, #tpu.memory_space<hbm>>
        tpu.enqueue_dma source(%arg19 : memref<56x128xf32, #tpu.memory_space<vmem>>) target(%dma_start3A_398 : memref<56x128xf32, #tpu.memory_space<hbm>>) target_semaphore(%arg23 : memref<!tpu.dma_semaphore, #tpu.memory_space<semaphore_mem>>)
        %dma_wait3A_399 = arith.constant 0 : i32
        %dma_wait3A_400 = tpu.memref_slice %arg4[%add3A_135, %dma_wait3A_399] : memref<25088x128xf32, #tpu.memory_space<hbm>> -> memref<56x128xf32, #tpu.memory_space<hbm>>
        %dma_wait3A_401 = arith.constant 0 : i32
        %dma_wait3A_402 = tpu.memref_slice %arg4[%add3A_135, %dma_wait3A_401] : memref<25088x128xf32, #tpu.memory_space<hbm>> -> memref<56x128xf32, #tpu.memory_space<hbm>>
        tpu.wait_dma2 semaphore(%arg22 : memref<!tpu.dma_semaphore, #tpu.memory_space<semaphore_mem>>) src(%arg6 : memref<56x128xf32, #tpu.memory_space<vmem>>) dst(%dma_wait3A_402 : memref<56x128xf32, #tpu.memory_space<hbm>>)
        %dma_wait3A_403 = arith.constant 0 : i32
        %dma_wait3A_404 = tpu.memref_slice %arg4[%add3A_146, %dma_wait3A_403] : memref<25088x128xf32, #tpu.memory_space<hbm>> -> memref<56x128xf32, #tpu.memory_space<hbm>>
        %dma_wait3A_405 = arith.constant 0 : i32
        %dma_wait3A_406 = tpu.memref_slice %arg4[%add3A_146, %dma_wait3A_405] : memref<25088x128xf32, #tpu.memory_space<hbm>> -> memref<56x128xf32, #tpu.memory_space<hbm>>
        tpu.wait_dma2 semaphore(%arg22 : memref<!tpu.dma_semaphore, #tpu.memory_space<semaphore_mem>>) src(%arg7 : memref<56x128xf32, #tpu.memory_space<vmem>>) dst(%dma_wait3A_406 : memref<56x128xf32, #tpu.memory_space<hbm>>)
        %dma_wait3A_407 = arith.constant 0 : i32
        %dma_wait3A_408 = tpu.memref_slice %arg4[%add3A_157, %dma_wait3A_407] : memref<25088x128xf32, #tpu.memory_space<hbm>> -> memref<56x128xf32, #tpu.memory_space<hbm>>
        %dma_wait3A_409 = arith.constant 0 : i32
        %dma_wait3A_410 = tpu.memref_slice %arg4[%add3A_157, %dma_wait3A_409] : memref<25088x128xf32, #tpu.memory_space<hbm>> -> memref<56x128xf32, #tpu.memory_space<hbm>>
        tpu.wait_dma2 semaphore(%arg22 : memref<!tpu.dma_semaphore, #tpu.memory_space<semaphore_mem>>) src(%arg8 : memref<56x128xf32, #tpu.memory_space<vmem>>) dst(%dma_wait3A_410 : memref<56x128xf32, #tpu.memory_space<hbm>>)
        %dma_wait3A_411 = arith.constant 0 : i32
        %dma_wait3A_412 = tpu.memref_slice %arg4[%add3A_168, %dma_wait3A_411] : memref<25088x128xf32, #tpu.memory_space<hbm>> -> memref<56x128xf32, #tpu.memory_space<hbm>>
        %dma_wait3A_413 = arith.constant 0 : i32
        %dma_wait3A_414 = tpu.memref_slice %arg4[%add3A_168, %dma_wait3A_413] : memref<25088x128xf32, #tpu.memory_space<hbm>> -> memref<56x128xf32, #tpu.memory_space<hbm>>
        tpu.wait_dma2 semaphore(%arg22 : memref<!tpu.dma_semaphore, #tpu.memory_space<semaphore_mem>>) src(%arg9 : memref<56x128xf32, #tpu.memory_space<vmem>>) dst(%dma_wait3A_414 : memref<56x128xf32, #tpu.memory_space<hbm>>)
        %dma_wait3A_415 = arith.constant 0 : i32
        %dma_wait3A_416 = tpu.memref_slice %arg4[%add3A_179, %dma_wait3A_415] : memref<25088x128xf32, #tpu.memory_space<hbm>> -> memref<56x128xf32, #tpu.memory_space<hbm>>
        %dma_wait3A_417 = arith.constant 0 : i32
        %dma_wait3A_418 = tpu.memref_slice %arg4[%add3A_179, %dma_wait3A_417] : memref<25088x128xf32, #tpu.memory_space<hbm>> -> memref<56x128xf32, #tpu.memory_space<hbm>>
        tpu.wait_dma2 semaphore(%arg22 : memref<!tpu.dma_semaphore, #tpu.memory_space<semaphore_mem>>) src(%arg10 : memref<56x128xf32, #tpu.memory_space<vmem>>) dst(%dma_wait3A_418 : memref<56x128xf32, #tpu.memory_space<hbm>>)
        %dma_wait3A_419 = arith.constant 0 : i32
        %dma_wait3A_420 = tpu.memref_slice %arg4[%add3A_190, %dma_wait3A_419] : memref<25088x128xf32, #tpu.memory_space<hbm>> -> memref<56x128xf32, #tpu.memory_space<hbm>>
        %dma_wait3A_421 = arith.constant 0 : i32
        %dma_wait3A_422 = tpu.memref_slice %arg4[%add3A_190, %dma_wait3A_421] : memref<25088x128xf32, #tpu.memory_space<hbm>> -> memref<56x128xf32, #tpu.memory_space<hbm>>
        tpu.wait_dma2 semaphore(%arg22 : memref<!tpu.dma_semaphore, #tpu.memory_space<semaphore_mem>>) src(%arg11 : memref<56x128xf32, #tpu.memory_space<vmem>>) dst(%dma_wait3A_422 : memref<56x128xf32, #tpu.memory_space<hbm>>)
        %dma_wait3A_423 = arith.constant 0 : i32
        %dma_wait3A_424 = tpu.memref_slice %arg4[%add3A_201, %dma_wait3A_423] : memref<25088x128xf32, #tpu.memory_space<hbm>> -> memref<56x128xf32, #tpu.memory_space<hbm>>
        %dma_wait3A_425 = arith.constant 0 : i32
        %dma_wait3A_426 = tpu.memref_slice %arg4[%add3A_201, %dma_wait3A_425] : memref<25088x128xf32, #tpu.memory_space<hbm>> -> memref<56x128xf32, #tpu.memory_space<hbm>>
        tpu.wait_dma2 semaphore(%arg22 : memref<!tpu.dma_semaphore, #tpu.memory_space<semaphore_mem>>) src(%arg12 : memref<56x128xf32, #tpu.memory_space<vmem>>) dst(%dma_wait3A_426 : memref<56x128xf32, #tpu.memory_space<hbm>>)
        %add3A_427 = arith.constant 1 : i32
        %add3A_428 = arith.addi %scan3A_83, %add3A_427 : i32
        %lt3A = arith.constant 2 : i32
        %lt3A_429 = arith.cmpi slt, %add3A_428, %lt3A : i32
        %convert_element_type3A_430 = arith.extui %lt3A_429 : i1 to i32
        %cond3A_431 = arith.constant 0 : i32
        %cond3A_432 = arith.cmpi ne, %convert_element_type3A_430, %cond3A_431 : i32
        scf.if %cond3A_432 {
          %add3A_433 = arith.constant 2 : i32
          %add3A_434 = arith.addi %mul3A_85, %add3A_433 : i32
          %mul3A_435 = arith.constant 7 : i32
          %mul3A_436 = arith.muli %add3A_434, %mul3A_435 : i32
          %add3A_437 = arith.constant 0 : i32
          %add3A_438 = arith.addi %mul3A_436, %add3A_437 : i32
          %dma_start3A_439 = arith.constant 0 : i32
          %dma_start3A_440 = tpu.memref_slice %arg5[%add3A_438, %dma_start3A_439] : memref<28x56xi32, #tpu.memory_space<vmem>> -> memref<1x56xi32, #tpu.memory_space<vmem>>
          %dma_start3A_441 = tpu.memref_squeeze %dma_start3A_440 : memref<1x56xi32, #tpu.memory_space<vmem>> -> memref<56xi32, #tpu.memory_space<vmem>>
          %dma_start3A_442 = arith.constant 0 : i32
          %dma_start3A_443 = arith.constant 0 : i32
          %dma_start3A_444 = tpu.memref_slice %arg2[%dma_start3A_442, %dma_start3A_443] : memref<25000x128xf32, #tpu.memory_space<hbm>> -> memref<25000x128xf32, #tpu.memory_space<hbm>>
          tpu.enqueue_indirect_dma source(%dma_start3A_444 : memref<25000x128xf32, #tpu.memory_space<hbm>>) target(%arg6 : memref<56x128xf32, #tpu.memory_space<vmem>>) offsets(%dma_start3A_441 : memref<56xi32, #tpu.memory_space<vmem>>) semaphore(%arg20 : memref<!tpu.dma_semaphore, #tpu.memory_space<semaphore_mem>>)
          %add3A_445 = arith.constant 2 : i32
          %add3A_446 = arith.addi %mul3A_85, %add3A_445 : i32
          %mul3A_447 = arith.constant 7 : i32
          %mul3A_448 = arith.muli %add3A_446, %mul3A_447 : i32
          %add3A_449 = arith.constant 1 : i32
          %add3A_450 = arith.addi %mul3A_448, %add3A_449 : i32
          %dma_start3A_451 = arith.constant 0 : i32
          %dma_start3A_452 = tpu.memref_slice %arg5[%add3A_450, %dma_start3A_451] : memref<28x56xi32, #tpu.memory_space<vmem>> -> memref<1x56xi32, #tpu.memory_space<vmem>>
          %dma_start3A_453 = tpu.memref_squeeze %dma_start3A_452 : memref<1x56xi32, #tpu.memory_space<vmem>> -> memref<56xi32, #tpu.memory_space<vmem>>
          %dma_start3A_454 = arith.constant 0 : i32
          %dma_start3A_455 = arith.constant 0 : i32
          %dma_start3A_456 = tpu.memref_slice %arg2[%dma_start3A_454, %dma_start3A_455] : memref<25000x128xf32, #tpu.memory_space<hbm>> -> memref<25000x128xf32, #tpu.memory_space<hbm>>
          tpu.enqueue_indirect_dma source(%dma_start3A_456 : memref<25000x128xf32, #tpu.memory_space<hbm>>) target(%arg7 : memref<56x128xf32, #tpu.memory_space<vmem>>) offsets(%dma_start3A_453 : memref<56xi32, #tpu.memory_space<vmem>>) semaphore(%arg20 : memref<!tpu.dma_semaphore, #tpu.memory_space<semaphore_mem>>)
          %add3A_457 = arith.constant 2 : i32
          %add3A_458 = arith.addi %mul3A_85, %add3A_457 : i32
          %mul3A_459 = arith.constant 7 : i32
          %mul3A_460 = arith.muli %add3A_458, %mul3A_459 : i32
          %add3A_461 = arith.constant 2 : i32
          %add3A_462 = arith.addi %mul3A_460, %add3A_461 : i32
          %dma_start3A_463 = arith.constant 0 : i32
          %dma_start3A_464 = tpu.memref_slice %arg5[%add3A_462, %dma_start3A_463] : memref<28x56xi32, #tpu.memory_space<vmem>> -> memref<1x56xi32, #tpu.memory_space<vmem>>
          %dma_start3A_465 = tpu.memref_squeeze %dma_start3A_464 : memref<1x56xi32, #tpu.memory_space<vmem>> -> memref<56xi32, #tpu.memory_space<vmem>>
          %dma_start3A_466 = arith.constant 0 : i32
          %dma_start3A_467 = arith.constant 0 : i32
          %dma_start3A_468 = tpu.memref_slice %arg2[%dma_start3A_466, %dma_start3A_467] : memref<25000x128xf32, #tpu.memory_space<hbm>> -> memref<25000x128xf32, #tpu.memory_space<hbm>>
          tpu.enqueue_indirect_dma source(%dma_start3A_468 : memref<25000x128xf32, #tpu.memory_space<hbm>>) target(%arg8 : memref<56x128xf32, #tpu.memory_space<vmem>>) offsets(%dma_start3A_465 : memref<56xi32, #tpu.memory_space<vmem>>) semaphore(%arg20 : memref<!tpu.dma_semaphore, #tpu.memory_space<semaphore_mem>>)
          %add3A_469 = arith.constant 2 : i32
          %add3A_470 = arith.addi %mul3A_85, %add3A_469 : i32
          %mul3A_471 = arith.constant 7 : i32
          %mul3A_472 = arith.muli %add3A_470, %mul3A_471 : i32
          %add3A_473 = arith.constant 3 : i32
          %add3A_474 = arith.addi %mul3A_472, %add3A_473 : i32
          %dma_start3A_475 = arith.constant 0 : i32
          %dma_start3A_476 = tpu.memref_slice %arg5[%add3A_474, %dma_start3A_475] : memref<28x56xi32, #tpu.memory_space<vmem>> -> memref<1x56xi32, #tpu.memory_space<vmem>>
          %dma_start3A_477 = tpu.memref_squeeze %dma_start3A_476 : memref<1x56xi32, #tpu.memory_space<vmem>> -> memref<56xi32, #tpu.memory_space<vmem>>
          %dma_start3A_478 = arith.constant 0 : i32
          %dma_start3A_479 = arith.constant 0 : i32
          %dma_start3A_480 = tpu.memref_slice %arg2[%dma_start3A_478, %dma_start3A_479] : memref<25000x128xf32, #tpu.memory_space<hbm>> -> memref<25000x128xf32, #tpu.memory_space<hbm>>
          tpu.enqueue_indirect_dma source(%dma_start3A_480 : memref<25000x128xf32, #tpu.memory_space<hbm>>) target(%arg9 : memref<56x128xf32, #tpu.memory_space<vmem>>) offsets(%dma_start3A_477 : memref<56xi32, #tpu.memory_space<vmem>>) semaphore(%arg20 : memref<!tpu.dma_semaphore, #tpu.memory_space<semaphore_mem>>)
          %add3A_481 = arith.constant 2 : i32
          %add3A_482 = arith.addi %mul3A_85, %add3A_481 : i32
          %mul3A_483 = arith.constant 7 : i32
          %mul3A_484 = arith.muli %add3A_482, %mul3A_483 : i32
          %add3A_485 = arith.constant 4 : i32
          %add3A_486 = arith.addi %mul3A_484, %add3A_485 : i32
          %dma_start3A_487 = arith.constant 0 : i32
          %dma_start3A_488 = tpu.memref_slice %arg5[%add3A_486, %dma_start3A_487] : memref<28x56xi32, #tpu.memory_space<vmem>> -> memref<1x56xi32, #tpu.memory_space<vmem>>
          %dma_start3A_489 = tpu.memref_squeeze %dma_start3A_488 : memref<1x56xi32, #tpu.memory_space<vmem>> -> memref<56xi32, #tpu.memory_space<vmem>>
          %dma_start3A_490 = arith.constant 0 : i32
          %dma_start3A_491 = arith.constant 0 : i32
          %dma_start3A_492 = tpu.memref_slice %arg2[%dma_start3A_490, %dma_start3A_491] : memref<25000x128xf32, #tpu.memory_space<hbm>> -> memref<25000x128xf32, #tpu.memory_space<hbm>>
          tpu.enqueue_indirect_dma source(%dma_start3A_492 : memref<25000x128xf32, #tpu.memory_space<hbm>>) target(%arg10 : memref<56x128xf32, #tpu.memory_space<vmem>>) offsets(%dma_start3A_489 : memref<56xi32, #tpu.memory_space<vmem>>) semaphore(%arg20 : memref<!tpu.dma_semaphore, #tpu.memory_space<semaphore_mem>>)
          %add3A_493 = arith.constant 2 : i32
          %add3A_494 = arith.addi %mul3A_85, %add3A_493 : i32
          %mul3A_495 = arith.constant 7 : i32
          %mul3A_496 = arith.muli %add3A_494, %mul3A_495 : i32
          %add3A_497 = arith.constant 5 : i32
          %add3A_498 = arith.addi %mul3A_496, %add3A_497 : i32
          %dma_start3A_499 = arith.constant 0 : i32
          %dma_start3A_500 = tpu.memref_slice %arg5[%add3A_498, %dma_start3A_499] : memref<28x56xi32, #tpu.memory_space<vmem>> -> memref<1x56xi32, #tpu.memory_space<vmem>>
          %dma_start3A_501 = tpu.memref_squeeze %dma_start3A_500 : memref<1x56xi32, #tpu.memory_space<vmem>> -> memref<56xi32, #tpu.memory_space<vmem>>
          %dma_start3A_502 = arith.constant 0 : i32
          %dma_start3A_503 = arith.constant 0 : i32
          %dma_start3A_504 = tpu.memref_slice %arg2[%dma_start3A_502, %dma_start3A_503] : memref<25000x128xf32, #tpu.memory_space<hbm>> -> memref<25000x128xf32, #tpu.memory_space<hbm>>
          tpu.enqueue_indirect_dma source(%dma_start3A_504 : memref<25000x128xf32, #tpu.memory_space<hbm>>) target(%arg11 : memref<56x128xf32, #tpu.memory_space<vmem>>) offsets(%dma_start3A_501 : memref<56xi32, #tpu.memory_space<vmem>>) semaphore(%arg20 : memref<!tpu.dma_semaphore, #tpu.memory_space<semaphore_mem>>)
          %add3A_505 = arith.constant 2 : i32
          %add3A_506 = arith.addi %mul3A_85, %add3A_505 : i32
          %mul3A_507 = arith.constant 7 : i32
          %mul3A_508 = arith.muli %add3A_506, %mul3A_507 : i32
          %add3A_509 = arith.constant 6 : i32
          %add3A_510 = arith.addi %mul3A_508, %add3A_509 : i32
          %dma_start3A_511 = arith.constant 0 : i32
          %dma_start3A_512 = tpu.memref_slice %arg5[%add3A_510, %dma_start3A_511] : memref<28x56xi32, #tpu.memory_space<vmem>> -> memref<1x56xi32, #tpu.memory_space<vmem>>
          %dma_start3A_513 = tpu.memref_squeeze %dma_start3A_512 : memref<1x56xi32, #tpu.memory_space<vmem>> -> memref<56xi32, #tpu.memory_space<vmem>>
          %dma_start3A_514 = arith.constant 0 : i32
          %dma_start3A_515 = arith.constant 0 : i32
          %dma_start3A_516 = tpu.memref_slice %arg2[%dma_start3A_514, %dma_start3A_515] : memref<25000x128xf32, #tpu.memory_space<hbm>> -> memref<25000x128xf32, #tpu.memory_space<hbm>>
          tpu.enqueue_indirect_dma source(%dma_start3A_516 : memref<25000x128xf32, #tpu.memory_space<hbm>>) target(%arg12 : memref<56x128xf32, #tpu.memory_space<vmem>>) offsets(%dma_start3A_513 : memref<56xi32, #tpu.memory_space<vmem>>) semaphore(%arg20 : memref<!tpu.dma_semaphore, #tpu.memory_space<semaphore_mem>>)
        } else {
        }
      }
      %scan3A_55 = arith.constant 2 : i32
      %dma_wait3A = arith.constant 0 : i32
      %dma_wait3A_56 = tpu.memref_slice %arg4[%mul3A_2, %dma_wait3A] : memref<25088x128xf32, #tpu.memory_space<hbm>> -> memref<56x128xf32, #tpu.memory_space<hbm>>
      %dma_wait3A_57 = arith.constant 0 : i32
      %dma_wait3A_58 = tpu.memref_slice %arg4[%mul3A_2, %dma_wait3A_57] : memref<25088x128xf32, #tpu.memory_space<hbm>> -> memref<56x128xf32, #tpu.memory_space<hbm>>
      tpu.wait_dma2 semaphore(%arg23 : memref<!tpu.dma_semaphore, #tpu.memory_space<semaphore_mem>>) src(%arg13 : memref<56x128xf32, #tpu.memory_space<vmem>>) dst(%dma_wait3A_58 : memref<56x128xf32, #tpu.memory_space<hbm>>)
      %dma_wait3A_59 = arith.constant 0 : i32
      %dma_wait3A_60 = tpu.memref_slice %arg4[%mul3A_2, %dma_wait3A_59] : memref<25088x128xf32, #tpu.memory_space<hbm>> -> memref<56x128xf32, #tpu.memory_space<hbm>>
      %dma_wait3A_61 = arith.constant 0 : i32
      %dma_wait3A_62 = tpu.memref_slice %arg4[%mul3A_2, %dma_wait3A_61] : memref<25088x128xf32, #tpu.memory_space<hbm>> -> memref<56x128xf32, #tpu.memory_space<hbm>>
      tpu.wait_dma2 semaphore(%arg23 : memref<!tpu.dma_semaphore, #tpu.memory_space<semaphore_mem>>) src(%arg14 : memref<56x128xf32, #tpu.memory_space<vmem>>) dst(%dma_wait3A_62 : memref<56x128xf32, #tpu.memory_space<hbm>>)
      %dma_wait3A_63 = arith.constant 0 : i32
      %dma_wait3A_64 = tpu.memref_slice %arg4[%mul3A_2, %dma_wait3A_63] : memref<25088x128xf32, #tpu.memory_space<hbm>> -> memref<56x128xf32, #tpu.memory_space<hbm>>
      %dma_wait3A_65 = arith.constant 0 : i32
      %dma_wait3A_66 = tpu.memref_slice %arg4[%mul3A_2, %dma_wait3A_65] : memref<25088x128xf32, #tpu.memory_space<hbm>> -> memref<56x128xf32, #tpu.memory_space<hbm>>
      tpu.wait_dma2 semaphore(%arg23 : memref<!tpu.dma_semaphore, #tpu.memory_space<semaphore_mem>>) src(%arg15 : memref<56x128xf32, #tpu.memory_space<vmem>>) dst(%dma_wait3A_66 : memref<56x128xf32, #tpu.memory_space<hbm>>)
      %dma_wait3A_67 = arith.constant 0 : i32
      %dma_wait3A_68 = tpu.memref_slice %arg4[%mul3A_2, %dma_wait3A_67] : memref<25088x128xf32, #tpu.memory_space<hbm>> -> memref<56x128xf32, #tpu.memory_space<hbm>>
      %dma_wait3A_69 = arith.constant 0 : i32
      %dma_wait3A_70 = tpu.memref_slice %arg4[%mul3A_2, %dma_wait3A_69] : memref<25088x128xf32, #tpu.memory_space<hbm>> -> memref<56x128xf32, #tpu.memory_space<hbm>>
      tpu.wait_dma2 semaphore(%arg23 : memref<!tpu.dma_semaphore, #tpu.memory_space<semaphore_mem>>) src(%arg16 : memref<56x128xf32, #tpu.memory_space<vmem>>) dst(%dma_wait3A_70 : memref<56x128xf32, #tpu.memory_space<hbm>>)
      %dma_wait3A_71 = arith.constant 0 : i32
      %dma_wait3A_72 = tpu.memref_slice %arg4[%mul3A_2, %dma_wait3A_71] : memref<25088x128xf32, #tpu.memory_space<hbm>> -> memref<56x128xf32, #tpu.memory_space<hbm>>
      %dma_wait3A_73 = arith.constant 0 : i32
      %dma_wait3A_74 = tpu.memref_slice %arg4[%mul3A_2, %dma_wait3A_73] : memref<25088x128xf32, #tpu.memory_space<hbm>> -> memref<56x128xf32, #tpu.memory_space<hbm>>
      tpu.wait_dma2 semaphore(%arg23 : memref<!tpu.dma_semaphore, #tpu.memory_space<semaphore_mem>>) src(%arg17 : memref<56x128xf32, #tpu.memory_space<vmem>>) dst(%dma_wait3A_74 : memref<56x128xf32, #tpu.memory_space<hbm>>)
      %dma_wait3A_75 = arith.constant 0 : i32
      %dma_wait3A_76 = tpu.memref_slice %arg4[%mul3A_2, %dma_wait3A_75] : memref<25088x128xf32, #tpu.memory_space<hbm>> -> memref<56x128xf32, #tpu.memory_space<hbm>>
      %dma_wait3A_77 = arith.constant 0 : i32
      %dma_wait3A_78 = tpu.memref_slice %arg4[%mul3A_2, %dma_wait3A_77] : memref<25088x128xf32, #tpu.memory_space<hbm>> -> memref<56x128xf32, #tpu.memory_space<hbm>>
      tpu.wait_dma2 semaphore(%arg23 : memref<!tpu.dma_semaphore, #tpu.memory_space<semaphore_mem>>) src(%arg18 : memref<56x128xf32, #tpu.memory_space<vmem>>) dst(%dma_wait3A_78 : memref<56x128xf32, #tpu.memory_space<hbm>>)
      %dma_wait3A_79 = arith.constant 0 : i32
      %dma_wait3A_80 = tpu.memref_slice %arg4[%mul3A_2, %dma_wait3A_79] : memref<25088x128xf32, #tpu.memory_space<hbm>> -> memref<56x128xf32, #tpu.memory_space<hbm>>
      %dma_wait3A_81 = arith.constant 0 : i32
      %dma_wait3A_82 = tpu.memref_slice %arg4[%mul3A_2, %dma_wait3A_81] : memref<25088x128xf32, #tpu.memory_space<hbm>> -> memref<56x128xf32, #tpu.memory_space<hbm>>
      tpu.wait_dma2 semaphore(%arg23 : memref<!tpu.dma_semaphore, #tpu.memory_space<semaphore_mem>>) src(%arg19 : memref<56x128xf32, #tpu.memory_space<vmem>>) dst(%dma_wait3A_82 : memref<56x128xf32, #tpu.memory_space<hbm>>)
    } else {
    }
    return
  }
}

#map = affine_map<(d0, d1) -> (0, 0)>
#map1 = affine_map<(d0, d1) -> (0, 0, 0)>
module attributes {stable_mosaic.version = 14 : i64} {
  func.func @k(%arg0: i32, %arg1: i32, %arg2: memref<25000x128xf32, #tpu.memory_space<hbm>>, %arg3: memref<16x28x56xi32, #tpu.memory_space<hbm>>, %arg4: memref<25088x128xf32, #tpu.memory_space<hbm>>, %arg5: memref<28x56xi32, #tpu.memory_space<vmem>>, %arg6: memref<56x128xf32, #tpu.memory_space<vmem>>, %arg7: memref<56x128xf32, #tpu.memory_space<vmem>>, %arg8: memref<56x128xf32, #tpu.memory_space<vmem>>, %arg9: memref<56x128xf32, #tpu.memory_space<vmem>>, %arg10: memref<56x128xf32, #tpu.memory_space<vmem>>, %arg11: memref<56x128xf32, #tpu.memory_space<vmem>>, %arg12: memref<56x128xf32, #tpu.memory_space<vmem>>, %arg13: memref<56x128xf32, #tpu.memory_space<vmem>>, %arg14: memref<56x128xf32, #tpu.memory_space<vmem>>, %arg15: memref<56x128xf32, #tpu.memory_space<vmem>>, %arg16: memref<56x128xf32, #tpu.memory_space<vmem>>, %arg17: memref<56x128xf32, #tpu.memory_space<vmem>>, %arg18: memref<56x128xf32, #tpu.memory_space<vmem>>, %arg19: memref<56x128xf32, #tpu.memory_space<vmem>>, %arg20: memref<!tpu.dma_semaphore, #tpu.memory_space<semaphore_mem>>, %arg21: memref<!tpu.dma_semaphore, #tpu.memory_space<semaphore_mem>>, %arg22: memref<!tpu.dma_semaphore, #tpu.memory_space<semaphore_mem>>, %arg23: memref<!tpu.dma_semaphore, #tpu.memory_space<semaphore_mem>>) attributes {dimension_semantics = [#tpu.dimension_semantics<core_parallel>, #tpu.dimension_semantics<subcore_parallel>], iteration_bounds = array<i64: 2, 16>, scalar_prefetch = 0 : i64, scratch_operands = 19 : i64, tpu.core_type = #tpu.core_type<sc_vector_subcore>, window_params = [{transform_indices = #map}, {transform_indices = #map1}, {transform_indices = #map}]} {
    %eq3A = arith.constant 0 : i32
    %eq3A_0 = arith.cmpi eq, %arg0, %eq3A : i32
    %convert_element_type3A = arith.extui %eq3A_0 : i1 to i32
    %cond3A = arith.constant 0 : i32
    %cond3A_1 = arith.cmpi ne, %convert_element_type3A, %cond3A : i32
    scf.if %cond3A_1 {
      "tpu.region"() ({
        %run_scoped3A = tpu.sem_alloc : memref<!tpu.dma_semaphore, #tpu.memory_space<semaphore_mem>>
        %dma_start3A_83 = arith.constant 0 : i32
        %dma_start3A_84 = arith.constant 0 : i32
        %dma_start3A_85 = tpu.memref_slice %arg3[%arg1, %dma_start3A_83, %dma_start3A_84] : memref<16x28x56xi32, #tpu.memory_space<hbm>> -> memref<1x28x56xi32, #tpu.memory_space<hbm>>
        %dma_start3A_86 = tpu.memref_squeeze %dma_start3A_85 : memref<1x28x56xi32, #tpu.memory_space<hbm>> -> memref<28x56xi32, #tpu.memory_space<hbm>>
        %dma_start3A_87 = arith.constant 0 : i32
        %dma_start3A_88 = arith.constant 0 : i32
        %dma_start3A_89 = tpu.memref_slice %arg3[%arg1, %dma_start3A_87, %dma_start3A_88] : memref<16x28x56xi32, #tpu.memory_space<hbm>> -> memref<1x28x56xi32, #tpu.memory_space<hbm>>
        %dma_start3A_90 = tpu.memref_squeeze %dma_start3A_89 : memref<1x28x56xi32, #tpu.memory_space<hbm>> -> memref<28x56xi32, #tpu.memory_space<hbm>>
        tpu.enqueue_dma source(%dma_start3A_90 : memref<28x56xi32, #tpu.memory_space<hbm>>) target(%arg5 : memref<28x56xi32, #tpu.memory_space<vmem>>) target_semaphore(%run_scoped3A : memref<!tpu.dma_semaphore, #tpu.memory_space<semaphore_mem>>)
        %dma_wait3A_91 = arith.constant 0 : i32
        %dma_wait3A_92 = arith.constant 0 : i32
        %dma_wait3A_93 = tpu.memref_slice %arg3[%arg1, %dma_wait3A_91, %dma_wait3A_92] : memref<16x28x56xi32, #tpu.memory_space<hbm>> -> memref<1x28x56xi32, #tpu.memory_space<hbm>>
        %dma_wait3A_94 = tpu.memref_squeeze %dma_wait3A_93 : memref<1x28x56xi32, #tpu.memory_space<hbm>> -> memref<28x56xi32, #tpu.memory_space<hbm>>
        %dma_wait3A_95 = arith.constant 0 : i32
        %dma_wait3A_96 = arith.constant 0 : i32
        %dma_wait3A_97 = tpu.memref_slice %arg3[%arg1, %dma_wait3A_95, %dma_wait3A_96] : memref<16x28x56xi32, #tpu.memory_space<hbm>> -> memref<1x28x56xi32, #tpu.memory_space<hbm>>
        %dma_wait3A_98 = tpu.memref_squeeze %dma_wait3A_97 : memref<1x28x56xi32, #tpu.memory_space<hbm>> -> memref<28x56xi32, #tpu.memory_space<hbm>>
        tpu.wait_dma2 semaphore(%run_scoped3A : memref<!tpu.dma_semaphore, #tpu.memory_space<semaphore_mem>>) src(%dma_wait3A_98 : memref<28x56xi32, #tpu.memory_space<hbm>>) dst(%arg5 : memref<28x56xi32, #tpu.memory_space<vmem>>)
        tpu.yield
      }) : () -> ()
      %mul3A = arith.constant 1568 : i32
      %mul3A_2 = arith.muli %arg1, %mul3A : i32
      %dma_start3A = arith.constant 0 : i32
      %dma_start3A_3 = arith.constant 0 : i32
      %dma_start3A_4 = tpu.memref_slice %arg5[%dma_start3A, %dma_start3A_3] : memref<28x56xi32, #tpu.memory_space<vmem>> -> memref<1x56xi32, #tpu.memory_space<vmem>>
      %dma_start3A_5 = tpu.memref_squeeze %dma_start3A_4 : memref<1x56xi32, #tpu.memory_space<vmem>> -> memref<56xi32, #tpu.memory_space<vmem>>
      %dma_start3A_6 = arith.constant 0 : i32
      %dma_start3A_7 = arith.constant 0 : i32
      %dma_start3A_8 = tpu.memref_slice %arg2[%dma_start3A_6, %dma_start3A_7] : memref<25000x128xf32, #tpu.memory_space<hbm>> -> memref<25000x128xf32, #tpu.memory_space<hbm>>
      tpu.enqueue_indirect_dma source(%dma_start3A_8 : memref<25000x128xf32, #tpu.memory_space<hbm>>) target(%arg6 : memref<56x128xf32, #tpu.memory_space<vmem>>) offsets(%dma_start3A_5 : memref<56xi32, #tpu.memory_space<vmem>>) semaphore(%arg20 : memref<!tpu.dma_semaphore, #tpu.memory_space<semaphore_mem>>)
      %dma_start3A_9 = arith.constant 1 : i32
      %dma_start3A_10 = arith.constant 0 : i32
      %dma_start3A_11 = tpu.memref_slice %arg5[%dma_start3A_9, %dma_start3A_10] : memref<28x56xi32, #tpu.memory_space<vmem>> -> memref<1x56xi32, #tpu.memory_space<vmem>>
      %dma_start3A_12 = tpu.memref_squeeze %dma_start3A_11 : memref<1x56xi32, #tpu.memory_space<vmem>> -> memref<56xi32, #tpu.memory_space<vmem>>
      %dma_start3A_13 = arith.constant 0 : i32
      %dma_start3A_14 = arith.constant 0 : i32
      %dma_start3A_15 = tpu.memref_slice %arg2[%dma_start3A_13, %dma_start3A_14] : memref<25000x128xf32, #tpu.memory_space<hbm>> -> memref<25000x128xf32, #tpu.memory_space<hbm>>
      tpu.enqueue_indirect_dma source(%dma_start3A_15 : memref<25000x128xf32, #tpu.memory_space<hbm>>) target(%arg7 : memref<56x128xf32, #tpu.memory_space<vmem>>) offsets(%dma_start3A_12 : memref<56xi32, #tpu.memory_space<vmem>>) semaphore(%arg20 : memref<!tpu.dma_semaphore, #tpu.memory_space<semaphore_mem>>)
      %dma_start3A_16 = arith.constant 2 : i32
      %dma_start3A_17 = arith.constant 0 : i32
      %dma_start3A_18 = tpu.memref_slice %arg5[%dma_start3A_16, %dma_start3A_17] : memref<28x56xi32, #tpu.memory_space<vmem>> -> memref<1x56xi32, #tpu.memory_space<vmem>>
      %dma_start3A_19 = tpu.memref_squeeze %dma_start3A_18 : memref<1x56xi32, #tpu.memory_space<vmem>> -> memref<56xi32, #tpu.memory_space<vmem>>
      %dma_start3A_20 = arith.constant 0 : i32
      %dma_start3A_21 = arith.constant 0 : i32
      %dma_start3A_22 = tpu.memref_slice %arg2[%dma_start3A_20, %dma_start3A_21] : memref<25000x128xf32, #tpu.memory_space<hbm>> -> memref<25000x128xf32, #tpu.memory_space<hbm>>
      tpu.enqueue_indirect_dma source(%dma_start3A_22 : memref<25000x128xf32, #tpu.memory_space<hbm>>) target(%arg8 : memref<56x128xf32, #tpu.memory_space<vmem>>) offsets(%dma_start3A_19 : memref<56xi32, #tpu.memory_space<vmem>>) semaphore(%arg20 : memref<!tpu.dma_semaphore, #tpu.memory_space<semaphore_mem>>)
      %dma_start3A_23 = arith.constant 3 : i32
      %dma_start3A_24 = arith.constant 0 : i32
      %dma_start3A_25 = tpu.memref_slice %arg5[%dma_start3A_23, %dma_start3A_24] : memref<28x56xi32, #tpu.memory_space<vmem>> -> memref<1x56xi32, #tpu.memory_space<vmem>>
      %dma_start3A_26 = tpu.memref_squeeze %dma_start3A_25 : memref<1x56xi32, #tpu.memory_space<vmem>> -> memref<56xi32, #tpu.memory_space<vmem>>
      %dma_start3A_27 = arith.constant 0 : i32
      %dma_start3A_28 = arith.constant 0 : i32
      %dma_start3A_29 = tpu.memref_slice %arg2[%dma_start3A_27, %dma_start3A_28] : memref<25000x128xf32, #tpu.memory_space<hbm>> -> memref<25000x128xf32, #tpu.memory_space<hbm>>
      tpu.enqueue_indirect_dma source(%dma_start3A_29 : memref<25000x128xf32, #tpu.memory_space<hbm>>) target(%arg9 : memref<56x128xf32, #tpu.memory_space<vmem>>) offsets(%dma_start3A_26 : memref<56xi32, #tpu.memory_space<vmem>>) semaphore(%arg20 : memref<!tpu.dma_semaphore, #tpu.memory_space<semaphore_mem>>)
      %dma_start3A_30 = arith.constant 4 : i32
      %dma_start3A_31 = arith.constant 0 : i32
      %dma_start3A_32 = tpu.memref_slice %arg5[%dma_start3A_30, %dma_start3A_31] : memref<28x56xi32, #tpu.memory_space<vmem>> -> memref<1x56xi32, #tpu.memory_space<vmem>>
      %dma_start3A_33 = tpu.memref_squeeze %dma_start3A_32 : memref<1x56xi32, #tpu.memory_space<vmem>> -> memref<56xi32, #tpu.memory_space<vmem>>
      %dma_start3A_34 = arith.constant 0 : i32
      %dma_start3A_35 = arith.constant 0 : i32
      %dma_start3A_36 = tpu.memref_slice %arg2[%dma_start3A_34, %dma_start3A_35] : memref<25000x128xf32, #tpu.memory_space<hbm>> -> memref<25000x128xf32, #tpu.memory_space<hbm>>
      tpu.enqueue_indirect_dma source(%dma_start3A_36 : memref<25000x128xf32, #tpu.memory_space<hbm>>) target(%arg10 : memref<56x128xf32, #tpu.memory_space<vmem>>) offsets(%dma_start3A_33 : memref<56xi32, #tpu.memory_space<vmem>>) semaphore(%arg20 : memref<!tpu.dma_semaphore, #tpu.memory_space<semaphore_mem>>)
      %dma_start3A_37 = arith.constant 5 : i32
      %dma_start3A_38 = arith.constant 0 : i32
      %dma_start3A_39 = tpu.memref_slice %arg5[%dma_start3A_37, %dma_start3A_38] : memref<28x56xi32, #tpu.memory_space<vmem>> -> memref<1x56xi32, #tpu.memory_space<vmem>>
      %dma_start3A_40 = tpu.memref_squeeze %dma_start3A_39 : memref<1x56xi32, #tpu.memory_space<vmem>> -> memref<56xi32, #tpu.memory_space<vmem>>
      %dma_start3A_41 = arith.constant 0 : i32
      %dma_start3A_42 = arith.constant 0 : i32
      %dma_start3A_43 = tpu.memref_slice %arg2[%dma_start3A_41, %dma_start3A_42] : memref<25000x128xf32, #tpu.memory_space<hbm>> -> memref<25000x128xf32, #tpu.memory_space<hbm>>
      tpu.enqueue_indirect_dma source(%dma_start3A_43 : memref<25000x128xf32, #tpu.memory_space<hbm>>) target(%arg11 : memref<56x128xf32, #tpu.memory_space<vmem>>) offsets(%dma_start3A_40 : memref<56xi32, #tpu.memory_space<vmem>>) semaphore(%arg20 : memref<!tpu.dma_semaphore, #tpu.memory_space<semaphore_mem>>)
      %dma_start3A_44 = arith.constant 6 : i32
      %dma_start3A_45 = arith.constant 0 : i32
      %dma_start3A_46 = tpu.memref_slice %arg5[%dma_start3A_44, %dma_start3A_45] : memref<28x56xi32, #tpu.memory_space<vmem>> -> memref<1x56xi32, #tpu.memory_space<vmem>>
      %dma_start3A_47 = tpu.memref_squeeze %dma_start3A_46 : memref<1x56xi32, #tpu.memory_space<vmem>> -> memref<56xi32, #tpu.memory_space<vmem>>
      %dma_start3A_48 = arith.constant 0 : i32
      %dma_start3A_49 = arith.constant 0 : i32
      %dma_start3A_50 = tpu.memref_slice %arg2[%dma_start3A_48, %dma_start3A_49] : memref<25000x128xf32, #tpu.memory_space<hbm>> -> memref<25000x128xf32, #tpu.memory_space<hbm>>
      tpu.enqueue_indirect_dma source(%dma_start3A_50 : memref<25000x128xf32, #tpu.memory_space<hbm>>) target(%arg12 : memref<56x128xf32, #tpu.memory_space<vmem>>) offsets(%dma_start3A_47 : memref<56xi32, #tpu.memory_space<vmem>>) semaphore(%arg20 : memref<!tpu.dma_semaphore, #tpu.memory_space<semaphore_mem>>)
      %scan3A = arith.constant 0 : i32
      %scan3A_51 = arith.constant 0 : i32
      %scan3A_52 = arith.constant 2 : i32
      %scan3A_53 = arith.addi %scan3A_51, %scan3A_52 : i32
      %scan3A_54 = arith.constant 1 : i32
      scf.for %scan3A_83 = %scan3A_51 to %scan3A_53 step %scan3A_54  : i32 {
        %mul3A_84 = arith.constant 2 : i32
        %mul3A_85 = arith.muli %mul3A_84, %scan3A_83 : i32
        %add3A = arith.constant 1 : i32
        %add3A_86 = arith.addi %mul3A_85, %add3A : i32
        %dma_wait3A_87 = arith.constant 0 : i32
        %dma_wait3A_88 = arith.constant 0 : i32
        %dma_wait3A_89 = tpu.memref_slice %arg2[%dma_wait3A_87, %dma_wait3A_88] : memref<25000x128xf32, #tpu.memory_space<hbm>> -> memref<56x128xf32, #tpu.memory_space<hbm>>
        %dma_wait3A_90 = arith.constant 0 : i32
        %dma_wait3A_91 = arith.constant 0 : i32
        %dma_wait3A_92 = tpu.memref_slice %arg2[%dma_wait3A_90, %dma_wait3A_91] : memref<25000x128xf32, #tpu.memory_space<hbm>> -> memref<56x128xf32, #tpu.memory_space<hbm>>
        tpu.wait_dma2 semaphore(%arg20 : memref<!tpu.dma_semaphore, #tpu.memory_space<semaphore_mem>>) src(%dma_wait3A_92 : memref<56x128xf32, #tpu.memory_space<hbm>>) dst(%arg6 : memref<56x128xf32, #tpu.memory_space<vmem>>)
        %dma_wait3A_93 = arith.constant 0 : i32
        %dma_wait3A_94 = arith.constant 0 : i32
        %dma_wait3A_95 = tpu.memref_slice %arg2[%dma_wait3A_93, %dma_wait3A_94] : memref<25000x128xf32, #tpu.memory_space<hbm>> -> memref<56x128xf32, #tpu.memory_space<hbm>>
        %dma_wait3A_96 = arith.constant 0 : i32
        %dma_wait3A_97 = arith.constant 0 : i32
        %dma_wait3A_98 = tpu.memref_slice %arg2[%dma_wait3A_96, %dma_wait3A_97] : memref<25000x128xf32, #tpu.memory_space<hbm>> -> memref<56x128xf32, #tpu.memory_space<hbm>>
        tpu.wait_dma2 semaphore(%arg20 : memref<!tpu.dma_semaphore, #tpu.memory_space<semaphore_mem>>) src(%dma_wait3A_98 : memref<56x128xf32, #tpu.memory_space<hbm>>) dst(%arg7 : memref<56x128xf32, #tpu.memory_space<vmem>>)
        %dma_wait3A_99 = arith.constant 0 : i32
        %dma_wait3A_100 = arith.constant 0 : i32
        %dma_wait3A_101 = tpu.memref_slice %arg2[%dma_wait3A_99, %dma_wait3A_100] : memref<25000x128xf32, #tpu.memory_space<hbm>> -> memref<56x128xf32, #tpu.memory_space<hbm>>
        %dma_wait3A_102 = arith.constant 0 : i32
        %dma_wait3A_103 = arith.constant 0 : i32
        %dma_wait3A_104 = tpu.memref_slice %arg2[%dma_wait3A_102, %dma_wait3A_103] : memref<25000x128xf32, #tpu.memory_space<hbm>> -> memref<56x128xf32, #tpu.memory_space<hbm>>
        tpu.wait_dma2 semaphore(%arg20 : memref<!tpu.dma_semaphore, #tpu.memory_space<semaphore_mem>>) src(%dma_wait3A_104 : memref<56x128xf32, #tpu.memory_space<hbm>>) dst(%arg8 : memref<56x128xf32, #tpu.memory_space<vmem>>)
        %dma_wait3A_105 = arith.constant 0 : i32
        %dma_wait3A_106 = arith.constant 0 : i32
        %dma_wait3A_107 = tpu.memref_slice %arg2[%dma_wait3A_105, %dma_wait3A_106] : memref<25000x128xf32, #tpu.memory_space<hbm>> -> memref<56x128xf32, #tpu.memory_space<hbm>>
        %dma_wait3A_108 = arith.constant 0 : i32
        %dma_wait3A_109 = arith.constant 0 : i32
        %dma_wait3A_110 = tpu.memref_slice %arg2[%dma_wait3A_108, %dma_wait3A_109] : memref<25000x128xf32, #tpu.memory_space<hbm>> -> memref<56x128xf32, #tpu.memory_space<hbm>>
        tpu.wait_dma2 semaphore(%arg20 : memref<!tpu.dma_semaphore, #tpu.memory_space<semaphore_mem>>) src(%dma_wait3A_110 : memref<56x128xf32, #tpu.memory_space<hbm>>) dst(%arg9 : memref<56x128xf32, #tpu.memory_space<vmem>>)
        %dma_wait3A_111 = arith.constant 0 : i32
        %dma_wait3A_112 = arith.constant 0 : i32
        %dma_wait3A_113 = tpu.memref_slice %arg2[%dma_wait3A_111, %dma_wait3A_112] : memref<25000x128xf32, #tpu.memory_space<hbm>> -> memref<56x128xf32, #tpu.memory_space<hbm>>
        %dma_wait3A_114 = arith.constant 0 : i32
        %dma_wait3A_115 = arith.constant 0 : i32
        %dma_wait3A_116 = tpu.memref_slice %arg2[%dma_wait3A_114, %dma_wait3A_115] : memref<25000x128xf32, #tpu.memory_space<hbm>> -> memref<56x128xf32, #tpu.memory_space<hbm>>
        tpu.wait_dma2 semaphore(%arg20 : memref<!tpu.dma_semaphore, #tpu.memory_space<semaphore_mem>>) src(%dma_wait3A_116 : memref<56x128xf32, #tpu.memory_space<hbm>>) dst(%arg10 : memref<56x128xf32, #tpu.memory_space<vmem>>)
        %dma_wait3A_117 = arith.constant 0 : i32
        %dma_wait3A_118 = arith.constant 0 : i32
        %dma_wait3A_119 = tpu.memref_slice %arg2[%dma_wait3A_117, %dma_wait3A_118] : memref<25000x128xf32, #tpu.memory_space<hbm>> -> memref<56x128xf32, #tpu.memory_space<hbm>>
        %dma_wait3A_120 = arith.constant 0 : i32
        %dma_wait3A_121 = arith.constant 0 : i32
        %dma_wait3A_122 = tpu.memref_slice %arg2[%dma_wait3A_120, %dma_wait3A_121] : memref<25000x128xf32, #tpu.memory_space<hbm>> -> memref<56x128xf32, #tpu.memory_space<hbm>>
        tpu.wait_dma2 semaphore(%arg20 : memref<!tpu.dma_semaphore, #tpu.memory_space<semaphore_mem>>) src(%dma_wait3A_122 : memref<56x128xf32, #tpu.memory_space<hbm>>) dst(%arg11 : memref<56x128xf32, #tpu.memory_space<vmem>>)
        %dma_wait3A_123 = arith.constant 0 : i32
        %dma_wait3A_124 = arith.constant 0 : i32
        %dma_wait3A_125 = tpu.memref_slice %arg2[%dma_wait3A_123, %dma_wait3A_124] : memref<25000x128xf32, #tpu.memory_space<hbm>> -> memref<56x128xf32, #tpu.memory_space<hbm>>
        %dma_wait3A_126 = arith.constant 0 : i32
        %dma_wait3A_127 = arith.constant 0 : i32
        %dma_wait3A_128 = tpu.memref_slice %arg2[%dma_wait3A_126, %dma_wait3A_127] : memref<25000x128xf32, #tpu.memory_space<hbm>> -> memref<56x128xf32, #tpu.memory_space<hbm>>
        tpu.wait_dma2 semaphore(%arg20 : memref<!tpu.dma_semaphore, #tpu.memory_space<semaphore_mem>>) src(%dma_wait3A_128 : memref<56x128xf32, #tpu.memory_space<hbm>>) dst(%arg12 : memref<56x128xf32, #tpu.memory_space<vmem>>)
        %mul3A_129 = arith.constant 7 : i32
        %mul3A_130 = arith.muli %mul3A_85, %mul3A_129 : i32
        %add3A_131 = arith.constant 0 : i32
        %add3A_132 = arith.addi %mul3A_130, %add3A_131 : i32
        %mul3A_133 = arith.constant 56 : i32
        %mul3A_134 = arith.muli %add3A_132, %mul3A_133 : i32
        %add3A_135 = arith.addi %mul3A_2, %mul3A_134 : i32
        %dma_start3A_136 = arith.constant 0 : i32
        %dma_start3A_137 = tpu.memref_slice %arg4[%add3A_135, %dma_start3A_136] : memref<25088x128xf32, #tpu.memory_space<hbm>> -> memref<56x128xf32, #tpu.memory_space<hbm>>
        %dma_start3A_138 = arith.constant 0 : i32
        %dma_start3A_139 = tpu.memref_slice %arg4[%add3A_135, %dma_start3A_138] : memref<25088x128xf32, #tpu.memory_space<hbm>> -> memref<56x128xf32, #tpu.memory_space<hbm>>
        tpu.enqueue_dma source(%arg6 : memref<56x128xf32, #tpu.memory_space<vmem>>) target(%dma_start3A_139 : memref<56x128xf32, #tpu.memory_space<hbm>>) target_semaphore(%arg22 : memref<!tpu.dma_semaphore, #tpu.memory_space<semaphore_mem>>)
        %mul3A_140 = arith.constant 7 : i32
        %mul3A_141 = arith.muli %mul3A_85, %mul3A_140 : i32
        %add3A_142 = arith.constant 1 : i32
        %add3A_143 = arith.addi %mul3A_141, %add3A_142 : i32
        %mul3A_144 = arith.constant 56 : i32
        %mul3A_145 = arith.muli %add3A_143, %mul3A_144 : i32
        %add3A_146 = arith.addi %mul3A_2, %mul3A_145 : i32
        %dma_start3A_147 = arith.constant 0 : i32
        %dma_start3A_148 = tpu.memref_slice %arg4[%add3A_146, %dma_start3A_147] : memref<25088x128xf32, #tpu.memory_space<hbm>> -> memref<56x128xf32, #tpu.memory_space<hbm>>
        %dma_start3A_149 = arith.constant 0 : i32
        %dma_start3A_150 = tpu.memref_slice %arg4[%add3A_146, %dma_start3A_149] : memref<25088x128xf32, #tpu.memory_space<hbm>> -> memref<56x128xf32, #tpu.memory_space<hbm>>
        tpu.enqueue_dma source(%arg7 : memref<56x128xf32, #tpu.memory_space<vmem>>) target(%dma_start3A_150 : memref<56x128xf32, #tpu.memory_space<hbm>>) target_semaphore(%arg22 : memref<!tpu.dma_semaphore, #tpu.memory_space<semaphore_mem>>)
        %mul3A_151 = arith.constant 7 : i32
        %mul3A_152 = arith.muli %mul3A_85, %mul3A_151 : i32
        %add3A_153 = arith.constant 2 : i32
        %add3A_154 = arith.addi %mul3A_152, %add3A_153 : i32
        %mul3A_155 = arith.constant 56 : i32
        %mul3A_156 = arith.muli %add3A_154, %mul3A_155 : i32
        %add3A_157 = arith.addi %mul3A_2, %mul3A_156 : i32
        %dma_start3A_158 = arith.constant 0 : i32
        %dma_start3A_159 = tpu.memref_slice %arg4[%add3A_157, %dma_start3A_158] : memref<25088x128xf32, #tpu.memory_space<hbm>> -> memref<56x128xf32, #tpu.memory_space<hbm>>
        %dma_start3A_160 = arith.constant 0 : i32
        %dma_start3A_161 = tpu.memref_slice %arg4[%add3A_157, %dma_start3A_160] : memref<25088x128xf32, #tpu.memory_space<hbm>> -> memref<56x128xf32, #tpu.memory_space<hbm>>
        tpu.enqueue_dma source(%arg8 : memref<56x128xf32, #tpu.memory_space<vmem>>) target(%dma_start3A_161 : memref<56x128xf32, #tpu.memory_space<hbm>>) target_semaphore(%arg22 : memref<!tpu.dma_semaphore, #tpu.memory_space<semaphore_mem>>)
        %mul3A_162 = arith.constant 7 : i32
        %mul3A_163 = arith.muli %mul3A_85, %mul3A_162 : i32
        %add3A_164 = arith.constant 3 : i32
        %add3A_165 = arith.addi %mul3A_163, %add3A_164 : i32
        %mul3A_166 = arith.constant 56 : i32
        %mul3A_167 = arith.muli %add3A_165, %mul3A_166 : i32
        %add3A_168 = arith.addi %mul3A_2, %mul3A_167 : i32
        %dma_start3A_169 = arith.constant 0 : i32
        %dma_start3A_170 = tpu.memref_slice %arg4[%add3A_168, %dma_start3A_169] : memref<25088x128xf32, #tpu.memory_space<hbm>> -> memref<56x128xf32, #tpu.memory_space<hbm>>
        %dma_start3A_171 = arith.constant 0 : i32
        %dma_start3A_172 = tpu.memref_slice %arg4[%add3A_168, %dma_start3A_171] : memref<25088x128xf32, #tpu.memory_space<hbm>> -> memref<56x128xf32, #tpu.memory_space<hbm>>
        tpu.enqueue_dma source(%arg9 : memref<56x128xf32, #tpu.memory_space<vmem>>) target(%dma_start3A_172 : memref<56x128xf32, #tpu.memory_space<hbm>>) target_semaphore(%arg22 : memref<!tpu.dma_semaphore, #tpu.memory_space<semaphore_mem>>)
        %mul3A_173 = arith.constant 7 : i32
        %mul3A_174 = arith.muli %mul3A_85, %mul3A_173 : i32
        %add3A_175 = arith.constant 4 : i32
        %add3A_176 = arith.addi %mul3A_174, %add3A_175 : i32
        %mul3A_177 = arith.constant 56 : i32
        %mul3A_178 = arith.muli %add3A_176, %mul3A_177 : i32
        %add3A_179 = arith.addi %mul3A_2, %mul3A_178 : i32
        %dma_start3A_180 = arith.constant 0 : i32
        %dma_start3A_181 = tpu.memref_slice %arg4[%add3A_179, %dma_start3A_180] : memref<25088x128xf32, #tpu.memory_space<hbm>> -> memref<56x128xf32, #tpu.memory_space<hbm>>
        %dma_start3A_182 = arith.constant 0 : i32
        %dma_start3A_183 = tpu.memref_slice %arg4[%add3A_179, %dma_start3A_182] : memref<25088x128xf32, #tpu.memory_space<hbm>> -> memref<56x128xf32, #tpu.memory_space<hbm>>
        tpu.enqueue_dma source(%arg10 : memref<56x128xf32, #tpu.memory_space<vmem>>) target(%dma_start3A_183 : memref<56x128xf32, #tpu.memory_space<hbm>>) target_semaphore(%arg22 : memref<!tpu.dma_semaphore, #tpu.memory_space<semaphore_mem>>)
        %mul3A_184 = arith.constant 7 : i32
        %mul3A_185 = arith.muli %mul3A_85, %mul3A_184 : i32
        %add3A_186 = arith.constant 5 : i32
        %add3A_187 = arith.addi %mul3A_185, %add3A_186 : i32
        %mul3A_188 = arith.constant 56 : i32
        %mul3A_189 = arith.muli %add3A_187, %mul3A_188 : i32
        %add3A_190 = arith.addi %mul3A_2, %mul3A_189 : i32
        %dma_start3A_191 = arith.constant 0 : i32
        %dma_start3A_192 = tpu.memref_slice %arg4[%add3A_190, %dma_start3A_191] : memref<25088x128xf32, #tpu.memory_space<hbm>> -> memref<56x128xf32, #tpu.memory_space<hbm>>
        %dma_start3A_193 = arith.constant 0 : i32
        %dma_start3A_194 = tpu.memref_slice %arg4[%add3A_190, %dma_start3A_193] : memref<25088x128xf32, #tpu.memory_space<hbm>> -> memref<56x128xf32, #tpu.memory_space<hbm>>
        tpu.enqueue_dma source(%arg11 : memref<56x128xf32, #tpu.memory_space<vmem>>) target(%dma_start3A_194 : memref<56x128xf32, #tpu.memory_space<hbm>>) target_semaphore(%arg22 : memref<!tpu.dma_semaphore, #tpu.memory_space<semaphore_mem>>)
        %mul3A_195 = arith.constant 7 : i32
        %mul3A_196 = arith.muli %mul3A_85, %mul3A_195 : i32
        %add3A_197 = arith.constant 6 : i32
        %add3A_198 = arith.addi %mul3A_196, %add3A_197 : i32
        %mul3A_199 = arith.constant 56 : i32
        %mul3A_200 = arith.muli %add3A_198, %mul3A_199 : i32
        %add3A_201 = arith.addi %mul3A_2, %mul3A_200 : i32
        %dma_start3A_202 = arith.constant 0 : i32
        %dma_start3A_203 = tpu.memref_slice %arg4[%add3A_201, %dma_start3A_202] : memref<25088x128xf32, #tpu.memory_space<hbm>> -> memref<56x128xf32, #tpu.memory_space<hbm>>
        %dma_start3A_204 = arith.constant 0 : i32
        %dma_start3A_205 = tpu.memref_slice %arg4[%add3A_201, %dma_start3A_204] : memref<25088x128xf32, #tpu.memory_space<hbm>> -> memref<56x128xf32, #tpu.memory_space<hbm>>
        tpu.enqueue_dma source(%arg12 : memref<56x128xf32, #tpu.memory_space<vmem>>) target(%dma_start3A_205 : memref<56x128xf32, #tpu.memory_space<hbm>>) target_semaphore(%arg22 : memref<!tpu.dma_semaphore, #tpu.memory_space<semaphore_mem>>)
        %gt3A = arith.constant 0 : i32
        %gt3A_206 = arith.cmpi sgt, %scan3A_83, %gt3A : i32
        %convert_element_type3A_207 = arith.extui %gt3A_206 : i1 to i32
        %cond3A_208 = arith.constant 0 : i32
        %cond3A_209 = arith.cmpi ne, %convert_element_type3A_207, %cond3A_208 : i32
        scf.if %cond3A_209 {
          %dma_wait3A_433 = arith.constant 0 : i32
          %dma_wait3A_434 = tpu.memref_slice %arg4[%mul3A_2, %dma_wait3A_433] : memref<25088x128xf32, #tpu.memory_space<hbm>> -> memref<56x128xf32, #tpu.memory_space<hbm>>
          %dma_wait3A_435 = arith.constant 0 : i32
          %dma_wait3A_436 = tpu.memref_slice %arg4[%mul3A_2, %dma_wait3A_435] : memref<25088x128xf32, #tpu.memory_space<hbm>> -> memref<56x128xf32, #tpu.memory_space<hbm>>
          tpu.wait_dma2 semaphore(%arg23 : memref<!tpu.dma_semaphore, #tpu.memory_space<semaphore_mem>>) src(%arg13 : memref<56x128xf32, #tpu.memory_space<vmem>>) dst(%dma_wait3A_436 : memref<56x128xf32, #tpu.memory_space<hbm>>)
          %dma_wait3A_437 = arith.constant 0 : i32
          %dma_wait3A_438 = tpu.memref_slice %arg4[%mul3A_2, %dma_wait3A_437] : memref<25088x128xf32, #tpu.memory_space<hbm>> -> memref<56x128xf32, #tpu.memory_space<hbm>>
          %dma_wait3A_439 = arith.constant 0 : i32
          %dma_wait3A_440 = tpu.memref_slice %arg4[%mul3A_2, %dma_wait3A_439] : memref<25088x128xf32, #tpu.memory_space<hbm>> -> memref<56x128xf32, #tpu.memory_space<hbm>>
          tpu.wait_dma2 semaphore(%arg23 : memref<!tpu.dma_semaphore, #tpu.memory_space<semaphore_mem>>) src(%arg14 : memref<56x128xf32, #tpu.memory_space<vmem>>) dst(%dma_wait3A_440 : memref<56x128xf32, #tpu.memory_space<hbm>>)
          %dma_wait3A_441 = arith.constant 0 : i32
          %dma_wait3A_442 = tpu.memref_slice %arg4[%mul3A_2, %dma_wait3A_441] : memref<25088x128xf32, #tpu.memory_space<hbm>> -> memref<56x128xf32, #tpu.memory_space<hbm>>
          %dma_wait3A_443 = arith.constant 0 : i32
          %dma_wait3A_444 = tpu.memref_slice %arg4[%mul3A_2, %dma_wait3A_443] : memref<25088x128xf32, #tpu.memory_space<hbm>> -> memref<56x128xf32, #tpu.memory_space<hbm>>
          tpu.wait_dma2 semaphore(%arg23 : memref<!tpu.dma_semaphore, #tpu.memory_space<semaphore_mem>>) src(%arg15 : memref<56x128xf32, #tpu.memory_space<vmem>>) dst(%dma_wait3A_444 : memref<56x128xf32, #tpu.memory_space<hbm>>)
          %dma_wait3A_445 = arith.constant 0 : i32
          %dma_wait3A_446 = tpu.memref_slice %arg4[%mul3A_2, %dma_wait3A_445] : memref<25088x128xf32, #tpu.memory_space<hbm>> -> memref<56x128xf32, #tpu.memory_space<hbm>>
          %dma_wait3A_447 = arith.constant 0 : i32
          %dma_wait3A_448 = tpu.memref_slice %arg4[%mul3A_2, %dma_wait3A_447] : memref<25088x128xf32, #tpu.memory_space<hbm>> -> memref<56x128xf32, #tpu.memory_space<hbm>>
          tpu.wait_dma2 semaphore(%arg23 : memref<!tpu.dma_semaphore, #tpu.memory_space<semaphore_mem>>) src(%arg16 : memref<56x128xf32, #tpu.memory_space<vmem>>) dst(%dma_wait3A_448 : memref<56x128xf32, #tpu.memory_space<hbm>>)
          %dma_wait3A_449 = arith.constant 0 : i32
          %dma_wait3A_450 = tpu.memref_slice %arg4[%mul3A_2, %dma_wait3A_449] : memref<25088x128xf32, #tpu.memory_space<hbm>> -> memref<56x128xf32, #tpu.memory_space<hbm>>
          %dma_wait3A_451 = arith.constant 0 : i32
          %dma_wait3A_452 = tpu.memref_slice %arg4[%mul3A_2, %dma_wait3A_451] : memref<25088x128xf32, #tpu.memory_space<hbm>> -> memref<56x128xf32, #tpu.memory_space<hbm>>
          tpu.wait_dma2 semaphore(%arg23 : memref<!tpu.dma_semaphore, #tpu.memory_space<semaphore_mem>>) src(%arg17 : memref<56x128xf32, #tpu.memory_space<vmem>>) dst(%dma_wait3A_452 : memref<56x128xf32, #tpu.memory_space<hbm>>)
          %dma_wait3A_453 = arith.constant 0 : i32
          %dma_wait3A_454 = tpu.memref_slice %arg4[%mul3A_2, %dma_wait3A_453] : memref<25088x128xf32, #tpu.memory_space<hbm>> -> memref<56x128xf32, #tpu.memory_space<hbm>>
          %dma_wait3A_455 = arith.constant 0 : i32
          %dma_wait3A_456 = tpu.memref_slice %arg4[%mul3A_2, %dma_wait3A_455] : memref<25088x128xf32, #tpu.memory_space<hbm>> -> memref<56x128xf32, #tpu.memory_space<hbm>>
          tpu.wait_dma2 semaphore(%arg23 : memref<!tpu.dma_semaphore, #tpu.memory_space<semaphore_mem>>) src(%arg18 : memref<56x128xf32, #tpu.memory_space<vmem>>) dst(%dma_wait3A_456 : memref<56x128xf32, #tpu.memory_space<hbm>>)
          %dma_wait3A_457 = arith.constant 0 : i32
          %dma_wait3A_458 = tpu.memref_slice %arg4[%mul3A_2, %dma_wait3A_457] : memref<25088x128xf32, #tpu.memory_space<hbm>> -> memref<56x128xf32, #tpu.memory_space<hbm>>
          %dma_wait3A_459 = arith.constant 0 : i32
          %dma_wait3A_460 = tpu.memref_slice %arg4[%mul3A_2, %dma_wait3A_459] : memref<25088x128xf32, #tpu.memory_space<hbm>> -> memref<56x128xf32, #tpu.memory_space<hbm>>
          tpu.wait_dma2 semaphore(%arg23 : memref<!tpu.dma_semaphore, #tpu.memory_space<semaphore_mem>>) src(%arg19 : memref<56x128xf32, #tpu.memory_space<vmem>>) dst(%dma_wait3A_460 : memref<56x128xf32, #tpu.memory_space<hbm>>)
        } else {
        }
        %mul3A_210 = arith.constant 7 : i32
        %mul3A_211 = arith.muli %add3A_86, %mul3A_210 : i32
        %add3A_212 = arith.constant 0 : i32
        %add3A_213 = arith.addi %mul3A_211, %add3A_212 : i32
        %dma_start3A_214 = arith.constant 0 : i32
        %dma_start3A_215 = tpu.memref_slice %arg5[%add3A_213, %dma_start3A_214] : memref<28x56xi32, #tpu.memory_space<vmem>> -> memref<1x56xi32, #tpu.memory_space<vmem>>
        %dma_start3A_216 = tpu.memref_squeeze %dma_start3A_215 : memref<1x56xi32, #tpu.memory_space<vmem>> -> memref<56xi32, #tpu.memory_space<vmem>>
        %dma_start3A_217 = arith.constant 0 : i32
        %dma_start3A_218 = arith.constant 0 : i32
        %dma_start3A_219 = tpu.memref_slice %arg2[%dma_start3A_217, %dma_start3A_218] : memref<25000x128xf32, #tpu.memory_space<hbm>> -> memref<25000x128xf32, #tpu.memory_space<hbm>>
        tpu.enqueue_indirect_dma source(%dma_start3A_219 : memref<25000x128xf32, #tpu.memory_space<hbm>>) target(%arg13 : memref<56x128xf32, #tpu.memory_space<vmem>>) offsets(%dma_start3A_216 : memref<56xi32, #tpu.memory_space<vmem>>) semaphore(%arg21 : memref<!tpu.dma_semaphore, #tpu.memory_space<semaphore_mem>>)
        %mul3A_220 = arith.constant 7 : i32
        %mul3A_221 = arith.muli %add3A_86, %mul3A_220 : i32
        %add3A_222 = arith.constant 1 : i32
        %add3A_223 = arith.addi %mul3A_221, %add3A_222 : i32
        %dma_start3A_224 = arith.constant 0 : i32
        %dma_start3A_225 = tpu.memref_slice %arg5[%add3A_223, %dma_start3A_224] : memref<28x56xi32, #tpu.memory_space<vmem>> -> memref<1x56xi32, #tpu.memory_space<vmem>>
        %dma_start3A_226 = tpu.memref_squeeze %dma_start3A_225 : memref<1x56xi32, #tpu.memory_space<vmem>> -> memref<56xi32, #tpu.memory_space<vmem>>
        %dma_start3A_227 = arith.constant 0 : i32
        %dma_start3A_228 = arith.constant 0 : i32
        %dma_start3A_229 = tpu.memref_slice %arg2[%dma_start3A_227, %dma_start3A_228] : memref<25000x128xf32, #tpu.memory_space<hbm>> -> memref<25000x128xf32, #tpu.memory_space<hbm>>
        tpu.enqueue_indirect_dma source(%dma_start3A_229 : memref<25000x128xf32, #tpu.memory_space<hbm>>) target(%arg14 : memref<56x128xf32, #tpu.memory_space<vmem>>) offsets(%dma_start3A_226 : memref<56xi32, #tpu.memory_space<vmem>>) semaphore(%arg21 : memref<!tpu.dma_semaphore, #tpu.memory_space<semaphore_mem>>)
        %mul3A_230 = arith.constant 7 : i32
        %mul3A_231 = arith.muli %add3A_86, %mul3A_230 : i32
        %add3A_232 = arith.constant 2 : i32
        %add3A_233 = arith.addi %mul3A_231, %add3A_232 : i32
        %dma_start3A_234 = arith.constant 0 : i32
        %dma_start3A_235 = tpu.memref_slice %arg5[%add3A_233, %dma_start3A_234] : memref<28x56xi32, #tpu.memory_space<vmem>> -> memref<1x56xi32, #tpu.memory_space<vmem>>
        %dma_start3A_236 = tpu.memref_squeeze %dma_start3A_235 : memref<1x56xi32, #tpu.memory_space<vmem>> -> memref<56xi32, #tpu.memory_space<vmem>>
        %dma_start3A_237 = arith.constant 0 : i32
        %dma_start3A_238 = arith.constant 0 : i32
        %dma_start3A_239 = tpu.memref_slice %arg2[%dma_start3A_237, %dma_start3A_238] : memref<25000x128xf32, #tpu.memory_space<hbm>> -> memref<25000x128xf32, #tpu.memory_space<hbm>>
        tpu.enqueue_indirect_dma source(%dma_start3A_239 : memref<25000x128xf32, #tpu.memory_space<hbm>>) target(%arg15 : memref<56x128xf32, #tpu.memory_space<vmem>>) offsets(%dma_start3A_236 : memref<56xi32, #tpu.memory_space<vmem>>) semaphore(%arg21 : memref<!tpu.dma_semaphore, #tpu.memory_space<semaphore_mem>>)
        %mul3A_240 = arith.constant 7 : i32
        %mul3A_241 = arith.muli %add3A_86, %mul3A_240 : i32
        %add3A_242 = arith.constant 3 : i32
        %add3A_243 = arith.addi %mul3A_241, %add3A_242 : i32
        %dma_start3A_244 = arith.constant 0 : i32
        %dma_start3A_245 = tpu.memref_slice %arg5[%add3A_243, %dma_start3A_244] : memref<28x56xi32, #tpu.memory_space<vmem>> -> memref<1x56xi32, #tpu.memory_space<vmem>>
        %dma_start3A_246 = tpu.memref_squeeze %dma_start3A_245 : memref<1x56xi32, #tpu.memory_space<vmem>> -> memref<56xi32, #tpu.memory_space<vmem>>
        %dma_start3A_247 = arith.constant 0 : i32
        %dma_start3A_248 = arith.constant 0 : i32
        %dma_start3A_249 = tpu.memref_slice %arg2[%dma_start3A_247, %dma_start3A_248] : memref<25000x128xf32, #tpu.memory_space<hbm>> -> memref<25000x128xf32, #tpu.memory_space<hbm>>
        tpu.enqueue_indirect_dma source(%dma_start3A_249 : memref<25000x128xf32, #tpu.memory_space<hbm>>) target(%arg16 : memref<56x128xf32, #tpu.memory_space<vmem>>) offsets(%dma_start3A_246 : memref<56xi32, #tpu.memory_space<vmem>>) semaphore(%arg21 : memref<!tpu.dma_semaphore, #tpu.memory_space<semaphore_mem>>)
        %mul3A_250 = arith.constant 7 : i32
        %mul3A_251 = arith.muli %add3A_86, %mul3A_250 : i32
        %add3A_252 = arith.constant 4 : i32
        %add3A_253 = arith.addi %mul3A_251, %add3A_252 : i32
        %dma_start3A_254 = arith.constant 0 : i32
        %dma_start3A_255 = tpu.memref_slice %arg5[%add3A_253, %dma_start3A_254] : memref<28x56xi32, #tpu.memory_space<vmem>> -> memref<1x56xi32, #tpu.memory_space<vmem>>
        %dma_start3A_256 = tpu.memref_squeeze %dma_start3A_255 : memref<1x56xi32, #tpu.memory_space<vmem>> -> memref<56xi32, #tpu.memory_space<vmem>>
        %dma_start3A_257 = arith.constant 0 : i32
        %dma_start3A_258 = arith.constant 0 : i32
        %dma_start3A_259 = tpu.memref_slice %arg2[%dma_start3A_257, %dma_start3A_258] : memref<25000x128xf32, #tpu.memory_space<hbm>> -> memref<25000x128xf32, #tpu.memory_space<hbm>>
        tpu.enqueue_indirect_dma source(%dma_start3A_259 : memref<25000x128xf32, #tpu.memory_space<hbm>>) target(%arg17 : memref<56x128xf32, #tpu.memory_space<vmem>>) offsets(%dma_start3A_256 : memref<56xi32, #tpu.memory_space<vmem>>) semaphore(%arg21 : memref<!tpu.dma_semaphore, #tpu.memory_space<semaphore_mem>>)
        %mul3A_260 = arith.constant 7 : i32
        %mul3A_261 = arith.muli %add3A_86, %mul3A_260 : i32
        %add3A_262 = arith.constant 5 : i32
        %add3A_263 = arith.addi %mul3A_261, %add3A_262 : i32
        %dma_start3A_264 = arith.constant 0 : i32
        %dma_start3A_265 = tpu.memref_slice %arg5[%add3A_263, %dma_start3A_264] : memref<28x56xi32, #tpu.memory_space<vmem>> -> memref<1x56xi32, #tpu.memory_space<vmem>>
        %dma_start3A_266 = tpu.memref_squeeze %dma_start3A_265 : memref<1x56xi32, #tpu.memory_space<vmem>> -> memref<56xi32, #tpu.memory_space<vmem>>
        %dma_start3A_267 = arith.constant 0 : i32
        %dma_start3A_268 = arith.constant 0 : i32
        %dma_start3A_269 = tpu.memref_slice %arg2[%dma_start3A_267, %dma_start3A_268] : memref<25000x128xf32, #tpu.memory_space<hbm>> -> memref<25000x128xf32, #tpu.memory_space<hbm>>
        tpu.enqueue_indirect_dma source(%dma_start3A_269 : memref<25000x128xf32, #tpu.memory_space<hbm>>) target(%arg18 : memref<56x128xf32, #tpu.memory_space<vmem>>) offsets(%dma_start3A_266 : memref<56xi32, #tpu.memory_space<vmem>>) semaphore(%arg21 : memref<!tpu.dma_semaphore, #tpu.memory_space<semaphore_mem>>)
        %mul3A_270 = arith.constant 7 : i32
        %mul3A_271 = arith.muli %add3A_86, %mul3A_270 : i32
        %add3A_272 = arith.constant 6 : i32
        %add3A_273 = arith.addi %mul3A_271, %add3A_272 : i32
        %dma_start3A_274 = arith.constant 0 : i32
        %dma_start3A_275 = tpu.memref_slice %arg5[%add3A_273, %dma_start3A_274] : memref<28x56xi32, #tpu.memory_space<vmem>> -> memref<1x56xi32, #tpu.memory_space<vmem>>
        %dma_start3A_276 = tpu.memref_squeeze %dma_start3A_275 : memref<1x56xi32, #tpu.memory_space<vmem>> -> memref<56xi32, #tpu.memory_space<vmem>>
        %dma_start3A_277 = arith.constant 0 : i32
        %dma_start3A_278 = arith.constant 0 : i32
        %dma_start3A_279 = tpu.memref_slice %arg2[%dma_start3A_277, %dma_start3A_278] : memref<25000x128xf32, #tpu.memory_space<hbm>> -> memref<25000x128xf32, #tpu.memory_space<hbm>>
        tpu.enqueue_indirect_dma source(%dma_start3A_279 : memref<25000x128xf32, #tpu.memory_space<hbm>>) target(%arg19 : memref<56x128xf32, #tpu.memory_space<vmem>>) offsets(%dma_start3A_276 : memref<56xi32, #tpu.memory_space<vmem>>) semaphore(%arg21 : memref<!tpu.dma_semaphore, #tpu.memory_space<semaphore_mem>>)
        %dma_wait3A_280 = arith.constant 0 : i32
        %dma_wait3A_281 = tpu.memref_slice %arg5[%add3A_213, %dma_wait3A_280] : memref<28x56xi32, #tpu.memory_space<vmem>> -> memref<1x56xi32, #tpu.memory_space<vmem>>
        %dma_wait3A_282 = tpu.memref_squeeze %dma_wait3A_281 : memref<1x56xi32, #tpu.memory_space<vmem>> -> memref<56xi32, #tpu.memory_space<vmem>>
        %dma_wait3A_283 = arith.constant 0 : i32
        %dma_wait3A_284 = arith.constant 0 : i32
        %dma_wait3A_285 = tpu.memref_slice %arg2[%dma_wait3A_283, %dma_wait3A_284] : memref<25000x128xf32, #tpu.memory_space<hbm>> -> memref<25000x128xf32, #tpu.memory_space<hbm>>
        tpu.wait_indirect_dma semaphore(%arg21 : memref<!tpu.dma_semaphore, #tpu.memory_space<semaphore_mem>>) src(%dma_wait3A_285 : memref<25000x128xf32, #tpu.memory_space<hbm>>) dst(%arg13 : memref<56x128xf32, #tpu.memory_space<vmem>>)
        %dma_wait3A_286 = arith.constant 0 : i32
        %dma_wait3A_287 = tpu.memref_slice %arg5[%add3A_223, %dma_wait3A_286] : memref<28x56xi32, #tpu.memory_space<vmem>> -> memref<1x56xi32, #tpu.memory_space<vmem>>
        %dma_wait3A_288 = tpu.memref_squeeze %dma_wait3A_287 : memref<1x56xi32, #tpu.memory_space<vmem>> -> memref<56xi32, #tpu.memory_space<vmem>>
        %dma_wait3A_289 = arith.constant 0 : i32
        %dma_wait3A_290 = arith.constant 0 : i32
        %dma_wait3A_291 = tpu.memref_slice %arg2[%dma_wait3A_289, %dma_wait3A_290] : memref<25000x128xf32, #tpu.memory_space<hbm>> -> memref<25000x128xf32, #tpu.memory_space<hbm>>
        tpu.wait_indirect_dma semaphore(%arg21 : memref<!tpu.dma_semaphore, #tpu.memory_space<semaphore_mem>>) src(%dma_wait3A_291 : memref<25000x128xf32, #tpu.memory_space<hbm>>) dst(%arg14 : memref<56x128xf32, #tpu.memory_space<vmem>>)
        %dma_wait3A_292 = arith.constant 0 : i32
        %dma_wait3A_293 = tpu.memref_slice %arg5[%add3A_233, %dma_wait3A_292] : memref<28x56xi32, #tpu.memory_space<vmem>> -> memref<1x56xi32, #tpu.memory_space<vmem>>
        %dma_wait3A_294 = tpu.memref_squeeze %dma_wait3A_293 : memref<1x56xi32, #tpu.memory_space<vmem>> -> memref<56xi32, #tpu.memory_space<vmem>>
        %dma_wait3A_295 = arith.constant 0 : i32
        %dma_wait3A_296 = arith.constant 0 : i32
        %dma_wait3A_297 = tpu.memref_slice %arg2[%dma_wait3A_295, %dma_wait3A_296] : memref<25000x128xf32, #tpu.memory_space<hbm>> -> memref<25000x128xf32, #tpu.memory_space<hbm>>
        tpu.wait_indirect_dma semaphore(%arg21 : memref<!tpu.dma_semaphore, #tpu.memory_space<semaphore_mem>>) src(%dma_wait3A_297 : memref<25000x128xf32, #tpu.memory_space<hbm>>) dst(%arg15 : memref<56x128xf32, #tpu.memory_space<vmem>>)
        %dma_wait3A_298 = arith.constant 0 : i32
        %dma_wait3A_299 = tpu.memref_slice %arg5[%add3A_243, %dma_wait3A_298] : memref<28x56xi32, #tpu.memory_space<vmem>> -> memref<1x56xi32, #tpu.memory_space<vmem>>
        %dma_wait3A_300 = tpu.memref_squeeze %dma_wait3A_299 : memref<1x56xi32, #tpu.memory_space<vmem>> -> memref<56xi32, #tpu.memory_space<vmem>>
        %dma_wait3A_301 = arith.constant 0 : i32
        %dma_wait3A_302 = arith.constant 0 : i32
        %dma_wait3A_303 = tpu.memref_slice %arg2[%dma_wait3A_301, %dma_wait3A_302] : memref<25000x128xf32, #tpu.memory_space<hbm>> -> memref<25000x128xf32, #tpu.memory_space<hbm>>
        tpu.wait_indirect_dma semaphore(%arg21 : memref<!tpu.dma_semaphore, #tpu.memory_space<semaphore_mem>>) src(%dma_wait3A_303 : memref<25000x128xf32, #tpu.memory_space<hbm>>) dst(%arg16 : memref<56x128xf32, #tpu.memory_space<vmem>>)
        %dma_wait3A_304 = arith.constant 0 : i32
        %dma_wait3A_305 = tpu.memref_slice %arg5[%add3A_253, %dma_wait3A_304] : memref<28x56xi32, #tpu.memory_space<vmem>> -> memref<1x56xi32, #tpu.memory_space<vmem>>
        %dma_wait3A_306 = tpu.memref_squeeze %dma_wait3A_305 : memref<1x56xi32, #tpu.memory_space<vmem>> -> memref<56xi32, #tpu.memory_space<vmem>>
        %dma_wait3A_307 = arith.constant 0 : i32
        %dma_wait3A_308 = arith.constant 0 : i32
        %dma_wait3A_309 = tpu.memref_slice %arg2[%dma_wait3A_307, %dma_wait3A_308] : memref<25000x128xf32, #tpu.memory_space<hbm>> -> memref<25000x128xf32, #tpu.memory_space<hbm>>
        tpu.wait_indirect_dma semaphore(%arg21 : memref<!tpu.dma_semaphore, #tpu.memory_space<semaphore_mem>>) src(%dma_wait3A_309 : memref<25000x128xf32, #tpu.memory_space<hbm>>) dst(%arg17 : memref<56x128xf32, #tpu.memory_space<vmem>>)
        %dma_wait3A_310 = arith.constant 0 : i32
        %dma_wait3A_311 = tpu.memref_slice %arg5[%add3A_263, %dma_wait3A_310] : memref<28x56xi32, #tpu.memory_space<vmem>> -> memref<1x56xi32, #tpu.memory_space<vmem>>
        %dma_wait3A_312 = tpu.memref_squeeze %dma_wait3A_311 : memref<1x56xi32, #tpu.memory_space<vmem>> -> memref<56xi32, #tpu.memory_space<vmem>>
        %dma_wait3A_313 = arith.constant 0 : i32
        %dma_wait3A_314 = arith.constant 0 : i32
        %dma_wait3A_315 = tpu.memref_slice %arg2[%dma_wait3A_313, %dma_wait3A_314] : memref<25000x128xf32, #tpu.memory_space<hbm>> -> memref<25000x128xf32, #tpu.memory_space<hbm>>
        tpu.wait_indirect_dma semaphore(%arg21 : memref<!tpu.dma_semaphore, #tpu.memory_space<semaphore_mem>>) src(%dma_wait3A_315 : memref<25000x128xf32, #tpu.memory_space<hbm>>) dst(%arg18 : memref<56x128xf32, #tpu.memory_space<vmem>>)
        %dma_wait3A_316 = arith.constant 0 : i32
        %dma_wait3A_317 = tpu.memref_slice %arg5[%add3A_273, %dma_wait3A_316] : memref<28x56xi32, #tpu.memory_space<vmem>> -> memref<1x56xi32, #tpu.memory_space<vmem>>
        %dma_wait3A_318 = tpu.memref_squeeze %dma_wait3A_317 : memref<1x56xi32, #tpu.memory_space<vmem>> -> memref<56xi32, #tpu.memory_space<vmem>>
        %dma_wait3A_319 = arith.constant 0 : i32
        %dma_wait3A_320 = arith.constant 0 : i32
        %dma_wait3A_321 = tpu.memref_slice %arg2[%dma_wait3A_319, %dma_wait3A_320] : memref<25000x128xf32, #tpu.memory_space<hbm>> -> memref<25000x128xf32, #tpu.memory_space<hbm>>
        tpu.wait_indirect_dma semaphore(%arg21 : memref<!tpu.dma_semaphore, #tpu.memory_space<semaphore_mem>>) src(%dma_wait3A_321 : memref<25000x128xf32, #tpu.memory_space<hbm>>) dst(%arg19 : memref<56x128xf32, #tpu.memory_space<vmem>>)
        %mul3A_322 = arith.constant 7 : i32
        %mul3A_323 = arith.muli %add3A_86, %mul3A_322 : i32
        %add3A_324 = arith.constant 0 : i32
        %add3A_325 = arith.addi %mul3A_323, %add3A_324 : i32
        %mul3A_326 = arith.constant 56 : i32
        %mul3A_327 = arith.muli %add3A_325, %mul3A_326 : i32
        %add3A_328 = arith.addi %mul3A_2, %mul3A_327 : i32
        %dma_start3A_329 = arith.constant 0 : i32
        %dma_start3A_330 = tpu.memref_slice %arg4[%add3A_328, %dma_start3A_329] : memref<25088x128xf32, #tpu.memory_space<hbm>> -> memref<56x128xf32, #tpu.memory_space<hbm>>
        %dma_start3A_331 = arith.constant 0 : i32
        %dma_start3A_332 = tpu.memref_slice %arg4[%add3A_328, %dma_start3A_331] : memref<25088x128xf32, #tpu.memory_space<hbm>> -> memref<56x128xf32, #tpu.memory_space<hbm>>
        tpu.enqueue_dma source(%arg13 : memref<56x128xf32, #tpu.memory_space<vmem>>) target(%dma_start3A_332 : memref<56x128xf32, #tpu.memory_space<hbm>>) target_semaphore(%arg23 : memref<!tpu.dma_semaphore, #tpu.memory_space<semaphore_mem>>)
        %mul3A_333 = arith.constant 7 : i32
        %mul3A_334 = arith.muli %add3A_86, %mul3A_333 : i32
        %add3A_335 = arith.constant 1 : i32
        %add3A_336 = arith.addi %mul3A_334, %add3A_335 : i32
        %mul3A_337 = arith.constant 56 : i32
        %mul3A_338 = arith.muli %add3A_336, %mul3A_337 : i32
        %add3A_339 = arith.addi %mul3A_2, %mul3A_338 : i32
        %dma_start3A_340 = arith.constant 0 : i32
        %dma_start3A_341 = tpu.memref_slice %arg4[%add3A_339, %dma_start3A_340] : memref<25088x128xf32, #tpu.memory_space<hbm>> -> memref<56x128xf32, #tpu.memory_space<hbm>>
        %dma_start3A_342 = arith.constant 0 : i32
        %dma_start3A_343 = tpu.memref_slice %arg4[%add3A_339, %dma_start3A_342] : memref<25088x128xf32, #tpu.memory_space<hbm>> -> memref<56x128xf32, #tpu.memory_space<hbm>>
        tpu.enqueue_dma source(%arg14 : memref<56x128xf32, #tpu.memory_space<vmem>>) target(%dma_start3A_343 : memref<56x128xf32, #tpu.memory_space<hbm>>) target_semaphore(%arg23 : memref<!tpu.dma_semaphore, #tpu.memory_space<semaphore_mem>>)
        %mul3A_344 = arith.constant 7 : i32
        %mul3A_345 = arith.muli %add3A_86, %mul3A_344 : i32
        %add3A_346 = arith.constant 2 : i32
        %add3A_347 = arith.addi %mul3A_345, %add3A_346 : i32
        %mul3A_348 = arith.constant 56 : i32
        %mul3A_349 = arith.muli %add3A_347, %mul3A_348 : i32
        %add3A_350 = arith.addi %mul3A_2, %mul3A_349 : i32
        %dma_start3A_351 = arith.constant 0 : i32
        %dma_start3A_352 = tpu.memref_slice %arg4[%add3A_350, %dma_start3A_351] : memref<25088x128xf32, #tpu.memory_space<hbm>> -> memref<56x128xf32, #tpu.memory_space<hbm>>
        %dma_start3A_353 = arith.constant 0 : i32
        %dma_start3A_354 = tpu.memref_slice %arg4[%add3A_350, %dma_start3A_353] : memref<25088x128xf32, #tpu.memory_space<hbm>> -> memref<56x128xf32, #tpu.memory_space<hbm>>
        tpu.enqueue_dma source(%arg15 : memref<56x128xf32, #tpu.memory_space<vmem>>) target(%dma_start3A_354 : memref<56x128xf32, #tpu.memory_space<hbm>>) target_semaphore(%arg23 : memref<!tpu.dma_semaphore, #tpu.memory_space<semaphore_mem>>)
        %mul3A_355 = arith.constant 7 : i32
        %mul3A_356 = arith.muli %add3A_86, %mul3A_355 : i32
        %add3A_357 = arith.constant 3 : i32
        %add3A_358 = arith.addi %mul3A_356, %add3A_357 : i32
        %mul3A_359 = arith.constant 56 : i32
        %mul3A_360 = arith.muli %add3A_358, %mul3A_359 : i32
        %add3A_361 = arith.addi %mul3A_2, %mul3A_360 : i32
        %dma_start3A_362 = arith.constant 0 : i32
        %dma_start3A_363 = tpu.memref_slice %arg4[%add3A_361, %dma_start3A_362] : memref<25088x128xf32, #tpu.memory_space<hbm>> -> memref<56x128xf32, #tpu.memory_space<hbm>>
        %dma_start3A_364 = arith.constant 0 : i32
        %dma_start3A_365 = tpu.memref_slice %arg4[%add3A_361, %dma_start3A_364] : memref<25088x128xf32, #tpu.memory_space<hbm>> -> memref<56x128xf32, #tpu.memory_space<hbm>>
        tpu.enqueue_dma source(%arg16 : memref<56x128xf32, #tpu.memory_space<vmem>>) target(%dma_start3A_365 : memref<56x128xf32, #tpu.memory_space<hbm>>) target_semaphore(%arg23 : memref<!tpu.dma_semaphore, #tpu.memory_space<semaphore_mem>>)
        %mul3A_366 = arith.constant 7 : i32
        %mul3A_367 = arith.muli %add3A_86, %mul3A_366 : i32
        %add3A_368 = arith.constant 4 : i32
        %add3A_369 = arith.addi %mul3A_367, %add3A_368 : i32
        %mul3A_370 = arith.constant 56 : i32
        %mul3A_371 = arith.muli %add3A_369, %mul3A_370 : i32
        %add3A_372 = arith.addi %mul3A_2, %mul3A_371 : i32
        %dma_start3A_373 = arith.constant 0 : i32
        %dma_start3A_374 = tpu.memref_slice %arg4[%add3A_372, %dma_start3A_373] : memref<25088x128xf32, #tpu.memory_space<hbm>> -> memref<56x128xf32, #tpu.memory_space<hbm>>
        %dma_start3A_375 = arith.constant 0 : i32
        %dma_start3A_376 = tpu.memref_slice %arg4[%add3A_372, %dma_start3A_375] : memref<25088x128xf32, #tpu.memory_space<hbm>> -> memref<56x128xf32, #tpu.memory_space<hbm>>
        tpu.enqueue_dma source(%arg17 : memref<56x128xf32, #tpu.memory_space<vmem>>) target(%dma_start3A_376 : memref<56x128xf32, #tpu.memory_space<hbm>>) target_semaphore(%arg23 : memref<!tpu.dma_semaphore, #tpu.memory_space<semaphore_mem>>)
        %mul3A_377 = arith.constant 7 : i32
        %mul3A_378 = arith.muli %add3A_86, %mul3A_377 : i32
        %add3A_379 = arith.constant 5 : i32
        %add3A_380 = arith.addi %mul3A_378, %add3A_379 : i32
        %mul3A_381 = arith.constant 56 : i32
        %mul3A_382 = arith.muli %add3A_380, %mul3A_381 : i32
        %add3A_383 = arith.addi %mul3A_2, %mul3A_382 : i32
        %dma_start3A_384 = arith.constant 0 : i32
        %dma_start3A_385 = tpu.memref_slice %arg4[%add3A_383, %dma_start3A_384] : memref<25088x128xf32, #tpu.memory_space<hbm>> -> memref<56x128xf32, #tpu.memory_space<hbm>>
        %dma_start3A_386 = arith.constant 0 : i32
        %dma_start3A_387 = tpu.memref_slice %arg4[%add3A_383, %dma_start3A_386] : memref<25088x128xf32, #tpu.memory_space<hbm>> -> memref<56x128xf32, #tpu.memory_space<hbm>>
        tpu.enqueue_dma source(%arg18 : memref<56x128xf32, #tpu.memory_space<vmem>>) target(%dma_start3A_387 : memref<56x128xf32, #tpu.memory_space<hbm>>) target_semaphore(%arg23 : memref<!tpu.dma_semaphore, #tpu.memory_space<semaphore_mem>>)
        %mul3A_388 = arith.constant 7 : i32
        %mul3A_389 = arith.muli %add3A_86, %mul3A_388 : i32
        %add3A_390 = arith.constant 6 : i32
        %add3A_391 = arith.addi %mul3A_389, %add3A_390 : i32
        %mul3A_392 = arith.constant 56 : i32
        %mul3A_393 = arith.muli %add3A_391, %mul3A_392 : i32
        %add3A_394 = arith.addi %mul3A_2, %mul3A_393 : i32
        %dma_start3A_395 = arith.constant 0 : i32
        %dma_start3A_396 = tpu.memref_slice %arg4[%add3A_394, %dma_start3A_395] : memref<25088x128xf32, #tpu.memory_space<hbm>> -> memref<56x128xf32, #tpu.memory_space<hbm>>
        %dma_start3A_397 = arith.constant 0 : i32
        %dma_start3A_398 = tpu.memref_slice %arg4[%add3A_394, %dma_start3A_397] : memref<25088x128xf32, #tpu.memory_space<hbm>> -> memref<56x128xf32, #tpu.memory_space<hbm>>
        tpu.enqueue_dma source(%arg19 : memref<56x128xf32, #tpu.memory_space<vmem>>) target(%dma_start3A_398 : memref<56x128xf32, #tpu.memory_space<hbm>>) target_semaphore(%arg23 : memref<!tpu.dma_semaphore, #tpu.memory_space<semaphore_mem>>)
        %dma_wait3A_399 = arith.constant 0 : i32
        %dma_wait3A_400 = tpu.memref_slice %arg4[%add3A_135, %dma_wait3A_399] : memref<25088x128xf32, #tpu.memory_space<hbm>> -> memref<56x128xf32, #tpu.memory_space<hbm>>
        %dma_wait3A_401 = arith.constant 0 : i32
        %dma_wait3A_402 = tpu.memref_slice %arg4[%add3A_135, %dma_wait3A_401] : memref<25088x128xf32, #tpu.memory_space<hbm>> -> memref<56x128xf32, #tpu.memory_space<hbm>>
        tpu.wait_dma2 semaphore(%arg22 : memref<!tpu.dma_semaphore, #tpu.memory_space<semaphore_mem>>) src(%arg6 : memref<56x128xf32, #tpu.memory_space<vmem>>) dst(%dma_wait3A_402 : memref<56x128xf32, #tpu.memory_space<hbm>>)
        %dma_wait3A_403 = arith.constant 0 : i32
        %dma_wait3A_404 = tpu.memref_slice %arg4[%add3A_146, %dma_wait3A_403] : memref<25088x128xf32, #tpu.memory_space<hbm>> -> memref<56x128xf32, #tpu.memory_space<hbm>>
        %dma_wait3A_405 = arith.constant 0 : i32
        %dma_wait3A_406 = tpu.memref_slice %arg4[%add3A_146, %dma_wait3A_405] : memref<25088x128xf32, #tpu.memory_space<hbm>> -> memref<56x128xf32, #tpu.memory_space<hbm>>
        tpu.wait_dma2 semaphore(%arg22 : memref<!tpu.dma_semaphore, #tpu.memory_space<semaphore_mem>>) src(%arg7 : memref<56x128xf32, #tpu.memory_space<vmem>>) dst(%dma_wait3A_406 : memref<56x128xf32, #tpu.memory_space<hbm>>)
        %dma_wait3A_407 = arith.constant 0 : i32
        %dma_wait3A_408 = tpu.memref_slice %arg4[%add3A_157, %dma_wait3A_407] : memref<25088x128xf32, #tpu.memory_space<hbm>> -> memref<56x128xf32, #tpu.memory_space<hbm>>
        %dma_wait3A_409 = arith.constant 0 : i32
        %dma_wait3A_410 = tpu.memref_slice %arg4[%add3A_157, %dma_wait3A_409] : memref<25088x128xf32, #tpu.memory_space<hbm>> -> memref<56x128xf32, #tpu.memory_space<hbm>>
        tpu.wait_dma2 semaphore(%arg22 : memref<!tpu.dma_semaphore, #tpu.memory_space<semaphore_mem>>) src(%arg8 : memref<56x128xf32, #tpu.memory_space<vmem>>) dst(%dma_wait3A_410 : memref<56x128xf32, #tpu.memory_space<hbm>>)
        %dma_wait3A_411 = arith.constant 0 : i32
        %dma_wait3A_412 = tpu.memref_slice %arg4[%add3A_168, %dma_wait3A_411] : memref<25088x128xf32, #tpu.memory_space<hbm>> -> memref<56x128xf32, #tpu.memory_space<hbm>>
        %dma_wait3A_413 = arith.constant 0 : i32
        %dma_wait3A_414 = tpu.memref_slice %arg4[%add3A_168, %dma_wait3A_413] : memref<25088x128xf32, #tpu.memory_space<hbm>> -> memref<56x128xf32, #tpu.memory_space<hbm>>
        tpu.wait_dma2 semaphore(%arg22 : memref<!tpu.dma_semaphore, #tpu.memory_space<semaphore_mem>>) src(%arg9 : memref<56x128xf32, #tpu.memory_space<vmem>>) dst(%dma_wait3A_414 : memref<56x128xf32, #tpu.memory_space<hbm>>)
        %dma_wait3A_415 = arith.constant 0 : i32
        %dma_wait3A_416 = tpu.memref_slice %arg4[%add3A_179, %dma_wait3A_415] : memref<25088x128xf32, #tpu.memory_space<hbm>> -> memref<56x128xf32, #tpu.memory_space<hbm>>
        %dma_wait3A_417 = arith.constant 0 : i32
        %dma_wait3A_418 = tpu.memref_slice %arg4[%add3A_179, %dma_wait3A_417] : memref<25088x128xf32, #tpu.memory_space<hbm>> -> memref<56x128xf32, #tpu.memory_space<hbm>>
        tpu.wait_dma2 semaphore(%arg22 : memref<!tpu.dma_semaphore, #tpu.memory_space<semaphore_mem>>) src(%arg10 : memref<56x128xf32, #tpu.memory_space<vmem>>) dst(%dma_wait3A_418 : memref<56x128xf32, #tpu.memory_space<hbm>>)
        %dma_wait3A_419 = arith.constant 0 : i32
        %dma_wait3A_420 = tpu.memref_slice %arg4[%add3A_190, %dma_wait3A_419] : memref<25088x128xf32, #tpu.memory_space<hbm>> -> memref<56x128xf32, #tpu.memory_space<hbm>>
        %dma_wait3A_421 = arith.constant 0 : i32
        %dma_wait3A_422 = tpu.memref_slice %arg4[%add3A_190, %dma_wait3A_421] : memref<25088x128xf32, #tpu.memory_space<hbm>> -> memref<56x128xf32, #tpu.memory_space<hbm>>
        tpu.wait_dma2 semaphore(%arg22 : memref<!tpu.dma_semaphore, #tpu.memory_space<semaphore_mem>>) src(%arg11 : memref<56x128xf32, #tpu.memory_space<vmem>>) dst(%dma_wait3A_422 : memref<56x128xf32, #tpu.memory_space<hbm>>)
        %dma_wait3A_423 = arith.constant 0 : i32
        %dma_wait3A_424 = tpu.memref_slice %arg4[%add3A_201, %dma_wait3A_423] : memref<25088x128xf32, #tpu.memory_space<hbm>> -> memref<56x128xf32, #tpu.memory_space<hbm>>
        %dma_wait3A_425 = arith.constant 0 : i32
        %dma_wait3A_426 = tpu.memref_slice %arg4[%add3A_201, %dma_wait3A_425] : memref<25088x128xf32, #tpu.memory_space<hbm>> -> memref<56x128xf32, #tpu.memory_space<hbm>>
        tpu.wait_dma2 semaphore(%arg22 : memref<!tpu.dma_semaphore, #tpu.memory_space<semaphore_mem>>) src(%arg12 : memref<56x128xf32, #tpu.memory_space<vmem>>) dst(%dma_wait3A_426 : memref<56x128xf32, #tpu.memory_space<hbm>>)
        %add3A_427 = arith.constant 1 : i32
        %add3A_428 = arith.addi %scan3A_83, %add3A_427 : i32
        %lt3A = arith.constant 2 : i32
        %lt3A_429 = arith.cmpi slt, %add3A_428, %lt3A : i32
        %convert_element_type3A_430 = arith.extui %lt3A_429 : i1 to i32
        %cond3A_431 = arith.constant 0 : i32
        %cond3A_432 = arith.cmpi ne, %convert_element_type3A_430, %cond3A_431 : i32
        scf.if %cond3A_432 {
          %add3A_433 = arith.constant 2 : i32
          %add3A_434 = arith.addi %mul3A_85, %add3A_433 : i32
          %mul3A_435 = arith.constant 7 : i32
          %mul3A_436 = arith.muli %add3A_434, %mul3A_435 : i32
          %add3A_437 = arith.constant 0 : i32
          %add3A_438 = arith.addi %mul3A_436, %add3A_437 : i32
          %dma_start3A_439 = arith.constant 0 : i32
          %dma_start3A_440 = tpu.memref_slice %arg5[%add3A_438, %dma_start3A_439] : memref<28x56xi32, #tpu.memory_space<vmem>> -> memref<1x56xi32, #tpu.memory_space<vmem>>
          %dma_start3A_441 = tpu.memref_squeeze %dma_start3A_440 : memref<1x56xi32, #tpu.memory_space<vmem>> -> memref<56xi32, #tpu.memory_space<vmem>>
          %dma_start3A_442 = arith.constant 0 : i32
          %dma_start3A_443 = arith.constant 0 : i32
          %dma_start3A_444 = tpu.memref_slice %arg2[%dma_start3A_442, %dma_start3A_443] : memref<25000x128xf32, #tpu.memory_space<hbm>> -> memref<25000x128xf32, #tpu.memory_space<hbm>>
          tpu.enqueue_indirect_dma source(%dma_start3A_444 : memref<25000x128xf32, #tpu.memory_space<hbm>>) target(%arg6 : memref<56x128xf32, #tpu.memory_space<vmem>>) offsets(%dma_start3A_441 : memref<56xi32, #tpu.memory_space<vmem>>) semaphore(%arg20 : memref<!tpu.dma_semaphore, #tpu.memory_space<semaphore_mem>>)
          %add3A_445 = arith.constant 2 : i32
          %add3A_446 = arith.addi %mul3A_85, %add3A_445 : i32
          %mul3A_447 = arith.constant 7 : i32
          %mul3A_448 = arith.muli %add3A_446, %mul3A_447 : i32
          %add3A_449 = arith.constant 1 : i32
          %add3A_450 = arith.addi %mul3A_448, %add3A_449 : i32
          %dma_start3A_451 = arith.constant 0 : i32
          %dma_start3A_452 = tpu.memref_slice %arg5[%add3A_450, %dma_start3A_451] : memref<28x56xi32, #tpu.memory_space<vmem>> -> memref<1x56xi32, #tpu.memory_space<vmem>>
          %dma_start3A_453 = tpu.memref_squeeze %dma_start3A_452 : memref<1x56xi32, #tpu.memory_space<vmem>> -> memref<56xi32, #tpu.memory_space<vmem>>
          %dma_start3A_454 = arith.constant 0 : i32
          %dma_start3A_455 = arith.constant 0 : i32
          %dma_start3A_456 = tpu.memref_slice %arg2[%dma_start3A_454, %dma_start3A_455] : memref<25000x128xf32, #tpu.memory_space<hbm>> -> memref<25000x128xf32, #tpu.memory_space<hbm>>
          tpu.enqueue_indirect_dma source(%dma_start3A_456 : memref<25000x128xf32, #tpu.memory_space<hbm>>) target(%arg7 : memref<56x128xf32, #tpu.memory_space<vmem>>) offsets(%dma_start3A_453 : memref<56xi32, #tpu.memory_space<vmem>>) semaphore(%arg20 : memref<!tpu.dma_semaphore, #tpu.memory_space<semaphore_mem>>)
          %add3A_457 = arith.constant 2 : i32
          %add3A_458 = arith.addi %mul3A_85, %add3A_457 : i32
          %mul3A_459 = arith.constant 7 : i32
          %mul3A_460 = arith.muli %add3A_458, %mul3A_459 : i32
          %add3A_461 = arith.constant 2 : i32
          %add3A_462 = arith.addi %mul3A_460, %add3A_461 : i32
          %dma_start3A_463 = arith.constant 0 : i32
          %dma_start3A_464 = tpu.memref_slice %arg5[%add3A_462, %dma_start3A_463] : memref<28x56xi32, #tpu.memory_space<vmem>> -> memref<1x56xi32, #tpu.memory_space<vmem>>
          %dma_start3A_465 = tpu.memref_squeeze %dma_start3A_464 : memref<1x56xi32, #tpu.memory_space<vmem>> -> memref<56xi32, #tpu.memory_space<vmem>>
          %dma_start3A_466 = arith.constant 0 : i32
          %dma_start3A_467 = arith.constant 0 : i32
          %dma_start3A_468 = tpu.memref_slice %arg2[%dma_start3A_466, %dma_start3A_467] : memref<25000x128xf32, #tpu.memory_space<hbm>> -> memref<25000x128xf32, #tpu.memory_space<hbm>>
          tpu.enqueue_indirect_dma source(%dma_start3A_468 : memref<25000x128xf32, #tpu.memory_space<hbm>>) target(%arg8 : memref<56x128xf32, #tpu.memory_space<vmem>>) offsets(%dma_start3A_465 : memref<56xi32, #tpu.memory_space<vmem>>) semaphore(%arg20 : memref<!tpu.dma_semaphore, #tpu.memory_space<semaphore_mem>>)
          %add3A_469 = arith.constant 2 : i32
          %add3A_470 = arith.addi %mul3A_85, %add3A_469 : i32
          %mul3A_471 = arith.constant 7 : i32
          %mul3A_472 = arith.muli %add3A_470, %mul3A_471 : i32
          %add3A_473 = arith.constant 3 : i32
          %add3A_474 = arith.addi %mul3A_472, %add3A_473 : i32
          %dma_start3A_475 = arith.constant 0 : i32
          %dma_start3A_476 = tpu.memref_slice %arg5[%add3A_474, %dma_start3A_475] : memref<28x56xi32, #tpu.memory_space<vmem>> -> memref<1x56xi32, #tpu.memory_space<vmem>>
          %dma_start3A_477 = tpu.memref_squeeze %dma_start3A_476 : memref<1x56xi32, #tpu.memory_space<vmem>> -> memref<56xi32, #tpu.memory_space<vmem>>
          %dma_start3A_478 = arith.constant 0 : i32
          %dma_start3A_479 = arith.constant 0 : i32
          %dma_start3A_480 = tpu.memref_slice %arg2[%dma_start3A_478, %dma_start3A_479] : memref<25000x128xf32, #tpu.memory_space<hbm>> -> memref<25000x128xf32, #tpu.memory_space<hbm>>
          tpu.enqueue_indirect_dma source(%dma_start3A_480 : memref<25000x128xf32, #tpu.memory_space<hbm>>) target(%arg9 : memref<56x128xf32, #tpu.memory_space<vmem>>) offsets(%dma_start3A_477 : memref<56xi32, #tpu.memory_space<vmem>>) semaphore(%arg20 : memref<!tpu.dma_semaphore, #tpu.memory_space<semaphore_mem>>)
          %add3A_481 = arith.constant 2 : i32
          %add3A_482 = arith.addi %mul3A_85, %add3A_481 : i32
          %mul3A_483 = arith.constant 7 : i32
          %mul3A_484 = arith.muli %add3A_482, %mul3A_483 : i32
          %add3A_485 = arith.constant 4 : i32
          %add3A_486 = arith.addi %mul3A_484, %add3A_485 : i32
          %dma_start3A_487 = arith.constant 0 : i32
          %dma_start3A_488 = tpu.memref_slice %arg5[%add3A_486, %dma_start3A_487] : memref<28x56xi32, #tpu.memory_space<vmem>> -> memref<1x56xi32, #tpu.memory_space<vmem>>
          %dma_start3A_489 = tpu.memref_squeeze %dma_start3A_488 : memref<1x56xi32, #tpu.memory_space<vmem>> -> memref<56xi32, #tpu.memory_space<vmem>>
          %dma_start3A_490 = arith.constant 0 : i32
          %dma_start3A_491 = arith.constant 0 : i32
          %dma_start3A_492 = tpu.memref_slice %arg2[%dma_start3A_490, %dma_start3A_491] : memref<25000x128xf32, #tpu.memory_space<hbm>> -> memref<25000x128xf32, #tpu.memory_space<hbm>>
          tpu.enqueue_indirect_dma source(%dma_start3A_492 : memref<25000x128xf32, #tpu.memory_space<hbm>>) target(%arg10 : memref<56x128xf32, #tpu.memory_space<vmem>>) offsets(%dma_start3A_489 : memref<56xi32, #tpu.memory_space<vmem>>) semaphore(%arg20 : memref<!tpu.dma_semaphore, #tpu.memory_space<semaphore_mem>>)
          %add3A_493 = arith.constant 2 : i32
          %add3A_494 = arith.addi %mul3A_85, %add3A_493 : i32
          %mul3A_495 = arith.constant 7 : i32
          %mul3A_496 = arith.muli %add3A_494, %mul3A_495 : i32
          %add3A_497 = arith.constant 5 : i32
          %add3A_498 = arith.addi %mul3A_496, %add3A_497 : i32
          %dma_start3A_499 = arith.constant 0 : i32
          %dma_start3A_500 = tpu.memref_slice %arg5[%add3A_498, %dma_start3A_499] : memref<28x56xi32, #tpu.memory_space<vmem>> -> memref<1x56xi32, #tpu.memory_space<vmem>>
          %dma_start3A_501 = tpu.memref_squeeze %dma_start3A_500 : memref<1x56xi32, #tpu.memory_space<vmem>> -> memref<56xi32, #tpu.memory_space<vmem>>
          %dma_start3A_502 = arith.constant 0 : i32
          %dma_start3A_503 = arith.constant 0 : i32
          %dma_start3A_504 = tpu.memref_slice %arg2[%dma_start3A_502, %dma_start3A_503] : memref<25000x128xf32, #tpu.memory_space<hbm>> -> memref<25000x128xf32, #tpu.memory_space<hbm>>
          tpu.enqueue_indirect_dma source(%dma_start3A_504 : memref<25000x128xf32, #tpu.memory_space<hbm>>) target(%arg11 : memref<56x128xf32, #tpu.memory_space<vmem>>) offsets(%dma_start3A_501 : memref<56xi32, #tpu.memory_space<vmem>>) semaphore(%arg20 : memref<!tpu.dma_semaphore, #tpu.memory_space<semaphore_mem>>)
          %add3A_505 = arith.constant 2 : i32
          %add3A_506 = arith.addi %mul3A_85, %add3A_505 : i32
          %mul3A_507 = arith.constant 7 : i32
          %mul3A_508 = arith.muli %add3A_506, %mul3A_507 : i32
          %add3A_509 = arith.constant 6 : i32
          %add3A_510 = arith.addi %mul3A_508, %add3A_509 : i32
          %dma_start3A_511 = arith.constant 0 : i32
          %dma_start3A_512 = tpu.memref_slice %arg5[%add3A_510, %dma_start3A_511] : memref<28x56xi32, #tpu.memory_space<vmem>> -> memref<1x56xi32, #tpu.memory_space<vmem>>
          %dma_start3A_513 = tpu.memref_squeeze %dma_start3A_512 : memref<1x56xi32, #tpu.memory_space<vmem>> -> memref<56xi32, #tpu.memory_space<vmem>>
          %dma_start3A_514 = arith.constant 0 : i32
          %dma_start3A_515 = arith.constant 0 : i32
          %dma_start3A_516 = tpu.memref_slice %arg2[%dma_start3A_514, %dma_start3A_515] : memref<25000x128xf32, #tpu.memory_space<hbm>> -> memref<25000x128xf32, #tpu.memory_space<hbm>>
          tpu.enqueue_indirect_dma source(%dma_start3A_516 : memref<25000x128xf32, #tpu.memory_space<hbm>>) target(%arg12 : memref<56x128xf32, #tpu.memory_space<vmem>>) offsets(%dma_start3A_513 : memref<56xi32, #tpu.memory_space<vmem>>) semaphore(%arg20 : memref<!tpu.dma_semaphore, #tpu.memory_space<semaphore_mem>>)
        } else {
        }
      }
      %scan3A_55 = arith.constant 2 : i32
      %dma_wait3A = arith.constant 0 : i32
      %dma_wait3A_56 = tpu.memref_slice %arg4[%mul3A_2, %dma_wait3A] : memref<25088x128xf32, #tpu.memory_space<hbm>> -> memref<56x128xf32, #tpu.memory_space<hbm>>
      %dma_wait3A_57 = arith.constant 0 : i32
      %dma_wait3A_58 = tpu.memref_slice %arg4[%mul3A_2, %dma_wait3A_57] : memref<25088x128xf32, #tpu.memory_space<hbm>> -> memref<56x128xf32, #tpu.memory_space<hbm>>
      tpu.wait_dma2 semaphore(%arg23 : memref<!tpu.dma_semaphore, #tpu.memory_space<semaphore_mem>>) src(%arg13 : memref<56x128xf32, #tpu.memory_space<vmem>>) dst(%dma_wait3A_58 : memref<56x128xf32, #tpu.memory_space<hbm>>)
      %dma_wait3A_59 = arith.constant 0 : i32
      %dma_wait3A_60 = tpu.memref_slice %arg4[%mul3A_2, %dma_wait3A_59] : memref<25088x128xf32, #tpu.memory_space<hbm>> -> memref<56x128xf32, #tpu.memory_space<hbm>>
      %dma_wait3A_61 = arith.constant 0 : i32
      %dma_wait3A_62 = tpu.memref_slice %arg4[%mul3A_2, %dma_wait3A_61] : memref<25088x128xf32, #tpu.memory_space<hbm>> -> memref<56x128xf32, #tpu.memory_space<hbm>>
      tpu.wait_dma2 semaphore(%arg23 : memref<!tpu.dma_semaphore, #tpu.memory_space<semaphore_mem>>) src(%arg14 : memref<56x128xf32, #tpu.memory_space<vmem>>) dst(%dma_wait3A_62 : memref<56x128xf32, #tpu.memory_space<hbm>>)
      %dma_wait3A_63 = arith.constant 0 : i32
      %dma_wait3A_64 = tpu.memref_slice %arg4[%mul3A_2, %dma_wait3A_63] : memref<25088x128xf32, #tpu.memory_space<hbm>> -> memref<56x128xf32, #tpu.memory_space<hbm>>
      %dma_wait3A_65 = arith.constant 0 : i32
      %dma_wait3A_66 = tpu.memref_slice %arg4[%mul3A_2, %dma_wait3A_65] : memref<25088x128xf32, #tpu.memory_space<hbm>> -> memref<56x128xf32, #tpu.memory_space<hbm>>
      tpu.wait_dma2 semaphore(%arg23 : memref<!tpu.dma_semaphore, #tpu.memory_space<semaphore_mem>>) src(%arg15 : memref<56x128xf32, #tpu.memory_space<vmem>>) dst(%dma_wait3A_66 : memref<56x128xf32, #tpu.memory_space<hbm>>)
      %dma_wait3A_67 = arith.constant 0 : i32
      %dma_wait3A_68 = tpu.memref_slice %arg4[%mul3A_2, %dma_wait3A_67] : memref<25088x128xf32, #tpu.memory_space<hbm>> -> memref<56x128xf32, #tpu.memory_space<hbm>>
      %dma_wait3A_69 = arith.constant 0 : i32
      %dma_wait3A_70 = tpu.memref_slice %arg4[%mul3A_2, %dma_wait3A_69] : memref<25088x128xf32, #tpu.memory_space<hbm>> -> memref<56x128xf32, #tpu.memory_space<hbm>>
      tpu.wait_dma2 semaphore(%arg23 : memref<!tpu.dma_semaphore, #tpu.memory_space<semaphore_mem>>) src(%arg16 : memref<56x128xf32, #tpu.memory_space<vmem>>) dst(%dma_wait3A_70 : memref<56x128xf32, #tpu.memory_space<hbm>>)
      %dma_wait3A_71 = arith.constant 0 : i32
      %dma_wait3A_72 = tpu.memref_slice %arg4[%mul3A_2, %dma_wait3A_71] : memref<25088x128xf32, #tpu.memory_space<hbm>> -> memref<56x128xf32, #tpu.memory_space<hbm>>
      %dma_wait3A_73 = arith.constant 0 : i32
      %dma_wait3A_74 = tpu.memref_slice %arg4[%mul3A_2, %dma_wait3A_73] : memref<25088x128xf32, #tpu.memory_space<hbm>> -> memref<56x128xf32, #tpu.memory_space<hbm>>
      tpu.wait_dma2 semaphore(%arg23 : memref<!tpu.dma_semaphore, #tpu.memory_space<semaphore_mem>>) src(%arg17 : memref<56x128xf32, #tpu.memory_space<vmem>>) dst(%dma_wait3A_74 : memref<56x128xf32, #tpu.memory_space<hbm>>)
      %dma_wait3A_75 = arith.constant 0 : i32
      %dma_wait3A_76 = tpu.memref_slice %arg4[%mul3A_2, %dma_wait3A_75] : memref<25088x128xf32, #tpu.memory_space<hbm>> -> memref<56x128xf32, #tpu.memory_space<hbm>>
      %dma_wait3A_77 = arith.constant 0 : i32
      %dma_wait3A_78 = tpu.memref_slice %arg4[%mul3A_2, %dma_wait3A_77] : memref<25088x128xf32, #tpu.memory_space<hbm>> -> memref<56x128xf32, #tpu.memory_space<hbm>>
      tpu.wait_dma2 semaphore(%arg23 : memref<!tpu.dma_semaphore, #tpu.memory_space<semaphore_mem>>) src(%arg18 : memref<56x128xf32, #tpu.memory_space<vmem>>) dst(%dma_wait3A_78 : memref<56x128xf32, #tpu.memory_space<hbm>>)
      %dma_wait3A_79 = arith.constant 0 : i32
      %dma_wait3A_80 = tpu.memref_slice %arg4[%mul3A_2, %dma_wait3A_79] : memref<25088x128xf32, #tpu.memory_space<hbm>> -> memref<56x128xf32, #tpu.memory_space<hbm>>
      %dma_wait3A_81 = arith.constant 0 : i32
      %dma_wait3A_82 = tpu.memref_slice %arg4[%mul3A_2, %dma_wait3A_81] : memref<25088x128xf32, #tpu.memory_space<hbm>> -> memref<56x128xf32, #tpu.memory_space<hbm>>
      tpu.wait_dma2 semaphore(%arg23 : memref<!tpu.dma_semaphore, #tpu.memory_space<semaphore_mem>>) src(%arg19 : memref<56x128xf32, #tpu.memory_space<vmem>>) dst(%dma_wait3A_82 : memref<56x128xf32, #tpu.memory_space<hbm>>)
    } else {
    }
    return
  }
}

module attributes {stable_mosaic.version = 14 : i64} {
  func.func @body(%arg0: i32, %arg1: memref<100000x128xf32, #tpu.memory_space<hbm>>, %arg2: memref<5000x128xf32, #tpu.memory_space<vmem>>, %arg3: memref<5000x128xf32, #tpu.memory_space<vmem>>, %arg4: memref<128x128xbf16, #tpu.memory_space<vmem>>, %arg5: memref<128x128xbf16, #tpu.memory_space<vmem>>, %arg6: memref<1x128xf32, #tpu.memory_space<vmem>>, %arg7: memref<1x128xf32, #tpu.memory_space<vmem>>, %arg8: memref<1x128xf32, #tpu.memory_space<vmem>>, %arg9: memref<128x128xbf16, #tpu.memory_space<vmem>>, %arg10: memref<1x128xf32, #tpu.memory_space<vmem>>, %arg11: memref<1x128xf32, #tpu.memory_space<vmem>>, %arg12: memref<1x128xf32, #tpu.memory_space<vmem>>, %arg13: memref<5000x128xf32, #tpu.memory_space<vmem>>) attributes {dimension_semantics = [#tpu.dimension_semantics<arbitrary>], iteration_bounds = array<i64: 5>, scalar_prefetch = 0 : i64, scratch_operands = 0 : i64, tpu.core_type = #tpu.core_type<tc>, window_params = [{}, {transform_indices = @transform_1, window_bounds = array<i64: 5000, 128>}, {transform_indices = @transform_2, window_bounds = array<i64: 5000, 128>}, {pipeline_mode = #tpu.pipeline_mode<synchronous>, transform_indices = @transform_3, window_bounds = array<i64: 128, 128>}, {pipeline_mode = #tpu.pipeline_mode<synchronous>, transform_indices = @transform_4, window_bounds = array<i64: 128, 128>}, {pipeline_mode = #tpu.pipeline_mode<synchronous>, transform_indices = @transform_5, window_bounds = array<i64: 1, 128>}, {pipeline_mode = #tpu.pipeline_mode<synchronous>, transform_indices = @transform_6, window_bounds = array<i64: 1, 128>}, {pipeline_mode = #tpu.pipeline_mode<synchronous>, transform_indices = @transform_7, window_bounds = array<i64: 1, 128>}, {pipeline_mode = #tpu.pipeline_mode<synchronous>, transform_indices = @transform_8, window_bounds = array<i64: 128, 128>}, {pipeline_mode = #tpu.pipeline_mode<synchronous>, transform_indices = @transform_9, window_bounds = array<i64: 1, 128>}, {pipeline_mode = #tpu.pipeline_mode<synchronous>, transform_indices = @transform_10, window_bounds = array<i64: 1, 128>}, {pipeline_mode = #tpu.pipeline_mode<synchronous>, transform_indices = @transform_11, window_bounds = array<i64: 1, 128>}, {transform_indices = @transform_12, window_bounds = array<i64: 5000, 128>}]} {
    %get3A = arith.constant 0 : index
    %get3A_0 = arith.constant 0 : index
    %get3A_1 = vector.load %arg2[%get3A, %get3A_0] : memref<5000x128xf32, #tpu.memory_space<vmem>>, vector<5000x128xf32>
    %get3A_2 = arith.constant 0 : index
    %get3A_3 = arith.constant 0 : index
    %get3A_4 = vector.load %arg3[%get3A_2, %get3A_3] : memref<5000x128xf32, #tpu.memory_space<vmem>>, vector<5000x128xf32>
    %convert_element_type3A = arith.truncf %get3A_4 : vector<5000x128xf32> to vector<5000x128xbf16>
    %get3A_5 = arith.constant 0 : index
    %get3A_6 = arith.constant 0 : index
    %get3A_7 = vector.load %arg4[%get3A_5, %get3A_6] : memref<128x128xbf16, #tpu.memory_space<vmem>>, vector<128x128xbf16>
    %dot_general3A = arith.constant dense<0.000000e+00> : vector<5000x128xf32>
    %dot_general3A_8 = tpu.matmul %get3A_1, %get3A_7, %dot_general3A {dimension_numbers = #tpu.dot_dimension_numbers<[1], [0], [0], [1], [0, 0, 1, 1], [], []>, transpose_lhs_hint = false} : vector<5000x128xf32>, vector<128x128xbf16>, vector<5000x128xf32> -> vector<5000x128xf32>
    %get3A_9 = arith.constant 0 : index
    %get3A_10 = arith.constant 0 : index
    %get3A_11 = vector.load %arg5[%get3A_9, %get3A_10] : memref<128x128xbf16, #tpu.memory_space<vmem>>, vector<128x128xbf16>
    %dot_general3A_12 = arith.constant dense<0.000000e+00> : vector<5000x128xf32>
    %dot_general3A_13 = tpu.matmul %convert_element_type3A, %get3A_11, %dot_general3A_12 {dimension_numbers = #tpu.dot_dimension_numbers<[1], [0], [0], [1], [0, 0, 1, 1], [], []>, transpose_lhs_hint = false} : vector<5000x128xbf16>, vector<128x128xbf16>, vector<5000x128xf32> -> vector<5000x128xf32>
    %add3A = arith.addf %dot_general3A_8, %dot_general3A_13 : vector<5000x128xf32>
    %get3A_14 = arith.constant 0 : index
    %get3A_15 = arith.constant 0 : index
    %get3A_16 = vector.load %arg6[%get3A_14, %get3A_15] : memref<1x128xf32, #tpu.memory_space<vmem>>, vector<1x128xf32>
    %add3A_17 = vector.broadcast %get3A_16 : vector<1x128xf32> to vector<5000x128xf32>
    %add3A_18 = arith.addf %add3A, %add3A_17 : vector<5000x128xf32>
    %reduce_sum3A = arith.constant dense<0.000000e+00> : vector<5000xf32>
    %reduce_sum3A_19 = vector.multi_reduction <add>, %add3A_18, %reduce_sum3A [1] : vector<5000x128xf32> to vector<5000xf32>
    %broadcast_in_dim3A = vector.shape_cast %reduce_sum3A_19 : vector<5000xf32> to vector<5000x1xf32>
    %div3A = arith.constant 1.280000e+02 : f32
    %div3A_20 = vector.broadcast %div3A : f32 to vector<5000x1xf32>
    %div3A_21 = arith.divf %broadcast_in_dim3A, %div3A_20 : vector<5000x1xf32>
    %sub3A = vector.broadcast %div3A_21 : vector<5000x1xf32> to vector<5000x128xf32>
    %sub3A_22 = arith.subf %add3A_18, %sub3A : vector<5000x128xf32>
    %mul3A = arith.mulf %sub3A_22, %sub3A_22 : vector<5000x128xf32>
    %reduce_sum3A_23 = arith.constant dense<0.000000e+00> : vector<5000xf32>
    %reduce_sum3A_24 = vector.multi_reduction <add>, %mul3A, %reduce_sum3A_23 [1] : vector<5000x128xf32> to vector<5000xf32>
    %broadcast_in_dim3A_25 = vector.shape_cast %reduce_sum3A_24 : vector<5000xf32> to vector<5000x1xf32>
    %div3A_26 = arith.constant 1.280000e+02 : f32
    %div3A_27 = vector.broadcast %div3A_26 : f32 to vector<5000x1xf32>
    %div3A_28 = arith.divf %broadcast_in_dim3A_25, %div3A_27 : vector<5000x1xf32>
    %add3A_29 = arith.constant 9.99999974E-6 : f32
    %add3A_30 = vector.broadcast %add3A_29 : f32 to vector<5000x1xf32>
    %add3A_31 = arith.addf %div3A_28, %add3A_30 : vector<5000x1xf32>
    %rsqrt3A = math.rsqrt %add3A_31 : vector<5000x1xf32>
    %mul3A_32 = vector.broadcast %rsqrt3A : vector<5000x1xf32> to vector<5000x128xf32>
    %mul3A_33 = arith.mulf %sub3A_22, %mul3A_32 : vector<5000x128xf32>
    %get3A_34 = arith.constant 0 : index
    %get3A_35 = arith.constant 0 : index
    %get3A_36 = vector.load %arg7[%get3A_34, %get3A_35] : memref<1x128xf32, #tpu.memory_space<vmem>>, vector<1x128xf32>
    %mul3A_37 = vector.broadcast %get3A_36 : vector<1x128xf32> to vector<5000x128xf32>
    %mul3A_38 = arith.mulf %mul3A_33, %mul3A_37 : vector<5000x128xf32>
    %get3A_39 = arith.constant 0 : index
    %get3A_40 = arith.constant 0 : index
    %get3A_41 = vector.load %arg8[%get3A_39, %get3A_40] : memref<1x128xf32, #tpu.memory_space<vmem>>, vector<1x128xf32>
    %add3A_42 = vector.broadcast %get3A_41 : vector<1x128xf32> to vector<5000x128xf32>
    %add3A_43 = arith.addf %mul3A_38, %add3A_42 : vector<5000x128xf32>
    %mul3A_44 = arith.constant 4.471500e-02 : f32
    %mul3A_45 = vector.broadcast %mul3A_44 : f32 to vector<5000x128xf32>
    %mul3A_46 = arith.mulf %mul3A_45, %add3A_43 : vector<5000x128xf32>
    %mul3A_47 = arith.mulf %mul3A_46, %add3A_43 : vector<5000x128xf32>
    %mul3A_48 = arith.mulf %mul3A_47, %add3A_43 : vector<5000x128xf32>
    %add3A_49 = arith.addf %add3A_43, %mul3A_48 : vector<5000x128xf32>
    %mul3A_50 = arith.constant 0.797884583 : f32
    %mul3A_51 = vector.broadcast %mul3A_50 : f32 to vector<5000x128xf32>
    %mul3A_52 = arith.mulf %mul3A_51, %add3A_49 : vector<5000x128xf32>
    %tanh3A = math.tanh %mul3A_52 : vector<5000x128xf32>
    %mul3A_53 = arith.constant 5.000000e-01 : f32
    %mul3A_54 = vector.broadcast %mul3A_53 : f32 to vector<5000x128xf32>
    %mul3A_55 = arith.mulf %mul3A_54, %add3A_43 : vector<5000x128xf32>
    %add3A_56 = arith.constant 1.000000e+00 : f32
    %add3A_57 = vector.broadcast %add3A_56 : f32 to vector<5000x128xf32>
    %add3A_58 = arith.addf %add3A_57, %tanh3A : vector<5000x128xf32>
    %mul3A_59 = arith.mulf %mul3A_55, %add3A_58 : vector<5000x128xf32>
    %convert_element_type3A_60 = arith.truncf %mul3A_59 : vector<5000x128xf32> to vector<5000x128xbf16>
    %get3A_61 = arith.constant 0 : index
    %get3A_62 = arith.constant 0 : index
    %get3A_63 = vector.load %arg9[%get3A_61, %get3A_62] : memref<128x128xbf16, #tpu.memory_space<vmem>>, vector<128x128xbf16>
    %dot_general3A_64 = arith.constant dense<0.000000e+00> : vector<5000x128xf32>
    %dot_general3A_65 = tpu.matmul %convert_element_type3A_60, %get3A_63, %dot_general3A_64 {dimension_numbers = #tpu.dot_dimension_numbers<[1], [0], [0], [1], [0, 0, 1, 1], [], []>, transpose_lhs_hint = false} : vector<5000x128xbf16>, vector<128x128xbf16>, vector<5000x128xf32> -> vector<5000x128xf32>
    %get3A_66 = arith.constant 0 : index
    %get3A_67 = arith.constant 0 : index
    %get3A_68 = vector.load %arg10[%get3A_66, %get3A_67] : memref<1x128xf32, #tpu.memory_space<vmem>>, vector<1x128xf32>
    %add3A_69 = vector.broadcast %get3A_68 : vector<1x128xf32> to vector<5000x128xf32>
    %add3A_70 = arith.addf %dot_general3A_65, %add3A_69 : vector<5000x128xf32>
    %reduce_sum3A_71 = arith.constant dense<0.000000e+00> : vector<5000xf32>
    %reduce_sum3A_72 = vector.multi_reduction <add>, %add3A_70, %reduce_sum3A_71 [1] : vector<5000x128xf32> to vector<5000xf32>
    %broadcast_in_dim3A_73 = vector.shape_cast %reduce_sum3A_72 : vector<5000xf32> to vector<5000x1xf32>
    %div3A_74 = arith.constant 1.280000e+02 : f32
    %div3A_75 = vector.broadcast %div3A_74 : f32 to vector<5000x1xf32>
    %div3A_76 = arith.divf %broadcast_in_dim3A_73, %div3A_75 : vector<5000x1xf32>
    %sub3A_77 = vector.broadcast %div3A_76 : vector<5000x1xf32> to vector<5000x128xf32>
    %sub3A_78 = arith.subf %add3A_70, %sub3A_77 : vector<5000x128xf32>
    %mul3A_79 = arith.mulf %sub3A_78, %sub3A_78 : vector<5000x128xf32>
    %reduce_sum3A_80 = arith.constant dense<0.000000e+00> : vector<5000xf32>
    %reduce_sum3A_81 = vector.multi_reduction <add>, %mul3A_79, %reduce_sum3A_80 [1] : vector<5000x128xf32> to vector<5000xf32>
    %broadcast_in_dim3A_82 = vector.shape_cast %reduce_sum3A_81 : vector<5000xf32> to vector<5000x1xf32>
    %div3A_83 = arith.constant 1.280000e+02 : f32
    %div3A_84 = vector.broadcast %div3A_83 : f32 to vector<5000x1xf32>
    %div3A_85 = arith.divf %broadcast_in_dim3A_82, %div3A_84 : vector<5000x1xf32>
    %add3A_86 = arith.constant 9.99999974E-6 : f32
    %add3A_87 = vector.broadcast %add3A_86 : f32 to vector<5000x1xf32>
    %add3A_88 = arith.addf %div3A_85, %add3A_87 : vector<5000x1xf32>
    %rsqrt3A_89 = math.rsqrt %add3A_88 : vector<5000x1xf32>
    %mul3A_90 = vector.broadcast %rsqrt3A_89 : vector<5000x1xf32> to vector<5000x128xf32>
    %mul3A_91 = arith.mulf %sub3A_78, %mul3A_90 : vector<5000x128xf32>
    %get3A_92 = arith.constant 0 : index
    %get3A_93 = arith.constant 0 : index
    %get3A_94 = vector.load %arg11[%get3A_92, %get3A_93] : memref<1x128xf32, #tpu.memory_space<vmem>>, vector<1x128xf32>
    %mul3A_95 = vector.broadcast %get3A_94 : vector<1x128xf32> to vector<5000x128xf32>
    %mul3A_96 = arith.mulf %mul3A_91, %mul3A_95 : vector<5000x128xf32>
    %get3A_97 = arith.constant 0 : index
    %get3A_98 = arith.constant 0 : index
    %get3A_99 = vector.load %arg12[%get3A_97, %get3A_98] : memref<1x128xf32, #tpu.memory_space<vmem>>, vector<1x128xf32>
    %add3A_100 = vector.broadcast %get3A_99 : vector<1x128xf32> to vector<5000x128xf32>
    %add3A_101 = arith.addf %mul3A_96, %add3A_100 : vector<5000x128xf32>
    %mul3A_102 = arith.constant 4.471500e-02 : f32
    %mul3A_103 = vector.broadcast %mul3A_102 : f32 to vector<5000x128xf32>
    %mul3A_104 = arith.mulf %mul3A_103, %add3A_101 : vector<5000x128xf32>
    %mul3A_105 = arith.mulf %mul3A_104, %add3A_101 : vector<5000x128xf32>
    %mul3A_106 = arith.mulf %mul3A_105, %add3A_101 : vector<5000x128xf32>
    %add3A_107 = arith.addf %add3A_101, %mul3A_106 : vector<5000x128xf32>
    %mul3A_108 = arith.constant 0.797884583 : f32
    %mul3A_109 = vector.broadcast %mul3A_108 : f32 to vector<5000x128xf32>
    %mul3A_110 = arith.mulf %mul3A_109, %add3A_107 : vector<5000x128xf32>
    %tanh3A_111 = math.tanh %mul3A_110 : vector<5000x128xf32>
    %mul3A_112 = arith.constant 5.000000e-01 : f32
    %mul3A_113 = vector.broadcast %mul3A_112 : f32 to vector<5000x128xf32>
    %mul3A_114 = arith.mulf %mul3A_113, %add3A_101 : vector<5000x128xf32>
    %add3A_115 = arith.constant 1.000000e+00 : f32
    %add3A_116 = vector.broadcast %add3A_115 : f32 to vector<5000x128xf32>
    %add3A_117 = arith.addf %add3A_116, %tanh3A_111 : vector<5000x128xf32>
    %mul3A_118 = arith.mulf %mul3A_114, %add3A_117 : vector<5000x128xf32>
    %swap3A = arith.constant 0 : index
    %swap3A_119 = arith.constant 0 : index
    %swap3A_120 = vector.load %arg13[%swap3A, %swap3A_119] : memref<5000x128xf32, #tpu.memory_space<vmem>>, vector<5000x128xf32>
    tpu.vector_store %arg13[%swap3A, %swap3A_119], %mul3A_118 {strides = array<i32>} : memref<5000x128xf32, #tpu.memory_space<vmem>>, vector<5000x128xf32>,
    return
  }
  func.func @transform_1(%arg0: i32) -> (i32, i32) {
    %c0_i32 = arith.constant 0 : i32
    %c0_i32_0 = arith.constant 0 : i32
    return %arg0, %c0_i32 : i32, i32
  }
  func.func @transform_2(%arg0: i32) -> (i32, i32) {
    %add3A = arith.constant 10 : i32
    %add3A_0 = arith.addi %add3A, %arg0 : i32
    %c0_i32 = arith.constant 0 : i32
    %c0_i32_1 = arith.constant 0 : i32
    return %add3A_0, %c0_i32 : i32, i32
  }
  func.func @transform_3(%arg0: i32) -> (i32, i32) {
    %c0_i32 = arith.constant 0 : i32
    %c0_i32_0 = arith.constant 0 : i32
    %c0_i32_1 = arith.constant 0 : i32
    return %c0_i32, %c0_i32_0 : i32, i32
  }
  func.func @transform_4(%arg0: i32) -> (i32, i32) {
    %c0_i32 = arith.constant 0 : i32
    %c0_i32_0 = arith.constant 0 : i32
    %c0_i32_1 = arith.constant 0 : i32
    return %c0_i32, %c0_i32_0 : i32, i32
  }
  func.func @transform_5(%arg0: i32) -> (i32, i32) {
    %c0_i32 = arith.constant 0 : i32
    %c0_i32_0 = arith.constant 0 : i32
    %c0_i32_1 = arith.constant 0 : i32
    return %c0_i32, %c0_i32_0 : i32, i32
  }
  func.func @transform_6(%arg0: i32) -> (i32, i32) {
    %c0_i32 = arith.constant 0 : i32
    %c0_i32_0 = arith.constant 0 : i32
    %c0_i32_1 = arith.constant 0 : i32
    return %c0_i32, %c0_i32_0 : i32, i32
  }
  func.func @transform_7(%arg0: i32) -> (i32, i32) {
    %c0_i32 = arith.constant 0 : i32
    %c0_i32_0 = arith.constant 0 : i32
    %c0_i32_1 = arith.constant 0 : i32
    return %c0_i32, %c0_i32_0 : i32, i32
  }
  func.func @transform_8(%arg0: i32) -> (i32, i32) {
    %c0_i32 = arith.constant 0 : i32
    %c0_i32_0 = arith.constant 0 : i32
    %c0_i32_1 = arith.constant 0 : i32
    return %c0_i32, %c0_i32_0 : i32, i32
  }
  func.func @transform_9(%arg0: i32) -> (i32, i32) {
    %c0_i32 = arith.constant 0 : i32
    %c0_i32_0 = arith.constant 0 : i32
    %c0_i32_1 = arith.constant 0 : i32
    return %c0_i32, %c0_i32_0 : i32, i32
  }
  func.func @transform_10(%arg0: i32) -> (i32, i32) {
    %c0_i32 = arith.constant 0 : i32
    %c0_i32_0 = arith.constant 0 : i32
    %c0_i32_1 = arith.constant 0 : i32
    return %c0_i32, %c0_i32_0 : i32, i32
  }
  func.func @transform_11(%arg0: i32) -> (i32, i32) {
    %c0_i32 = arith.constant 0 : i32
    %c0_i32_0 = arith.constant 0 : i32
    %c0_i32_1 = arith.constant 0 : i32
    return %c0_i32, %c0_i32_0 : i32, i32
  }
  func.func @transform_12(%arg0: i32) -> (i32, i32) {
    %add3A = arith.constant 10 : i32
    %add3A_0 = arith.addi %add3A, %arg0 : i32
    %c0_i32 = arith.constant 0 : i32
    %c0_i32_1 = arith.constant 0 : i32
    return %add3A_0, %c0_i32 : i32, i32
  }
}

module attributes {stable_mosaic.version = 14 : i64} {
  func.func @body(%arg0: i32, %arg1: memref<100000x128xf32, #tpu.memory_space<hbm>>, %arg2: memref<5000x128xf32, #tpu.memory_space<vmem>>, %arg3: memref<5000x128xf32, #tpu.memory_space<vmem>>, %arg4: memref<128x128xbf16, #tpu.memory_space<vmem>>, %arg5: memref<128x128xbf16, #tpu.memory_space<vmem>>, %arg6: memref<1x128xf32, #tpu.memory_space<vmem>>, %arg7: memref<1x128xf32, #tpu.memory_space<vmem>>, %arg8: memref<1x128xf32, #tpu.memory_space<vmem>>, %arg9: memref<128x128xbf16, #tpu.memory_space<vmem>>, %arg10: memref<1x128xf32, #tpu.memory_space<vmem>>, %arg11: memref<1x128xf32, #tpu.memory_space<vmem>>, %arg12: memref<1x128xf32, #tpu.memory_space<vmem>>, %arg13: memref<5000x128xf32, #tpu.memory_space<vmem>>) attributes {dimension_semantics = [#tpu.dimension_semantics<arbitrary>], iteration_bounds = array<i64: 5>, scalar_prefetch = 0 : i64, scratch_operands = 0 : i64, tpu.core_type = #tpu.core_type<tc>, window_params = [{}, {transform_indices = @transform_1, window_bounds = array<i64: 5000, 128>}, {transform_indices = @transform_2, window_bounds = array<i64: 5000, 128>}, {pipeline_mode = #tpu.pipeline_mode<synchronous>, transform_indices = @transform_3, window_bounds = array<i64: 128, 128>}, {pipeline_mode = #tpu.pipeline_mode<synchronous>, transform_indices = @transform_4, window_bounds = array<i64: 128, 128>}, {pipeline_mode = #tpu.pipeline_mode<synchronous>, transform_indices = @transform_5, window_bounds = array<i64: 1, 128>}, {pipeline_mode = #tpu.pipeline_mode<synchronous>, transform_indices = @transform_6, window_bounds = array<i64: 1, 128>}, {pipeline_mode = #tpu.pipeline_mode<synchronous>, transform_indices = @transform_7, window_bounds = array<i64: 1, 128>}, {pipeline_mode = #tpu.pipeline_mode<synchronous>, transform_indices = @transform_8, window_bounds = array<i64: 128, 128>}, {pipeline_mode = #tpu.pipeline_mode<synchronous>, transform_indices = @transform_9, window_bounds = array<i64: 1, 128>}, {pipeline_mode = #tpu.pipeline_mode<synchronous>, transform_indices = @transform_10, window_bounds = array<i64: 1, 128>}, {pipeline_mode = #tpu.pipeline_mode<synchronous>, transform_indices = @transform_11, window_bounds = array<i64: 1, 128>}, {transform_indices = @transform_12, window_bounds = array<i64: 5000, 128>}]} {
    %get3A = arith.constant 0 : index
    %get3A_0 = arith.constant 0 : index
    %get3A_1 = vector.load %arg2[%get3A, %get3A_0] : memref<5000x128xf32, #tpu.memory_space<vmem>>, vector<5000x128xf32>
    %get3A_2 = arith.constant 0 : index
    %get3A_3 = arith.constant 0 : index
    %get3A_4 = vector.load %arg3[%get3A_2, %get3A_3] : memref<5000x128xf32, #tpu.memory_space<vmem>>, vector<5000x128xf32>
    %convert_element_type3A = arith.truncf %get3A_4 : vector<5000x128xf32> to vector<5000x128xbf16>
    %get3A_5 = arith.constant 0 : index
    %get3A_6 = arith.constant 0 : index
    %get3A_7 = vector.load %arg4[%get3A_5, %get3A_6] : memref<128x128xbf16, #tpu.memory_space<vmem>>, vector<128x128xbf16>
    %dot_general3A = arith.constant dense<0.000000e+00> : vector<5000x128xf32>
    %dot_general3A_8 = tpu.matmul %get3A_1, %get3A_7, %dot_general3A {dimension_numbers = #tpu.dot_dimension_numbers<[1], [0], [0], [1], [0, 0, 1, 1], [], []>, transpose_lhs_hint = false} : vector<5000x128xf32>, vector<128x128xbf16>, vector<5000x128xf32> -> vector<5000x128xf32>
    %get3A_9 = arith.constant 0 : index
    %get3A_10 = arith.constant 0 : index
    %get3A_11 = vector.load %arg5[%get3A_9, %get3A_10] : memref<128x128xbf16, #tpu.memory_space<vmem>>, vector<128x128xbf16>
    %dot_general3A_12 = arith.constant dense<0.000000e+00> : vector<5000x128xf32>
    %dot_general3A_13 = tpu.matmul %convert_element_type3A, %get3A_11, %dot_general3A_12 {dimension_numbers = #tpu.dot_dimension_numbers<[1], [0], [0], [1], [0, 0, 1, 1], [], []>, transpose_lhs_hint = false} : vector<5000x128xbf16>, vector<128x128xbf16>, vector<5000x128xf32> -> vector<5000x128xf32>
    %add3A = arith.addf %dot_general3A_8, %dot_general3A_13 : vector<5000x128xf32>
    %get3A_14 = arith.constant 0 : index
    %get3A_15 = arith.constant 0 : index
    %get3A_16 = vector.load %arg6[%get3A_14, %get3A_15] : memref<1x128xf32, #tpu.memory_space<vmem>>, vector<1x128xf32>
    %add3A_17 = vector.broadcast %get3A_16 : vector<1x128xf32> to vector<5000x128xf32>
    %add3A_18 = arith.addf %add3A, %add3A_17 : vector<5000x128xf32>
    %reduce_sum3A = arith.constant dense<0.000000e+00> : vector<5000xf32>
    %reduce_sum3A_19 = vector.multi_reduction <add>, %add3A_18, %reduce_sum3A [1] : vector<5000x128xf32> to vector<5000xf32>
    %broadcast_in_dim3A = vector.shape_cast %reduce_sum3A_19 : vector<5000xf32> to vector<5000x1xf32>
    %div3A = arith.constant 1.280000e+02 : f32
    %div3A_20 = vector.broadcast %div3A : f32 to vector<5000x1xf32>
    %div3A_21 = arith.divf %broadcast_in_dim3A, %div3A_20 : vector<5000x1xf32>
    %sub3A = vector.broadcast %div3A_21 : vector<5000x1xf32> to vector<5000x128xf32>
    %sub3A_22 = arith.subf %add3A_18, %sub3A : vector<5000x128xf32>
    %mul3A = arith.mulf %sub3A_22, %sub3A_22 : vector<5000x128xf32>
    %reduce_sum3A_23 = arith.constant dense<0.000000e+00> : vector<5000xf32>
    %reduce_sum3A_24 = vector.multi_reduction <add>, %mul3A, %reduce_sum3A_23 [1] : vector<5000x128xf32> to vector<5000xf32>
    %broadcast_in_dim3A_25 = vector.shape_cast %reduce_sum3A_24 : vector<5000xf32> to vector<5000x1xf32>
    %div3A_26 = arith.constant 1.280000e+02 : f32
    %div3A_27 = vector.broadcast %div3A_26 : f32 to vector<5000x1xf32>
    %div3A_28 = arith.divf %broadcast_in_dim3A_25, %div3A_27 : vector<5000x1xf32>
    %add3A_29 = arith.constant 9.99999974E-6 : f32
    %add3A_30 = vector.broadcast %add3A_29 : f32 to vector<5000x1xf32>
    %add3A_31 = arith.addf %div3A_28, %add3A_30 : vector<5000x1xf32>
    %rsqrt3A = math.rsqrt %add3A_31 : vector<5000x1xf32>
    %mul3A_32 = vector.broadcast %rsqrt3A : vector<5000x1xf32> to vector<5000x128xf32>
    %mul3A_33 = arith.mulf %sub3A_22, %mul3A_32 : vector<5000x128xf32>
    %get3A_34 = arith.constant 0 : index
    %get3A_35 = arith.constant 0 : index
    %get3A_36 = vector.load %arg7[%get3A_34, %get3A_35] : memref<1x128xf32, #tpu.memory_space<vmem>>, vector<1x128xf32>
    %mul3A_37 = vector.broadcast %get3A_36 : vector<1x128xf32> to vector<5000x128xf32>
    %mul3A_38 = arith.mulf %mul3A_33, %mul3A_37 : vector<5000x128xf32>
    %get3A_39 = arith.constant 0 : index
    %get3A_40 = arith.constant 0 : index
    %get3A_41 = vector.load %arg8[%get3A_39, %get3A_40] : memref<1x128xf32, #tpu.memory_space<vmem>>, vector<1x128xf32>
    %add3A_42 = vector.broadcast %get3A_41 : vector<1x128xf32> to vector<5000x128xf32>
    %add3A_43 = arith.addf %mul3A_38, %add3A_42 : vector<5000x128xf32>
    %mul3A_44 = arith.constant 4.471500e-02 : f32
    %mul3A_45 = vector.broadcast %mul3A_44 : f32 to vector<5000x128xf32>
    %mul3A_46 = arith.mulf %mul3A_45, %add3A_43 : vector<5000x128xf32>
    %mul3A_47 = arith.mulf %mul3A_46, %add3A_43 : vector<5000x128xf32>
    %mul3A_48 = arith.mulf %mul3A_47, %add3A_43 : vector<5000x128xf32>
    %add3A_49 = arith.addf %add3A_43, %mul3A_48 : vector<5000x128xf32>
    %mul3A_50 = arith.constant 0.797884583 : f32
    %mul3A_51 = vector.broadcast %mul3A_50 : f32 to vector<5000x128xf32>
    %mul3A_52 = arith.mulf %mul3A_51, %add3A_49 : vector<5000x128xf32>
    %tanh3A = math.tanh %mul3A_52 : vector<5000x128xf32>
    %mul3A_53 = arith.constant 5.000000e-01 : f32
    %mul3A_54 = vector.broadcast %mul3A_53 : f32 to vector<5000x128xf32>
    %mul3A_55 = arith.mulf %mul3A_54, %add3A_43 : vector<5000x128xf32>
    %add3A_56 = arith.constant 1.000000e+00 : f32
    %add3A_57 = vector.broadcast %add3A_56 : f32 to vector<5000x128xf32>
    %add3A_58 = arith.addf %add3A_57, %tanh3A : vector<5000x128xf32>
    %mul3A_59 = arith.mulf %mul3A_55, %add3A_58 : vector<5000x128xf32>
    %convert_element_type3A_60 = arith.truncf %mul3A_59 : vector<5000x128xf32> to vector<5000x128xbf16>
    %get3A_61 = arith.constant 0 : index
    %get3A_62 = arith.constant 0 : index
    %get3A_63 = vector.load %arg9[%get3A_61, %get3A_62] : memref<128x128xbf16, #tpu.memory_space<vmem>>, vector<128x128xbf16>
    %dot_general3A_64 = arith.constant dense<0.000000e+00> : vector<5000x128xf32>
    %dot_general3A_65 = tpu.matmul %convert_element_type3A_60, %get3A_63, %dot_general3A_64 {dimension_numbers = #tpu.dot_dimension_numbers<[1], [0], [0], [1], [0, 0, 1, 1], [], []>, transpose_lhs_hint = false} : vector<5000x128xbf16>, vector<128x128xbf16>, vector<5000x128xf32> -> vector<5000x128xf32>
    %get3A_66 = arith.constant 0 : index
    %get3A_67 = arith.constant 0 : index
    %get3A_68 = vector.load %arg10[%get3A_66, %get3A_67] : memref<1x128xf32, #tpu.memory_space<vmem>>, vector<1x128xf32>
    %add3A_69 = vector.broadcast %get3A_68 : vector<1x128xf32> to vector<5000x128xf32>
    %add3A_70 = arith.addf %dot_general3A_65, %add3A_69 : vector<5000x128xf32>
    %reduce_sum3A_71 = arith.constant dense<0.000000e+00> : vector<5000xf32>
    %reduce_sum3A_72 = vector.multi_reduction <add>, %add3A_70, %reduce_sum3A_71 [1] : vector<5000x128xf32> to vector<5000xf32>
    %broadcast_in_dim3A_73 = vector.shape_cast %reduce_sum3A_72 : vector<5000xf32> to vector<5000x1xf32>
    %div3A_74 = arith.constant 1.280000e+02 : f32
    %div3A_75 = vector.broadcast %div3A_74 : f32 to vector<5000x1xf32>
    %div3A_76 = arith.divf %broadcast_in_dim3A_73, %div3A_75 : vector<5000x1xf32>
    %sub3A_77 = vector.broadcast %div3A_76 : vector<5000x1xf32> to vector<5000x128xf32>
    %sub3A_78 = arith.subf %add3A_70, %sub3A_77 : vector<5000x128xf32>
    %mul3A_79 = arith.mulf %sub3A_78, %sub3A_78 : vector<5000x128xf32>
    %reduce_sum3A_80 = arith.constant dense<0.000000e+00> : vector<5000xf32>
    %reduce_sum3A_81 = vector.multi_reduction <add>, %mul3A_79, %reduce_sum3A_80 [1] : vector<5000x128xf32> to vector<5000xf32>
    %broadcast_in_dim3A_82 = vector.shape_cast %reduce_sum3A_81 : vector<5000xf32> to vector<5000x1xf32>
    %div3A_83 = arith.constant 1.280000e+02 : f32
    %div3A_84 = vector.broadcast %div3A_83 : f32 to vector<5000x1xf32>
    %div3A_85 = arith.divf %broadcast_in_dim3A_82, %div3A_84 : vector<5000x1xf32>
    %add3A_86 = arith.constant 9.99999974E-6 : f32
    %add3A_87 = vector.broadcast %add3A_86 : f32 to vector<5000x1xf32>
    %add3A_88 = arith.addf %div3A_85, %add3A_87 : vector<5000x1xf32>
    %rsqrt3A_89 = math.rsqrt %add3A_88 : vector<5000x1xf32>
    %mul3A_90 = vector.broadcast %rsqrt3A_89 : vector<5000x1xf32> to vector<5000x128xf32>
    %mul3A_91 = arith.mulf %sub3A_78, %mul3A_90 : vector<5000x128xf32>
    %get3A_92 = arith.constant 0 : index
    %get3A_93 = arith.constant 0 : index
    %get3A_94 = vector.load %arg11[%get3A_92, %get3A_93] : memref<1x128xf32, #tpu.memory_space<vmem>>, vector<1x128xf32>
    %mul3A_95 = vector.broadcast %get3A_94 : vector<1x128xf32> to vector<5000x128xf32>
    %mul3A_96 = arith.mulf %mul3A_91, %mul3A_95 : vector<5000x128xf32>
    %get3A_97 = arith.constant 0 : index
    %get3A_98 = arith.constant 0 : index
    %get3A_99 = vector.load %arg12[%get3A_97, %get3A_98] : memref<1x128xf32, #tpu.memory_space<vmem>>, vector<1x128xf32>
    %add3A_100 = vector.broadcast %get3A_99 : vector<1x128xf32> to vector<5000x128xf32>
    %add3A_101 = arith.addf %mul3A_96, %add3A_100 : vector<5000x128xf32>
    %mul3A_102 = arith.constant 4.471500e-02 : f32
    %mul3A_103 = vector.broadcast %mul3A_102 : f32 to vector<5000x128xf32>
    %mul3A_104 = arith.mulf %mul3A_103, %add3A_101 : vector<5000x128xf32>
    %mul3A_105 = arith.mulf %mul3A_104, %add3A_101 : vector<5000x128xf32>
    %mul3A_106 = arith.mulf %mul3A_105, %add3A_101 : vector<5000x128xf32>
    %add3A_107 = arith.addf %add3A_101, %mul3A_106 : vector<5000x128xf32>
    %mul3A_108 = arith.constant 0.797884583 : f32
    %mul3A_109 = vector.broadcast %mul3A_108 : f32 to vector<5000x128xf32>
    %mul3A_110 = arith.mulf %mul3A_109, %add3A_107 : vector<5000x128xf32>
    %tanh3A_111 = math.tanh %mul3A_110 : vector<5000x128xf32>
    %mul3A_112 = arith.constant 5.000000e-01 : f32
    %mul3A_113 = vector.broadcast %mul3A_112 : f32 to vector<5000x128xf32>
    %mul3A_114 = arith.mulf %mul3A_113, %add3A_101 : vector<5000x128xf32>
    %add3A_115 = arith.constant 1.000000e+00 : f32
    %add3A_116 = vector.broadcast %add3A_115 : f32 to vector<5000x128xf32>
    %add3A_117 = arith.addf %add3A_116, %tanh3A_111 : vector<5000x128xf32>
    %mul3A_118 = arith.mulf %mul3A_114, %add3A_117 : vector<5000x128xf32>
    %swap3A = arith.constant 0 : index
    %swap3A_119 = arith.constant 0 : index
    %swap3A_120 = vector.load %arg13[%swap3A, %swap3A_119] : memref<5000x128xf32, #tpu.memory_space<vmem>>, vector<5000x128xf32>
    tpu.vector_store %arg13[%swap3A, %swap3A_119], %mul3A_118 {strides = array<i32>} : memref<5000x128xf32, #tpu.memory_space<vmem>>, vector<5000x128xf32>,
    return
  }
  func.func @transform_1(%arg0: i32) -> (i32, i32) {
    %c0_i32 = arith.constant 0 : i32
    %c0_i32_0 = arith.constant 0 : i32
    return %arg0, %c0_i32 : i32, i32
  }
  func.func @transform_2(%arg0: i32) -> (i32, i32) {
    %add3A = arith.constant 5 : i32
    %add3A_0 = arith.addi %add3A, %arg0 : i32
    %c0_i32 = arith.constant 0 : i32
    %c0_i32_1 = arith.constant 0 : i32
    return %add3A_0, %c0_i32 : i32, i32
  }
  func.func @transform_3(%arg0: i32) -> (i32, i32) {
    %c0_i32 = arith.constant 0 : i32
    %c0_i32_0 = arith.constant 0 : i32
    %c0_i32_1 = arith.constant 0 : i32
    return %c0_i32, %c0_i32_0 : i32, i32
  }
  func.func @transform_4(%arg0: i32) -> (i32, i32) {
    %c0_i32 = arith.constant 0 : i32
    %c0_i32_0 = arith.constant 0 : i32
    %c0_i32_1 = arith.constant 0 : i32
    return %c0_i32, %c0_i32_0 : i32, i32
  }
  func.func @transform_5(%arg0: i32) -> (i32, i32) {
    %c0_i32 = arith.constant 0 : i32
    %c0_i32_0 = arith.constant 0 : i32
    %c0_i32_1 = arith.constant 0 : i32
    return %c0_i32, %c0_i32_0 : i32, i32
  }
  func.func @transform_6(%arg0: i32) -> (i32, i32) {
    %c0_i32 = arith.constant 0 : i32
    %c0_i32_0 = arith.constant 0 : i32
    %c0_i32_1 = arith.constant 0 : i32
    return %c0_i32, %c0_i32_0 : i32, i32
  }
  func.func @transform_7(%arg0: i32) -> (i32, i32) {
    %c0_i32 = arith.constant 0 : i32
    %c0_i32_0 = arith.constant 0 : i32
    %c0_i32_1 = arith.constant 0 : i32
    return %c0_i32, %c0_i32_0 : i32, i32
  }
  func.func @transform_8(%arg0: i32) -> (i32, i32) {
    %c0_i32 = arith.constant 0 : i32
    %c0_i32_0 = arith.constant 0 : i32
    %c0_i32_1 = arith.constant 0 : i32
    return %c0_i32, %c0_i32_0 : i32, i32
  }
  func.func @transform_9(%arg0: i32) -> (i32, i32) {
    %c0_i32 = arith.constant 0 : i32
    %c0_i32_0 = arith.constant 0 : i32
    %c0_i32_1 = arith.constant 0 : i32
    return %c0_i32, %c0_i32_0 : i32, i32
  }
  func.func @transform_10(%arg0: i32) -> (i32, i32) {
    %c0_i32 = arith.constant 0 : i32
    %c0_i32_0 = arith.constant 0 : i32
    %c0_i32_1 = arith.constant 0 : i32
    return %c0_i32, %c0_i32_0 : i32, i32
  }
  func.func @transform_11(%arg0: i32) -> (i32, i32) {
    %c0_i32 = arith.constant 0 : i32
    %c0_i32_0 = arith.constant 0 : i32
    %c0_i32_1 = arith.constant 0 : i32
    return %c0_i32, %c0_i32_0 : i32, i32
  }
  func.func @transform_12(%arg0: i32) -> (i32, i32) {
    %add3A = arith.constant 5 : i32
    %add3A_0 = arith.addi %add3A, %arg0 : i32
    %c0_i32 = arith.constant 0 : i32
    %c0_i32_1 = arith.constant 0 : i32
    return %add3A_0, %c0_i32 : i32, i32
  }
}

module attributes {stable_mosaic.version = 14 : i64} {
  func.func @body(%arg0: i32, %arg1: memref<5000x128xf32, #tpu.memory_space<vmem>>, %arg2: memref<5000x128xf32, #tpu.memory_space<vmem>>, %arg3: memref<128x128xbf16, #tpu.memory_space<vmem>>, %arg4: memref<128x128xbf16, #tpu.memory_space<vmem>>, %arg5: memref<1x128xf32, #tpu.memory_space<vmem>>, %arg6: memref<1x128xf32, #tpu.memory_space<vmem>>, %arg7: memref<1x128xf32, #tpu.memory_space<vmem>>, %arg8: memref<128x128xbf16, #tpu.memory_space<vmem>>, %arg9: memref<1x128xf32, #tpu.memory_space<vmem>>, %arg10: memref<1x128xf32, #tpu.memory_space<vmem>>, %arg11: memref<1x128xf32, #tpu.memory_space<vmem>>, %arg12: memref<5000x128xf32, #tpu.memory_space<vmem>>) attributes {dimension_semantics = [#tpu.dimension_semantics<arbitrary>], iteration_bounds = array<i64: 5>, scalar_prefetch = 0 : i64, scratch_operands = 0 : i64, tpu.core_type = #tpu.core_type<tc>, window_params = [{transform_indices = @transform_0, window_bounds = array<i64: 5000, 128>}, {transform_indices = @transform_1, window_bounds = array<i64: 5000, 128>}, {pipeline_mode = #tpu.pipeline_mode<synchronous>, transform_indices = @transform_2, window_bounds = array<i64: 128, 128>}, {pipeline_mode = #tpu.pipeline_mode<synchronous>, transform_indices = @transform_3, window_bounds = array<i64: 128, 128>}, {pipeline_mode = #tpu.pipeline_mode<synchronous>, transform_indices = @transform_4, window_bounds = array<i64: 1, 128>}, {pipeline_mode = #tpu.pipeline_mode<synchronous>, transform_indices = @transform_5, window_bounds = array<i64: 1, 128>}, {pipeline_mode = #tpu.pipeline_mode<synchronous>, transform_indices = @transform_6, window_bounds = array<i64: 1, 128>}, {pipeline_mode = #tpu.pipeline_mode<synchronous>, transform_indices = @transform_7, window_bounds = array<i64: 128, 128>}, {pipeline_mode = #tpu.pipeline_mode<synchronous>, transform_indices = @transform_8, window_bounds = array<i64: 1, 128>}, {pipeline_mode = #tpu.pipeline_mode<synchronous>, transform_indices = @transform_9, window_bounds = array<i64: 1, 128>}, {pipeline_mode = #tpu.pipeline_mode<synchronous>, transform_indices = @transform_10, window_bounds = array<i64: 1, 128>}, {transform_indices = @transform_11, window_bounds = array<i64: 5000, 128>}]} {
    %get3A = arith.constant 0 : index
    %get3A_0 = arith.constant 0 : index
    %get3A_1 = vector.load %arg1[%get3A, %get3A_0] : memref<5000x128xf32, #tpu.memory_space<vmem>>, vector<5000x128xf32>
    %get3A_2 = arith.constant 0 : index
    %get3A_3 = arith.constant 0 : index
    %get3A_4 = vector.load %arg2[%get3A_2, %get3A_3] : memref<5000x128xf32, #tpu.memory_space<vmem>>, vector<5000x128xf32>
    %convert_element_type3A = arith.truncf %get3A_4 : vector<5000x128xf32> to vector<5000x128xbf16>
    %get3A_5 = arith.constant 0 : index
    %get3A_6 = arith.constant 0 : index
    %get3A_7 = vector.load %arg3[%get3A_5, %get3A_6] : memref<128x128xbf16, #tpu.memory_space<vmem>>, vector<128x128xbf16>
    %dot_general3A = arith.constant dense<0.000000e+00> : vector<5000x128xf32>
    %dot_general3A_8 = tpu.matmul %get3A_1, %get3A_7, %dot_general3A {dimension_numbers = #tpu.dot_dimension_numbers<[1], [0], [0], [1], [0, 0, 1, 1], [], []>, transpose_lhs_hint = false} : vector<5000x128xf32>, vector<128x128xbf16>, vector<5000x128xf32> -> vector<5000x128xf32>
    %get3A_9 = arith.constant 0 : index
    %get3A_10 = arith.constant 0 : index
    %get3A_11 = vector.load %arg4[%get3A_9, %get3A_10] : memref<128x128xbf16, #tpu.memory_space<vmem>>, vector<128x128xbf16>
    %dot_general3A_12 = arith.constant dense<0.000000e+00> : vector<5000x128xf32>
    %dot_general3A_13 = tpu.matmul %convert_element_type3A, %get3A_11, %dot_general3A_12 {dimension_numbers = #tpu.dot_dimension_numbers<[1], [0], [0], [1], [0, 0, 1, 1], [], []>, transpose_lhs_hint = false} : vector<5000x128xbf16>, vector<128x128xbf16>, vector<5000x128xf32> -> vector<5000x128xf32>
    %add3A = arith.addf %dot_general3A_8, %dot_general3A_13 : vector<5000x128xf32>
    %get3A_14 = arith.constant 0 : index
    %get3A_15 = arith.constant 0 : index
    %get3A_16 = vector.load %arg5[%get3A_14, %get3A_15] : memref<1x128xf32, #tpu.memory_space<vmem>>, vector<1x128xf32>
    %add3A_17 = vector.broadcast %get3A_16 : vector<1x128xf32> to vector<5000x128xf32>
    %add3A_18 = arith.addf %add3A, %add3A_17 : vector<5000x128xf32>
    %reduce_sum3A = arith.constant dense<0.000000e+00> : vector<5000xf32>
    %reduce_sum3A_19 = vector.multi_reduction <add>, %add3A_18, %reduce_sum3A [1] : vector<5000x128xf32> to vector<5000xf32>
    %broadcast_in_dim3A = vector.shape_cast %reduce_sum3A_19 : vector<5000xf32> to vector<5000x1xf32>
    %div3A = arith.constant 1.280000e+02 : f32
    %div3A_20 = vector.broadcast %div3A : f32 to vector<5000x1xf32>
    %div3A_21 = arith.divf %broadcast_in_dim3A, %div3A_20 : vector<5000x1xf32>
    %sub3A = vector.broadcast %div3A_21 : vector<5000x1xf32> to vector<5000x128xf32>
    %sub3A_22 = arith.subf %add3A_18, %sub3A : vector<5000x128xf32>
    %mul3A = arith.mulf %sub3A_22, %sub3A_22 : vector<5000x128xf32>
    %reduce_sum3A_23 = arith.constant dense<0.000000e+00> : vector<5000xf32>
    %reduce_sum3A_24 = vector.multi_reduction <add>, %mul3A, %reduce_sum3A_23 [1] : vector<5000x128xf32> to vector<5000xf32>
    %broadcast_in_dim3A_25 = vector.shape_cast %reduce_sum3A_24 : vector<5000xf32> to vector<5000x1xf32>
    %div3A_26 = arith.constant 1.280000e+02 : f32
    %div3A_27 = vector.broadcast %div3A_26 : f32 to vector<5000x1xf32>
    %div3A_28 = arith.divf %broadcast_in_dim3A_25, %div3A_27 : vector<5000x1xf32>
    %add3A_29 = arith.constant 9.99999974E-6 : f32
    %add3A_30 = vector.broadcast %add3A_29 : f32 to vector<5000x1xf32>
    %add3A_31 = arith.addf %div3A_28, %add3A_30 : vector<5000x1xf32>
    %rsqrt3A = math.rsqrt %add3A_31 : vector<5000x1xf32>
    %mul3A_32 = vector.broadcast %rsqrt3A : vector<5000x1xf32> to vector<5000x128xf32>
    %mul3A_33 = arith.mulf %sub3A_22, %mul3A_32 : vector<5000x128xf32>
    %get3A_34 = arith.constant 0 : index
    %get3A_35 = arith.constant 0 : index
    %get3A_36 = vector.load %arg6[%get3A_34, %get3A_35] : memref<1x128xf32, #tpu.memory_space<vmem>>, vector<1x128xf32>
    %mul3A_37 = vector.broadcast %get3A_36 : vector<1x128xf32> to vector<5000x128xf32>
    %mul3A_38 = arith.mulf %mul3A_33, %mul3A_37 : vector<5000x128xf32>
    %get3A_39 = arith.constant 0 : index
    %get3A_40 = arith.constant 0 : index
    %get3A_41 = vector.load %arg7[%get3A_39, %get3A_40] : memref<1x128xf32, #tpu.memory_space<vmem>>, vector<1x128xf32>
    %add3A_42 = vector.broadcast %get3A_41 : vector<1x128xf32> to vector<5000x128xf32>
    %add3A_43 = arith.addf %mul3A_38, %add3A_42 : vector<5000x128xf32>
    %mul3A_44 = arith.constant 4.471500e-02 : f32
    %mul3A_45 = vector.broadcast %mul3A_44 : f32 to vector<5000x128xf32>
    %mul3A_46 = arith.mulf %mul3A_45, %add3A_43 : vector<5000x128xf32>
    %mul3A_47 = arith.mulf %mul3A_46, %add3A_43 : vector<5000x128xf32>
    %mul3A_48 = arith.mulf %mul3A_47, %add3A_43 : vector<5000x128xf32>
    %add3A_49 = arith.addf %add3A_43, %mul3A_48 : vector<5000x128xf32>
    %mul3A_50 = arith.constant 0.797884583 : f32
    %mul3A_51 = vector.broadcast %mul3A_50 : f32 to vector<5000x128xf32>
    %mul3A_52 = arith.mulf %mul3A_51, %add3A_49 : vector<5000x128xf32>
    %tanh3A = math.tanh %mul3A_52 : vector<5000x128xf32>
    %mul3A_53 = arith.constant 5.000000e-01 : f32
    %mul3A_54 = vector.broadcast %mul3A_53 : f32 to vector<5000x128xf32>
    %mul3A_55 = arith.mulf %mul3A_54, %add3A_43 : vector<5000x128xf32>
    %add3A_56 = arith.constant 1.000000e+00 : f32
    %add3A_57 = vector.broadcast %add3A_56 : f32 to vector<5000x128xf32>
    %add3A_58 = arith.addf %add3A_57, %tanh3A : vector<5000x128xf32>
    %mul3A_59 = arith.mulf %mul3A_55, %add3A_58 : vector<5000x128xf32>
    %convert_element_type3A_60 = arith.truncf %mul3A_59 : vector<5000x128xf32> to vector<5000x128xbf16>
    %get3A_61 = arith.constant 0 : index
    %get3A_62 = arith.constant 0 : index
    %get3A_63 = vector.load %arg8[%get3A_61, %get3A_62] : memref<128x128xbf16, #tpu.memory_space<vmem>>, vector<128x128xbf16>
    %dot_general3A_64 = arith.constant dense<0.000000e+00> : vector<5000x128xf32>
    %dot_general3A_65 = tpu.matmul %convert_element_type3A_60, %get3A_63, %dot_general3A_64 {dimension_numbers = #tpu.dot_dimension_numbers<[1], [0], [0], [1], [0, 0, 1, 1], [], []>, transpose_lhs_hint = false} : vector<5000x128xbf16>, vector<128x128xbf16>, vector<5000x128xf32> -> vector<5000x128xf32>
    %get3A_66 = arith.constant 0 : index
    %get3A_67 = arith.constant 0 : index
    %get3A_68 = vector.load %arg9[%get3A_66, %get3A_67] : memref<1x128xf32, #tpu.memory_space<vmem>>, vector<1x128xf32>
    %add3A_69 = vector.broadcast %get3A_68 : vector<1x128xf32> to vector<5000x128xf32>
    %add3A_70 = arith.addf %dot_general3A_65, %add3A_69 : vector<5000x128xf32>
    %reduce_sum3A_71 = arith.constant dense<0.000000e+00> : vector<5000xf32>
    %reduce_sum3A_72 = vector.multi_reduction <add>, %add3A_70, %reduce_sum3A_71 [1] : vector<5000x128xf32> to vector<5000xf32>
    %broadcast_in_dim3A_73 = vector.shape_cast %reduce_sum3A_72 : vector<5000xf32> to vector<5000x1xf32>
    %div3A_74 = arith.constant 1.280000e+02 : f32
    %div3A_75 = vector.broadcast %div3A_74 : f32 to vector<5000x1xf32>
    %div3A_76 = arith.divf %broadcast_in_dim3A_73, %div3A_75 : vector<5000x1xf32>
    %sub3A_77 = vector.broadcast %div3A_76 : vector<5000x1xf32> to vector<5000x128xf32>
    %sub3A_78 = arith.subf %add3A_70, %sub3A_77 : vector<5000x128xf32>
    %mul3A_79 = arith.mulf %sub3A_78, %sub3A_78 : vector<5000x128xf32>
    %reduce_sum3A_80 = arith.constant dense<0.000000e+00> : vector<5000xf32>
    %reduce_sum3A_81 = vector.multi_reduction <add>, %mul3A_79, %reduce_sum3A_80 [1] : vector<5000x128xf32> to vector<5000xf32>
    %broadcast_in_dim3A_82 = vector.shape_cast %reduce_sum3A_81 : vector<5000xf32> to vector<5000x1xf32>
    %div3A_83 = arith.constant 1.280000e+02 : f32
    %div3A_84 = vector.broadcast %div3A_83 : f32 to vector<5000x1xf32>
    %div3A_85 = arith.divf %broadcast_in_dim3A_82, %div3A_84 : vector<5000x1xf32>
    %add3A_86 = arith.constant 9.99999974E-6 : f32
    %add3A_87 = vector.broadcast %add3A_86 : f32 to vector<5000x1xf32>
    %add3A_88 = arith.addf %div3A_85, %add3A_87 : vector<5000x1xf32>
    %rsqrt3A_89 = math.rsqrt %add3A_88 : vector<5000x1xf32>
    %mul3A_90 = vector.broadcast %rsqrt3A_89 : vector<5000x1xf32> to vector<5000x128xf32>
    %mul3A_91 = arith.mulf %sub3A_78, %mul3A_90 : vector<5000x128xf32>
    %get3A_92 = arith.constant 0 : index
    %get3A_93 = arith.constant 0 : index
    %get3A_94 = vector.load %arg10[%get3A_92, %get3A_93] : memref<1x128xf32, #tpu.memory_space<vmem>>, vector<1x128xf32>
    %mul3A_95 = vector.broadcast %get3A_94 : vector<1x128xf32> to vector<5000x128xf32>
    %mul3A_96 = arith.mulf %mul3A_91, %mul3A_95 : vector<5000x128xf32>
    %get3A_97 = arith.constant 0 : index
    %get3A_98 = arith.constant 0 : index
    %get3A_99 = vector.load %arg11[%get3A_97, %get3A_98] : memref<1x128xf32, #tpu.memory_space<vmem>>, vector<1x128xf32>
    %add3A_100 = vector.broadcast %get3A_99 : vector<1x128xf32> to vector<5000x128xf32>
    %add3A_101 = arith.addf %mul3A_96, %add3A_100 : vector<5000x128xf32>
    %mul3A_102 = arith.constant 4.471500e-02 : f32
    %mul3A_103 = vector.broadcast %mul3A_102 : f32 to vector<5000x128xf32>
    %mul3A_104 = arith.mulf %mul3A_103, %add3A_101 : vector<5000x128xf32>
    %mul3A_105 = arith.mulf %mul3A_104, %add3A_101 : vector<5000x128xf32>
    %mul3A_106 = arith.mulf %mul3A_105, %add3A_101 : vector<5000x128xf32>
    %add3A_107 = arith.addf %add3A_101, %mul3A_106 : vector<5000x128xf32>
    %mul3A_108 = arith.constant 0.797884583 : f32
    %mul3A_109 = vector.broadcast %mul3A_108 : f32 to vector<5000x128xf32>
    %mul3A_110 = arith.mulf %mul3A_109, %add3A_107 : vector<5000x128xf32>
    %tanh3A_111 = math.tanh %mul3A_110 : vector<5000x128xf32>
    %mul3A_112 = arith.constant 5.000000e-01 : f32
    %mul3A_113 = vector.broadcast %mul3A_112 : f32 to vector<5000x128xf32>
    %mul3A_114 = arith.mulf %mul3A_113, %add3A_101 : vector<5000x128xf32>
    %add3A_115 = arith.constant 1.000000e+00 : f32
    %add3A_116 = vector.broadcast %add3A_115 : f32 to vector<5000x128xf32>
    %add3A_117 = arith.addf %add3A_116, %tanh3A_111 : vector<5000x128xf32>
    %mul3A_118 = arith.mulf %mul3A_114, %add3A_117 : vector<5000x128xf32>
    %swap3A = arith.constant 0 : index
    %swap3A_119 = arith.constant 0 : index
    %swap3A_120 = vector.load %arg12[%swap3A, %swap3A_119] : memref<5000x128xf32, #tpu.memory_space<vmem>>, vector<5000x128xf32>
    tpu.vector_store %arg12[%swap3A, %swap3A_119], %mul3A_118 {strides = array<i32>} : memref<5000x128xf32, #tpu.memory_space<vmem>>, vector<5000x128xf32>,
    return
  }
  func.func @transform_0(%arg0: i32) -> (i32, i32) {
    %c0_i32 = arith.constant 0 : i32
    %c0_i32_0 = arith.constant 0 : i32
    return %arg0, %c0_i32 : i32, i32
  }
  func.func @transform_1(%arg0: i32) -> (i32, i32) {
    %add3A = arith.constant 0 : i32
    %add3A_0 = arith.addi %add3A, %arg0 : i32
    %c0_i32 = arith.constant 0 : i32
    %c0_i32_1 = arith.constant 0 : i32
    return %add3A_0, %c0_i32 : i32, i32
  }
  func.func @transform_2(%arg0: i32) -> (i32, i32) {
    %c0_i32 = arith.constant 0 : i32
    %c0_i32_0 = arith.constant 0 : i32
    %c0_i32_1 = arith.constant 0 : i32
    return %c0_i32, %c0_i32_0 : i32, i32
  }
  func.func @transform_3(%arg0: i32) -> (i32, i32) {
    %c0_i32 = arith.constant 0 : i32
    %c0_i32_0 = arith.constant 0 : i32
    %c0_i32_1 = arith.constant 0 : i32
    return %c0_i32, %c0_i32_0 : i32, i32
  }
  func.func @transform_4(%arg0: i32) -> (i32, i32) {
    %c0_i32 = arith.constant 0 : i32
    %c0_i32_0 = arith.constant 0 : i32
    %c0_i32_1 = arith.constant 0 : i32
    return %c0_i32, %c0_i32_0 : i32, i32
  }
  func.func @transform_5(%arg0: i32) -> (i32, i32) {
    %c0_i32 = arith.constant 0 : i32
    %c0_i32_0 = arith.constant 0 : i32
    %c0_i32_1 = arith.constant 0 : i32
    return %c0_i32, %c0_i32_0 : i32, i32
  }
  func.func @transform_6(%arg0: i32) -> (i32, i32) {
    %c0_i32 = arith.constant 0 : i32
    %c0_i32_0 = arith.constant 0 : i32
    %c0_i32_1 = arith.constant 0 : i32
    return %c0_i32, %c0_i32_0 : i32, i32
  }
  func.func @transform_7(%arg0: i32) -> (i32, i32) {
    %c0_i32 = arith.constant 0 : i32
    %c0_i32_0 = arith.constant 0 : i32
    %c0_i32_1 = arith.constant 0 : i32
    return %c0_i32, %c0_i32_0 : i32, i32
  }
  func.func @transform_8(%arg0: i32) -> (i32, i32) {
    %c0_i32 = arith.constant 0 : i32
    %c0_i32_0 = arith.constant 0 : i32
    %c0_i32_1 = arith.constant 0 : i32
    return %c0_i32, %c0_i32_0 : i32, i32
  }
  func.func @transform_9(%arg0: i32) -> (i32, i32) {
    %c0_i32 = arith.constant 0 : i32
    %c0_i32_0 = arith.constant 0 : i32
    %c0_i32_1 = arith.constant 0 : i32
    return %c0_i32, %c0_i32_0 : i32, i32
  }
  func.func @transform_10(%arg0: i32) -> (i32, i32) {
    %c0_i32 = arith.constant 0 : i32
    %c0_i32_0 = arith.constant 0 : i32
    %c0_i32_1 = arith.constant 0 : i32
    return %c0_i32, %c0_i32_0 : i32, i32
  }
  func.func @transform_11(%arg0: i32) -> (i32, i32) {
    %add3A = arith.constant 0 : i32
    %add3A_0 = arith.addi %add3A, %arg0 : i32
    %c0_i32 = arith.constant 0 : i32
    %c0_i32_1 = arith.constant 0 : i32
    return %add3A_0, %c0_i32 : i32, i32
  }
}

module attributes {stable_mosaic.version = 14 : i64} {
  func.func @body(%arg0: i32, %arg1: memref<100000x128xf32, #tpu.memory_space<hbm>>, %arg2: memref<5000x128xf32, #tpu.memory_space<vmem>>, %arg3: memref<5000x128xf32, #tpu.memory_space<vmem>>, %arg4: memref<128x128xbf16, #tpu.memory_space<vmem>>, %arg5: memref<128x128xbf16, #tpu.memory_space<vmem>>, %arg6: memref<1x128xf32, #tpu.memory_space<vmem>>, %arg7: memref<1x128xf32, #tpu.memory_space<vmem>>, %arg8: memref<1x128xf32, #tpu.memory_space<vmem>>, %arg9: memref<128x128xbf16, #tpu.memory_space<vmem>>, %arg10: memref<1x128xf32, #tpu.memory_space<vmem>>, %arg11: memref<1x128xf32, #tpu.memory_space<vmem>>, %arg12: memref<1x128xf32, #tpu.memory_space<vmem>>, %arg13: memref<5000x128xf32, #tpu.memory_space<vmem>>) attributes {dimension_semantics = [#tpu.dimension_semantics<arbitrary>], iteration_bounds = array<i64: 5>, scalar_prefetch = 0 : i64, scratch_operands = 0 : i64, tpu.core_type = #tpu.core_type<tc>, window_params = [{}, {transform_indices = @transform_1, window_bounds = array<i64: 5000, 128>}, {transform_indices = @transform_2, window_bounds = array<i64: 5000, 128>}, {pipeline_mode = #tpu.pipeline_mode<synchronous>, transform_indices = @transform_3, window_bounds = array<i64: 128, 128>}, {pipeline_mode = #tpu.pipeline_mode<synchronous>, transform_indices = @transform_4, window_bounds = array<i64: 128, 128>}, {pipeline_mode = #tpu.pipeline_mode<synchronous>, transform_indices = @transform_5, window_bounds = array<i64: 1, 128>}, {pipeline_mode = #tpu.pipeline_mode<synchronous>, transform_indices = @transform_6, window_bounds = array<i64: 1, 128>}, {pipeline_mode = #tpu.pipeline_mode<synchronous>, transform_indices = @transform_7, window_bounds = array<i64: 1, 128>}, {pipeline_mode = #tpu.pipeline_mode<synchronous>, transform_indices = @transform_8, window_bounds = array<i64: 128, 128>}, {pipeline_mode = #tpu.pipeline_mode<synchronous>, transform_indices = @transform_9, window_bounds = array<i64: 1, 128>}, {pipeline_mode = #tpu.pipeline_mode<synchronous>, transform_indices = @transform_10, window_bounds = array<i64: 1, 128>}, {pipeline_mode = #tpu.pipeline_mode<synchronous>, transform_indices = @transform_11, window_bounds = array<i64: 1, 128>}, {transform_indices = @transform_12, window_bounds = array<i64: 5000, 128>}]} {
    %get3A = arith.constant 0 : index
    %get3A_0 = arith.constant 0 : index
    %get3A_1 = vector.load %arg2[%get3A, %get3A_0] : memref<5000x128xf32, #tpu.memory_space<vmem>>, vector<5000x128xf32>
    %get3A_2 = arith.constant 0 : index
    %get3A_3 = arith.constant 0 : index
    %get3A_4 = vector.load %arg3[%get3A_2, %get3A_3] : memref<5000x128xf32, #tpu.memory_space<vmem>>, vector<5000x128xf32>
    %convert_element_type3A = arith.truncf %get3A_4 : vector<5000x128xf32> to vector<5000x128xbf16>
    %get3A_5 = arith.constant 0 : index
    %get3A_6 = arith.constant 0 : index
    %get3A_7 = vector.load %arg4[%get3A_5, %get3A_6] : memref<128x128xbf16, #tpu.memory_space<vmem>>, vector<128x128xbf16>
    %dot_general3A = arith.constant dense<0.000000e+00> : vector<5000x128xf32>
    %dot_general3A_8 = tpu.matmul %get3A_1, %get3A_7, %dot_general3A {dimension_numbers = #tpu.dot_dimension_numbers<[1], [0], [0], [1], [0, 0, 1, 1], [], []>, transpose_lhs_hint = false} : vector<5000x128xf32>, vector<128x128xbf16>, vector<5000x128xf32> -> vector<5000x128xf32>
    %get3A_9 = arith.constant 0 : index
    %get3A_10 = arith.constant 0 : index
    %get3A_11 = vector.load %arg5[%get3A_9, %get3A_10] : memref<128x128xbf16, #tpu.memory_space<vmem>>, vector<128x128xbf16>
    %dot_general3A_12 = arith.constant dense<0.000000e+00> : vector<5000x128xf32>
    %dot_general3A_13 = tpu.matmul %convert_element_type3A, %get3A_11, %dot_general3A_12 {dimension_numbers = #tpu.dot_dimension_numbers<[1], [0], [0], [1], [0, 0, 1, 1], [], []>, transpose_lhs_hint = false} : vector<5000x128xbf16>, vector<128x128xbf16>, vector<5000x128xf32> -> vector<5000x128xf32>
    %add3A = arith.addf %dot_general3A_8, %dot_general3A_13 : vector<5000x128xf32>
    %get3A_14 = arith.constant 0 : index
    %get3A_15 = arith.constant 0 : index
    %get3A_16 = vector.load %arg6[%get3A_14, %get3A_15] : memref<1x128xf32, #tpu.memory_space<vmem>>, vector<1x128xf32>
    %add3A_17 = vector.broadcast %get3A_16 : vector<1x128xf32> to vector<5000x128xf32>
    %add3A_18 = arith.addf %add3A, %add3A_17 : vector<5000x128xf32>
    %reduce_sum3A = arith.constant dense<0.000000e+00> : vector<5000xf32>
    %reduce_sum3A_19 = vector.multi_reduction <add>, %add3A_18, %reduce_sum3A [1] : vector<5000x128xf32> to vector<5000xf32>
    %broadcast_in_dim3A = vector.shape_cast %reduce_sum3A_19 : vector<5000xf32> to vector<5000x1xf32>
    %div3A = arith.constant 1.280000e+02 : f32
    %div3A_20 = vector.broadcast %div3A : f32 to vector<5000x1xf32>
    %div3A_21 = arith.divf %broadcast_in_dim3A, %div3A_20 : vector<5000x1xf32>
    %sub3A = vector.broadcast %div3A_21 : vector<5000x1xf32> to vector<5000x128xf32>
    %sub3A_22 = arith.subf %add3A_18, %sub3A : vector<5000x128xf32>
    %mul3A = arith.mulf %sub3A_22, %sub3A_22 : vector<5000x128xf32>
    %reduce_sum3A_23 = arith.constant dense<0.000000e+00> : vector<5000xf32>
    %reduce_sum3A_24 = vector.multi_reduction <add>, %mul3A, %reduce_sum3A_23 [1] : vector<5000x128xf32> to vector<5000xf32>
    %broadcast_in_dim3A_25 = vector.shape_cast %reduce_sum3A_24 : vector<5000xf32> to vector<5000x1xf32>
    %div3A_26 = arith.constant 1.280000e+02 : f32
    %div3A_27 = vector.broadcast %div3A_26 : f32 to vector<5000x1xf32>
    %div3A_28 = arith.divf %broadcast_in_dim3A_25, %div3A_27 : vector<5000x1xf32>
    %add3A_29 = arith.constant 9.99999974E-6 : f32
    %add3A_30 = vector.broadcast %add3A_29 : f32 to vector<5000x1xf32>
    %add3A_31 = arith.addf %div3A_28, %add3A_30 : vector<5000x1xf32>
    %rsqrt3A = math.rsqrt %add3A_31 : vector<5000x1xf32>
    %mul3A_32 = vector.broadcast %rsqrt3A : vector<5000x1xf32> to vector<5000x128xf32>
    %mul3A_33 = arith.mulf %sub3A_22, %mul3A_32 : vector<5000x128xf32>
    %get3A_34 = arith.constant 0 : index
    %get3A_35 = arith.constant 0 : index
    %get3A_36 = vector.load %arg7[%get3A_34, %get3A_35] : memref<1x128xf32, #tpu.memory_space<vmem>>, vector<1x128xf32>
    %mul3A_37 = vector.broadcast %get3A_36 : vector<1x128xf32> to vector<5000x128xf32>
    %mul3A_38 = arith.mulf %mul3A_33, %mul3A_37 : vector<5000x128xf32>
    %get3A_39 = arith.constant 0 : index
    %get3A_40 = arith.constant 0 : index
    %get3A_41 = vector.load %arg8[%get3A_39, %get3A_40] : memref<1x128xf32, #tpu.memory_space<vmem>>, vector<1x128xf32>
    %add3A_42 = vector.broadcast %get3A_41 : vector<1x128xf32> to vector<5000x128xf32>
    %add3A_43 = arith.addf %mul3A_38, %add3A_42 : vector<5000x128xf32>
    %mul3A_44 = arith.constant 4.471500e-02 : f32
    %mul3A_45 = vector.broadcast %mul3A_44 : f32 to vector<5000x128xf32>
    %mul3A_46 = arith.mulf %mul3A_45, %add3A_43 : vector<5000x128xf32>
    %mul3A_47 = arith.mulf %mul3A_46, %add3A_43 : vector<5000x128xf32>
    %mul3A_48 = arith.mulf %mul3A_47, %add3A_43 : vector<5000x128xf32>
    %add3A_49 = arith.addf %add3A_43, %mul3A_48 : vector<5000x128xf32>
    %mul3A_50 = arith.constant 0.797884583 : f32
    %mul3A_51 = vector.broadcast %mul3A_50 : f32 to vector<5000x128xf32>
    %mul3A_52 = arith.mulf %mul3A_51, %add3A_49 : vector<5000x128xf32>
    %tanh3A = math.tanh %mul3A_52 : vector<5000x128xf32>
    %mul3A_53 = arith.constant 5.000000e-01 : f32
    %mul3A_54 = vector.broadcast %mul3A_53 : f32 to vector<5000x128xf32>
    %mul3A_55 = arith.mulf %mul3A_54, %add3A_43 : vector<5000x128xf32>
    %add3A_56 = arith.constant 1.000000e+00 : f32
    %add3A_57 = vector.broadcast %add3A_56 : f32 to vector<5000x128xf32>
    %add3A_58 = arith.addf %add3A_57, %tanh3A : vector<5000x128xf32>
    %mul3A_59 = arith.mulf %mul3A_55, %add3A_58 : vector<5000x128xf32>
    %convert_element_type3A_60 = arith.truncf %mul3A_59 : vector<5000x128xf32> to vector<5000x128xbf16>
    %get3A_61 = arith.constant 0 : index
    %get3A_62 = arith.constant 0 : index
    %get3A_63 = vector.load %arg9[%get3A_61, %get3A_62] : memref<128x128xbf16, #tpu.memory_space<vmem>>, vector<128x128xbf16>
    %dot_general3A_64 = arith.constant dense<0.000000e+00> : vector<5000x128xf32>
    %dot_general3A_65 = tpu.matmul %convert_element_type3A_60, %get3A_63, %dot_general3A_64 {dimension_numbers = #tpu.dot_dimension_numbers<[1], [0], [0], [1], [0, 0, 1, 1], [], []>, transpose_lhs_hint = false} : vector<5000x128xbf16>, vector<128x128xbf16>, vector<5000x128xf32> -> vector<5000x128xf32>
    %get3A_66 = arith.constant 0 : index
    %get3A_67 = arith.constant 0 : index
    %get3A_68 = vector.load %arg10[%get3A_66, %get3A_67] : memref<1x128xf32, #tpu.memory_space<vmem>>, vector<1x128xf32>
    %add3A_69 = vector.broadcast %get3A_68 : vector<1x128xf32> to vector<5000x128xf32>
    %add3A_70 = arith.addf %dot_general3A_65, %add3A_69 : vector<5000x128xf32>
    %reduce_sum3A_71 = arith.constant dense<0.000000e+00> : vector<5000xf32>
    %reduce_sum3A_72 = vector.multi_reduction <add>, %add3A_70, %reduce_sum3A_71 [1] : vector<5000x128xf32> to vector<5000xf32>
    %broadcast_in_dim3A_73 = vector.shape_cast %reduce_sum3A_72 : vector<5000xf32> to vector<5000x1xf32>
    %div3A_74 = arith.constant 1.280000e+02 : f32
    %div3A_75 = vector.broadcast %div3A_74 : f32 to vector<5000x1xf32>
    %div3A_76 = arith.divf %broadcast_in_dim3A_73, %div3A_75 : vector<5000x1xf32>
    %sub3A_77 = vector.broadcast %div3A_76 : vector<5000x1xf32> to vector<5000x128xf32>
    %sub3A_78 = arith.subf %add3A_70, %sub3A_77 : vector<5000x128xf32>
    %mul3A_79 = arith.mulf %sub3A_78, %sub3A_78 : vector<5000x128xf32>
    %reduce_sum3A_80 = arith.constant dense<0.000000e+00> : vector<5000xf32>
    %reduce_sum3A_81 = vector.multi_reduction <add>, %mul3A_79, %reduce_sum3A_80 [1] : vector<5000x128xf32> to vector<5000xf32>
    %broadcast_in_dim3A_82 = vector.shape_cast %reduce_sum3A_81 : vector<5000xf32> to vector<5000x1xf32>
    %div3A_83 = arith.constant 1.280000e+02 : f32
    %div3A_84 = vector.broadcast %div3A_83 : f32 to vector<5000x1xf32>
    %div3A_85 = arith.divf %broadcast_in_dim3A_82, %div3A_84 : vector<5000x1xf32>
    %add3A_86 = arith.constant 9.99999974E-6 : f32
    %add3A_87 = vector.broadcast %add3A_86 : f32 to vector<5000x1xf32>
    %add3A_88 = arith.addf %div3A_85, %add3A_87 : vector<5000x1xf32>
    %rsqrt3A_89 = math.rsqrt %add3A_88 : vector<5000x1xf32>
    %mul3A_90 = vector.broadcast %rsqrt3A_89 : vector<5000x1xf32> to vector<5000x128xf32>
    %mul3A_91 = arith.mulf %sub3A_78, %mul3A_90 : vector<5000x128xf32>
    %get3A_92 = arith.constant 0 : index
    %get3A_93 = arith.constant 0 : index
    %get3A_94 = vector.load %arg11[%get3A_92, %get3A_93] : memref<1x128xf32, #tpu.memory_space<vmem>>, vector<1x128xf32>
    %mul3A_95 = vector.broadcast %get3A_94 : vector<1x128xf32> to vector<5000x128xf32>
    %mul3A_96 = arith.mulf %mul3A_91, %mul3A_95 : vector<5000x128xf32>
    %get3A_97 = arith.constant 0 : index
    %get3A_98 = arith.constant 0 : index
    %get3A_99 = vector.load %arg12[%get3A_97, %get3A_98] : memref<1x128xf32, #tpu.memory_space<vmem>>, vector<1x128xf32>
    %add3A_100 = vector.broadcast %get3A_99 : vector<1x128xf32> to vector<5000x128xf32>
    %add3A_101 = arith.addf %mul3A_96, %add3A_100 : vector<5000x128xf32>
    %mul3A_102 = arith.constant 4.471500e-02 : f32
    %mul3A_103 = vector.broadcast %mul3A_102 : f32 to vector<5000x128xf32>
    %mul3A_104 = arith.mulf %mul3A_103, %add3A_101 : vector<5000x128xf32>
    %mul3A_105 = arith.mulf %mul3A_104, %add3A_101 : vector<5000x128xf32>
    %mul3A_106 = arith.mulf %mul3A_105, %add3A_101 : vector<5000x128xf32>
    %add3A_107 = arith.addf %add3A_101, %mul3A_106 : vector<5000x128xf32>
    %mul3A_108 = arith.constant 0.797884583 : f32
    %mul3A_109 = vector.broadcast %mul3A_108 : f32 to vector<5000x128xf32>
    %mul3A_110 = arith.mulf %mul3A_109, %add3A_107 : vector<5000x128xf32>
    %tanh3A_111 = math.tanh %mul3A_110 : vector<5000x128xf32>
    %mul3A_112 = arith.constant 5.000000e-01 : f32
    %mul3A_113 = vector.broadcast %mul3A_112 : f32 to vector<5000x128xf32>
    %mul3A_114 = arith.mulf %mul3A_113, %add3A_101 : vector<5000x128xf32>
    %add3A_115 = arith.constant 1.000000e+00 : f32
    %add3A_116 = vector.broadcast %add3A_115 : f32 to vector<5000x128xf32>
    %add3A_117 = arith.addf %add3A_116, %tanh3A_111 : vector<5000x128xf32>
    %mul3A_118 = arith.mulf %mul3A_114, %add3A_117 : vector<5000x128xf32>
    %swap3A = arith.constant 0 : index
    %swap3A_119 = arith.constant 0 : index
    %swap3A_120 = vector.load %arg13[%swap3A, %swap3A_119] : memref<5000x128xf32, #tpu.memory_space<vmem>>, vector<5000x128xf32>
    tpu.vector_store %arg13[%swap3A, %swap3A_119], %mul3A_118 {strides = array<i32>} : memref<5000x128xf32, #tpu.memory_space<vmem>>, vector<5000x128xf32>,
    return
  }
  func.func @transform_1(%arg0: i32) -> (i32, i32) {
    %c0_i32 = arith.constant 0 : i32
    %c0_i32_0 = arith.constant 0 : i32
    return %arg0, %c0_i32 : i32, i32
  }
  func.func @transform_2(%arg0: i32) -> (i32, i32) {
    %add3A = arith.constant 15 : i32
    %add3A_0 = arith.addi %add3A, %arg0 : i32
    %c0_i32 = arith.constant 0 : i32
    %c0_i32_1 = arith.constant 0 : i32
    return %add3A_0, %c0_i32 : i32, i32
  }
  func.func @transform_3(%arg0: i32) -> (i32, i32) {
    %c0_i32 = arith.constant 0 : i32
    %c0_i32_0 = arith.constant 0 : i32
    %c0_i32_1 = arith.constant 0 : i32
    return %c0_i32, %c0_i32_0 : i32, i32
  }
  func.func @transform_4(%arg0: i32) -> (i32, i32) {
    %c0_i32 = arith.constant 0 : i32
    %c0_i32_0 = arith.constant 0 : i32
    %c0_i32_1 = arith.constant 0 : i32
    return %c0_i32, %c0_i32_0 : i32, i32
  }
  func.func @transform_5(%arg0: i32) -> (i32, i32) {
    %c0_i32 = arith.constant 0 : i32
    %c0_i32_0 = arith.constant 0 : i32
    %c0_i32_1 = arith.constant 0 : i32
    return %c0_i32, %c0_i32_0 : i32, i32
  }
  func.func @transform_6(%arg0: i32) -> (i32, i32) {
    %c0_i32 = arith.constant 0 : i32
    %c0_i32_0 = arith.constant 0 : i32
    %c0_i32_1 = arith.constant 0 : i32
    return %c0_i32, %c0_i32_0 : i32, i32
  }
  func.func @transform_7(%arg0: i32) -> (i32, i32) {
    %c0_i32 = arith.constant 0 : i32
    %c0_i32_0 = arith.constant 0 : i32
    %c0_i32_1 = arith.constant 0 : i32
    return %c0_i32, %c0_i32_0 : i32, i32
  }
  func.func @transform_8(%arg0: i32) -> (i32, i32) {
    %c0_i32 = arith.constant 0 : i32
    %c0_i32_0 = arith.constant 0 : i32
    %c0_i32_1 = arith.constant 0 : i32
    return %c0_i32, %c0_i32_0 : i32, i32
  }
  func.func @transform_9(%arg0: i32) -> (i32, i32) {
    %c0_i32 = arith.constant 0 : i32
    %c0_i32_0 = arith.constant 0 : i32
    %c0_i32_1 = arith.constant 0 : i32
    return %c0_i32, %c0_i32_0 : i32, i32
  }
  func.func @transform_10(%arg0: i32) -> (i32, i32) {
    %c0_i32 = arith.constant 0 : i32
    %c0_i32_0 = arith.constant 0 : i32
    %c0_i32_1 = arith.constant 0 : i32
    return %c0_i32, %c0_i32_0 : i32, i32
  }
  func.func @transform_11(%arg0: i32) -> (i32, i32) {
    %c0_i32 = arith.constant 0 : i32
    %c0_i32_0 = arith.constant 0 : i32
    %c0_i32_1 = arith.constant 0 : i32
    return %c0_i32, %c0_i32_0 : i32, i32
  }
  func.func @transform_12(%arg0: i32) -> (i32, i32) {
    %add3A = arith.constant 15 : i32
    %add3A_0 = arith.addi %add3A, %arg0 : i32
    %c0_i32 = arith.constant 0 : i32
    %c0_i32_1 = arith.constant 0 : i32
    return %add3A_0, %c0_i32 : i32, i32
  }
}

</mosaic_0001>

<sc_bundles>
// kernel: kernel.10.cloned.1.call-start
scs
__scs_entry_jumppad:
0x0: {  	(pc) =	sbr.rel $0x88, $3  }
0x1: {  	(tag) =	ssettag $0x0;
	lr =	simm.s32 $0x1  }
0x2: {  	[smem:$0x3F96] =	sst lr;
	_ =	strace $0xD0000000  }
0x3: {  	_ = 	snop  }
0x4: {  	_ = 	snop  }
0x5: {  	_ = 	snop  }
0x6: {  	_ = 	snop  }
0x7: {  	_ = 	snop  }
__scs_overlays_trampoline_lowered:
0x8: {  	[smem:$0x3FA5] =	sst s0  }
0x9: {  	[smem:$0x3FA6] =	sst s1  }
0xa: {  	[smem:$0x3FA7] =	sst s2  }
0xb: {  	[smem:$0x3FA8] =	sst s3  }
0xc: {  	[smem:$0x3FA9] =	sst s4  }
0xd: {  	[smem:$0x3FAA] =	sst s5  }
0xe: {  	[smem:$0x3FAB] =	sst s6  }
0xf: {  	[smem:$0x3FAC] =	sst s7  }
0x10: {  	[smem:$0x3FAD] =	sst s8  }
0x11: {  	[smem:$0x3FAE] =	sst s9;
	s0 =	simm.s32 @!p0 $0x0  }
0x12: {  	s1 =	sld [smem:$0x3F94];
	s0 =	simm.s32 @p0 $0x1  }
0x13: {  	[smem:$0x3FAF] =	sst s0;
	s0 =	simm.s32 @!p1 $0x0  }
0x14: {  	s2 =	sld [smem:$0x3F93];
	s0 =	simm.s32 @p1 $0x1  }
0x15: {  	[smem:$0x3FB0] =	sst s0;
	s0 =	simm.s32 @!p2 $0x0  }
0x16: {  	s3 =	sld [smem:$0x3FDB];
	s0 =	simm.s32 @p2 $0x1  }
0x17: {  	s4 =	simm.s32 $0x1BF5;
	[smem:$0x3FB2] =	sst s0  }
0x18: {  	s0 =	sld [smem:$0x3F95];
	_ =	swait.ge [sflag:s4], $0x0  }
0x19: {  	s7 =	sld [smem:$0x3F96]  }
0x1a: {  	s8 =	sadd.s32 $0xFFFFE003, lr  }
0x1b: {  	s9 =	sadd.s32 $0xFFFFFEF7, lr;
	s5 =	simm.s32 $0xFFFFFFFF;
	p2 =	slt.u32 s8, $0xFFFFF086  }
0x1c: {  	p1 =	slt.u32 s9, $0xF7A;
	s5 =	simm.s32 @!p2 $0x0  }
0x1d: {  	s5 =	simm.s32 @p1 $0x1;
	p0 =	seq.s32 s7, s2  }
0x1e: {  	s7 =	smul.u32 @!p0 $0xF7A, s2;
	p2 =	seq.s32 @!p0 s5, $0x0  }
0x1f: {  	s9 =	smul.u32 $0xF7A, s1;
	s8 =	simm.s32 @!p0 $0x1BF5;
	p2 =	por !p2, p0  }
0x20: {  	[sflag:s8] =	ssyncset.s32 @!p0 $0xFFFFF086;
	s6 =	sadd.s32 @!p0 s3, s7;
	s7 =	simm.s32 @!p0 $0x108  }
0x21: {  	s3 =	sadd.s32 s3, s9;
	s6 =	sadd.s32 @!p0 $0x88, s6;
	s7 =	simm.s32 @p2 $0x1082  }
0x22: {  	[simem:s7], [sflag:s8] =	dma.local @!p0 [hbm:s6], $0xF7A  }
0x23: {  	s9 =	sor.u32 $0xD0000000, s2;
	s6 =	simm.s32 $0x108;
	_ =	swait.ge @!p0 [sflag:s8], $0x0  }
0x24: {  	s3 =	sadd.s32 $0x88, s3;
	s6 =	simm.s32 @!p1 $0x1082;
	[sflag:s4] =	ssyncset.s32 $0xFFFFF086  }
0x25: {  	[simem:s6], [sflag:s4] =	dma.local [hbm:s3], $0xF7A  }
0x26: {  	[smem:$0x3F96] =	sst s1;
	(tag) =	ssettag s2;
	_ =	strace s9  }
0x27: {  	s1 =	sld [smem:$0x3FA6]  }
0x28: {  	s2 =	sld [smem:$0x3FA7]  }
0x29: {  	s4 =	sld [smem:$0x3FA9]  }
0x2a: {  	p0 =	seq.s32 s5, $0x0;
	s5 =	sld [smem:$0x3FAA]  }
0x2b: {  	s6 =	sld [smem:$0x3FAB]  }
0x2c: {  	s7 =	sld [smem:$0x3FAC]  }
0x2d: {  	s3 =	simm.s32 $0x108;
	s8 =	sld [smem:$0x3FAD]  }
0x2e: {  	s3 =	simm.s32 @!p0 $0x1082;
	s9 =	sld [smem:$0x3FAE]  }
0x2f: {  	lr =	sadd.s32 s0, s3;
	s0 =	sld [smem:$0x3FA5]  }
0x30: {  	s3 =	sld [smem:$0x3FA8]  }
0x31: {  	[smem:$0x3FB1] =	sst s10  }
0x32: {  	s10 =	sld [smem:$0x3FAF];
	_ =	sdelay $0x3  }
0x33: {  	p0 =	seq.s32 s10, $0x1;
	s10 =	sld [smem:$0x3FB1];
	_ =	sdelay $0x3  }
0x34: {  	[smem:$0x3FB1] =	sst s10  }
0x35: {  	s10 =	sld [smem:$0x3FB0];
	_ =	sdelay $0x3  }
0x36: {  	p1 =	seq.s32 s10, $0x1;
	s10 =	sld [smem:$0x3FB1];
	_ =	sdelay $0x3  }
0x37: {  	[smem:$0x3FB1] =	sst s10  }
0x38: {  	s10 =	sld [smem:$0x3FB2]  }
0x39: {  	_ = 	snop;
	(pc) =	sbr.ind lr, $3  }
0x3a: {  	_ = 	snop  }
0x3b: {  	_ = 	snop  }
0x3c: {  	p2 =	seq.s32 s10, $0x1;
	s10 =	sld [smem:$0x3FB1]  }
0x3d: {  	_ =	shalt  }
0x3e: {  	_ =	shalt  }
0x3f: {  	_ =	shalt  }
0x40: {  	_ =	shalt  }
0x41: {  	_ =	shalt  }
0x42: {  	_ =	shalt  }
0x43: {  	_ =	shalt  }
0x44: {  	_ =	shalt  }
0x45: {  	_ =	shalt  }
0x46: {  	_ =	shalt  }
0x47: {  	_ =	shalt  }
0x48: {  	_ =	shalt  }
0x49: {  	_ =	shalt  }
0x4a: {  	_ =	shalt  }
0x4b: {  	_ =	shalt  }
0x4c: {  	_ =	shalt  }
0x4d: {  	_ =	shalt  }
0x4e: {  	_ =	shalt  }
0x4f: {  	_ =	shalt  }
0x50: {  	_ =	shalt  }
0x51: {  	_ =	shalt  }
0x52: {  	_ =	shalt  }
0x53: {  	_ =	shalt  }
0x54: {  	_ =	shalt  }
0x55: {  	_ =	shalt  }
0x56: {  	_ =	shalt  }
0x57: {  	_ =	shalt  }
0x58: {  	_ =	shalt  }
0x59: {  	_ =	shalt  }
0x5a: {  	_ =	shalt  }
0x5b: {  	_ =	shalt  }
0x5c: {  	_ =	shalt  }
0x5d: {  	_ =	shalt  }
0x5e: {  	_ =	shalt  }
0x5f: {  	_ =	shalt  }
0x60: {  	_ =	shalt  }
0x61: {  	_ =	shalt  }
0x62: {  	_ =	shalt  }
0x63: {  	_ =	shalt  }
0x64: {  	_ =	shalt  }
0x65: {  	_ =	shalt  }
0x66: {  	_ =	shalt  }
0x67: {  	_ =	shalt  }
0x68: {  	_ =	shalt  }
0x69: {  	_ =	shalt  }
0x6a: {  	_ =	shalt  }
0x6b: {  	_ =	shalt  }
0x6c: {  	_ =	shalt  }
0x6d: {  	_ =	shalt  }
0x6e: {  	_ =	shalt  }
0x6f: {  	_ =	shalt  }
0x70: {  	_ =	shalt  }
0x71: {  	_ =	shalt  }
0x72: {  	_ =	shalt  }
0x73: {  	_ =	shalt  }
0x74: {  	_ =	shalt  }
0x75: {  	_ =	shalt  }
0x76: {  	_ =	shalt  }
0x77: {  	_ =	shalt  }
0x78: {  	_ =	shalt  }
0x79: {  	_ =	shalt  }
0x7a: {  	_ =	shalt  }
0x7b: {  	_ =	shalt  }
0x7c: {  	_ =	shalt  }
0x7d: {  	_ =	shalt  }
0x7e: {  	_ =	shalt  }
0x7f: {  	_ =	shalt  }
0x80: {  	_ =	shalt  }
0x81: {  	_ =	shalt  }
0x82: {  	_ =	shalt  }
0x83: {  	_ =	shalt  }
0x84: {  	_ =	shalt  }
0x85: {  	_ =	shalt  }
0x86: {  	_ =	shalt  }
0x87: {  	_ =	shalt  }
.Lfunc_end0:
.L_simem_size_0:
called_computation_lowered:
.L_overlay_start_0:
0x88: {  	s2 =	sld [smem:$0x3FD9]  }
0x89: {  	s3 =	sld [smem:$0x3FFE];
	_ =	sdelay $0x1  }
0x8a: {  	s1 =	srdreg.scid  }
0x8b: {  	s0 =	sand.u32 $0x1, s1  }
0x8c: {  	s17 =	sshll.u32 s0, $0xA;
	s2 =	sadd.s32 s3, s2  }
0x8d: {  	s2 =	sadd.s32 s2, s17  }
0x8e: {  	[smem:$0x3FBD] =	sst s2  }
0x8f: {  	_ = 	snop  }
0x90: {  	s2 =	sld [smem:$0x3FC9]  }
0x91: {  	s18 =	sld [smem:$0x3FD0];
	(tm) =	ssettm $0x1  }
0x92: {  	s4 =	sld [smem:$0x3FFB];
	_ =	sdelay $0x3  }
0x93: {  	_ =	strace s4  }
0x94: {  	s4 =	sld [smem:$0x3FFC];
	_ =	sdelay $0x3  }
0x95: {  	_ =	strace s4  }
0x96: {  	s4 =	sld [smem:$0x3FFD];
	_ =	sdelay $0x3  }
0x97: {  	_ =	strace s4  }
0x98: {  	_ =	strace $0x8FFFFFFF  }
0x99: {  	s19 =	sld [smem:$0x3FDB];
	_ =	sdelay $0x1  }
0x9a: {  	s5 =	simm.s32 $_scs_section_size  }
0x9b: {  	s6 =	simm.s32 $_size__tile_overlayer_lowered;
	s7 =	simm.s32 $_tile_overlayer_lowered  }
0x9c: {  	s22 =	simm.s32 $0x1BFF;
	s21 =	sshll.u32 s7, $0x1;
	s4 =	sadd.s32 s5, s19  }
0x9d: {  	s8 =	simm.s32 $0x0;
	s20 =	sshll.u32 s6, $0x1;
	s6 =	sadd.s32 s21, s4  }
0x9e: {  	[timem:s8], [sflag:s22] =	dma.local [hbm:s6], s20  }
0x9f: {  	_ =	swait.ge [sflag:s22], s20  }
0xa0: {  	s5 =	ssub.s32 $0x0, s20;
	[sflag:s22] =	ssyncset.done $0x0  }
0xa1: {  	[sflag:s22] =	ssyncadd.s32 s5;
	_ =	sdelay $0x1  }
0xa2: {  	s23 =	simm.s32 $0x1B8B  }
0xa3: {  	_ =	swait.ge [sflag:s23], $0x1  }
0xa4: {  	[sflag:s23] =	ssyncset.done $0x0  }
0xa5: {  	s25 =	simm.s32 $0x1B8E;
	s24 =	sld [smem:$0x3FFE];
	[sflag:s23] =	ssyncadd.s32 $0xFFFFFFFF  }
0xa6: {  	s26 =	simm.s32 $execute0_lowered;
	[smem:$0x3FD2] =	sst s25  }
0xa7: {  	s6 =	sshll.u32 s26, $0x1;
	_ =	strace $0x80000046;
	[dreg:$0x1] =	wrdreg $0xFFFFFFFF  }
0xa8: {  	s28 =	simm.s32 $_size_execute0_lowered;
	s4 =	sadd.s32 s4, s6;
	[dreg:$0x0] =	wrdreg $0x0  }
0xa9: {  	s6 =	sshll.u32 s28, $0x1;
	[dreg:$0x2] =	wrdreg s4  }
0xaa: {  	[dreg:$0x3] =	wrdreg s6  }
0xab: {  	[dreg:$0x4] =	wrdreg $0xC0  }
0xac: {  	_ =	task [dreg:s8], $0x5FFFF  }
0xad: {  	[dreg:$0x1] =	wrdreg $0xFFFFFFFF  }
0xae: {  	[dreg:$0x0] =	wrdreg $0x60  }
0xaf: {  	[dreg:$0x2] =	wrdreg s2  }
0xb0: {  	[dreg:$0x3] =	wrdreg s24  }
0xb1: {  	[dreg:$0x4] =	wrdreg s18  }
0xb2: {  	[dreg:$0x5] =	wrdreg $0x9  }
0xb3: {  	_ =	task.clear_ibuf [dreg:s8], $0x6FFFF;
	_ =	strace $0x90000046  }
0xb4: {  	s29 =	simm.s32 $0x9;
	_ =	strace $0x80000048  }
0xb5: {  	_ =	swait.ge [sflag:s29], $0x1  }
0xb6: {  	[sflag:s29] =	ssyncadd.s32 $0xFFFFFFFF  }
0xb7: {  	_ =	strace $0x90000048  }
0xb8: {  	_ =	sfence  }
0xb9: {  	s30 =	sld [smem:$0x0];
	_ =	sdelay $0x2  }
0xba: {  	s31 =	sshll.u32 s1, $0xD;
	s1 =	sshrl.u32 s1, $0x2  }
0xbb: {  	s3 =	sand.u32 $0x4000, s31;
	s1 =	sadd.s32 s1, s30  }
0xbc: {  	s0 =	sor.u32 s3, s0;
	s1 =	sshll.u32 s1, $0x11  }
0xbd: {  	s0 =	sor.u32 s1, s0  }
0xbe: {  	s0 =	sadd.s32 $0x8F2B, s0  }
0xbf: {  	[sflag:s0] =	ssyncadd.remote.s32 $0x1  }
0xc0: {  	_ =	sfence.sel $0xFFFF  }
0xc1: {  	[dreg:$0x0] =	wrdreg $0xFFFFFFFF;
	(pc) =	sbr.abs _section_cstart, $3  }
0xc2: {  	[dreg:$0x1] =	wrdreg $0xFFFFFFFF  }
0xc3: {  	_ =	task.clear_ibuf [dreg:s8], $0x2FFFF;
	_ =	strace $0x9FFFFFFF  }
0xc4: {  	(tm) =	ssettm $0x7FFFFFFF  }
0xc5: {  	_ =	shalt  }
tec
execute0_lowered:
.L_overlay_start_1:
0x0: {  	(tag) =	ssettag $0x1  }
0x1: {  	s1 =	srdreg.scid  }
0x2: {  	s1 =	sand.u32 $0x1, s1  }
0x3: {  	p0 =	seq.s32 s1, $0x1  }
.Ltmp0:
0x4: {  	s2 =	rddreg [dreg:$0x0];
	(pc) =	sbr.rel @p0 .LBB2_4-.Ltmp0, $4  }
0x5: {  	s0 =	rddreg [dreg:$0x1]  }
0x6: {  	s3 =	rddreg [dreg:$0x2];
	s4 =	simm.s32 $0x0  }
0x7: {  	[smem:$0x7FF] =	sst s4  }
0x8: {  	s5 =	rddreg [dreg:$0x3];
	s6 =	stileid.u32;
	_ =	strace $0x80000047  }
0x9: {  	s0 =	sadd.s32 $0x2E00, s0;
	s1 =	sshll.u32 s6, $0x9  }
0xa: {  	s5 =	smul.u32 $0x620, s6;
	s22 =	simm.s32 $0x5;
	p0 =	por $0x1, $0x1  }
0xb: {  	p1 =	por $0x0, $0x0;
	s6 =	simm.s32 $0x200;
	s7 =	simm.s32 $0x180  }
0xc: {  	s8 =	simm.s32 $0x100;
	s9 =	simm.s32 $0x80;
	s12 =	simm.s32 $0x38  }
0xd: {  	s13 =	simm.s32 $0x1000;
	s14 =	simm.s32 $0x2C00;
	s15 =	simm.s32 $0x4800  }
0xe: {  	s16 =	simm.s32 $0x6400;
	s17 =	simm.s32 $0x8000;
	s18 =	simm.s32 $0x9C00  }
0xf: {  	s19 =	simm.s32 $0xB800;
	s20 =	simm.s32 $0x1;
	s28 =	simm.s32 $0x17C00  }
0x10: {  	s29 =	simm.s32 $0x2;
	s30 =	simm.s32 $0x3;
	s10 =	simm.s32 $0x0  }
0x11: {  	s31 =	simm.s32 $0x0;
	s0 =	sadd.s32 s0, s1;
	s1 =	simm.s32 $0x280  }
0x12: {  	[tilespmem:s4], [sflag:$0x5] =	stream.linear.gather [hbm4b:s0+s4], $0xE00, $0x38;
	[tilespmem:$0x19800] =	vst v63  }
0x13: {  	s21 =	sadd.s32 $0x38, s5;
	s23 =	sadd.s32 $0x70, s5;
	s24 =	sadd.s32 $0xA8, s5  }
0x14: {  	s25 =	sadd.s32 $0xE0, s5;
	s26 =	sadd.s32 $0x118, s5;
	[dreg:$0x4] =	wrdreg s21  }
0x15: {  	s11 =	sadd.s32 $0x150, s5;
	s0 =	simm.s32 $0x300;
	[dreg:$0x5] =	wrdreg s23  }
0x16: {  	[dreg:$0x6] =	wrdreg s24;
	s21 =	simm.s32 $0xD400;
	s23 =	simm.s32 $0x10C00  }
0x17: {  	s24 =	simm.s32 $0x12800;
	_ =	swait.ge [sflag:s22], $0xE00;
	[dreg:$0x7] =	wrdreg s25  }
0x18: {  	[dreg:$0x8] =	wrdreg s26;
	s25 =	simm.s32 $0x14400;
	[sflag:s22] =	ssyncset.done $0x0  }
0x19: {  	s26 =	simm.s32 $0x16000;
	[sflag:s22] =	ssyncadd.s32 $0xFFFFF200;
	s22 =	simm.s32 $0xF000  }
.LBB2_2:
0x1a: {  	[tilespmem:s13], [sflag:$0x1] =	stream.indirect.gather [hbm4b:s2+s12], $0x80, s10, s12, $0xb8;
	[tilespmem:$0x19800] =	vst v63  }
0x1b: {  	_ = 	snop  }
0x1c: {  	[tilespmem:s14], [sflag:$0x1] =	stream.indirect.gather [hbm4b:s2+s12], $0x80, s9, s12, $0xb8;
	[tilespmem:$0x19800] =	vst v63  }
0x1d: {  	_ = 	snop  }
0x1e: {  	[tilespmem:s15], [sflag:$0x1] =	stream.indirect.gather [hbm4b:s2+s12], $0x80, s8, s12, $0xb8;
	[tilespmem:$0x19800] =	vst v63  }
0x1f: {  	_ = 	snop  }
0x20: {  	[tilespmem:s16], [sflag:$0x1] =	stream.indirect.gather [hbm4b:s2+s12], $0x80, s7, s12, $0xb8;
	[tilespmem:$0x19800] =	vst v63  }
0x21: {  	_ = 	snop  }
0x22: {  	[tilespmem:s17], [sflag:$0x1] =	stream.indirect.gather [hbm4b:s2+s12], $0x80, s6, s12, $0xb8;
	[tilespmem:$0x19800] =	vst v63  }
0x23: {  	_ = 	snop  }
0x24: {  	[tilespmem:s18], [sflag:$0x1] =	stream.indirect.gather [hbm4b:s2+s12], $0x80, s1, s12, $0xb8;
	[tilespmem:$0x19800] =	vst v63  }
0x25: {  	_ = 	snop  }
0x26: {  	[tilespmem:s19], [sflag:$0x1] =	stream.indirect.gather [hbm4b:s2+s12], $0x80, s0, s12, $0xb8;
	[tilespmem:$0x19800] =	vst v63  }
0x27: {  	_ =	swait.ge [sflag:s20], $0x1C00  }
0x28: {  	[sflag:s20] =	ssyncset.done $0x0  }
0x29: {  	[sflag:s20] =	ssyncadd.s32 $0xFFFFE400  }
0x2a: {  	_ =	swait.ge [sflag:s20], $0x1C00  }
0x2b: {  	[sflag:s20] =	ssyncset.done $0x0  }
0x2c: {  	[sflag:s20] =	ssyncadd.s32 $0xFFFFE400  }
0x2d: {  	_ =	swait.ge [sflag:s20], $0x1C00  }
0x2e: {  	[sflag:s20] =	ssyncset.done $0x0  }
0x2f: {  	[sflag:s20] =	ssyncadd.s32 $0xFFFFE400  }
0x30: {  	_ =	swait.ge [sflag:s20], $0x1C00  }
0x31: {  	[sflag:s20] =	ssyncset.done $0x0  }
0x32: {  	[sflag:s20] =	ssyncadd.s32 $0xFFFFE400  }
0x33: {  	_ =	swait.ge [sflag:s20], $0x1C00  }
0x34: {  	[sflag:s20] =	ssyncset.done $0x0  }
0x35: {  	[sflag:s20] =	ssyncadd.s32 $0xFFFFE400  }
0x36: {  	_ =	swait.ge [sflag:s20], $0x1C00  }
0x37: {  	s0 =	smul.u32 $0x310, s31;
	[sflag:s20] =	ssyncset.done $0x0  }
0x38: {  	[sflag:s20] =	ssyncadd.s32 $0xFFFFE400  }
0x39: {  	s6 =	sadd.s32 s5, s0;
	_ =	swait.ge [sflag:s20], $0x1C00  }
0x3a: {  	s1 =	sshll.u32 s6, $0x4;
	[sflag:s20] =	ssyncset.done $0x0  }
0x3b: {  	s1 =	sadd.s32 s3, s1;
	s7 =	rddreg [dreg:$0x4];
	[sflag:s20] =	ssyncadd.s32 $0xFFFFE400  }
0x3c: {  	[hbm4b:s1+s4] =	stream.linear.scatter [tilespmem:s13], [sflag:$0x3], $0x1C00, $0x38;
	[tilespmem:$0x19800] =	vst v63  }
0x3d: {  	s1 =	sadd.s32 s0, s7  }
0x3e: {  	s1 =	sshll.u32 s1, $0x4  }
0x3f: {  	s8 =	rddreg [dreg:$0x5];
	s1 =	sadd.s32 s3, s1  }
0x40: {  	[hbm4b:s1+s4] =	stream.linear.scatter [tilespmem:s14], [sflag:$0x3], $0x1C00, $0x38;
	[tilespmem:$0x19800] =	vst v63  }
0x41: {  	s1 =	sadd.s32 s0, s8  }
0x42: {  	s1 =	sshll.u32 s1, $0x4  }
0x43: {  	s9 =	rddreg [dreg:$0x6];
	s1 =	sadd.s32 s3, s1  }
0x44: {  	[hbm4b:s1+s4] =	stream.linear.scatter [tilespmem:s15], [sflag:$0x3], $0x1C00, $0x38;
	[tilespmem:$0x19800] =	vst v63  }
0x45: {  	s1 =	sadd.s32 s0, s9  }
0x46: {  	s1 =	sshll.u32 s1, $0x4  }
0x47: {  	s10 =	rddreg [dreg:$0x7];
	s1 =	sadd.s32 s3, s1  }
0x48: {  	[hbm4b:s1+s4] =	stream.linear.scatter [tilespmem:s16], [sflag:$0x3], $0x1C00, $0x38;
	[tilespmem:$0x19800] =	vst v63  }
0x49: {  	s1 =	sadd.s32 s0, s10  }
0x4a: {  	s1 =	sshll.u32 s1, $0x4  }
0x4b: {  	s6 =	rddreg [dreg:$0x8];
	s1 =	sadd.s32 s3, s1  }
0x4c: {  	[hbm4b:s1+s4] =	stream.linear.scatter [tilespmem:s17], [sflag:$0x3], $0x1C00, $0x38;
	[tilespmem:$0x19800] =	vst v63  }
0x4d: {  	s1 =	sadd.s32 s0, s6  }
0x4e: {  	s0 =	sadd.s32 s0, s11;
	s1 =	sshll.u32 s1, $0x4  }
0x4f: {  	s0 =	sshll.u32 s0, $0x4;
	s1 =	sadd.s32 s3, s1  }
0x50: {  	[hbm4b:s1+s4] =	stream.linear.scatter [tilespmem:s18], [sflag:$0x3], $0x1C00, $0x38;
	[tilespmem:$0x19800] =	vst v63  }
0x51: {  	s0 =	sadd.s32 s3, s0  }
0x52: {  	[hbm4b:s0+s4] =	stream.linear.scatter [tilespmem:s19], [sflag:$0x3], $0x1C00, $0x38;
	[tilespmem:$0x19800] =	vst v63  }
0x53: {  	s0 =	simm.s32 @p1 $0x4  }
0x54: {  	_ =	swait.ge @p1 [sflag:s0], $0x1C00  }
0x55: {  	[sflag:s0] =	ssyncset.done @p1 $0x0  }
0x56: {  	[sflag:s0] =	ssyncadd.s32 @p1 $0xFFFFE400  }
0x57: {  	_ =	swait.ge @p1 [sflag:s0], $0x1C00  }
0x58: {  	[sflag:s0] =	ssyncset.done @p1 $0x0  }
0x59: {  	[sflag:s0] =	ssyncadd.s32 @p1 $0xFFFFE400  }
0x5a: {  	_ =	swait.ge @p1 [sflag:s0], $0x1C00  }
0x5b: {  	[sflag:s0] =	ssyncset.done @p1 $0x0  }
0x5c: {  	[sflag:s0] =	ssyncadd.s32 @p1 $0xFFFFE400  }
0x5d: {  	_ =	swait.ge @p1 [sflag:s0], $0x1C00  }
0x5e: {  	[sflag:s0] =	ssyncset.done @p1 $0x0  }
0x5f: {  	[sflag:s0] =	ssyncadd.s32 @p1 $0xFFFFE400  }
0x60: {  	_ =	swait.ge @p1 [sflag:s0], $0x1C00  }
0x61: {  	[sflag:s0] =	ssyncset.done @p1 $0x0  }
0x62: {  	[sflag:s0] =	ssyncadd.s32 @p1 $0xFFFFE400  }
0x63: {  	_ =	swait.ge @p1 [sflag:s0], $0x1C00  }
0x64: {  	[sflag:s0] =	ssyncset.done @p1 $0x0  }
0x65: {  	s1 =	sshllo.u32 s31, $0x1;
	[sflag:s0] =	ssyncadd.s32 @p1 $0xFFFFE400  }
0x66: {  	s7 =	smul.u32 $0xE00, s1;
	_ =	swait.ge @p1 [sflag:s0], $0x1C00  }
0x67: {  	[sflag:s0] =	ssyncset.done @p1 $0x0  }
0x68: {  	s8 =	smul.u32 $0x7, s1;
	s6 =	sshra.s32 s7, $0x2;
	[sflag:s0] =	ssyncadd.s32 @p1 $0xFFFFE400  }
0x69: {  	[tilespmem:s21], [sflag:$0x2] =	stream.indirect.gather [hbm4b:s2+s12], $0x80, s6, s12, $0xb8;
	[tilespmem:$0x19800] =	vst v63  }
0x6a: {  	s6 =	sadd.s32 $0x1, s8  }
0x6b: {  	s0 =	sshll.u32 s8, $0x7;
	s9 =	sshll.u32 s6, $0x7  }
0x6c: {  	s10 =	sadd.s32 $0x100, s0;
	s7 =	sand.u32 $0x3FFFFF80, s9  }
0x6d: {  	[tilespmem:s22], [sflag:$0x2] =	stream.indirect.gather [hbm4b:s2+s12], $0x80, s7, s12, $0xb8;
	[tilespmem:$0x19800] =	vst v63  }
0x6e: {  	s8 =	sadd.s32 $0x180, s0;
	s7 =	sand.u32 $0x3FFFFF80, s10  }
0x6f: {  	[tilespmem:s23], [sflag:$0x2] =	stream.indirect.gather [hbm4b:s2+s12], $0x80, s7, s12, $0xb8;
	[tilespmem:$0x19800] =	vst v63  }
0x70: {  	s9 =	sadd.s32 $0x200, s0;
	s7 =	sand.u32 $0x3FFFFF80, s8  }
0x71: {  	[tilespmem:s24], [sflag:$0x2] =	stream.indirect.gather [hbm4b:s2+s12], $0x80, s7, s12, $0xb8;
	[tilespmem:$0x19800] =	vst v63  }
0x72: {  	s10 =	sadd.s32 $0x280, s0;
	s7 =	sand.u32 $0x3FFFFF80, s9  }
0x73: {  	[tilespmem:s25], [sflag:$0x2] =	stream.indirect.gather [hbm4b:s2+s12], $0x80, s7, s12, $0xb8;
	[tilespmem:$0x19800] =	vst v63  }
0x74: {  	s0 =	sadd.s32 $0x300, s0;
	s7 =	sand.u32 $0x3FFFFF80, s10  }
0x75: {  	[tilespmem:s26], [sflag:$0x2] =	stream.indirect.gather [hbm4b:s2+s12], $0x80, s7, s12, $0xb8;
	[tilespmem:$0x19800] =	vst v63  }
0x76: {  	s0 =	sand.u32 $0x3FFFFF80, s0  }
0x77: {  	[tilespmem:s28], [sflag:$0x2] =	stream.indirect.gather [hbm4b:s2+s12], $0x80, s0, s12, $0xb8;
	[tilespmem:$0x19800] =	vst v63  }
0x78: {  	_ =	swait.ge [sflag:s29], $0x1C00  }
0x79: {  	[sflag:s29] =	ssyncset.done $0x0  }
0x7a: {  	[sflag:s29] =	ssyncadd.s32 $0xFFFFE400  }
0x7b: {  	_ =	swait.ge [sflag:s29], $0x1C00  }
0x7c: {  	[sflag:s29] =	ssyncset.done $0x0  }
0x7d: {  	[sflag:s29] =	ssyncadd.s32 $0xFFFFE400  }
0x7e: {  	_ =	swait.ge [sflag:s29], $0x1C00  }
0x7f: {  	[sflag:s29] =	ssyncset.done $0x0  }
0x80: {  	[sflag:s29] =	ssyncadd.s32 $0xFFFFE400  }
0x81: {  	_ =	swait.ge [sflag:s29], $0x1C00  }
0x82: {  	[sflag:s29] =	ssyncset.done $0x0  }
0x83: {  	[sflag:s29] =	ssyncadd.s32 $0xFFFFE400  }
0x84: {  	_ =	swait.ge [sflag:s29], $0x1C00  }
0x85: {  	[sflag:s29] =	ssyncset.done $0x0  }
0x86: {  	[sflag:s29] =	ssyncadd.s32 $0xFFFFE400  }
0x87: {  	_ =	swait.ge [sflag:s29], $0x1C00  }
0x88: {  	s1 =	smul.u32 $0x188, s1;
	[sflag:s29] =	ssyncset.done $0x0  }
0x89: {  	s6 =	smul.u32 $0x38, s6;
	[sflag:s29] =	ssyncadd.s32 $0xFFFFE400  }
0x8a: {  	s0 =	sadd.s32 s5, s1;
	_ =	swait.ge [sflag:s29], $0x1C00  }
0x8b: {  	s1 =	sadd.s32 s5, s6;
	s0 =	sshll.u32 s0, $0x4;
	[sflag:s29] =	ssyncset.done $0x0  }
0x8c: {  	s1 =	sshll.u32 s1, $0x4;
	s0 =	sadd.s32 s3, s0;
	[sflag:s29] =	ssyncadd.s32 $0xFFFFE400  }
0x8d: {  	[hbm4b:s0+s4] =	stream.linear.scatter [tilespmem:s21], [sflag:$0x4], $0x1C00, $0x38;
	[tilespmem:$0x19800] =	vst v63  }
0x8e: {  	s1 =	sadd.s32 s3, s1  }
0x8f: {  	[hbm4b:s1+s4] =	stream.linear.scatter [tilespmem:s22], [sflag:$0x4], $0x1C00, $0x38;
	[tilespmem:$0x19800] =	vst v63  }
0x90: {  	s7 =	sadd.s32 $0x700, s0  }
0x91: {  	[hbm4b:s7+s4] =	stream.linear.scatter [tilespmem:s23], [sflag:$0x4], $0x1C00, $0x38;
	[tilespmem:$0x19800] =	vst v63  }
0x92: {  	s8 =	sadd.s32 $0xA80, s0  }
0x93: {  	[hbm4b:s8+s4] =	stream.linear.scatter [tilespmem:s24], [sflag:$0x4], $0x1C00, $0x38;
	[tilespmem:$0x19800] =	vst v63  }
0x94: {  	s9 =	sadd.s32 $0xE00, s0  }
0x95: {  	[hbm4b:s9+s4] =	stream.linear.scatter [tilespmem:s25], [sflag:$0x4], $0x1C00, $0x38;
	[tilespmem:$0x19800] =	vst v63  }
0x96: {  	s10 =	sadd.s32 $0x1180, s0  }
0x97: {  	[hbm4b:s10+s4] =	stream.linear.scatter [tilespmem:s26], [sflag:$0x4], $0x1C00, $0x38;
	[tilespmem:$0x19800] =	vst v63  }
0x98: {  	s0 =	sadd.s32 $0x1500, s0  }
0x99: {  	[hbm4b:s0+s4] =	stream.linear.scatter [tilespmem:s28], [sflag:$0x4], $0x1C00, $0x38;
	[tilespmem:$0x19800] =	vst v63  }
0x9a: {  	_ =	swait.ge [sflag:s30], $0x1C00  }
0x9b: {  	[sflag:s30] =	ssyncset.done $0x0  }
0x9c: {  	[sflag:s30] =	ssyncadd.s32 $0xFFFFE400  }
0x9d: {  	_ =	swait.ge [sflag:s30], $0x1C00  }
0x9e: {  	[sflag:s30] =	ssyncset.done $0x0  }
0x9f: {  	[sflag:s30] =	ssyncadd.s32 $0xFFFFE400  }
0xa0: {  	_ =	swait.ge [sflag:s30], $0x1C00  }
0xa1: {  	[sflag:s30] =	ssyncset.done $0x0  }
0xa2: {  	[sflag:s30] =	ssyncadd.s32 $0xFFFFE400  }
0xa3: {  	_ =	swait.ge [sflag:s30], $0x1C00  }
0xa4: {  	[sflag:s30] =	ssyncset.done $0x0  }
0xa5: {  	[sflag:s30] =	ssyncadd.s32 $0xFFFFE400  }
0xa6: {  	_ =	swait.ge [sflag:s30], $0x1C00  }
0xa7: {  	[sflag:s30] =	ssyncset.done $0x0  }
0xa8: {  	[sflag:s30] =	ssyncadd.s32 $0xFFFFE400  }
0xa9: {  	p2 =	por p0, p0;
	p0 =	por $0x0, $0x0;
	_ =	swait.ge [sflag:s30], $0x1C00  }
.Ltmp1:
0xaa: {  	s31 =	simm.s32 $0x1;
	[sflag:s30] =	ssyncset.done $0x0;
	(pc) =	sbr.rel @p2 .LBB2_2-.Ltmp1, $4  }
0xab: {  	p1 =	por $0x1, $0x1;
	s6 =	simm.s32 $0x900;
	[sflag:s30] =	ssyncadd.s32 $0xFFFFE400  }
0xac: {  	s1 =	simm.s32 $0x980;
	s7 =	simm.s32 $0x880;
	_ =	swait.ge [sflag:s30], $0x1C00  }
0xad: {  	s8 =	simm.s32 $0x800;
	s9 =	simm.s32 $0x780;
	[sflag:s30] =	ssyncset.done $0x0  }
0xae: {  	s10 =	simm.s32 $0x700;
	s0 =	simm.s32 $0xA00;
	[sflag:s30] =	ssyncadd.s32 $0xFFFFE400  }
0xaf: {  	s0 =	simm.s32 $0x4  }
0xb0: {  	_ =	swait.ge [sflag:s0], $0x1C00  }
0xb1: {  	[sflag:s0] =	ssyncset.done $0x0  }
0xb2: {  	[sflag:s0] =	ssyncadd.s32 $0xFFFFE400  }
0xb3: {  	_ =	swait.ge [sflag:s0], $0x1C00  }
0xb4: {  	[sflag:s0] =	ssyncset.done $0x0  }
0xb5: {  	[sflag:s0] =	ssyncadd.s32 $0xFFFFE400  }
0xb6: {  	_ =	swait.ge [sflag:s0], $0x1C00  }
0xb7: {  	[sflag:s0] =	ssyncset.done $0x0  }
0xb8: {  	[sflag:s0] =	ssyncadd.s32 $0xFFFFE400  }
0xb9: {  	_ =	swait.ge [sflag:s0], $0x1C00  }
0xba: {  	[sflag:s0] =	ssyncset.done $0x0  }
0xbb: {  	[sflag:s0] =	ssyncadd.s32 $0xFFFFE400  }
0xbc: {  	_ =	swait.ge [sflag:s0], $0x1C00  }
0xbd: {  	[sflag:s0] =	ssyncset.done $0x0  }
0xbe: {  	[sflag:s0] =	ssyncadd.s32 $0xFFFFE400  }
0xbf: {  	_ =	swait.ge [sflag:s0], $0x1C00  }
0xc0: {  	[sflag:s0] =	ssyncset.done $0x0  }
0xc1: {  	[sflag:s0] =	ssyncadd.s32 $0xFFFFE400  }
0xc2: {  	_ =	swait.ge [sflag:s0], $0x1C00  }
0xc3: {  	[sflag:s0] =	ssyncset.done $0x0  }
0xc4: {  	[sflag:s0] =	ssyncadd.s32 $0xFFFFE400  }
0xc5: {  	s6 =	stileid.u32;
	s5 =	rddreg [dreg:$0x3]  }
.LBB2_4:
0xc6: {  	_ =	sfence.sel $0x180000  }
0xc7: {  	[bflag:$0x0] =	sbarrier.arrive $0xFFFF  }
0xc8: {  	p0 =	sne.s32 s6, $0x0;
	_ =	strace $0x90000047  }
0xc9: {  	s0 =	sadd.s32 @!p0 $0x100000, s5;
	[bflag:$0x2] =	sbarrier.arrive $0xFFFF  }
0xca: {  	[sflag:s0] =	ssyncadd.tile.s32 @!p0 $0x1;
	_ =	shalt  }
.Lfunc_end2:
_tile_overlayer_lowered:
.L_overlay_start_2:
0xcb: {  	(tag) =	ssettag $0x2  }
0xcc: {  	s0 =	rddreg [dreg:$0x0];
	s2 =	stileid.u32  }
0xcd: {  	s1 =	rddreg [dreg:$0x1];
	p0 =	sne.s32 s2, $0x0  }
0xce: {  	s3 =	rddreg [dreg:$0x2];
	[bflag:$0x3] =	sbarrier.arrive $0xFFFF;
	s2 =	simm.s32 @!p0 $0x1C05  }
0xcf: {  	[timem:s3], [sflag:s2] =	dma.local @!p0 [hbm:s0], s1  }
0xd0: {  	s0 =	simm.s32 @!p0 $0x5  }
0xd1: {  	_ =	swait.ge @!p0 [sflag:s0], s1  }
0xd2: {  	s1 =	ssub.s32 @!p0 $0x0, s1;
	[sflag:s0] =	ssyncset.done @!p0 $0x0  }
0xd3: {  	[sflag:s0] =	ssyncadd.s32 @!p0 s1  }
0xd4: {  	[bflag:$0x3] =	sbarrier.arrive $0xFFFF  }
0xd5: {  	_ =	shalt  }

// kernel: kernel.13.cloned.1.call-start
scs
__scs_entry_jumppad:
0x0: {  	(pc) =	sbr.rel $0x88, $3  }
0x1: {  	(tag) =	ssettag $0x0;
	lr =	simm.s32 $0x1  }
0x2: {  	[smem:$0x3F96] =	sst lr;
	_ =	strace $0xD0000000  }
0x3: {  	_ = 	snop  }
0x4: {  	_ = 	snop  }
0x5: {  	_ = 	snop  }
0x6: {  	_ = 	snop  }
0x7: {  	_ = 	snop  }
__scs_overlays_trampoline_lowered:
0x8: {  	[smem:$0x3FA5] =	sst s0  }
0x9: {  	[smem:$0x3FA6] =	sst s1  }
0xa: {  	[smem:$0x3FA7] =	sst s2  }
0xb: {  	[smem:$0x3FA8] =	sst s3  }
0xc: {  	[smem:$0x3FA9] =	sst s4  }
0xd: {  	[smem:$0x3FAA] =	sst s5  }
0xe: {  	[smem:$0x3FAB] =	sst s6  }
0xf: {  	[smem:$0x3FAC] =	sst s7  }
0x10: {  	[smem:$0x3FAD] =	sst s8  }
0x11: {  	[smem:$0x3FAE] =	sst s9;
	s0 =	simm.s32 @!p0 $0x0  }
0x12: {  	s1 =	sld [smem:$0x3F94];
	s0 =	simm.s32 @p0 $0x1  }
0x13: {  	[smem:$0x3FAF] =	sst s0;
	s0 =	simm.s32 @!p1 $0x0  }
0x14: {  	s2 =	sld [smem:$0x3F93];
	s0 =	simm.s32 @p1 $0x1  }
0x15: {  	[smem:$0x3FB0] =	sst s0;
	s0 =	simm.s32 @!p2 $0x0  }
0x16: {  	s3 =	sld [smem:$0x3FDB];
	s0 =	simm.s32 @p2 $0x1  }
0x17: {  	s4 =	simm.s32 $0x1BF5;
	[smem:$0x3FB2] =	sst s0  }
0x18: {  	s0 =	sld [smem:$0x3F95];
	_ =	swait.ge [sflag:s4], $0x0  }
0x19: {  	s7 =	sld [smem:$0x3F96]  }
0x1a: {  	s8 =	sadd.s32 $0xFFFFE003, lr  }
0x1b: {  	s9 =	sadd.s32 $0xFFFFFEF7, lr;
	s5 =	simm.s32 $0xFFFFFFFF;
	p2 =	slt.u32 s8, $0xFFFFF086  }
0x1c: {  	p1 =	slt.u32 s9, $0xF7A;
	s5 =	simm.s32 @!p2 $0x0  }
0x1d: {  	s5 =	simm.s32 @p1 $0x1;
	p0 =	seq.s32 s7, s2  }
0x1e: {  	s7 =	smul.u32 @!p0 $0xF7A, s2;
	p2 =	seq.s32 @!p0 s5, $0x0  }
0x1f: {  	s9 =	smul.u32 $0xF7A, s1;
	s8 =	simm.s32 @!p0 $0x1BF5;
	p2 =	por !p2, p0  }
0x20: {  	[sflag:s8] =	ssyncset.s32 @!p0 $0xFFFFF086;
	s6 =	sadd.s32 @!p0 s3, s7;
	s7 =	simm.s32 @!p0 $0x108  }
0x21: {  	s3 =	sadd.s32 s3, s9;
	s6 =	sadd.s32 @!p0 $0x88, s6;
	s7 =	simm.s32 @p2 $0x1082  }
0x22: {  	[simem:s7], [sflag:s8] =	dma.local @!p0 [hbm:s6], $0xF7A  }
0x23: {  	s9 =	sor.u32 $0xD0000000, s2;
	s6 =	simm.s32 $0x108;
	_ =	swait.ge @!p0 [sflag:s8], $0x0  }
0x24: {  	s3 =	sadd.s32 $0x88, s3;
	s6 =	simm.s32 @!p1 $0x1082;
	[sflag:s4] =	ssyncset.s32 $0xFFFFF086  }
0x25: {  	[simem:s6], [sflag:s4] =	dma.local [hbm:s3], $0xF7A  }
0x26: {  	[smem:$0x3F96] =	sst s1;
	(tag) =	ssettag s2;
	_ =	strace s9  }
0x27: {  	s1 =	sld [smem:$0x3FA6]  }
0x28: {  	s2 =	sld [smem:$0x3FA7]  }
0x29: {  	s4 =	sld [smem:$0x3FA9]  }
0x2a: {  	p0 =	seq.s32 s5, $0x0;
	s5 =	sld [smem:$0x3FAA]  }
0x2b: {  	s6 =	sld [smem:$0x3FAB]  }
0x2c: {  	s7 =	sld [smem:$0x3FAC]  }
0x2d: {  	s3 =	simm.s32 $0x108;
	s8 =	sld [smem:$0x3FAD]  }
0x2e: {  	s3 =	simm.s32 @!p0 $0x1082;
	s9 =	sld [smem:$0x3FAE]  }
0x2f: {  	lr =	sadd.s32 s0, s3;
	s0 =	sld [smem:$0x3FA5]  }
0x30: {  	s3 =	sld [smem:$0x3FA8]  }
0x31: {  	[smem:$0x3FB1] =	sst s10  }
0x32: {  	s10 =	sld [smem:$0x3FAF];
	_ =	sdelay $0x3  }
0x33: {  	p0 =	seq.s32 s10, $0x1;
	s10 =	sld [smem:$0x3FB1];
	_ =	sdelay $0x3  }
0x34: {  	[smem:$0x3FB1] =	sst s10  }
0x35: {  	s10 =	sld [smem:$0x3FB0];
	_ =	sdelay $0x3  }
0x36: {  	p1 =	seq.s32 s10, $0x1;
	s10 =	sld [smem:$0x3FB1];
	_ =	sdelay $0x3  }
0x37: {  	[smem:$0x3FB1] =	sst s10  }
0x38: {  	s10 =	sld [smem:$0x3FB2]  }
0x39: {  	_ = 	snop;
	(pc) =	sbr.ind lr, $3  }
0x3a: {  	_ = 	snop  }
0x3b: {  	_ = 	snop  }
0x3c: {  	p2 =	seq.s32 s10, $0x1;
	s10 =	sld [smem:$0x3FB1]  }
0x3d: {  	_ =	shalt  }
0x3e: {  	_ =	shalt  }
0x3f: {  	_ =	shalt  }
0x40: {  	_ =	shalt  }
0x41: {  	_ =	shalt  }
0x42: {  	_ =	shalt  }
0x43: {  	_ =	shalt  }
0x44: {  	_ =	shalt  }
0x45: {  	_ =	shalt  }
0x46: {  	_ =	shalt  }
0x47: {  	_ =	shalt  }
0x48: {  	_ =	shalt  }
0x49: {  	_ =	shalt  }
0x4a: {  	_ =	shalt  }
0x4b: {  	_ =	shalt  }
0x4c: {  	_ =	shalt  }
0x4d: {  	_ =	shalt  }
0x4e: {  	_ =	shalt  }
0x4f: {  	_ =	shalt  }
0x50: {  	_ =	shalt  }
0x51: {  	_ =	shalt  }
0x52: {  	_ =	shalt  }
0x53: {  	_ =	shalt  }
0x54: {  	_ =	shalt  }
0x55: {  	_ =	shalt  }
0x56: {  	_ =	shalt  }
0x57: {  	_ =	shalt  }
0x58: {  	_ =	shalt  }
0x59: {  	_ =	shalt  }
0x5a: {  	_ =	shalt  }
0x5b: {  	_ =	shalt  }
0x5c: {  	_ =	shalt  }
0x5d: {  	_ =	shalt  }
0x5e: {  	_ =	shalt  }
0x5f: {  	_ =	shalt  }
0x60: {  	_ =	shalt  }
0x61: {  	_ =	shalt  }
0x62: {  	_ =	shalt  }
0x63: {  	_ =	shalt  }
0x64: {  	_ =	shalt  }
0x65: {  	_ =	shalt  }
0x66: {  	_ =	shalt  }
0x67: {  	_ =	shalt  }
0x68: {  	_ =	shalt  }
0x69: {  	_ =	shalt  }
0x6a: {  	_ =	shalt  }
0x6b: {  	_ =	shalt  }
0x6c: {  	_ =	shalt  }
0x6d: {  	_ =	shalt  }
0x6e: {  	_ =	shalt  }
0x6f: {  	_ =	shalt  }
0x70: {  	_ =	shalt  }
0x71: {  	_ =	shalt  }
0x72: {  	_ =	shalt  }
0x73: {  	_ =	shalt  }
0x74: {  	_ =	shalt  }
0x75: {  	_ =	shalt  }
0x76: {  	_ =	shalt  }
0x77: {  	_ =	shalt  }
0x78: {  	_ =	shalt  }
0x79: {  	_ =	shalt  }
0x7a: {  	_ =	shalt  }
0x7b: {  	_ =	shalt  }
0x7c: {  	_ =	shalt  }
0x7d: {  	_ =	shalt  }
0x7e: {  	_ =	shalt  }
0x7f: {  	_ =	shalt  }
0x80: {  	_ =	shalt  }
0x81: {  	_ =	shalt  }
0x82: {  	_ =	shalt  }
0x83: {  	_ =	shalt  }
0x84: {  	_ =	shalt  }
0x85: {  	_ =	shalt  }
0x86: {  	_ =	shalt  }
0x87: {  	_ =	shalt  }
.Lfunc_end0:
.L_simem_size_0:
called_computation.1_lowered:
.L_overlay_start_0:
0x88: {  	s2 =	sld [smem:$0x3FD9]  }
0x89: {  	s3 =	sld [smem:$0x3FFE];
	_ =	sdelay $0x1  }
0x8a: {  	s1 =	srdreg.scid  }
0x8b: {  	s0 =	sand.u32 $0x1, s1  }
0x8c: {  	s17 =	sshll.u32 s0, $0xA;
	s2 =	sadd.s32 s3, s2  }
0x8d: {  	s2 =	sadd.s32 s2, s17  }
0x8e: {  	[smem:$0x3FBD] =	sst s2  }
0x8f: {  	_ = 	snop  }
0x90: {  	s18 =	sld [smem:$0x3FC9];
	(tm) =	ssettm $0x1  }
0x91: {  	s19 =	sld [smem:$0x3FFB];
	_ =	sdelay $0x3  }
0x92: {  	_ =	strace s19  }
0x93: {  	s2 =	sld [smem:$0x3FFC];
	_ =	sdelay $0x3  }
0x94: {  	_ =	strace s2  }
0x95: {  	s2 =	sld [smem:$0x3FFD];
	_ =	sdelay $0x3  }
0x96: {  	_ =	strace s2  }
0x97: {  	_ =	strace $0x8FFFFFFF  }
0x98: {  	s20 =	sld [smem:$0x3FDB];
	_ =	sdelay $0x1  }
0x99: {  	s4 =	simm.s32 $_scs_section_size  }
0x9a: {  	s5 =	simm.s32 $_size__tile_overlayer_lowered;
	s6 =	simm.s32 $_tile_overlayer_lowered  }
0x9b: {  	s7 =	simm.s32 $0x1BFF;
	s21 =	sshll.u32 s6, $0x1;
	s4 =	sadd.s32 s4, s20  }
0x9c: {  	s22 =	simm.s32 $0x0;
	s5 =	sshll.u32 s5, $0x1;
	s6 =	sadd.s32 s21, s4  }
0x9d: {  	[timem:s22], [sflag:s7] =	dma.local [hbm:s6], s5  }
0x9e: {  	_ =	swait.ge [sflag:s7], s5  }
0x9f: {  	s5 =	ssub.s32 $0x0, s5;
	[sflag:s7] =	ssyncset.done $0x0  }
0xa0: {  	[sflag:s7] =	ssyncadd.s32 s5;
	_ =	sdelay $0x1  }
0xa1: {  	s23 =	simm.s32 $0x1B8B  }
0xa2: {  	_ =	swait.ge [sflag:s23], $0x1  }
0xa3: {  	[sflag:s23] =	ssyncset.done $0x0  }
0xa4: {  	[sflag:s23] =	ssyncadd.s32 $0xFFFFFFFF  }
0xa5: {  	s5 =	sld [smem:$0x0]  }
0xa6: {  	s6 =	sand.u32 $0xFFFFFFFE, s1  }
0xa7: {  	p0 =	sne.s32 s1, s6  }
0xa8: {  	s6 =	sshll.u32 @p0 s6, $0xE  }
0xa9: {  	s6 =	sadd.s32 @p0 $0x11B8D, s6;
	s7 =	sshll.u32 @p0 s5, $0x11  }
0xaa: {  	s6 =	sor.u32 @p0 s7, s6  }
0xab: {  	[sflag:s6] =	ssyncadd.remote.s32 @p0 $0x1;
	_ =	sdelay $0x1  }
0xac: {  	s6 =	simm.s32 @p0 $0x1B8D  }
0xad: {  	_ =	swait.eq @p0 [sflag:s6], $0x1  }
0xae: {  	[sflag:s6] =	ssyncadd.s32 @p0 $0xFFFFFFFF  }
0xaf: {  	s7 =	sshll.u32 @!p0 s1, $0xE  }
0xb0: {  	s7 =	sor.u32 @!p0 $0x4000, s7;
	s6 =	simm.s32 @!p0 $0x1B8D  }
0xb1: {  	s5 =	sshll.u32 @!p0 s5, $0x11;
	s7 =	sadd.s32 @!p0 $0x11B8D, s7;
	_ =	swait.eq @!p0 [sflag:s6], $0x1  }
0xb2: {  	s5 =	sor.u32 @!p0 s5, s7;
	[sflag:s6] =	ssyncadd.s32 @!p0 $0xFFFFFFFF  }
0xb3: {  	s25 =	simm.s32 $0x1B8E;
	s24 =	sld [smem:$0x3FFE];
	[sflag:s5] =	ssyncadd.remote.s32 @!p0 $0x1  }
0xb4: {  	s26 =	simm.s32 $execute0_lowered;
	[smem:$0x3FD2] =	sst s25  }
0xb5: {  	s6 =	sshll.u32 s26, $0x1;
	_ =	strace $0x80000049;
	[dreg:$0x1] =	wrdreg $0xFFFFFFFF  }
0xb6: {  	s28 =	simm.s32 $_size_execute0_lowered;
	s4 =	sadd.s32 s4, s6;
	[dreg:$0x0] =	wrdreg $0x0  }
0xb7: {  	s6 =	sshll.u32 s28, $0x1;
	[dreg:$0x2] =	wrdreg s4  }
0xb8: {  	[dreg:$0x3] =	wrdreg s6  }
0xb9: {  	[dreg:$0x4] =	wrdreg $0xC0  }
0xba: {  	_ =	task [dreg:s22], $0x5FFFF  }
0xbb: {  	[dreg:$0x1] =	wrdreg $0xFFFFFFFF  }
0xbc: {  	[dreg:$0x0] =	wrdreg $0x60  }
0xbd: {  	[dreg:$0x2] =	wrdreg s18  }
0xbe: {  	[dreg:$0x3] =	wrdreg s24  }
0xbf: {  	[dreg:$0x4] =	wrdreg $0xA  }
0xc0: {  	_ =	task.clear_ibuf [dreg:s22], $0x5FFFF;
	_ =	strace $0x90000049  }
0xc1: {  	s29 =	simm.s32 $0xA;
	_ =	strace $0x8000004B  }
0xc2: {  	_ =	swait.ge [sflag:s29], $0x1  }
0xc3: {  	[sflag:s29] =	ssyncadd.s32 $0xFFFFFFFF  }
0xc4: {  	_ =	strace $0x9000004B  }
0xc5: {  	_ =	sfence  }
0xc6: {  	s30 =	sld [smem:$0x0];
	_ =	sdelay $0x2  }
0xc7: {  	s31 =	sshll.u32 s1, $0xD;
	s1 =	sshrl.u32 s1, $0x2  }
0xc8: {  	s4 =	sand.u32 $0x4000, s31;
	s1 =	sadd.s32 s1, s30  }
0xc9: {  	s0 =	sor.u32 s4, s0;
	s1 =	sshll.u32 s1, $0x11  }
0xca: {  	s0 =	sor.u32 s1, s0  }
0xcb: {  	s0 =	sadd.s32 $0x8F2B, s0  }
0xcc: {  	[sflag:s0] =	ssyncadd.remote.s32 $0x1  }
0xcd: {  	_ =	sfence.sel $0xFFFF  }
0xce: {  	[dreg:$0x0] =	wrdreg $0xFFFFFFFF;
	(pc) =	sbr.abs _section_cstart, $3  }
0xcf: {  	[dreg:$0x1] =	wrdreg $0xFFFFFFFF  }
0xd0: {  	_ =	task.clear_ibuf [dreg:s22], $0x2FFFF;
	_ =	strace $0x9FFFFFFF  }
0xd1: {  	(tm) =	ssettm $0x7FFFFFFF  }
tec
execute0_lowered:
.L_overlay_start_1:
0x0: {  	(tag) =	ssettag $0x1  }
0x1: {  	s1 =	srdreg.scid  }
0x2: {  	s1 =	sand.u32 $0x1, s1  }
0x3: {  	p0 =	seq.s32 s1, $0x1  }
.Ltmp0:
0x4: {  	_ = 	snop;
	(pc) =	sbr.rel @p0 .LBB2_4-.Ltmp0, $4  }
0x5: {  	s2 =	rddreg [dreg:$0x0]  }
0x6: {  	s0 =	rddreg [dreg:$0x1];
	s3 =	simm.s32 $0x0  }
0x7: {  	[smem:$0x7FF] =	sst s3  }
0x8: {  	s4 =	rddreg [dreg:$0x2];
	s6 =	stileid.u32;
	_ =	strace $0x8000004A  }
0x9: {  	s1 =	sadd.s32 $0x4E00, s0;
	s5 =	sshll.u32 s6, $0x9;
	s4 =	smul.u32 $0x620, s6  }
0xa: {  	s22 =	simm.s32 $0x5;
	p0 =	por $0x1, $0x1;
	p1 =	por $0x0, $0x0  }
0xb: {  	s6 =	simm.s32 $0x200;
	s7 =	simm.s32 $0x180;
	s8 =	simm.s32 $0x100  }
0xc: {  	s9 =	simm.s32 $0x80;
	s12 =	simm.s32 $0x38;
	s13 =	simm.s32 $0x1000  }
0xd: {  	s14 =	simm.s32 $0x2C00;
	s15 =	simm.s32 $0x4800;
	s16 =	simm.s32 $0x6400  }
0xe: {  	s17 =	simm.s32 $0x8000;
	s18 =	simm.s32 $0x9C00;
	s19 =	simm.s32 $0xB800  }
0xf: {  	s20 =	simm.s32 $0x1;
	s28 =	simm.s32 $0x17C00;
	s29 =	simm.s32 $0x2  }
0x10: {  	s30 =	simm.s32 $0x3;
	s10 =	simm.s32 $0x0;
	s31 =	simm.s32 $0x0  }
0x11: {  	s1 =	sadd.s32 s1, s5;
	s5 =	sadd.s32 $0x6E00, s0;
	s0 =	simm.s32 $0x300  }
0x12: {  	[tilespmem:s3], [sflag:$0x5] =	stream.linear.gather [hbm4b:s1+s3], $0xE00, $0x38;
	[tilespmem:$0x19800] =	vst v63  }
0x13: {  	s21 =	sadd.s32 $0x38, s4;
	s23 =	sadd.s32 $0x70, s4;
	s24 =	sadd.s32 $0xA8, s4  }
0x14: {  	s25 =	sadd.s32 $0xE0, s4;
	s26 =	sadd.s32 $0x118, s4;
	[dreg:$0x3] =	wrdreg s21  }
0x15: {  	s11 =	sadd.s32 $0x150, s4;
	s1 =	simm.s32 $0x280;
	[dreg:$0x4] =	wrdreg s23  }
0x16: {  	[dreg:$0x5] =	wrdreg s24;
	s21 =	simm.s32 $0xD400;
	s23 =	simm.s32 $0x10C00  }
0x17: {  	s24 =	simm.s32 $0x12800;
	_ =	swait.ge [sflag:s22], $0xE00;
	[dreg:$0x6] =	wrdreg s25  }
0x18: {  	[dreg:$0x7] =	wrdreg s26;
	s25 =	simm.s32 $0x14400;
	[sflag:s22] =	ssyncset.done $0x0  }
0x19: {  	s26 =	simm.s32 $0x16000;
	[sflag:s22] =	ssyncadd.s32 $0xFFFFF200;
	s22 =	simm.s32 $0xF000  }
.LBB2_2:
0x1a: {  	[tilespmem:s13], [sflag:$0x1] =	stream.indirect.gather [hbm4b:s2+s12], $0x80, s10, s12, $0xb8;
	[tilespmem:$0x19800] =	vst v63  }
0x1b: {  	_ = 	snop  }
0x1c: {  	[tilespmem:s14], [sflag:$0x1] =	stream.indirect.gather [hbm4b:s2+s12], $0x80, s9, s12, $0xb8;
	[tilespmem:$0x19800] =	vst v63  }
0x1d: {  	_ = 	snop  }
0x1e: {  	[tilespmem:s15], [sflag:$0x1] =	stream.indirect.gather [hbm4b:s2+s12], $0x80, s8, s12, $0xb8;
	[tilespmem:$0x19800] =	vst v63  }
0x1f: {  	_ = 	snop  }
0x20: {  	[tilespmem:s16], [sflag:$0x1] =	stream.indirect.gather [hbm4b:s2+s12], $0x80, s7, s12, $0xb8;
	[tilespmem:$0x19800] =	vst v63  }
0x21: {  	_ = 	snop  }
0x22: {  	[tilespmem:s17], [sflag:$0x1] =	stream.indirect.gather [hbm4b:s2+s12], $0x80, s6, s12, $0xb8;
	[tilespmem:$0x19800] =	vst v63  }
0x23: {  	_ = 	snop  }
0x24: {  	[tilespmem:s18], [sflag:$0x1] =	stream.indirect.gather [hbm4b:s2+s12], $0x80, s1, s12, $0xb8;
	[tilespmem:$0x19800] =	vst v63  }
0x25: {  	_ = 	snop  }
0x26: {  	[tilespmem:s19], [sflag:$0x1] =	stream.indirect.gather [hbm4b:s2+s12], $0x80, s0, s12, $0xb8;
	[tilespmem:$0x19800] =	vst v63  }
0x27: {  	_ =	swait.ge [sflag:s20], $0x1C00  }
0x28: {  	[sflag:s20] =	ssyncset.done $0x0  }
0x29: {  	[sflag:s20] =	ssyncadd.s32 $0xFFFFE400  }
0x2a: {  	_ =	swait.ge [sflag:s20], $0x1C00  }
0x2b: {  	[sflag:s20] =	ssyncset.done $0x0  }
0x2c: {  	[sflag:s20] =	ssyncadd.s32 $0xFFFFE400  }
0x2d: {  	_ =	swait.ge [sflag:s20], $0x1C00  }
0x2e: {  	[sflag:s20] =	ssyncset.done $0x0  }
0x2f: {  	[sflag:s20] =	ssyncadd.s32 $0xFFFFE400  }
0x30: {  	_ =	swait.ge [sflag:s20], $0x1C00  }
0x31: {  	[sflag:s20] =	ssyncset.done $0x0  }
0x32: {  	[sflag:s20] =	ssyncadd.s32 $0xFFFFE400  }
0x33: {  	_ =	swait.ge [sflag:s20], $0x1C00  }
0x34: {  	[sflag:s20] =	ssyncset.done $0x0  }
0x35: {  	[sflag:s20] =	ssyncadd.s32 $0xFFFFE400  }
0x36: {  	_ =	swait.ge [sflag:s20], $0x1C00  }
0x37: {  	s0 =	smul.u32 $0x310, s31;
	[sflag:s20] =	ssyncset.done $0x0  }
0x38: {  	[sflag:s20] =	ssyncadd.s32 $0xFFFFE400  }
0x39: {  	s6 =	sadd.s32 s4, s0;
	_ =	swait.ge [sflag:s20], $0x1C00  }
0x3a: {  	s1 =	sshll.u32 s6, $0x4;
	[sflag:s20] =	ssyncset.done $0x0  }
0x3b: {  	s1 =	sadd.s32 s5, s1;
	s7 =	rddreg [dreg:$0x3];
	[sflag:s20] =	ssyncadd.s32 $0xFFFFE400  }
0x3c: {  	[hbm4b:s1+s3] =	stream.linear.scatter [tilespmem:s13], [sflag:$0x3], $0x1C00, $0x38;
	[tilespmem:$0x19800] =	vst v63  }
0x3d: {  	s1 =	sadd.s32 s0, s7  }
0x3e: {  	s1 =	sshll.u32 s1, $0x4  }
0x3f: {  	s8 =	rddreg [dreg:$0x4];
	s1 =	sadd.s32 s5, s1  }
0x40: {  	[hbm4b:s1+s3] =	stream.linear.scatter [tilespmem:s14], [sflag:$0x3], $0x1C00, $0x38;
	[tilespmem:$0x19800] =	vst v63  }
0x41: {  	s1 =	sadd.s32 s0, s8  }
0x42: {  	s1 =	sshll.u32 s1, $0x4  }
0x43: {  	s9 =	rddreg [dreg:$0x5];
	s1 =	sadd.s32 s5, s1  }
0x44: {  	[hbm4b:s1+s3] =	stream.linear.scatter [tilespmem:s15], [sflag:$0x3], $0x1C00, $0x38;
	[tilespmem:$0x19800] =	vst v63  }
0x45: {  	s1 =	sadd.s32 s0, s9  }
0x46: {  	s1 =	sshll.u32 s1, $0x4  }
0x47: {  	s10 =	rddreg [dreg:$0x6];
	s1 =	sadd.s32 s5, s1  }
0x48: {  	[hbm4b:s1+s3] =	stream.linear.scatter [tilespmem:s16], [sflag:$0x3], $0x1C00, $0x38;
	[tilespmem:$0x19800] =	vst v63  }
0x49: {  	s1 =	sadd.s32 s0, s10  }
0x4a: {  	s1 =	sshll.u32 s1, $0x4  }
0x4b: {  	s6 =	rddreg [dreg:$0x7];
	s1 =	sadd.s32 s5, s1  }
0x4c: {  	[hbm4b:s1+s3] =	stream.linear.scatter [tilespmem:s17], [sflag:$0x3], $0x1C00, $0x38;
	[tilespmem:$0x19800] =	vst v63  }
0x4d: {  	s1 =	sadd.s32 s0, s6  }
0x4e: {  	s0 =	sadd.s32 s0, s11;
	s1 =	sshll.u32 s1, $0x4  }
0x4f: {  	s0 =	sshll.u32 s0, $0x4;
	s1 =	sadd.s32 s5, s1  }
0x50: {  	[hbm4b:s1+s3] =	stream.linear.scatter [tilespmem:s18], [sflag:$0x3], $0x1C00, $0x38;
	[tilespmem:$0x19800] =	vst v63  }
0x51: {  	s0 =	sadd.s32 s5, s0  }
0x52: {  	[hbm4b:s0+s3] =	stream.linear.scatter [tilespmem:s19], [sflag:$0x3], $0x1C00, $0x38;
	[tilespmem:$0x19800] =	vst v63  }
0x53: {  	s0 =	simm.s32 @p1 $0x4  }
0x54: {  	_ =	swait.ge @p1 [sflag:s0], $0x1C00  }
0x55: {  	[sflag:s0] =	ssyncset.done @p1 $0x0  }
0x56: {  	[sflag:s0] =	ssyncadd.s32 @p1 $0xFFFFE400  }
0x57: {  	_ =	swait.ge @p1 [sflag:s0], $0x1C00  }
0x58: {  	[sflag:s0] =	ssyncset.done @p1 $0x0  }
0x59: {  	[sflag:s0] =	ssyncadd.s32 @p1 $0xFFFFE400  }
0x5a: {  	_ =	swait.ge @p1 [sflag:s0], $0x1C00  }
0x5b: {  	[sflag:s0] =	ssyncset.done @p1 $0x0  }
0x5c: {  	[sflag:s0] =	ssyncadd.s32 @p1 $0xFFFFE400  }
0x5d: {  	_ =	swait.ge @p1 [sflag:s0], $0x1C00  }
0x5e: {  	[sflag:s0] =	ssyncset.done @p1 $0x0  }
0x5f: {  	[sflag:s0] =	ssyncadd.s32 @p1 $0xFFFFE400  }
0x60: {  	_ =	swait.ge @p1 [sflag:s0], $0x1C00  }
0x61: {  	[sflag:s0] =	ssyncset.done @p1 $0x0  }
0x62: {  	[sflag:s0] =	ssyncadd.s32 @p1 $0xFFFFE400  }
0x63: {  	_ =	swait.ge @p1 [sflag:s0], $0x1C00  }
0x64: {  	[sflag:s0] =	ssyncset.done @p1 $0x0  }
0x65: {  	s1 =	sshllo.u32 s31, $0x1;
	[sflag:s0] =	ssyncadd.s32 @p1 $0xFFFFE400  }
0x66: {  	s7 =	smul.u32 $0xE00, s1;
	_ =	swait.ge @p1 [sflag:s0], $0x1C00  }
0x67: {  	[sflag:s0] =	ssyncset.done @p1 $0x0  }
0x68: {  	s8 =	smul.u32 $0x7, s1;
	s6 =	sshra.s32 s7, $0x2;
	[sflag:s0] =	ssyncadd.s32 @p1 $0xFFFFE400  }
0x69: {  	[tilespmem:s21], [sflag:$0x2] =	stream.indirect.gather [hbm4b:s2+s12], $0x80, s6, s12, $0xb8;
	[tilespmem:$0x19800] =	vst v63  }
0x6a: {  	s6 =	sadd.s32 $0x1, s8  }
0x6b: {  	s0 =	sshll.u32 s8, $0x7;
	s9 =	sshll.u32 s6, $0x7  }
0x6c: {  	s10 =	sadd.s32 $0x100, s0;
	s7 =	sand.u32 $0x3FFFFF80, s9  }
0x6d: {  	[tilespmem:s22], [sflag:$0x2] =	stream.indirect.gather [hbm4b:s2+s12], $0x80, s7, s12, $0xb8;
	[tilespmem:$0x19800] =	vst v63  }
0x6e: {  	s8 =	sadd.s32 $0x180, s0;
	s7 =	sand.u32 $0x3FFFFF80, s10  }
0x6f: {  	[tilespmem:s23], [sflag:$0x2] =	stream.indirect.gather [hbm4b:s2+s12], $0x80, s7, s12, $0xb8;
	[tilespmem:$0x19800] =	vst v63  }
0x70: {  	s9 =	sadd.s32 $0x200, s0;
	s7 =	sand.u32 $0x3FFFFF80, s8  }
0x71: {  	[tilespmem:s24], [sflag:$0x2] =	stream.indirect.gather [hbm4b:s2+s12], $0x80, s7, s12, $0xb8;
	[tilespmem:$0x19800] =	vst v63  }
0x72: {  	s10 =	sadd.s32 $0x280, s0;
	s7 =	sand.u32 $0x3FFFFF80, s9  }
0x73: {  	[tilespmem:s25], [sflag:$0x2] =	stream.indirect.gather [hbm4b:s2+s12], $0x80, s7, s12, $0xb8;
	[tilespmem:$0x19800] =	vst v63  }
0x74: {  	s0 =	sadd.s32 $0x300, s0;
	s7 =	sand.u32 $0x3FFFFF80, s10  }
0x75: {  	[tilespmem:s26], [sflag:$0x2] =	stream.indirect.gather [hbm4b:s2+s12], $0x80, s7, s12, $0xb8;
	[tilespmem:$0x19800] =	vst v63  }
0x76: {  	s0 =	sand.u32 $0x3FFFFF80, s0  }
0x77: {  	[tilespmem:s28], [sflag:$0x2] =	stream.indirect.gather [hbm4b:s2+s12], $0x80, s0, s12, $0xb8;
	[tilespmem:$0x19800] =	vst v63  }
0x78: {  	_ =	swait.ge [sflag:s29], $0x1C00  }
0x79: {  	[sflag:s29] =	ssyncset.done $0x0  }
0x7a: {  	[sflag:s29] =	ssyncadd.s32 $0xFFFFE400  }
0x7b: {  	_ =	swait.ge [sflag:s29], $0x1C00  }
0x7c: {  	[sflag:s29] =	ssyncset.done $0x0  }
0x7d: {  	[sflag:s29] =	ssyncadd.s32 $0xFFFFE400  }
0x7e: {  	_ =	swait.ge [sflag:s29], $0x1C00  }
0x7f: {  	[sflag:s29] =	ssyncset.done $0x0  }
0x80: {  	[sflag:s29] =	ssyncadd.s32 $0xFFFFE400  }
0x81: {  	_ =	swait.ge [sflag:s29], $0x1C00  }
0x82: {  	[sflag:s29] =	ssyncset.done $0x0  }
0x83: {  	[sflag:s29] =	ssyncadd.s32 $0xFFFFE400  }
0x84: {  	_ =	swait.ge [sflag:s29], $0x1C00  }
0x85: {  	[sflag:s29] =	ssyncset.done $0x0  }
0x86: {  	[sflag:s29] =	ssyncadd.s32 $0xFFFFE400  }
0x87: {  	_ =	swait.ge [sflag:s29], $0x1C00  }
0x88: {  	s1 =	smul.u32 $0x188, s1;
	[sflag:s29] =	ssyncset.done $0x0  }
0x89: {  	s6 =	smul.u32 $0x38, s6;
	[sflag:s29] =	ssyncadd.s32 $0xFFFFE400  }
0x8a: {  	s0 =	sadd.s32 s4, s1;
	_ =	swait.ge [sflag:s29], $0x1C00  }
0x8b: {  	s1 =	sadd.s32 s4, s6;
	s0 =	sshll.u32 s0, $0x4;
	[sflag:s29] =	ssyncset.done $0x0  }
0x8c: {  	s1 =	sshll.u32 s1, $0x4;
	s0 =	sadd.s32 s5, s0;
	[sflag:s29] =	ssyncadd.s32 $0xFFFFE400  }
0x8d: {  	[hbm4b:s0+s3] =	stream.linear.scatter [tilespmem:s21], [sflag:$0x4], $0x1C00, $0x38;
	[tilespmem:$0x19800] =	vst v63  }
0x8e: {  	s1 =	sadd.s32 s5, s1  }
0x8f: {  	[hbm4b:s1+s3] =	stream.linear.scatter [tilespmem:s22], [sflag:$0x4], $0x1C00, $0x38;
	[tilespmem:$0x19800] =	vst v63  }
0x90: {  	s7 =	sadd.s32 $0x700, s0  }
0x91: {  	[hbm4b:s7+s3] =	stream.linear.scatter [tilespmem:s23], [sflag:$0x4], $0x1C00, $0x38;
	[tilespmem:$0x19800] =	vst v63  }
0x92: {  	s8 =	sadd.s32 $0xA80, s0  }
0x93: {  	[hbm4b:s8+s3] =	stream.linear.scatter [tilespmem:s24], [sflag:$0x4], $0x1C00, $0x38;
	[tilespmem:$0x19800] =	vst v63  }
0x94: {  	s9 =	sadd.s32 $0xE00, s0  }
0x95: {  	[hbm4b:s9+s3] =	stream.linear.scatter [tilespmem:s25], [sflag:$0x4], $0x1C00, $0x38;
	[tilespmem:$0x19800] =	vst v63  }
0x96: {  	s10 =	sadd.s32 $0x1180, s0  }
0x97: {  	[hbm4b:s10+s3] =	stream.linear.scatter [tilespmem:s26], [sflag:$0x4], $0x1C00, $0x38;
	[tilespmem:$0x19800] =	vst v63  }
0x98: {  	s0 =	sadd.s32 $0x1500, s0  }
0x99: {  	[hbm4b:s0+s3] =	stream.linear.scatter [tilespmem:s28], [sflag:$0x4], $0x1C00, $0x38;
	[tilespmem:$0x19800] =	vst v63  }
0x9a: {  	_ =	swait.ge [sflag:s30], $0x1C00  }
0x9b: {  	[sflag:s30] =	ssyncset.done $0x0  }
0x9c: {  	[sflag:s30] =	ssyncadd.s32 $0xFFFFE400  }
0x9d: {  	_ =	swait.ge [sflag:s30], $0x1C00  }
0x9e: {  	[sflag:s30] =	ssyncset.done $0x0  }
0x9f: {  	[sflag:s30] =	ssyncadd.s32 $0xFFFFE400  }
0xa0: {  	_ =	swait.ge [sflag:s30], $0x1C00  }
0xa1: {  	[sflag:s30] =	ssyncset.done $0x0  }
0xa2: {  	[sflag:s30] =	ssyncadd.s32 $0xFFFFE400  }
0xa3: {  	_ =	swait.ge [sflag:s30], $0x1C00  }
0xa4: {  	[sflag:s30] =	ssyncset.done $0x0  }
0xa5: {  	[sflag:s30] =	ssyncadd.s32 $0xFFFFE400  }
0xa6: {  	_ =	swait.ge [sflag:s30], $0x1C00  }
0xa7: {  	[sflag:s30] =	ssyncset.done $0x0  }
0xa8: {  	[sflag:s30] =	ssyncadd.s32 $0xFFFFE400  }
0xa9: {  	p2 =	por p0, p0;
	p0 =	por $0x0, $0x0;
	_ =	swait.ge [sflag:s30], $0x1C00  }
.Ltmp1:
0xaa: {  	s31 =	simm.s32 $0x1;
	[sflag:s30] =	ssyncset.done $0x0;
	(pc) =	sbr.rel @p2 .LBB2_2-.Ltmp1, $4  }
0xab: {  	p1 =	por $0x1, $0x1;
	s6 =	simm.s32 $0x900;
	[sflag:s30] =	ssyncadd.s32 $0xFFFFE400  }
0xac: {  	s1 =	simm.s32 $0x980;
	s7 =	simm.s32 $0x880;
	_ =	swait.ge [sflag:s30], $0x1C00  }
0xad: {  	s8 =	simm.s32 $0x800;
	s9 =	simm.s32 $0x780;
	[sflag:s30] =	ssyncset.done $0x0  }
0xae: {  	s10 =	simm.s32 $0x700;
	s0 =	simm.s32 $0xA00;
	[sflag:s30] =	ssyncadd.s32 $0xFFFFE400  }
0xaf: {  	s0 =	simm.s32 $0x4  }
0xb0: {  	_ =	swait.ge [sflag:s0], $0x1C00  }
0xb1: {  	[sflag:s0] =	ssyncset.done $0x0  }
0xb2: {  	[sflag:s0] =	ssyncadd.s32 $0xFFFFE400  }
0xb3: {  	_ =	swait.ge [sflag:s0], $0x1C00  }
0xb4: {  	[sflag:s0] =	ssyncset.done $0x0  }
0xb5: {  	[sflag:s0] =	ssyncadd.s32 $0xFFFFE400  }
0xb6: {  	_ =	swait.ge [sflag:s0], $0x1C00  }
0xb7: {  	[sflag:s0] =	ssyncset.done $0x0  }
0xb8: {  	[sflag:s0] =	ssyncadd.s32 $0xFFFFE400  }
0xb9: {  	_ =	swait.ge [sflag:s0], $0x1C00  }
0xba: {  	[sflag:s0] =	ssyncset.done $0x0  }
0xbb: {  	[sflag:s0] =	ssyncadd.s32 $0xFFFFE400  }
0xbc: {  	_ =	swait.ge [sflag:s0], $0x1C00  }
0xbd: {  	[sflag:s0] =	ssyncset.done $0x0  }
0xbe: {  	[sflag:s0] =	ssyncadd.s32 $0xFFFFE400  }
0xbf: {  	_ =	swait.ge [sflag:s0], $0x1C00  }
0xc0: {  	[sflag:s0] =	ssyncset.done $0x0  }
0xc1: {  	[sflag:s0] =	ssyncadd.s32 $0xFFFFE400  }
0xc2: {  	_ =	swait.ge [sflag:s0], $0x1C00  }
0xc3: {  	[sflag:s0] =	ssyncset.done $0x0  }
0xc4: {  	[sflag:s0] =	ssyncadd.s32 $0xFFFFE400  }
0xc5: {  	s6 =	stileid.u32;
	s4 =	rddreg [dreg:$0x2]  }
.LBB2_4:
0xc6: {  	_ =	sfence.sel $0x180000  }
0xc7: {  	[bflag:$0x0] =	sbarrier.arrive $0xFFFF  }
0xc8: {  	p0 =	sne.s32 s6, $0x0;
	_ =	strace $0x9000004A  }
0xc9: {  	s0 =	sadd.s32 @!p0 $0x100000, s4;
	[bflag:$0x2] =	sbarrier.arrive $0xFFFF  }
0xca: {  	[sflag:s0] =	ssyncadd.tile.s32 @!p0 $0x1;
	_ =	shalt  }
.Lfunc_end2:
_tile_overlayer_lowered:
.L_overlay_start_2:
0xcb: {  	(tag) =	ssettag $0x2  }
0xcc: {  	s0 =	rddreg [dreg:$0x0];
	s2 =	stileid.u32  }
0xcd: {  	s1 =	rddreg [dreg:$0x1];
	p0 =	sne.s32 s2, $0x0  }
0xce: {  	s3 =	rddreg [dreg:$0x2];
	[bflag:$0x3] =	sbarrier.arrive $0xFFFF;
	s2 =	simm.s32 @!p0 $0x1C05  }
0xcf: {  	[timem:s3], [sflag:s2] =	dma.local @!p0 [hbm:s0], s1  }
0xd0: {  	s0 =	simm.s32 @!p0 $0x5  }
0xd1: {  	_ =	swait.ge @!p0 [sflag:s0], s1  }
0xd2: {  	s1 =	ssub.s32 @!p0 $0x0, s1;
	[sflag:s0] =	ssyncset.done @!p0 $0x0  }
0xd3: {  	[sflag:s0] =	ssyncadd.s32 @!p0 s1  }
0xd4: {  	[bflag:$0x3] =	sbarrier.arrive $0xFFFF  }
0xd5: {  	_ =	shalt  }

// kernel: kernel.16.cloned.1.call-start
scs
__scs_entry_jumppad:
0x0: {  	(pc) =	sbr.rel $0x88, $3  }
0x1: {  	(tag) =	ssettag $0x0;
	lr =	simm.s32 $0x1  }
0x2: {  	[smem:$0x3F96] =	sst lr;
	_ =	strace $0xD0000000  }
0x3: {  	_ = 	snop  }
0x4: {  	_ = 	snop  }
0x5: {  	_ = 	snop  }
0x6: {  	_ = 	snop  }
0x7: {  	_ = 	snop  }
__scs_overlays_trampoline_lowered:
0x8: {  	[smem:$0x3FA5] =	sst s0  }
0x9: {  	[smem:$0x3FA6] =	sst s1  }
0xa: {  	[smem:$0x3FA7] =	sst s2  }
0xb: {  	[smem:$0x3FA8] =	sst s3  }
0xc: {  	[smem:$0x3FA9] =	sst s4  }
0xd: {  	[smem:$0x3FAA] =	sst s5  }
0xe: {  	[smem:$0x3FAB] =	sst s6  }
0xf: {  	[smem:$0x3FAC] =	sst s7  }
0x10: {  	[smem:$0x3FAD] =	sst s8  }
0x11: {  	[smem:$0x3FAE] =	sst s9;
	s0 =	simm.s32 @!p0 $0x0  }
0x12: {  	s1 =	sld [smem:$0x3F94];
	s0 =	simm.s32 @p0 $0x1  }
0x13: {  	[smem:$0x3FAF] =	sst s0;
	s0 =	simm.s32 @!p1 $0x0  }
0x14: {  	s2 =	sld [smem:$0x3F93];
	s0 =	simm.s32 @p1 $0x1  }
0x15: {  	[smem:$0x3FB0] =	sst s0;
	s0 =	simm.s32 @!p2 $0x0  }
0x16: {  	s3 =	sld [smem:$0x3FDB];
	s0 =	simm.s32 @p2 $0x1  }
0x17: {  	s4 =	simm.s32 $0x1BF5;
	[smem:$0x3FB2] =	sst s0  }
0x18: {  	s0 =	sld [smem:$0x3F95];
	_ =	swait.ge [sflag:s4], $0x0  }
0x19: {  	s7 =	sld [smem:$0x3F96]  }
0x1a: {  	s8 =	sadd.s32 $0xFFFFE003, lr  }
0x1b: {  	s9 =	sadd.s32 $0xFFFFFEF7, lr;
	s5 =	simm.s32 $0xFFFFFFFF;
	p2 =	slt.u32 s8, $0xFFFFF086  }
0x1c: {  	p1 =	slt.u32 s9, $0xF7A;
	s5 =	simm.s32 @!p2 $0x0  }
0x1d: {  	s5 =	simm.s32 @p1 $0x1;
	p0 =	seq.s32 s7, s2  }
0x1e: {  	s7 =	smul.u32 @!p0 $0xF7A, s2;
	p2 =	seq.s32 @!p0 s5, $0x0  }
0x1f: {  	s9 =	smul.u32 $0xF7A, s1;
	s8 =	simm.s32 @!p0 $0x1BF5;
	p2 =	por !p2, p0  }
0x20: {  	[sflag:s8] =	ssyncset.s32 @!p0 $0xFFFFF086;
	s6 =	sadd.s32 @!p0 s3, s7;
	s7 =	simm.s32 @!p0 $0x108  }
0x21: {  	s3 =	sadd.s32 s3, s9;
	s6 =	sadd.s32 @!p0 $0x88, s6;
	s7 =	simm.s32 @p2 $0x1082  }
0x22: {  	[simem:s7], [sflag:s8] =	dma.local @!p0 [hbm:s6], $0xF7A  }
0x23: {  	s9 =	sor.u32 $0xD0000000, s2;
	s6 =	simm.s32 $0x108;
	_ =	swait.ge @!p0 [sflag:s8], $0x0  }
0x24: {  	s3 =	sadd.s32 $0x88, s3;
	s6 =	simm.s32 @!p1 $0x1082;
	[sflag:s4] =	ssyncset.s32 $0xFFFFF086  }
0x25: {  	[simem:s6], [sflag:s4] =	dma.local [hbm:s3], $0xF7A  }
0x26: {  	[smem:$0x3F96] =	sst s1;
	(tag) =	ssettag s2;
	_ =	strace s9  }
0x27: {  	s1 =	sld [smem:$0x3FA6]  }
0x28: {  	s2 =	sld [smem:$0x3FA7]  }
0x29: {  	s4 =	sld [smem:$0x3FA9]  }
0x2a: {  	p0 =	seq.s32 s5, $0x0;
	s5 =	sld [smem:$0x3FAA]  }
0x2b: {  	s6 =	sld [smem:$0x3FAB]  }
0x2c: {  	s7 =	sld [smem:$0x3FAC]  }
0x2d: {  	s3 =	simm.s32 $0x108;
	s8 =	sld [smem:$0x3FAD]  }
0x2e: {  	s3 =	simm.s32 @!p0 $0x1082;
	s9 =	sld [smem:$0x3FAE]  }
0x2f: {  	lr =	sadd.s32 s0, s3;
	s0 =	sld [smem:$0x3FA5]  }
0x30: {  	s3 =	sld [smem:$0x3FA8]  }
0x31: {  	[smem:$0x3FB1] =	sst s10  }
0x32: {  	s10 =	sld [smem:$0x3FAF];
	_ =	sdelay $0x3  }
0x33: {  	p0 =	seq.s32 s10, $0x1;
	s10 =	sld [smem:$0x3FB1];
	_ =	sdelay $0x3  }
0x34: {  	[smem:$0x3FB1] =	sst s10  }
0x35: {  	s10 =	sld [smem:$0x3FB0];
	_ =	sdelay $0x3  }
0x36: {  	p1 =	seq.s32 s10, $0x1;
	s10 =	sld [smem:$0x3FB1];
	_ =	sdelay $0x3  }
0x37: {  	[smem:$0x3FB1] =	sst s10  }
0x38: {  	s10 =	sld [smem:$0x3FB2]  }
0x39: {  	_ = 	snop;
	(pc) =	sbr.ind lr, $3  }
0x3a: {  	_ = 	snop  }
0x3b: {  	_ = 	snop  }
0x3c: {  	p2 =	seq.s32 s10, $0x1;
	s10 =	sld [smem:$0x3FB1]  }
0x3d: {  	_ =	shalt  }
0x3e: {  	_ =	shalt  }
0x3f: {  	_ =	shalt  }
0x40: {  	_ =	shalt  }
0x41: {  	_ =	shalt  }
0x42: {  	_ =	shalt  }
0x43: {  	_ =	shalt  }
0x44: {  	_ =	shalt  }
0x45: {  	_ =	shalt  }
0x46: {  	_ =	shalt  }
0x47: {  	_ =	shalt  }
0x48: {  	_ =	shalt  }
0x49: {  	_ =	shalt  }
0x4a: {  	_ =	shalt  }
0x4b: {  	_ =	shalt  }
0x4c: {  	_ =	shalt  }
0x4d: {  	_ =	shalt  }
0x4e: {  	_ =	shalt  }
0x4f: {  	_ =	shalt  }
0x50: {  	_ =	shalt  }
0x51: {  	_ =	shalt  }
0x52: {  	_ =	shalt  }
0x53: {  	_ =	shalt  }
0x54: {  	_ =	shalt  }
0x55: {  	_ =	shalt  }
0x56: {  	_ =	shalt  }
0x57: {  	_ =	shalt  }
0x58: {  	_ =	shalt  }
0x59: {  	_ =	shalt  }
0x5a: {  	_ =	shalt  }
0x5b: {  	_ =	shalt  }
0x5c: {  	_ =	shalt  }
0x5d: {  	_ =	shalt  }
0x5e: {  	_ =	shalt  }
0x5f: {  	_ =	shalt  }
0x60: {  	_ =	shalt  }
0x61: {  	_ =	shalt  }
0x62: {  	_ =	shalt  }
0x63: {  	_ =	shalt  }
0x64: {  	_ =	shalt  }
0x65: {  	_ =	shalt  }
0x66: {  	_ =	shalt  }
0x67: {  	_ =	shalt  }
0x68: {  	_ =	shalt  }
0x69: {  	_ =	shalt  }
0x6a: {  	_ =	shalt  }
0x6b: {  	_ =	shalt  }
0x6c: {  	_ =	shalt  }
0x6d: {  	_ =	shalt  }
0x6e: {  	_ =	shalt  }
0x6f: {  	_ =	shalt  }
0x70: {  	_ =	shalt  }
0x71: {  	_ =	shalt  }
0x72: {  	_ =	shalt  }
0x73: {  	_ =	shalt  }
0x74: {  	_ =	shalt  }
0x75: {  	_ =	shalt  }
0x76: {  	_ =	shalt  }
0x77: {  	_ =	shalt  }
0x78: {  	_ =	shalt  }
0x79: {  	_ =	shalt  }
0x7a: {  	_ =	shalt  }
0x7b: {  	_ =	shalt  }
0x7c: {  	_ =	shalt  }
0x7d: {  	_ =	shalt  }
0x7e: {  	_ =	shalt  }
0x7f: {  	_ =	shalt  }
0x80: {  	_ =	shalt  }
0x81: {  	_ =	shalt  }
0x82: {  	_ =	shalt  }
0x83: {  	_ =	shalt  }
0x84: {  	_ =	shalt  }
0x85: {  	_ =	shalt  }
0x86: {  	_ =	shalt  }
0x87: {  	_ =	shalt  }
.Lfunc_end0:
.L_simem_size_0:
called_computation.2_lowered:
.L_overlay_start_0:
0x88: {  	s2 =	sld [smem:$0x3FD9]  }
0x89: {  	s3 =	sld [smem:$0x3FFE];
	_ =	sdelay $0x1  }
0x8a: {  	s1 =	srdreg.scid  }
0x8b: {  	s0 =	sand.u32 $0x1, s1  }
0x8c: {  	s17 =	sshll.u32 s0, $0xA;
	s2 =	sadd.s32 s3, s2  }
0x8d: {  	s2 =	sadd.s32 s2, s17  }
0x8e: {  	[smem:$0x3FBD] =	sst s2  }
0x8f: {  	_ = 	snop  }
0x90: {  	s18 =	sld [smem:$0x3FC9];
	(tm) =	ssettm $0x1  }
0x91: {  	s19 =	sld [smem:$0x3FFB];
	_ =	sdelay $0x3  }
0x92: {  	_ =	strace s19  }
0x93: {  	s2 =	sld [smem:$0x3FFC];
	_ =	sdelay $0x3  }
0x94: {  	_ =	strace s2  }
0x95: {  	s2 =	sld [smem:$0x3FFD];
	_ =	sdelay $0x3  }
0x96: {  	_ =	strace s2  }
0x97: {  	_ =	strace $0x8FFFFFFF  }
0x98: {  	s20 =	sld [smem:$0x3FDB];
	_ =	sdelay $0x1  }
0x99: {  	s4 =	simm.s32 $_scs_section_size  }
0x9a: {  	s5 =	simm.s32 $_size__tile_overlayer_lowered;
	s6 =	simm.s32 $_tile_overlayer_lowered  }
0x9b: {  	s7 =	simm.s32 $0x1BFF;
	s21 =	sshll.u32 s6, $0x1;
	s4 =	sadd.s32 s4, s20  }
0x9c: {  	s22 =	simm.s32 $0x0;
	s5 =	sshll.u32 s5, $0x1;
	s6 =	sadd.s32 s21, s4  }
0x9d: {  	[timem:s22], [sflag:s7] =	dma.local [hbm:s6], s5  }
0x9e: {  	_ =	swait.ge [sflag:s7], s5  }
0x9f: {  	s5 =	ssub.s32 $0x0, s5;
	[sflag:s7] =	ssyncset.done $0x0  }
0xa0: {  	[sflag:s7] =	ssyncadd.s32 s5;
	_ =	sdelay $0x1  }
0xa1: {  	s23 =	simm.s32 $0x1B8B  }
0xa2: {  	_ =	swait.ge [sflag:s23], $0x1  }
0xa3: {  	[sflag:s23] =	ssyncset.done $0x0  }
0xa4: {  	[sflag:s23] =	ssyncadd.s32 $0xFFFFFFFF  }
0xa5: {  	s5 =	sld [smem:$0x0]  }
0xa6: {  	s6 =	sand.u32 $0xFFFFFFFE, s1  }
0xa7: {  	p0 =	sne.s32 s1, s6  }
0xa8: {  	s6 =	sshll.u32 @p0 s6, $0xE  }
0xa9: {  	s6 =	sadd.s32 @p0 $0x11B8D, s6;
	s7 =	sshll.u32 @p0 s5, $0x11  }
0xaa: {  	s6 =	sor.u32 @p0 s7, s6  }
0xab: {  	[sflag:s6] =	ssyncadd.remote.s32 @p0 $0x1;
	_ =	sdelay $0x1  }
0xac: {  	s6 =	simm.s32 @p0 $0x1B8D  }
0xad: {  	_ =	swait.eq @p0 [sflag:s6], $0x1  }
0xae: {  	[sflag:s6] =	ssyncadd.s32 @p0 $0xFFFFFFFF  }
0xaf: {  	s7 =	sshll.u32 @!p0 s1, $0xE  }
0xb0: {  	s7 =	sor.u32 @!p0 $0x4000, s7;
	s6 =	simm.s32 @!p0 $0x1B8D  }
0xb1: {  	s5 =	sshll.u32 @!p0 s5, $0x11;
	s7 =	sadd.s32 @!p0 $0x11B8D, s7;
	_ =	swait.eq @!p0 [sflag:s6], $0x1  }
0xb2: {  	s5 =	sor.u32 @!p0 s5, s7;
	[sflag:s6] =	ssyncadd.s32 @!p0 $0xFFFFFFFF  }
0xb3: {  	s25 =	simm.s32 $0x1B8E;
	s24 =	sld [smem:$0x3FFE];
	[sflag:s5] =	ssyncadd.remote.s32 @!p0 $0x1  }
0xb4: {  	s26 =	simm.s32 $execute0_lowered;
	[smem:$0x3FD2] =	sst s25  }
0xb5: {  	s6 =	sshll.u32 s26, $0x1;
	_ =	strace $0x8000004C;
	[dreg:$0x1] =	wrdreg $0xFFFFFFFF  }
0xb6: {  	s28 =	simm.s32 $_size_execute0_lowered;
	s4 =	sadd.s32 s4, s6;
	[dreg:$0x0] =	wrdreg $0x0  }
0xb7: {  	s6 =	sshll.u32 s28, $0x1;
	[dreg:$0x2] =	wrdreg s4  }
0xb8: {  	[dreg:$0x3] =	wrdreg s6  }
0xb9: {  	[dreg:$0x4] =	wrdreg $0xC0  }
0xba: {  	_ =	task [dreg:s22], $0x5FFFF  }
0xbb: {  	[dreg:$0x1] =	wrdreg $0xFFFFFFFF  }
0xbc: {  	[dreg:$0x0] =	wrdreg $0x60  }
0xbd: {  	[dreg:$0x2] =	wrdreg s18  }
0xbe: {  	[dreg:$0x3] =	wrdreg s24  }
0xbf: {  	[dreg:$0x4] =	wrdreg $0xB  }
0xc0: {  	_ =	task.clear_ibuf [dreg:s22], $0x5FFFF;
	_ =	strace $0x9000004C  }
0xc1: {  	s29 =	simm.s32 $0xB;
	_ =	strace $0x8000004E  }
0xc2: {  	_ =	swait.ge [sflag:s29], $0x1  }
0xc3: {  	[sflag:s29] =	ssyncadd.s32 $0xFFFFFFFF  }
0xc4: {  	_ =	strace $0x9000004E  }
0xc5: {  	_ =	sfence  }
0xc6: {  	s30 =	sld [smem:$0x0];
	_ =	sdelay $0x2  }
0xc7: {  	s31 =	sshll.u32 s1, $0xD;
	s1 =	sshrl.u32 s1, $0x2  }
0xc8: {  	s4 =	sand.u32 $0x4000, s31;
	s1 =	sadd.s32 s1, s30  }
0xc9: {  	s0 =	sor.u32 s4, s0;
	s1 =	sshll.u32 s1, $0x11  }
0xca: {  	s0 =	sor.u32 s1, s0  }
0xcb: {  	s0 =	sadd.s32 $0x8F2B, s0  }
0xcc: {  	[sflag:s0] =	ssyncadd.remote.s32 $0x1  }
0xcd: {  	_ =	sfence.sel $0xFFFF  }
0xce: {  	[dreg:$0x0] =	wrdreg $0xFFFFFFFF;
	(pc) =	sbr.abs _section_cstart, $3  }
0xcf: {  	[dreg:$0x1] =	wrdreg $0xFFFFFFFF  }
0xd0: {  	_ =	task.clear_ibuf [dreg:s22], $0x2FFFF;
	_ =	strace $0x9FFFFFFF  }
0xd1: {  	(tm) =	ssettm $0x7FFFFFFF  }
tec
execute0_lowered:
.L_overlay_start_1:
0x0: {  	(tag) =	ssettag $0x1  }
0x1: {  	s1 =	srdreg.scid  }
0x2: {  	s1 =	sand.u32 $0x1, s1  }
0x3: {  	p0 =	seq.s32 s1, $0x1  }
.Ltmp0:
0x4: {  	_ = 	snop;
	(pc) =	sbr.rel @p0 .LBB2_4-.Ltmp0, $4  }
0x5: {  	s2 =	rddreg [dreg:$0x0]  }
0x6: {  	s0 =	rddreg [dreg:$0x1];
	s3 =	simm.s32 $0x0  }
0x7: {  	[smem:$0x7FF] =	sst s3  }
0x8: {  	s4 =	rddreg [dreg:$0x2];
	s6 =	stileid.u32;
	_ =	strace $0x8000004D  }
0x9: {  	s1 =	sadd.s32 $0x68E00, s0;
	s5 =	sshll.u32 s6, $0x9;
	s4 =	smul.u32 $0x620, s6  }
0xa: {  	s22 =	simm.s32 $0x5;
	p0 =	por $0x1, $0x1;
	p1 =	por $0x0, $0x0  }
0xb: {  	s6 =	simm.s32 $0x200;
	s7 =	simm.s32 $0x180;
	s8 =	simm.s32 $0x100  }
0xc: {  	s9 =	simm.s32 $0x80;
	s12 =	simm.s32 $0x38;
	s13 =	simm.s32 $0x1000  }
0xd: {  	s14 =	simm.s32 $0x2C00;
	s15 =	simm.s32 $0x4800;
	s16 =	simm.s32 $0x6400  }
0xe: {  	s17 =	simm.s32 $0x8000;
	s18 =	simm.s32 $0x9C00;
	s19 =	simm.s32 $0xB800  }
0xf: {  	s20 =	simm.s32 $0x1;
	s28 =	simm.s32 $0x17C00;
	s29 =	simm.s32 $0x2  }
0x10: {  	s30 =	simm.s32 $0x3;
	s10 =	simm.s32 $0x0;
	s31 =	simm.s32 $0x0  }
0x11: {  	s1 =	sadd.s32 s1, s5;
	s5 =	sadd.s32 $0x6AE00, s0;
	s0 =	simm.s32 $0x300  }
0x12: {  	[tilespmem:s3], [sflag:$0x5] =	stream.linear.gather [hbm4b:s1+s3], $0xE00, $0x38;
	[tilespmem:$0x19800] =	vst v63  }
0x13: {  	s21 =	sadd.s32 $0x38, s4;
	s23 =	sadd.s32 $0x70, s4;
	s24 =	sadd.s32 $0xA8, s4  }
0x14: {  	s25 =	sadd.s32 $0xE0, s4;
	s26 =	sadd.s32 $0x118, s4;
	[dreg:$0x3] =	wrdreg s21  }
0x15: {  	s11 =	sadd.s32 $0x150, s4;
	s1 =	simm.s32 $0x280;
	[dreg:$0x4] =	wrdreg s23  }
0x16: {  	[dreg:$0x5] =	wrdreg s24;
	s21 =	simm.s32 $0xD400;
	s23 =	simm.s32 $0x10C00  }
0x17: {  	s24 =	simm.s32 $0x12800;
	_ =	swait.ge [sflag:s22], $0xE00;
	[dreg:$0x6] =	wrdreg s25  }
0x18: {  	[dreg:$0x7] =	wrdreg s26;
	s25 =	simm.s32 $0x14400;
	[sflag:s22] =	ssyncset.done $0x0  }
0x19: {  	s26 =	simm.s32 $0x16000;
	[sflag:s22] =	ssyncadd.s32 $0xFFFFF200;
	s22 =	simm.s32 $0xF000  }
.LBB2_2:
0x1a: {  	[tilespmem:s13], [sflag:$0x1] =	stream.indirect.gather [hbm4b:s2+s12], $0x80, s10, s12, $0xb8;
	[tilespmem:$0x19800] =	vst v63  }
0x1b: {  	_ = 	snop  }
0x1c: {  	[tilespmem:s14], [sflag:$0x1] =	stream.indirect.gather [hbm4b:s2+s12], $0x80, s9, s12, $0xb8;
	[tilespmem:$0x19800] =	vst v63  }
0x1d: {  	_ = 	snop  }
0x1e: {  	[tilespmem:s15], [sflag:$0x1] =	stream.indirect.gather [hbm4b:s2+s12], $0x80, s8, s12, $0xb8;
	[tilespmem:$0x19800] =	vst v63  }
0x1f: {  	_ = 	snop  }
0x20: {  	[tilespmem:s16], [sflag:$0x1] =	stream.indirect.gather [hbm4b:s2+s12], $0x80, s7, s12, $0xb8;
	[tilespmem:$0x19800] =	vst v63  }
0x21: {  	_ = 	snop  }
0x22: {  	[tilespmem:s17], [sflag:$0x1] =	stream.indirect.gather [hbm4b:s2+s12], $0x80, s6, s12, $0xb8;
	[tilespmem:$0x19800] =	vst v63  }
0x23: {  	_ = 	snop  }
0x24: {  	[tilespmem:s18], [sflag:$0x1] =	stream.indirect.gather [hbm4b:s2+s12], $0x80, s1, s12, $0xb8;
	[tilespmem:$0x19800] =	vst v63  }
0x25: {  	_ = 	snop  }
0x26: {  	[tilespmem:s19], [sflag:$0x1] =	stream.indirect.gather [hbm4b:s2+s12], $0x80, s0, s12, $0xb8;
	[tilespmem:$0x19800] =	vst v63  }
0x27: {  	_ =	swait.ge [sflag:s20], $0x1C00  }
0x28: {  	[sflag:s20] =	ssyncset.done $0x0  }
0x29: {  	[sflag:s20] =	ssyncadd.s32 $0xFFFFE400  }
0x2a: {  	_ =	swait.ge [sflag:s20], $0x1C00  }
0x2b: {  	[sflag:s20] =	ssyncset.done $0x0  }
0x2c: {  	[sflag:s20] =	ssyncadd.s32 $0xFFFFE400  }
0x2d: {  	_ =	swait.ge [sflag:s20], $0x1C00  }
0x2e: {  	[sflag:s20] =	ssyncset.done $0x0  }
0x2f: {  	[sflag:s20] =	ssyncadd.s32 $0xFFFFE400  }
0x30: {  	_ =	swait.ge [sflag:s20], $0x1C00  }
0x31: {  	[sflag:s20] =	ssyncset.done $0x0  }
0x32: {  	[sflag:s20] =	ssyncadd.s32 $0xFFFFE400  }
0x33: {  	_ =	swait.ge [sflag:s20], $0x1C00  }
0x34: {  	[sflag:s20] =	ssyncset.done $0x0  }
0x35: {  	[sflag:s20] =	ssyncadd.s32 $0xFFFFE400  }
0x36: {  	_ =	swait.ge [sflag:s20], $0x1C00  }
0x37: {  	s0 =	smul.u32 $0x310, s31;
	[sflag:s20] =	ssyncset.done $0x0  }
0x38: {  	[sflag:s20] =	ssyncadd.s32 $0xFFFFE400  }
0x39: {  	s6 =	sadd.s32 s4, s0;
	_ =	swait.ge [sflag:s20], $0x1C00  }
0x3a: {  	s1 =	sshll.u32 s6, $0x4;
	[sflag:s20] =	ssyncset.done $0x0  }
0x3b: {  	s1 =	sadd.s32 s5, s1;
	s7 =	rddreg [dreg:$0x3];
	[sflag:s20] =	ssyncadd.s32 $0xFFFFE400  }
0x3c: {  	[hbm4b:s1+s3] =	stream.linear.scatter [tilespmem:s13], [sflag:$0x3], $0x1C00, $0x38;
	[tilespmem:$0x19800] =	vst v63  }
0x3d: {  	s1 =	sadd.s32 s0, s7  }
0x3e: {  	s1 =	sshll.u32 s1, $0x4  }
0x3f: {  	s8 =	rddreg [dreg:$0x4];
	s1 =	sadd.s32 s5, s1  }
0x40: {  	[hbm4b:s1+s3] =	stream.linear.scatter [tilespmem:s14], [sflag:$0x3], $0x1C00, $0x38;
	[tilespmem:$0x19800] =	vst v63  }
0x41: {  	s1 =	sadd.s32 s0, s8  }
0x42: {  	s1 =	sshll.u32 s1, $0x4  }
0x43: {  	s9 =	rddreg [dreg:$0x5];
	s1 =	sadd.s32 s5, s1  }
0x44: {  	[hbm4b:s1+s3] =	stream.linear.scatter [tilespmem:s15], [sflag:$0x3], $0x1C00, $0x38;
	[tilespmem:$0x19800] =	vst v63  }
0x45: {  	s1 =	sadd.s32 s0, s9  }
0x46: {  	s1 =	sshll.u32 s1, $0x4  }
0x47: {  	s10 =	rddreg [dreg:$0x6];
	s1 =	sadd.s32 s5, s1  }
0x48: {  	[hbm4b:s1+s3] =	stream.linear.scatter [tilespmem:s16], [sflag:$0x3], $0x1C00, $0x38;
	[tilespmem:$0x19800] =	vst v63  }
0x49: {  	s1 =	sadd.s32 s0, s10  }
0x4a: {  	s1 =	sshll.u32 s1, $0x4  }
0x4b: {  	s6 =	rddreg [dreg:$0x7];
	s1 =	sadd.s32 s5, s1  }
0x4c: {  	[hbm4b:s1+s3] =	stream.linear.scatter [tilespmem:s17], [sflag:$0x3], $0x1C00, $0x38;
	[tilespmem:$0x19800] =	vst v63  }
0x4d: {  	s1 =	sadd.s32 s0, s6  }
0x4e: {  	s0 =	sadd.s32 s0, s11;
	s1 =	sshll.u32 s1, $0x4  }
0x4f: {  	s0 =	sshll.u32 s0, $0x4;
	s1 =	sadd.s32 s5, s1  }
0x50: {  	[hbm4b:s1+s3] =	stream.linear.scatter [tilespmem:s18], [sflag:$0x3], $0x1C00, $0x38;
	[tilespmem:$0x19800] =	vst v63  }
0x51: {  	s0 =	sadd.s32 s5, s0  }
0x52: {  	[hbm4b:s0+s3] =	stream.linear.scatter [tilespmem:s19], [sflag:$0x3], $0x1C00, $0x38;
	[tilespmem:$0x19800] =	vst v63  }
0x53: {  	s0 =	simm.s32 @p1 $0x4  }
0x54: {  	_ =	swait.ge @p1 [sflag:s0], $0x1C00  }
0x55: {  	[sflag:s0] =	ssyncset.done @p1 $0x0  }
0x56: {  	[sflag:s0] =	ssyncadd.s32 @p1 $0xFFFFE400  }
0x57: {  	_ =	swait.ge @p1 [sflag:s0], $0x1C00  }
0x58: {  	[sflag:s0] =	ssyncset.done @p1 $0x0  }
0x59: {  	[sflag:s0] =	ssyncadd.s32 @p1 $0xFFFFE400  }
0x5a: {  	_ =	swait.ge @p1 [sflag:s0], $0x1C00  }
0x5b: {  	[sflag:s0] =	ssyncset.done @p1 $0x0  }
0x5c: {  	[sflag:s0] =	ssyncadd.s32 @p1 $0xFFFFE400  }
0x5d: {  	_ =	swait.ge @p1 [sflag:s0], $0x1C00  }
0x5e: {  	[sflag:s0] =	ssyncset.done @p1 $0x0  }
0x5f: {  	[sflag:s0] =	ssyncadd.s32 @p1 $0xFFFFE400  }
0x60: {  	_ =	swait.ge @p1 [sflag:s0], $0x1C00  }
0x61: {  	[sflag:s0] =	ssyncset.done @p1 $0x0  }
0x62: {  	[sflag:s0] =	ssyncadd.s32 @p1 $0xFFFFE400  }
0x63: {  	_ =	swait.ge @p1 [sflag:s0], $0x1C00  }
0x64: {  	[sflag:s0] =	ssyncset.done @p1 $0x0  }
0x65: {  	s1 =	sshllo.u32 s31, $0x1;
	[sflag:s0] =	ssyncadd.s32 @p1 $0xFFFFE400  }
0x66: {  	s7 =	smul.u32 $0xE00, s1;
	_ =	swait.ge @p1 [sflag:s0], $0x1C00  }
0x67: {  	[sflag:s0] =	ssyncset.done @p1 $0x0  }
0x68: {  	s8 =	smul.u32 $0x7, s1;
	s6 =	sshra.s32 s7, $0x2;
	[sflag:s0] =	ssyncadd.s32 @p1 $0xFFFFE400  }
0x69: {  	[tilespmem:s21], [sflag:$0x2] =	stream.indirect.gather [hbm4b:s2+s12], $0x80, s6, s12, $0xb8;
	[tilespmem:$0x19800] =	vst v63  }
0x6a: {  	s6 =	sadd.s32 $0x1, s8  }
0x6b: {  	s0 =	sshll.u32 s8, $0x7;
	s9 =	sshll.u32 s6, $0x7  }
0x6c: {  	s10 =	sadd.s32 $0x100, s0;
	s7 =	sand.u32 $0x3FFFFF80, s9  }
0x6d: {  	[tilespmem:s22], [sflag:$0x2] =	stream.indirect.gather [hbm4b:s2+s12], $0x80, s7, s12, $0xb8;
	[tilespmem:$0x19800] =	vst v63  }
0x6e: {  	s8 =	sadd.s32 $0x180, s0;
	s7 =	sand.u32 $0x3FFFFF80, s10  }
0x6f: {  	[tilespmem:s23], [sflag:$0x2] =	stream.indirect.gather [hbm4b:s2+s12], $0x80, s7, s12, $0xb8;
	[tilespmem:$0x19800] =	vst v63  }
0x70: {  	s9 =	sadd.s32 $0x200, s0;
	s7 =	sand.u32 $0x3FFFFF80, s8  }
0x71: {  	[tilespmem:s24], [sflag:$0x2] =	stream.indirect.gather [hbm4b:s2+s12], $0x80, s7, s12, $0xb8;
	[tilespmem:$0x19800] =	vst v63  }
0x72: {  	s10 =	sadd.s32 $0x280, s0;
	s7 =	sand.u32 $0x3FFFFF80, s9  }
0x73: {  	[tilespmem:s25], [sflag:$0x2] =	stream.indirect.gather [hbm4b:s2+s12], $0x80, s7, s12, $0xb8;
	[tilespmem:$0x19800] =	vst v63  }
0x74: {  	s0 =	sadd.s32 $0x300, s0;
	s7 =	sand.u32 $0x3FFFFF80, s10  }
0x75: {  	[tilespmem:s26], [sflag:$0x2] =	stream.indirect.gather [hbm4b:s2+s12], $0x80, s7, s12, $0xb8;
	[tilespmem:$0x19800] =	vst v63  }
0x76: {  	s0 =	sand.u32 $0x3FFFFF80, s0  }
0x77: {  	[tilespmem:s28], [sflag:$0x2] =	stream.indirect.gather [hbm4b:s2+s12], $0x80, s0, s12, $0xb8;
	[tilespmem:$0x19800] =	vst v63  }
0x78: {  	_ =	swait.ge [sflag:s29], $0x1C00  }
0x79: {  	[sflag:s29] =	ssyncset.done $0x0  }
0x7a: {  	[sflag:s29] =	ssyncadd.s32 $0xFFFFE400  }
0x7b: {  	_ =	swait.ge [sflag:s29], $0x1C00  }
0x7c: {  	[sflag:s29] =	ssyncset.done $0x0  }
0x7d: {  	[sflag:s29] =	ssyncadd.s32 $0xFFFFE400  }
0x7e: {  	_ =	swait.ge [sflag:s29], $0x1C00  }
0x7f: {  	[sflag:s29] =	ssyncset.done $0x0  }
0x80: {  	[sflag:s29] =	ssyncadd.s32 $0xFFFFE400  }
0x81: {  	_ =	swait.ge [sflag:s29], $0x1C00  }
0x82: {  	[sflag:s29] =	ssyncset.done $0x0  }
0x83: {  	[sflag:s29] =	ssyncadd.s32 $0xFFFFE400  }
0x84: {  	_ =	swait.ge [sflag:s29], $0x1C00  }
0x85: {  	[sflag:s29] =	ssyncset.done $0x0  }
0x86: {  	[sflag:s29] =	ssyncadd.s32 $0xFFFFE400  }
0x87: {  	_ =	swait.ge [sflag:s29], $0x1C00  }
0x88: {  	s1 =	smul.u32 $0x188, s1;
	[sflag:s29] =	ssyncset.done $0x0  }
0x89: {  	s6 =	smul.u32 $0x38, s6;
	[sflag:s29] =	ssyncadd.s32 $0xFFFFE400  }
0x8a: {  	s0 =	sadd.s32 s4, s1;
	_ =	swait.ge [sflag:s29], $0x1C00  }
0x8b: {  	s1 =	sadd.s32 s4, s6;
	s0 =	sshll.u32 s0, $0x4;
	[sflag:s29] =	ssyncset.done $0x0  }
0x8c: {  	s1 =	sshll.u32 s1, $0x4;
	s0 =	sadd.s32 s5, s0;
	[sflag:s29] =	ssyncadd.s32 $0xFFFFE400  }
0x8d: {  	[hbm4b:s0+s3] =	stream.linear.scatter [tilespmem:s21], [sflag:$0x4], $0x1C00, $0x38;
	[tilespmem:$0x19800] =	vst v63  }
0x8e: {  	s1 =	sadd.s32 s5, s1  }
0x8f: {  	[hbm4b:s1+s3] =	stream.linear.scatter [tilespmem:s22], [sflag:$0x4], $0x1C00, $0x38;
	[tilespmem:$0x19800] =	vst v63  }
0x90: {  	s7 =	sadd.s32 $0x700, s0  }
0x91: {  	[hbm4b:s7+s3] =	stream.linear.scatter [tilespmem:s23], [sflag:$0x4], $0x1C00, $0x38;
	[tilespmem:$0x19800] =	vst v63  }
0x92: {  	s8 =	sadd.s32 $0xA80, s0  }
0x93: {  	[hbm4b:s8+s3] =	stream.linear.scatter [tilespmem:s24], [sflag:$0x4], $0x1C00, $0x38;
	[tilespmem:$0x19800] =	vst v63  }
0x94: {  	s9 =	sadd.s32 $0xE00, s0  }
0x95: {  	[hbm4b:s9+s3] =	stream.linear.scatter [tilespmem:s25], [sflag:$0x4], $0x1C00, $0x38;
	[tilespmem:$0x19800] =	vst v63  }
0x96: {  	s10 =	sadd.s32 $0x1180, s0  }
0x97: {  	[hbm4b:s10+s3] =	stream.linear.scatter [tilespmem:s26], [sflag:$0x4], $0x1C00, $0x38;
	[tilespmem:$0x19800] =	vst v63  }
0x98: {  	s0 =	sadd.s32 $0x1500, s0  }
0x99: {  	[hbm4b:s0+s3] =	stream.linear.scatter [tilespmem:s28], [sflag:$0x4], $0x1C00, $0x38;
	[tilespmem:$0x19800] =	vst v63  }
0x9a: {  	_ =	swait.ge [sflag:s30], $0x1C00  }
0x9b: {  	[sflag:s30] =	ssyncset.done $0x0  }
0x9c: {  	[sflag:s30] =	ssyncadd.s32 $0xFFFFE400  }
0x9d: {  	_ =	swait.ge [sflag:s30], $0x1C00  }
0x9e: {  	[sflag:s30] =	ssyncset.done $0x0  }
0x9f: {  	[sflag:s30] =	ssyncadd.s32 $0xFFFFE400  }
0xa0: {  	_ =	swait.ge [sflag:s30], $0x1C00  }
0xa1: {  	[sflag:s30] =	ssyncset.done $0x0  }
0xa2: {  	[sflag:s30] =	ssyncadd.s32 $0xFFFFE400  }
0xa3: {  	_ =	swait.ge [sflag:s30], $0x1C00  }
0xa4: {  	[sflag:s30] =	ssyncset.done $0x0  }
0xa5: {  	[sflag:s30] =	ssyncadd.s32 $0xFFFFE400  }
0xa6: {  	_ =	swait.ge [sflag:s30], $0x1C00  }
0xa7: {  	[sflag:s30] =	ssyncset.done $0x0  }
0xa8: {  	[sflag:s30] =	ssyncadd.s32 $0xFFFFE400  }
0xa9: {  	p2 =	por p0, p0;
	p0 =	por $0x0, $0x0;
	_ =	swait.ge [sflag:s30], $0x1C00  }
.Ltmp1:
0xaa: {  	s31 =	simm.s32 $0x1;
	[sflag:s30] =	ssyncset.done $0x0;
	(pc) =	sbr.rel @p2 .LBB2_2-.Ltmp1, $4  }
0xab: {  	p1 =	por $0x1, $0x1;
	s6 =	simm.s32 $0x900;
	[sflag:s30] =	ssyncadd.s32 $0xFFFFE400  }
0xac: {  	s1 =	simm.s32 $0x980;
	s7 =	simm.s32 $0x880;
	_ =	swait.ge [sflag:s30], $0x1C00  }
0xad: {  	s8 =	simm.s32 $0x800;
	s9 =	simm.s32 $0x780;
	[sflag:s30] =	ssyncset.done $0x0  }
0xae: {  	s10 =	simm.s32 $0x700;
	s0 =	simm.s32 $0xA00;
	[sflag:s30] =	ssyncadd.s32 $0xFFFFE400  }
0xaf: {  	s0 =	simm.s32 $0x4  }
0xb0: {  	_ =	swait.ge [sflag:s0], $0x1C00  }
0xb1: {  	[sflag:s0] =	ssyncset.done $0x0  }
0xb2: {  	[sflag:s0] =	ssyncadd.s32 $0xFFFFE400  }
0xb3: {  	_ =	swait.ge [sflag:s0], $0x1C00  }
0xb4: {  	[sflag:s0] =	ssyncset.done $0x0  }
0xb5: {  	[sflag:s0] =	ssyncadd.s32 $0xFFFFE400  }
0xb6: {  	_ =	swait.ge [sflag:s0], $0x1C00  }
0xb7: {  	[sflag:s0] =	ssyncset.done $0x0  }
0xb8: {  	[sflag:s0] =	ssyncadd.s32 $0xFFFFE400  }
0xb9: {  	_ =	swait.ge [sflag:s0], $0x1C00  }
0xba: {  	[sflag:s0] =	ssyncset.done $0x0  }
0xbb: {  	[sflag:s0] =	ssyncadd.s32 $0xFFFFE400  }
0xbc: {  	_ =	swait.ge [sflag:s0], $0x1C00  }
0xbd: {  	[sflag:s0] =	ssyncset.done $0x0  }
0xbe: {  	[sflag:s0] =	ssyncadd.s32 $0xFFFFE400  }
0xbf: {  	_ =	swait.ge [sflag:s0], $0x1C00  }
0xc0: {  	[sflag:s0] =	ssyncset.done $0x0  }
0xc1: {  	[sflag:s0] =	ssyncadd.s32 $0xFFFFE400  }
0xc2: {  	_ =	swait.ge [sflag:s0], $0x1C00  }
0xc3: {  	[sflag:s0] =	ssyncset.done $0x0  }
0xc4: {  	[sflag:s0] =	ssyncadd.s32 $0xFFFFE400  }
0xc5: {  	s6 =	stileid.u32;
	s4 =	rddreg [dreg:$0x2]  }
.LBB2_4:
0xc6: {  	_ =	sfence.sel $0x180000  }
0xc7: {  	[bflag:$0x0] =	sbarrier.arrive $0xFFFF  }
0xc8: {  	p0 =	sne.s32 s6, $0x0;
	_ =	strace $0x9000004D  }
0xc9: {  	s0 =	sadd.s32 @!p0 $0x100000, s4;
	[bflag:$0x2] =	sbarrier.arrive $0xFFFF  }
0xca: {  	[sflag:s0] =	ssyncadd.tile.s32 @!p0 $0x1;
	_ =	shalt  }
.Lfunc_end2:
_tile_overlayer_lowered:
.L_overlay_start_2:
0xcb: {  	(tag) =	ssettag $0x2  }
0xcc: {  	s0 =	rddreg [dreg:$0x0];
	s2 =	stileid.u32  }
0xcd: {  	s1 =	rddreg [dreg:$0x1];
	p0 =	sne.s32 s2, $0x0  }
0xce: {  	s3 =	rddreg [dreg:$0x2];
	[bflag:$0x3] =	sbarrier.arrive $0xFFFF;
	s2 =	simm.s32 @!p0 $0x1C05  }
0xcf: {  	[timem:s3], [sflag:s2] =	dma.local @!p0 [hbm:s0], s1  }
0xd0: {  	s0 =	simm.s32 @!p0 $0x5  }
0xd1: {  	_ =	swait.ge @!p0 [sflag:s0], s1  }
0xd2: {  	s1 =	ssub.s32 @!p0 $0x0, s1;
	[sflag:s0] =	ssyncset.done @!p0 $0x0  }
0xd3: {  	[sflag:s0] =	ssyncadd.s32 @!p0 s1  }
0xd4: {  	[bflag:$0x3] =	sbarrier.arrive $0xFFFF  }
0xd5: {  	_ =	shalt  }

// kernel: kernel.19.cloned.1.call-start
scs
__scs_entry_jumppad:
0x0: {  	(pc) =	sbr.rel $0x88, $3  }
0x1: {  	(tag) =	ssettag $0x0;
	lr =	simm.s32 $0x1  }
0x2: {  	[smem:$0x3F96] =	sst lr;
	_ =	strace $0xD0000000  }
0x3: {  	_ = 	snop  }
0x4: {  	_ = 	snop  }
0x5: {  	_ = 	snop  }
0x6: {  	_ = 	snop  }
0x7: {  	_ = 	snop  }
__scs_overlays_trampoline_lowered:
0x8: {  	[smem:$0x3FA5] =	sst s0  }
0x9: {  	[smem:$0x3FA6] =	sst s1  }
0xa: {  	[smem:$0x3FA7] =	sst s2  }
0xb: {  	[smem:$0x3FA8] =	sst s3  }
0xc: {  	[smem:$0x3FA9] =	sst s4  }
0xd: {  	[smem:$0x3FAA] =	sst s5  }
0xe: {  	[smem:$0x3FAB] =	sst s6  }
0xf: {  	[smem:$0x3FAC] =	sst s7  }
0x10: {  	[smem:$0x3FAD] =	sst s8  }
0x11: {  	[smem:$0x3FAE] =	sst s9;
	s0 =	simm.s32 @!p0 $0x0  }
0x12: {  	s1 =	sld [smem:$0x3F94];
	s0 =	simm.s32 @p0 $0x1  }
0x13: {  	[smem:$0x3FAF] =	sst s0;
	s0 =	simm.s32 @!p1 $0x0  }
0x14: {  	s2 =	sld [smem:$0x3F93];
	s0 =	simm.s32 @p1 $0x1  }
0x15: {  	[smem:$0x3FB0] =	sst s0;
	s0 =	simm.s32 @!p2 $0x0  }
0x16: {  	s3 =	sld [smem:$0x3FDB];
	s0 =	simm.s32 @p2 $0x1  }
0x17: {  	s4 =	simm.s32 $0x1BF5;
	[smem:$0x3FB2] =	sst s0  }
0x18: {  	s0 =	sld [smem:$0x3F95];
	_ =	swait.ge [sflag:s4], $0x0  }
0x19: {  	s7 =	sld [smem:$0x3F96]  }
0x1a: {  	s8 =	sadd.s32 $0xFFFFE003, lr  }
0x1b: {  	s9 =	sadd.s32 $0xFFFFFEF7, lr;
	s5 =	simm.s32 $0xFFFFFFFF;
	p2 =	slt.u32 s8, $0xFFFFF086  }
0x1c: {  	p1 =	slt.u32 s9, $0xF7A;
	s5 =	simm.s32 @!p2 $0x0  }
0x1d: {  	s5 =	simm.s32 @p1 $0x1;
	p0 =	seq.s32 s7, s2  }
0x1e: {  	s7 =	smul.u32 @!p0 $0xF7A, s2;
	p2 =	seq.s32 @!p0 s5, $0x0  }
0x1f: {  	s9 =	smul.u32 $0xF7A, s1;
	s8 =	simm.s32 @!p0 $0x1BF5;
	p2 =	por !p2, p0  }
0x20: {  	[sflag:s8] =	ssyncset.s32 @!p0 $0xFFFFF086;
	s6 =	sadd.s32 @!p0 s3, s7;
	s7 =	simm.s32 @!p0 $0x108  }
0x21: {  	s3 =	sadd.s32 s3, s9;
	s6 =	sadd.s32 @!p0 $0x88, s6;
	s7 =	simm.s32 @p2 $0x1082  }
0x22: {  	[simem:s7], [sflag:s8] =	dma.local @!p0 [hbm:s6], $0xF7A  }
0x23: {  	s9 =	sor.u32 $0xD0000000, s2;
	s6 =	simm.s32 $0x108;
	_ =	swait.ge @!p0 [sflag:s8], $0x0  }
0x24: {  	s3 =	sadd.s32 $0x88, s3;
	s6 =	simm.s32 @!p1 $0x1082;
	[sflag:s4] =	ssyncset.s32 $0xFFFFF086  }
0x25: {  	[simem:s6], [sflag:s4] =	dma.local [hbm:s3], $0xF7A  }
0x26: {  	[smem:$0x3F96] =	sst s1;
	(tag) =	ssettag s2;
	_ =	strace s9  }
0x27: {  	s1 =	sld [smem:$0x3FA6]  }
0x28: {  	s2 =	sld [smem:$0x3FA7]  }
0x29: {  	s4 =	sld [smem:$0x3FA9]  }
0x2a: {  	p0 =	seq.s32 s5, $0x0;
	s5 =	sld [smem:$0x3FAA]  }
0x2b: {  	s6 =	sld [smem:$0x3FAB]  }
0x2c: {  	s7 =	sld [smem:$0x3FAC]  }
0x2d: {  	s3 =	simm.s32 $0x108;
	s8 =	sld [smem:$0x3FAD]  }
0x2e: {  	s3 =	simm.s32 @!p0 $0x1082;
	s9 =	sld [smem:$0x3FAE]  }
0x2f: {  	lr =	sadd.s32 s0, s3;
	s0 =	sld [smem:$0x3FA5]  }
0x30: {  	s3 =	sld [smem:$0x3FA8]  }
0x31: {  	[smem:$0x3FB1] =	sst s10  }
0x32: {  	s10 =	sld [smem:$0x3FAF];
	_ =	sdelay $0x3  }
0x33: {  	p0 =	seq.s32 s10, $0x1;
	s10 =	sld [smem:$0x3FB1];
	_ =	sdelay $0x3  }
0x34: {  	[smem:$0x3FB1] =	sst s10  }
0x35: {  	s10 =	sld [smem:$0x3FB0];
	_ =	sdelay $0x3  }
0x36: {  	p1 =	seq.s32 s10, $0x1;
	s10 =	sld [smem:$0x3FB1];
	_ =	sdelay $0x3  }
0x37: {  	[smem:$0x3FB1] =	sst s10  }
0x38: {  	s10 =	sld [smem:$0x3FB2]  }
0x39: {  	_ = 	snop;
	(pc) =	sbr.ind lr, $3  }
0x3a: {  	_ = 	snop  }
0x3b: {  	_ = 	snop  }
0x3c: {  	p2 =	seq.s32 s10, $0x1;
	s10 =	sld [smem:$0x3FB1]  }
0x3d: {  	_ =	shalt  }
0x3e: {  	_ =	shalt  }
0x3f: {  	_ =	shalt  }
0x40: {  	_ =	shalt  }
0x41: {  	_ =	shalt  }
0x42: {  	_ =	shalt  }
0x43: {  	_ =	shalt  }
0x44: {  	_ =	shalt  }
0x45: {  	_ =	shalt  }
0x46: {  	_ =	shalt  }
0x47: {  	_ =	shalt  }
0x48: {  	_ =	shalt  }
0x49: {  	_ =	shalt  }
0x4a: {  	_ =	shalt  }
0x4b: {  	_ =	shalt  }
0x4c: {  	_ =	shalt  }
0x4d: {  	_ =	shalt  }
0x4e: {  	_ =	shalt  }
0x4f: {  	_ =	shalt  }
0x50: {  	_ =	shalt  }
0x51: {  	_ =	shalt  }
0x52: {  	_ =	shalt  }
0x53: {  	_ =	shalt  }
0x54: {  	_ =	shalt  }
0x55: {  	_ =	shalt  }
0x56: {  	_ =	shalt  }
0x57: {  	_ =	shalt  }
0x58: {  	_ =	shalt  }
0x59: {  	_ =	shalt  }
0x5a: {  	_ =	shalt  }
0x5b: {  	_ =	shalt  }
0x5c: {  	_ =	shalt  }
0x5d: {  	_ =	shalt  }
0x5e: {  	_ =	shalt  }
0x5f: {  	_ =	shalt  }
0x60: {  	_ =	shalt  }
0x61: {  	_ =	shalt  }
0x62: {  	_ =	shalt  }
0x63: {  	_ =	shalt  }
0x64: {  	_ =	shalt  }
0x65: {  	_ =	shalt  }
0x66: {  	_ =	shalt  }
0x67: {  	_ =	shalt  }
0x68: {  	_ =	shalt  }
0x69: {  	_ =	shalt  }
0x6a: {  	_ =	shalt  }
0x6b: {  	_ =	shalt  }
0x6c: {  	_ =	shalt  }
0x6d: {  	_ =	shalt  }
0x6e: {  	_ =	shalt  }
0x6f: {  	_ =	shalt  }
0x70: {  	_ =	shalt  }
0x71: {  	_ =	shalt  }
0x72: {  	_ =	shalt  }
0x73: {  	_ =	shalt  }
0x74: {  	_ =	shalt  }
0x75: {  	_ =	shalt  }
0x76: {  	_ =	shalt  }
0x77: {  	_ =	shalt  }
0x78: {  	_ =	shalt  }
0x79: {  	_ =	shalt  }
0x7a: {  	_ =	shalt  }
0x7b: {  	_ =	shalt  }
0x7c: {  	_ =	shalt  }
0x7d: {  	_ =	shalt  }
0x7e: {  	_ =	shalt  }
0x7f: {  	_ =	shalt  }
0x80: {  	_ =	shalt  }
0x81: {  	_ =	shalt  }
0x82: {  	_ =	shalt  }
0x83: {  	_ =	shalt  }
0x84: {  	_ =	shalt  }
0x85: {  	_ =	shalt  }
0x86: {  	_ =	shalt  }
0x87: {  	_ =	shalt  }
.Lfunc_end0:
.L_simem_size_0:
called_computation.3_lowered:
.L_overlay_start_0:
0x88: {  	s2 =	sld [smem:$0x3FD9]  }
0x89: {  	s3 =	sld [smem:$0x3FFE];
	_ =	sdelay $0x1  }
0x8a: {  	s1 =	srdreg.scid  }
0x8b: {  	s0 =	sand.u32 $0x1, s1  }
0x8c: {  	s17 =	sshll.u32 s0, $0xA;
	s2 =	sadd.s32 s3, s2  }
0x8d: {  	s2 =	sadd.s32 s2, s17  }
0x8e: {  	[smem:$0x3FBD] =	sst s2  }
0x8f: {  	_ = 	snop  }
0x90: {  	s18 =	sld [smem:$0x3FC9];
	(tm) =	ssettm $0x1  }
0x91: {  	s19 =	sld [smem:$0x3FFB];
	_ =	sdelay $0x3  }
0x92: {  	_ =	strace s19  }
0x93: {  	s2 =	sld [smem:$0x3FFC];
	_ =	sdelay $0x3  }
0x94: {  	_ =	strace s2  }
0x95: {  	s2 =	sld [smem:$0x3FFD];
	_ =	sdelay $0x3  }
0x96: {  	_ =	strace s2  }
0x97: {  	_ =	strace $0x8FFFFFFF  }
0x98: {  	s20 =	sld [smem:$0x3FDB];
	_ =	sdelay $0x1  }
0x99: {  	s4 =	simm.s32 $_scs_section_size  }
0x9a: {  	s5 =	simm.s32 $_size__tile_overlayer_lowered;
	s6 =	simm.s32 $_tile_overlayer_lowered  }
0x9b: {  	s7 =	simm.s32 $0x1BFF;
	s21 =	sshll.u32 s6, $0x1;
	s4 =	sadd.s32 s4, s20  }
0x9c: {  	s22 =	simm.s32 $0x0;
	s5 =	sshll.u32 s5, $0x1;
	s6 =	sadd.s32 s21, s4  }
0x9d: {  	[timem:s22], [sflag:s7] =	dma.local [hbm:s6], s5  }
0x9e: {  	_ =	swait.ge [sflag:s7], s5  }
0x9f: {  	s5 =	ssub.s32 $0x0, s5;
	[sflag:s7] =	ssyncset.done $0x0  }
0xa0: {  	[sflag:s7] =	ssyncadd.s32 s5;
	_ =	sdelay $0x1  }
0xa1: {  	s23 =	simm.s32 $0x1B8B  }
0xa2: {  	_ =	swait.ge [sflag:s23], $0x1  }
0xa3: {  	[sflag:s23] =	ssyncset.done $0x0  }
0xa4: {  	[sflag:s23] =	ssyncadd.s32 $0xFFFFFFFF  }
0xa5: {  	s5 =	sld [smem:$0x0]  }
0xa6: {  	s6 =	sand.u32 $0xFFFFFFFE, s1  }
0xa7: {  	p0 =	sne.s32 s1, s6  }
0xa8: {  	s6 =	sshll.u32 @p0 s6, $0xE  }
0xa9: {  	s6 =	sadd.s32 @p0 $0x11B8D, s6;
	s7 =	sshll.u32 @p0 s5, $0x11  }
0xaa: {  	s6 =	sor.u32 @p0 s7, s6  }
0xab: {  	[sflag:s6] =	ssyncadd.remote.s32 @p0 $0x1;
	_ =	sdelay $0x1  }
0xac: {  	s6 =	simm.s32 @p0 $0x1B8D  }
0xad: {  	_ =	swait.eq @p0 [sflag:s6], $0x1  }
0xae: {  	[sflag:s6] =	ssyncadd.s32 @p0 $0xFFFFFFFF  }
0xaf: {  	s7 =	sshll.u32 @!p0 s1, $0xE  }
0xb0: {  	s7 =	sor.u32 @!p0 $0x4000, s7;
	s6 =	simm.s32 @!p0 $0x1B8D  }
0xb1: {  	s5 =	sshll.u32 @!p0 s5, $0x11;
	s7 =	sadd.s32 @!p0 $0x11B8D, s7;
	_ =	swait.eq @!p0 [sflag:s6], $0x1  }
0xb2: {  	s5 =	sor.u32 @!p0 s5, s7;
	[sflag:s6] =	ssyncadd.s32 @!p0 $0xFFFFFFFF  }
0xb3: {  	s25 =	simm.s32 $0x1B8E;
	s24 =	sld [smem:$0x3FFE];
	[sflag:s5] =	ssyncadd.remote.s32 @!p0 $0x1  }
0xb4: {  	s26 =	simm.s32 $execute0_lowered;
	[smem:$0x3FD2] =	sst s25  }
0xb5: {  	s6 =	sshll.u32 s26, $0x1;
	_ =	strace $0x8000004F;
	[dreg:$0x1] =	wrdreg $0xFFFFFFFF  }
0xb6: {  	s28 =	simm.s32 $_size_execute0_lowered;
	s4 =	sadd.s32 s4, s6;
	[dreg:$0x0] =	wrdreg $0x0  }
0xb7: {  	s6 =	sshll.u32 s28, $0x1;
	[dreg:$0x2] =	wrdreg s4  }
0xb8: {  	[dreg:$0x3] =	wrdreg s6  }
0xb9: {  	[dreg:$0x4] =	wrdreg $0xC0  }
0xba: {  	_ =	task [dreg:s22], $0x5FFFF  }
0xbb: {  	[dreg:$0x1] =	wrdreg $0xFFFFFFFF  }
0xbc: {  	[dreg:$0x0] =	wrdreg $0x60  }
0xbd: {  	[dreg:$0x2] =	wrdreg s18  }
0xbe: {  	[dreg:$0x3] =	wrdreg s24  }
0xbf: {  	[dreg:$0x4] =	wrdreg $0xC  }
0xc0: {  	_ =	task.clear_ibuf [dreg:s22], $0x5FFFF;
	_ =	strace $0x9000004F  }
0xc1: {  	s29 =	simm.s32 $0xC;
	_ =	strace $0x80000051  }
0xc2: {  	_ =	swait.ge [sflag:s29], $0x1  }
0xc3: {  	[sflag:s29] =	ssyncadd.s32 $0xFFFFFFFF  }
0xc4: {  	_ =	strace $0x90000051  }
0xc5: {  	_ =	sfence  }
0xc6: {  	s30 =	sld [smem:$0x0];
	_ =	sdelay $0x2  }
0xc7: {  	s31 =	sshll.u32 s1, $0xD;
	s1 =	sshrl.u32 s1, $0x2  }
0xc8: {  	s4 =	sand.u32 $0x4000, s31;
	s1 =	sadd.s32 s1, s30  }
0xc9: {  	s0 =	sor.u32 s4, s0;
	s1 =	sshll.u32 s1, $0x11  }
0xca: {  	s0 =	sor.u32 s1, s0  }
0xcb: {  	s0 =	sadd.s32 $0x8F2B, s0  }
0xcc: {  	[sflag:s0] =	ssyncadd.remote.s32 $0x1  }
0xcd: {  	_ =	sfence.sel $0xFFFF  }
0xce: {  	[dreg:$0x0] =	wrdreg $0xFFFFFFFF;
	(pc) =	sbr.abs _section_cstart, $3  }
0xcf: {  	[dreg:$0x1] =	wrdreg $0xFFFFFFFF  }
0xd0: {  	_ =	task.clear_ibuf [dreg:s22], $0x2FFFF;
	_ =	strace $0x9FFFFFFF  }
0xd1: {  	(tm) =	ssettm $0x7FFFFFFF  }
tec
execute0_lowered:
.L_overlay_start_1:
0x0: {  	(tag) =	ssettag $0x1  }
0x1: {  	s1 =	srdreg.scid  }
0x2: {  	s1 =	sand.u32 $0x1, s1  }
0x3: {  	p0 =	seq.s32 s1, $0x1  }
.Ltmp0:
0x4: {  	_ = 	snop;
	(pc) =	sbr.rel @p0 .LBB2_4-.Ltmp0, $4  }
0x5: {  	s2 =	rddreg [dreg:$0x0]  }
0x6: {  	s0 =	rddreg [dreg:$0x1];
	s3 =	simm.s32 $0x0  }
0x7: {  	[smem:$0x7FF] =	sst s3  }
0x8: {  	s4 =	rddreg [dreg:$0x2];
	s6 =	stileid.u32;
	_ =	strace $0x80000050  }
0x9: {  	s1 =	sadd.s32 $0xCCE00, s0;
	s5 =	sshll.u32 s6, $0x9;
	s4 =	smul.u32 $0x620, s6  }
0xa: {  	s22 =	simm.s32 $0x5;
	p0 =	por $0x1, $0x1;
	p1 =	por $0x0, $0x0  }
0xb: {  	s6 =	simm.s32 $0x200;
	s7 =	simm.s32 $0x180;
	s8 =	simm.s32 $0x100  }
0xc: {  	s9 =	simm.s32 $0x80;
	s12 =	simm.s32 $0x38;
	s13 =	simm.s32 $0x1000  }
0xd: {  	s14 =	simm.s32 $0x2C00;
	s15 =	simm.s32 $0x4800;
	s16 =	simm.s32 $0x6400  }
0xe: {  	s17 =	simm.s32 $0x8000;
	s18 =	simm.s32 $0x9C00;
	s19 =	simm.s32 $0xB800  }
0xf: {  	s20 =	simm.s32 $0x1;
	s28 =	simm.s32 $0x17C00;
	s29 =	simm.s32 $0x2  }
0x10: {  	s30 =	simm.s32 $0x3;
	s10 =	simm.s32 $0x0;
	s31 =	simm.s32 $0x0  }
0x11: {  	s1 =	sadd.s32 s1, s5;
	s5 =	sadd.s32 $0xCEE00, s0;
	s0 =	simm.s32 $0x300  }
0x12: {  	[tilespmem:s3], [sflag:$0x5] =	stream.linear.gather [hbm4b:s1+s3], $0xE00, $0x38;
	[tilespmem:$0x19800] =	vst v63  }
0x13: {  	s21 =	sadd.s32 $0x38, s4;
	s23 =	sadd.s32 $0x70, s4;
	s24 =	sadd.s32 $0xA8, s4  }
0x14: {  	s25 =	sadd.s32 $0xE0, s4;
	s26 =	sadd.s32 $0x118, s4;
	[dreg:$0x3] =	wrdreg s21  }
0x15: {  	s11 =	sadd.s32 $0x150, s4;
	s1 =	simm.s32 $0x280;
	[dreg:$0x4] =	wrdreg s23  }
0x16: {  	[dreg:$0x5] =	wrdreg s24;
	s21 =	simm.s32 $0xD400;
	s23 =	simm.s32 $0x10C00  }
0x17: {  	s24 =	simm.s32 $0x12800;
	_ =	swait.ge [sflag:s22], $0xE00;
	[dreg:$0x6] =	wrdreg s25  }
0x18: {  	[dreg:$0x7] =	wrdreg s26;
	s25 =	simm.s32 $0x14400;
	[sflag:s22] =	ssyncset.done $0x0  }
0x19: {  	s26 =	simm.s32 $0x16000;
	[sflag:s22] =	ssyncadd.s32 $0xFFFFF200;
	s22 =	simm.s32 $0xF000  }
.LBB2_2:
0x1a: {  	[tilespmem:s13], [sflag:$0x1] =	stream.indirect.gather [hbm4b:s2+s12], $0x80, s10, s12, $0xb8;
	[tilespmem:$0x19800] =	vst v63  }
0x1b: {  	_ = 	snop  }
0x1c: {  	[tilespmem:s14], [sflag:$0x1] =	stream.indirect.gather [hbm4b:s2+s12], $0x80, s9, s12, $0xb8;
	[tilespmem:$0x19800] =	vst v63  }
0x1d: {  	_ = 	snop  }
0x1e: {  	[tilespmem:s15], [sflag:$0x1] =	stream.indirect.gather [hbm4b:s2+s12], $0x80, s8, s12, $0xb8;
	[tilespmem:$0x19800] =	vst v63  }
0x1f: {  	_ = 	snop  }
0x20: {  	[tilespmem:s16], [sflag:$0x1] =	stream.indirect.gather [hbm4b:s2+s12], $0x80, s7, s12, $0xb8;
	[tilespmem:$0x19800] =	vst v63  }
0x21: {  	_ = 	snop  }
0x22: {  	[tilespmem:s17], [sflag:$0x1] =	stream.indirect.gather [hbm4b:s2+s12], $0x80, s6, s12, $0xb8;
	[tilespmem:$0x19800] =	vst v63  }
0x23: {  	_ = 	snop  }
0x24: {  	[tilespmem:s18], [sflag:$0x1] =	stream.indirect.gather [hbm4b:s2+s12], $0x80, s1, s12, $0xb8;
	[tilespmem:$0x19800] =	vst v63  }
0x25: {  	_ = 	snop  }
0x26: {  	[tilespmem:s19], [sflag:$0x1] =	stream.indirect.gather [hbm4b:s2+s12], $0x80, s0, s12, $0xb8;
	[tilespmem:$0x19800] =	vst v63  }
0x27: {  	_ =	swait.ge [sflag:s20], $0x1C00  }
0x28: {  	[sflag:s20] =	ssyncset.done $0x0  }
0x29: {  	[sflag:s20] =	ssyncadd.s32 $0xFFFFE400  }
0x2a: {  	_ =	swait.ge [sflag:s20], $0x1C00  }
0x2b: {  	[sflag:s20] =	ssyncset.done $0x0  }
0x2c: {  	[sflag:s20] =	ssyncadd.s32 $0xFFFFE400  }
0x2d: {  	_ =	swait.ge [sflag:s20], $0x1C00  }
0x2e: {  	[sflag:s20] =	ssyncset.done $0x0  }
0x2f: {  	[sflag:s20] =	ssyncadd.s32 $0xFFFFE400  }
0x30: {  	_ =	swait.ge [sflag:s20], $0x1C00  }
0x31: {  	[sflag:s20] =	ssyncset.done $0x0  }
0x32: {  	[sflag:s20] =	ssyncadd.s32 $0xFFFFE400  }
0x33: {  	_ =	swait.ge [sflag:s20], $0x1C00  }
0x34: {  	[sflag:s20] =	ssyncset.done $0x0  }
0x35: {  	[sflag:s20] =	ssyncadd.s32 $0xFFFFE400  }
0x36: {  	_ =	swait.ge [sflag:s20], $0x1C00  }
0x37: {  	s0 =	smul.u32 $0x310, s31;
	[sflag:s20] =	ssyncset.done $0x0  }
0x38: {  	[sflag:s20] =	ssyncadd.s32 $0xFFFFE400  }
0x39: {  	s6 =	sadd.s32 s4, s0;
	_ =	swait.ge [sflag:s20], $0x1C00  }
0x3a: {  	s1 =	sshll.u32 s6, $0x4;
	[sflag:s20] =	ssyncset.done $0x0  }
0x3b: {  	s1 =	sadd.s32 s5, s1;
	s7 =	rddreg [dreg:$0x3];
	[sflag:s20] =	ssyncadd.s32 $0xFFFFE400  }
0x3c: {  	[hbm4b:s1+s3] =	stream.linear.scatter [tilespmem:s13], [sflag:$0x3], $0x1C00, $0x38;
	[tilespmem:$0x19800] =	vst v63  }
0x3d: {  	s1 =	sadd.s32 s0, s7  }
0x3e: {  	s1 =	sshll.u32 s1, $0x4  }
0x3f: {  	s8 =	rddreg [dreg:$0x4];
	s1 =	sadd.s32 s5, s1  }
0x40: {  	[hbm4b:s1+s3] =	stream.linear.scatter [tilespmem:s14], [sflag:$0x3], $0x1C00, $0x38;
	[tilespmem:$0x19800] =	vst v63  }
0x41: {  	s1 =	sadd.s32 s0, s8  }
0x42: {  	s1 =	sshll.u32 s1, $0x4  }
0x43: {  	s9 =	rddreg [dreg:$0x5];
	s1 =	sadd.s32 s5, s1  }
0x44: {  	[hbm4b:s1+s3] =	stream.linear.scatter [tilespmem:s15], [sflag:$0x3], $0x1C00, $0x38;
	[tilespmem:$0x19800] =	vst v63  }
0x45: {  	s1 =	sadd.s32 s0, s9  }
0x46: {  	s1 =	sshll.u32 s1, $0x4  }
0x47: {  	s10 =	rddreg [dreg:$0x6];
	s1 =	sadd.s32 s5, s1  }
0x48: {  	[hbm4b:s1+s3] =	stream.linear.scatter [tilespmem:s16], [sflag:$0x3], $0x1C00, $0x38;
	[tilespmem:$0x19800] =	vst v63  }
0x49: {  	s1 =	sadd.s32 s0, s10  }
0x4a: {  	s1 =	sshll.u32 s1, $0x4  }
0x4b: {  	s6 =	rddreg [dreg:$0x7];
	s1 =	sadd.s32 s5, s1  }
0x4c: {  	[hbm4b:s1+s3] =	stream.linear.scatter [tilespmem:s17], [sflag:$0x3], $0x1C00, $0x38;
	[tilespmem:$0x19800] =	vst v63  }
0x4d: {  	s1 =	sadd.s32 s0, s6  }
0x4e: {  	s0 =	sadd.s32 s0, s11;
	s1 =	sshll.u32 s1, $0x4  }
0x4f: {  	s0 =	sshll.u32 s0, $0x4;
	s1 =	sadd.s32 s5, s1  }
0x50: {  	[hbm4b:s1+s3] =	stream.linear.scatter [tilespmem:s18], [sflag:$0x3], $0x1C00, $0x38;
	[tilespmem:$0x19800] =	vst v63  }
0x51: {  	s0 =	sadd.s32 s5, s0  }
0x52: {  	[hbm4b:s0+s3] =	stream.linear.scatter [tilespmem:s19], [sflag:$0x3], $0x1C00, $0x38;
	[tilespmem:$0x19800] =	vst v63  }
0x53: {  	s0 =	simm.s32 @p1 $0x4  }
0x54: {  	_ =	swait.ge @p1 [sflag:s0], $0x1C00  }
0x55: {  	[sflag:s0] =	ssyncset.done @p1 $0x0  }
0x56: {  	[sflag:s0] =	ssyncadd.s32 @p1 $0xFFFFE400  }
0x57: {  	_ =	swait.ge @p1 [sflag:s0], $0x1C00  }
0x58: {  	[sflag:s0] =	ssyncset.done @p1 $0x0  }
0x59: {  	[sflag:s0] =	ssyncadd.s32 @p1 $0xFFFFE400  }
0x5a: {  	_ =	swait.ge @p1 [sflag:s0], $0x1C00  }
0x5b: {  	[sflag:s0] =	ssyncset.done @p1 $0x0  }
0x5c: {  	[sflag:s0] =	ssyncadd.s32 @p1 $0xFFFFE400  }
0x5d: {  	_ =	swait.ge @p1 [sflag:s0], $0x1C00  }
0x5e: {  	[sflag:s0] =	ssyncset.done @p1 $0x0  }
0x5f: {  	[sflag:s0] =	ssyncadd.s32 @p1 $0xFFFFE400  }
0x60: {  	_ =	swait.ge @p1 [sflag:s0], $0x1C00  }
0x61: {  	[sflag:s0] =	ssyncset.done @p1 $0x0  }
0x62: {  	[sflag:s0] =	ssyncadd.s32 @p1 $0xFFFFE400  }
0x63: {  	_ =	swait.ge @p1 [sflag:s0], $0x1C00  }
0x64: {  	[sflag:s0] =	ssyncset.done @p1 $0x0  }
0x65: {  	s1 =	sshllo.u32 s31, $0x1;
	[sflag:s0] =	ssyncadd.s32 @p1 $0xFFFFE400  }
0x66: {  	s7 =	smul.u32 $0xE00, s1;
	_ =	swait.ge @p1 [sflag:s0], $0x1C00  }
0x67: {  	[sflag:s0] =	ssyncset.done @p1 $0x0  }
0x68: {  	s8 =	smul.u32 $0x7, s1;
	s6 =	sshra.s32 s7, $0x2;
	[sflag:s0] =	ssyncadd.s32 @p1 $0xFFFFE400  }
0x69: {  	[tilespmem:s21], [sflag:$0x2] =	stream.indirect.gather [hbm4b:s2+s12], $0x80, s6, s12, $0xb8;
	[tilespmem:$0x19800] =	vst v63  }
0x6a: {  	s6 =	sadd.s32 $0x1, s8  }
0x6b: {  	s0 =	sshll.u32 s8, $0x7;
	s9 =	sshll.u32 s6, $0x7  }
0x6c: {  	s10 =	sadd.s32 $0x100, s0;
	s7 =	sand.u32 $0x3FFFFF80, s9  }
0x6d: {  	[tilespmem:s22], [sflag:$0x2] =	stream.indirect.gather [hbm4b:s2+s12], $0x80, s7, s12, $0xb8;
	[tilespmem:$0x19800] =	vst v63  }
0x6e: {  	s8 =	sadd.s32 $0x180, s0;
	s7 =	sand.u32 $0x3FFFFF80, s10  }
0x6f: {  	[tilespmem:s23], [sflag:$0x2] =	stream.indirect.gather [hbm4b:s2+s12], $0x80, s7, s12, $0xb8;
	[tilespmem:$0x19800] =	vst v63  }
0x70: {  	s9 =	sadd.s32 $0x200, s0;
	s7 =	sand.u32 $0x3FFFFF80, s8  }
0x71: {  	[tilespmem:s24], [sflag:$0x2] =	stream.indirect.gather [hbm4b:s2+s12], $0x80, s7, s12, $0xb8;
	[tilespmem:$0x19800] =	vst v63  }
0x72: {  	s10 =	sadd.s32 $0x280, s0;
	s7 =	sand.u32 $0x3FFFFF80, s9  }
0x73: {  	[tilespmem:s25], [sflag:$0x2] =	stream.indirect.gather [hbm4b:s2+s12], $0x80, s7, s12, $0xb8;
	[tilespmem:$0x19800] =	vst v63  }
0x74: {  	s0 =	sadd.s32 $0x300, s0;
	s7 =	sand.u32 $0x3FFFFF80, s10  }
0x75: {  	[tilespmem:s26], [sflag:$0x2] =	stream.indirect.gather [hbm4b:s2+s12], $0x80, s7, s12, $0xb8;
	[tilespmem:$0x19800] =	vst v63  }
0x76: {  	s0 =	sand.u32 $0x3FFFFF80, s0  }
0x77: {  	[tilespmem:s28], [sflag:$0x2] =	stream.indirect.gather [hbm4b:s2+s12], $0x80, s0, s12, $0xb8;
	[tilespmem:$0x19800] =	vst v63  }
0x78: {  	_ =	swait.ge [sflag:s29], $0x1C00  }
0x79: {  	[sflag:s29] =	ssyncset.done $0x0  }
0x7a: {  	[sflag:s29] =	ssyncadd.s32 $0xFFFFE400  }
0x7b: {  	_ =	swait.ge [sflag:s29], $0x1C00  }
0x7c: {  	[sflag:s29] =	ssyncset.done $0x0  }
0x7d: {  	[sflag:s29] =	ssyncadd.s32 $0xFFFFE400  }
0x7e: {  	_ =	swait.ge [sflag:s29], $0x1C00  }
0x7f: {  	[sflag:s29] =	ssyncset.done $0x0  }
0x80: {  	[sflag:s29] =	ssyncadd.s32 $0xFFFFE400  }
0x81: {  	_ =	swait.ge [sflag:s29], $0x1C00  }
0x82: {  	[sflag:s29] =	ssyncset.done $0x0  }
0x83: {  	[sflag:s29] =	ssyncadd.s32 $0xFFFFE400  }
0x84: {  	_ =	swait.ge [sflag:s29], $0x1C00  }
0x85: {  	[sflag:s29] =	ssyncset.done $0x0  }
0x86: {  	[sflag:s29] =	ssyncadd.s32 $0xFFFFE400  }
0x87: {  	_ =	swait.ge [sflag:s29], $0x1C00  }
0x88: {  	s1 =	smul.u32 $0x188, s1;
	[sflag:s29] =	ssyncset.done $0x0  }
0x89: {  	s6 =	smul.u32 $0x38, s6;
	[sflag:s29] =	ssyncadd.s32 $0xFFFFE400  }
0x8a: {  	s0 =	sadd.s32 s4, s1;
	_ =	swait.ge [sflag:s29], $0x1C00  }
0x8b: {  	s1 =	sadd.s32 s4, s6;
	s0 =	sshll.u32 s0, $0x4;
	[sflag:s29] =	ssyncset.done $0x0  }
0x8c: {  	s1 =	sshll.u32 s1, $0x4;
	s0 =	sadd.s32 s5, s0;
	[sflag:s29] =	ssyncadd.s32 $0xFFFFE400  }
0x8d: {  	[hbm4b:s0+s3] =	stream.linear.scatter [tilespmem:s21], [sflag:$0x4], $0x1C00, $0x38;
	[tilespmem:$0x19800] =	vst v63  }
0x8e: {  	s1 =	sadd.s32 s5, s1  }
0x8f: {  	[hbm4b:s1+s3] =	stream.linear.scatter [tilespmem:s22], [sflag:$0x4], $0x1C00, $0x38;
	[tilespmem:$0x19800] =	vst v63  }
0x90: {  	s7 =	sadd.s32 $0x700, s0  }
0x91: {  	[hbm4b:s7+s3] =	stream.linear.scatter [tilespmem:s23], [sflag:$0x4], $0x1C00, $0x38;
	[tilespmem:$0x19800] =	vst v63  }
0x92: {  	s8 =	sadd.s32 $0xA80, s0  }
0x93: {  	[hbm4b:s8+s3] =	stream.linear.scatter [tilespmem:s24], [sflag:$0x4], $0x1C00, $0x38;
	[tilespmem:$0x19800] =	vst v63  }
0x94: {  	s9 =	sadd.s32 $0xE00, s0  }
0x95: {  	[hbm4b:s9+s3] =	stream.linear.scatter [tilespmem:s25], [sflag:$0x4], $0x1C00, $0x38;
	[tilespmem:$0x19800] =	vst v63  }
0x96: {  	s10 =	sadd.s32 $0x1180, s0  }
0x97: {  	[hbm4b:s10+s3] =	stream.linear.scatter [tilespmem:s26], [sflag:$0x4], $0x1C00, $0x38;
	[tilespmem:$0x19800] =	vst v63  }
0x98: {  	s0 =	sadd.s32 $0x1500, s0  }
0x99: {  	[hbm4b:s0+s3] =	stream.linear.scatter [tilespmem:s28], [sflag:$0x4], $0x1C00, $0x38;
	[tilespmem:$0x19800] =	vst v63  }
0x9a: {  	_ =	swait.ge [sflag:s30], $0x1C00  }
0x9b: {  	[sflag:s30] =	ssyncset.done $0x0  }
0x9c: {  	[sflag:s30] =	ssyncadd.s32 $0xFFFFE400  }
0x9d: {  	_ =	swait.ge [sflag:s30], $0x1C00  }
0x9e: {  	[sflag:s30] =	ssyncset.done $0x0  }
0x9f: {  	[sflag:s30] =	ssyncadd.s32 $0xFFFFE400  }
0xa0: {  	_ =	swait.ge [sflag:s30], $0x1C00  }
0xa1: {  	[sflag:s30] =	ssyncset.done $0x0  }
0xa2: {  	[sflag:s30] =	ssyncadd.s32 $0xFFFFE400  }
0xa3: {  	_ =	swait.ge [sflag:s30], $0x1C00  }
0xa4: {  	[sflag:s30] =	ssyncset.done $0x0  }
0xa5: {  	[sflag:s30] =	ssyncadd.s32 $0xFFFFE400  }
0xa6: {  	_ =	swait.ge [sflag:s30], $0x1C00  }
0xa7: {  	[sflag:s30] =	ssyncset.done $0x0  }
0xa8: {  	[sflag:s30] =	ssyncadd.s32 $0xFFFFE400  }
0xa9: {  	p2 =	por p0, p0;
	p0 =	por $0x0, $0x0;
	_ =	swait.ge [sflag:s30], $0x1C00  }
.Ltmp1:
0xaa: {  	s31 =	simm.s32 $0x1;
	[sflag:s30] =	ssyncset.done $0x0;
	(pc) =	sbr.rel @p2 .LBB2_2-.Ltmp1, $4  }
0xab: {  	p1 =	por $0x1, $0x1;
	s6 =	simm.s32 $0x900;
	[sflag:s30] =	ssyncadd.s32 $0xFFFFE400  }
0xac: {  	s1 =	simm.s32 $0x980;
	s7 =	simm.s32 $0x880;
	_ =	swait.ge [sflag:s30], $0x1C00  }
0xad: {  	s8 =	simm.s32 $0x800;
	s9 =	simm.s32 $0x780;
	[sflag:s30] =	ssyncset.done $0x0  }
0xae: {  	s10 =	simm.s32 $0x700;
	s0 =	simm.s32 $0xA00;
	[sflag:s30] =	ssyncadd.s32 $0xFFFFE400  }
0xaf: {  	s0 =	simm.s32 $0x4  }
0xb0: {  	_ =	swait.ge [sflag:s0], $0x1C00  }
0xb1: {  	[sflag:s0] =	ssyncset.done $0x0  }
0xb2: {  	[sflag:s0] =	ssyncadd.s32 $0xFFFFE400  }
0xb3: {  	_ =	swait.ge [sflag:s0], $0x1C00  }
0xb4: {  	[sflag:s0] =	ssyncset.done $0x0  }
0xb5: {  	[sflag:s0] =	ssyncadd.s32 $0xFFFFE400  }
0xb6: {  	_ =	swait.ge [sflag:s0], $0x1C00  }
0xb7: {  	[sflag:s0] =	ssyncset.done $0x0  }
0xb8: {  	[sflag:s0] =	ssyncadd.s32 $0xFFFFE400  }
0xb9: {  	_ =	swait.ge [sflag:s0], $0x1C00  }
0xba: {  	[sflag:s0] =	ssyncset.done $0x0  }
0xbb: {  	[sflag:s0] =	ssyncadd.s32 $0xFFFFE400  }
0xbc: {  	_ =	swait.ge [sflag:s0], $0x1C00  }
0xbd: {  	[sflag:s0] =	ssyncset.done $0x0  }
0xbe: {  	[sflag:s0] =	ssyncadd.s32 $0xFFFFE400  }
0xbf: {  	_ =	swait.ge [sflag:s0], $0x1C00  }
0xc0: {  	[sflag:s0] =	ssyncset.done $0x0  }
0xc1: {  	[sflag:s0] =	ssyncadd.s32 $0xFFFFE400  }
0xc2: {  	_ =	swait.ge [sflag:s0], $0x1C00  }
0xc3: {  	[sflag:s0] =	ssyncset.done $0x0  }
0xc4: {  	[sflag:s0] =	ssyncadd.s32 $0xFFFFE400  }
0xc5: {  	s6 =	stileid.u32;
	s4 =	rddreg [dreg:$0x2]  }
.LBB2_4:
0xc6: {  	_ =	sfence.sel $0x180000  }
0xc7: {  	[bflag:$0x0] =	sbarrier.arrive $0xFFFF  }
0xc8: {  	p0 =	sne.s32 s6, $0x0;
	_ =	strace $0x90000050  }
0xc9: {  	s0 =	sadd.s32 @!p0 $0x100000, s4;
	[bflag:$0x2] =	sbarrier.arrive $0xFFFF  }
0xca: {  	[sflag:s0] =	ssyncadd.tile.s32 @!p0 $0x1;
	_ =	shalt  }
.Lfunc_end2:
_tile_overlayer_lowered:
.L_overlay_start_2:
0xcb: {  	(tag) =	ssettag $0x2  }
0xcc: {  	s0 =	rddreg [dreg:$0x0];
	s2 =	stileid.u32  }
0xcd: {  	s1 =	rddreg [dreg:$0x1];
	p0 =	sne.s32 s2, $0x0  }
0xce: {  	s3 =	rddreg [dreg:$0x2];
	[bflag:$0x3] =	sbarrier.arrive $0xFFFF;
	s2 =	simm.s32 @!p0 $0x1C05  }
0xcf: {  	[timem:s3], [sflag:s2] =	dma.local @!p0 [hbm:s0], s1  }
0xd0: {  	s0 =	simm.s32 @!p0 $0x5  }
0xd1: {  	_ =	swait.ge @!p0 [sflag:s0], s1  }
0xd2: {  	s1 =	ssub.s32 @!p0 $0x0, s1;
	[sflag:s0] =	ssyncset.done @!p0 $0x0  }
0xd3: {  	[sflag:s0] =	ssyncadd.s32 @!p0 s1  }
0xd4: {  	[bflag:$0x3] =	sbarrier.arrive $0xFFFF  }
0xd5: {  	_ =	shalt  }

</sc_bundles>
